<compile_context>
chip_gen: v7x
topology: tpu7x:2x2x1
jax: 0.10.2.dev20260603
libtpu: 0.0.44.dev20260713+nightly
codegen_flags: <defaults>
</compile_context>

<pallas_src>
import functools

import jax
import jax.numpy as jnp
import numpy as np
from jax import lax
from jax.experimental import pallas as pl
from jax.experimental.pallas import tpu as pltpu
from jax.experimental.pallas import tpu_sc as plsc

N = 10000
E = 320000
D = 128

NC = 2
NS = 16
ROWS_PER_TILE = 640
N_PAD = NS * ROWS_PER_TILE

DEG_LANES = 128
DEG_CH = 160
DEG_PAD = NS * DEG_CH * DEG_LANES - E

E_HALF = E // NC
CHUNK = 64
SP_PHASES = 2
PH_CH = 80
SP_CH = SP_PHASES * PH_CH
SP_PAD = NS * SP_CH * CHUNK - E_HALF
NBUF = 4

_mesh = plsc.VectorSubcoreMesh(core_axis_name="c", subcore_axis_name="s")


def _deg_body(idx_hbm, zeros_hbm, deg_hbm, idx_v, ones_v, deg_sh):
    c = lax.axis_index("c")
    s = lax.axis_index("s")
    pltpu.sync_copy(idx_hbm.at[c, s], idx_v)
    for i in range(8):
        ones_v[pl.ds(16 * i, 16)] = jnp.ones((16,), jnp.float32)
    pltpu.sync_copy(zeros_hbm.at[pl.ds(s * ROWS_PER_TILE, ROWS_PER_TILE)],
                    deg_sh.at[pl.ds(s * ROWS_PER_TILE, ROWS_PER_TILE)])
    plsc.subcore_barrier()

    def body(j, carry):
        pltpu.sync_copy(ones_v, deg_sh.at[idx_v.at[j]], add=True)
        return carry

    lax.fori_loop(0, DEG_CH, body, 0)
    plsc.subcore_barrier()
    pltpu.sync_copy(deg_sh.at[pl.ds(s * ROWS_PER_TILE, ROWS_PER_TILE)],
                    deg_hbm.at[c, pl.ds(s * ROWS_PER_TILE, ROWS_PER_TILE)])


_deg_kernel = functools.partial(
    pl.kernel,
    out_type=jax.ShapeDtypeStruct((NC, N_PAD), jnp.float32),
    mesh=_mesh,
    scratch_types=[
        pltpu.VMEM((DEG_CH, DEG_LANES), jnp.int32),
        pltpu.VMEM((DEG_LANES,), jnp.float32),
        pltpu.VMEM_SHARED((N_PAD,), jnp.float32),
    ],
)(_deg_body)


def _spmm_body(ht_hbm, src_hbm, dst_hbm, zeros_hbm, out_hbm,
               src_v, dst_v, rows, agg_sh, sems):
    c = lax.axis_index("c")
    s = lax.axis_index("s")
    pltpu.sync_copy(zeros_hbm.at[pl.ds(s * ROWS_PER_TILE, ROWS_PER_TILE), :],
                    agg_sh.at[pl.ds(s * ROWS_PER_TILE, ROWS_PER_TILE), :])
    plsc.subcore_barrier()

    def src_slice(row, half):
        return src_v.at[row, pl.ds(CHUNK * half, CHUNK)]

    for p in range(SP_PHASES):
        pltpu.sync_copy(src_hbm.at[c, s, p], src_v)
        pltpu.sync_copy(dst_hbm.at[c, s, p], dst_v)

        for b in range(NBUF):
            pltpu.async_copy(ht_hbm.at[src_slice(b // 2, b % 2)],
                             rows[b], sems[b])

        def body(g, carry):
            j0 = NBUF * g
            for b in range(NBUF):
                pltpu.make_async_copy(
                    ht_hbm.at[src_slice(j0 // 2 + b // 2, b % 2)],
                    rows[b], sems[b]).wait()
                pltpu.sync_copy(rows[b], agg_sh.at[dst_v.at[j0 + b]],
                                add=True)
                pltpu.async_copy(
                    ht_hbm.at[src_slice(j0 // 2 + 2 + b // 2, b % 2)],
                    rows[b], sems[b])
            return carry

        lax.fori_loop(0, PH_CH // NBUF - 1, body, 0)
        for b in range(NBUF):
            j = PH_CH - NBUF + b
            pltpu.make_async_copy(
                ht_hbm.at[src_slice(j // 2, b % 2)],
                rows[b], sems[b]).wait()
            pltpu.sync_copy(rows[b], agg_sh.at[dst_v.at[j]], add=True)

    plsc.subcore_barrier()
    pltpu.sync_copy(agg_sh.at[pl.ds(s * ROWS_PER_TILE, ROWS_PER_TILE), :],
                    out_hbm.at[c, pl.ds(s * ROWS_PER_TILE, ROWS_PER_TILE), :])


def _spmm_entry(ht_hbm, src_hbm, dst_hbm, zeros_hbm, out_hbm, src_v, dst_v,
                r0, r1, r2, r3, agg_sh, sem0, sem1, sem2, sem3):
    _spmm_body(ht_hbm, src_hbm, dst_hbm, zeros_hbm, out_hbm, src_v, dst_v,
               (r0, r1, r2, r3), agg_sh, (sem0, sem1, sem2, sem3))


_spmm_kernel = functools.partial(
    pl.kernel,
    out_type=jax.ShapeDtypeStruct((NC, N_PAD, D), jnp.float32),
    mesh=_mesh,
    scratch_types=[
        pltpu.VMEM((PH_CH // 2, 2 * CHUNK), jnp.int32),
        pltpu.VMEM((PH_CH, CHUNK), jnp.int32),
        pltpu.VMEM((CHUNK, D), jnp.float32),
        pltpu.VMEM((CHUNK, D), jnp.float32),
        pltpu.VMEM((CHUNK, D), jnp.float32),
        pltpu.VMEM((CHUNK, D), jnp.float32),
        pltpu.VMEM_SHARED((N_PAD, D), jnp.float32),
        pltpu.SemaphoreType.DMA,
        pltpu.SemaphoreType.DMA,
        pltpu.SemaphoreType.DMA,
        pltpu.SemaphoreType.DMA,
    ],
)(_spmm_entry)


def _pre_body(x_ref, w_ref, deg_ref, ht_ref, dinv_ref):
    dinv2 = lax.rsqrt(jnp.clip(deg_ref[...], 1.0, None))
    dinv = jnp.transpose(dinv2[:, :N])
    dinv_ref[...] = dinv
    ht_ref[...] = jnp.dot(x_ref[...] * dinv[:, 0:1], w_ref[...],
                          preferred_element_type=jnp.float32)


def _pre_call(x, w, deg):
    return pl.pallas_call(
        _pre_body,
        out_shape=(
            jax.ShapeDtypeStruct((N, D), jnp.float32),
            jax.ShapeDtypeStruct((N, 2), jnp.float32),
        ),
    )(x, w, deg)


def _post_body(p_ref, dinv_ref, b_ref, g_ref, bt_ref, w_ref, out_ref):
    p = p_ref[0, :N, :] + p_ref[1, :N, :]
    dinv = dinv_ref[...]
    h = p * dinv[:, 1:2] + b_ref[...][None, :]
    h = jnp.maximum(h, 0.0)
    mu = jnp.mean(h, axis=0, keepdims=True)
    var = jnp.mean((h - mu) * (h - mu), axis=0, keepdims=True)
    hn = (h - mu) * lax.rsqrt(var + 1e-5)
    hn = hn * g_ref[...][None, :] + bt_ref[...][None, :]
    out_ref[...] = jnp.dot(hn * dinv[:, 0:1], w_ref[...],
                           preferred_element_type=jnp.float32)


def _post_call(partials, dinv, b, g, bt, w):
    return pl.pallas_call(
        _post_body,
        out_shape=jax.ShapeDtypeStruct((N, D), jnp.float32),
    )(partials, dinv, b, g, bt, w)


def _final_body(p_ref, dinv_ref, b_ref, out_ref):
    p = p_ref[0, :N, :] + p_ref[1, :N, :]
    h = p * dinv_ref[...][:, 1:2] + b_ref[...][None, :]
    m = jnp.max(h, axis=1, keepdims=True)
    e = h - m
    lse = jnp.log(jnp.sum(jnp.exp(e), axis=1, keepdims=True))
    out_ref[...] = e - lse


def _final_call(partials, dinv, b):
    return pl.pallas_call(
        _final_body,
        out_shape=jax.ShapeDtypeStruct((N, D), jnp.float32),
    )(partials, dinv, b)


_DEG_PAD_IDX = (N + np.arange(DEG_PAD) % (N_PAD - N)).astype(np.int32)
_SP_PAD_SRC = ((np.arange(SP_PAD) * 37) % N).astype(np.int32)
_SP_PAD_DST = (N + np.arange(SP_PAD) % (N_PAD - N)).astype(np.int32)


def kernel(x, edge_index, W1, b1, W2, b2, W3, b3, g1, bt1, g2, bt2):
    src = edge_index[0].astype(jnp.int32)
    dst = edge_index[1].astype(jnp.int32)

    deg_idx = jnp.stack([
        jnp.concatenate([src, _DEG_PAD_IDX]).reshape(NS, DEG_CH, DEG_LANES),
        jnp.concatenate([dst, _DEG_PAD_IDX]).reshape(NS, DEG_CH, DEG_LANES),
    ])
    src_shape = (NS, SP_PHASES, PH_CH // 2, 2 * CHUNK)
    dst_shape = (NS, SP_PHASES, PH_CH, CHUNK)
    sp_src = jnp.stack([
        jnp.concatenate([src[:E_HALF], _SP_PAD_SRC]).reshape(src_shape),
        jnp.concatenate([src[E_HALF:], _SP_PAD_SRC]).reshape(src_shape),
    ])
    sp_dst = jnp.stack([
        jnp.concatenate([dst[:E_HALF], _SP_PAD_DST]).reshape(dst_shape),
        jnp.concatenate([dst[E_HALF:], _SP_PAD_DST]).reshape(dst_shape),
    ])
    zeros1 = jnp.zeros((N_PAD,), jnp.float32)
    zeros2 = jnp.zeros((N_PAD, D), jnp.float32)

    deg = _deg_kernel(deg_idx, zeros1)

    ht1, dinv = _pre_call(x, W1, deg)
    p1 = _spmm_kernel(ht1, sp_src, sp_dst, zeros2)
    ht2 = _post_call(p1, dinv, b1, g1, bt1, W2)
    p2 = _spmm_kernel(ht2, sp_src, sp_dst, zeros2)
    ht3 = _post_call(p2, dinv, b2, g2, bt2, W3)
    p3 = _spmm_kernel(ht3, sp_src, sp_dst, zeros2)
    return _final_call(p3, dinv, b3)

# --- scband reference (transcript-rebuilt; emitter-appended) ---
"""Pipeline reference for scband-gcn-49632642073097 (READ-ONLY COPY).

The authoritative reference and input builder live on the scoring server;
editing this copy changes nothing except your own understanding.
"""

import jax, jax.numpy as jnp
import numpy as np

N_NODES = 10000
N_EDGES = 320000
D_IN = 128
D_HID = 128
D_OUT = 128


def setup_inputs(seed: int = 0) -> dict:
    key = jax.random.key(seed)
    ks = jax.random.split(key, 14)
    x = jax.random.normal(ks[0], (N_NODES, D_IN), dtype=jnp.float32)
    edge_index = jax.random.randint(ks[1], (2, N_EDGES), 0, N_NODES, dtype=jnp.int64)
    s1 = 1.0 / np.sqrt(D_IN)
    s2 = 1.0 / np.sqrt(D_HID)
    W1 = jax.random.normal(ks[2], (D_IN, D_HID), dtype=jnp.float32) * s1
    b1 = jnp.zeros((D_HID,), dtype=jnp.float32)
    W2 = jax.random.normal(ks[3], (D_HID, D_HID), dtype=jnp.float32) * s2
    b2 = jnp.zeros((D_HID,), dtype=jnp.float32)
    W3 = jax.random.normal(ks[4], (D_HID, D_OUT), dtype=jnp.float32) * s2
    b3 = jnp.zeros((D_OUT,), dtype=jnp.float32)
    g1 = jnp.ones((D_HID,), dtype=jnp.float32)
    bt1 = jnp.zeros((D_HID,), dtype=jnp.float32)
    g2 = jnp.ones((D_HID,), dtype=jnp.float32)
    bt2 = jnp.zeros((D_HID,), dtype=jnp.float32)
    return {"x": x, "edge_index": edge_index, "W1": W1, "b1": b1, "W2": W2, "b2": b2, "W3": W3, "b3": b3, "g1": g1, "bt1": bt1, "g2": g2, "bt2": bt2}


def _graph_conv(x, W, b, src, dst, n_nodes):
    # DGL GraphConv with norm='both': D_dst^{-1/2} A D_src^{-1/2} X W + b
    ones = jnp.ones((src.shape[0],), dtype=x.dtype)
    deg_out = jax.ops.segment_sum(ones, src, num_segments=n_nodes)
    deg_in = jax.ops.segment_sum(ones, dst, num_segments=n_nodes)
    deg_out = jnp.clip(deg_out, 1.0, None)
    deg_in = jnp.clip(deg_in, 1.0, None)
    h = x * (deg_out ** -0.5)[:, None]
    h = h @ W
    msg = jnp.take(h, src, axis=0)
    agg = jax.ops.segment_sum(msg, dst, num_segments=n_nodes)
    return agg * (deg_in ** -0.5)[:, None] + b


def _batch_norm(h, g, b, eps=1e-5):
    mu = jnp.mean(h, axis=0)
    var = jnp.var(h, axis=0)
    return (h - mu) / jnp.sqrt(var + eps) * g + b


def reference(x, edge_index, W1, b1, W2, b2, W3, b3, g1, bt1, g2, bt2):
    src = edge_index[0]
    dst = edge_index[1]
    n = x.shape[0]
    h = _graph_conv(x, W1, b1, src, dst, n)
    h = jax.nn.relu(h)
    h = _batch_norm(h, g1, bt1)
    h = _graph_conv(h, W2, b2, src, dst, n)
    h = jax.nn.relu(h)
    h = _batch_norm(h, g2, bt2)
    h = _graph_conv(h, W3, b3, src, dst, n)
    h = jax.nn.log_softmax(h, axis=1)
    return h

if __name__ == "__main__":
    import jax
    _d = setup_inputs()
    print(jax.jit(kernel)(*tuple(_d.values())))

</pallas_src>

<mosaic_0001>
#map = affine_map<(d0, d1) -> (0, 0, 0, 0)>
#map1 = affine_map<(d0, d1) -> (0)>
#map2 = affine_map<(d0, d1) -> (0, 0)>
module attributes {stable_mosaic.version = 14 : i64} {
  func.func @_deg_body(%arg0: i32, %arg1: i32, %arg2: memref<2x16x160x128xi32, #tpu.memory_space<hbm>>, %arg3: memref<10240xf32, #tpu.memory_space<hbm>>, %arg4: memref<2x10240xf32, #tpu.memory_space<hbm>>, %arg5: memref<160x128xi32, #tpu.memory_space<vmem>>, %arg6: memref<128xf32, #tpu.memory_space<vmem>>, %arg7: memref<10240xf32, #tpu.memory_space<vmem_shared>>) attributes {dimension_semantics = [#tpu.dimension_semantics<core_parallel>, #tpu.dimension_semantics<subcore_parallel>], iteration_bounds = array<i64: 2, 16>, scalar_prefetch = 0 : i64, scratch_operands = 3 : i64, tpu.core_type = #tpu.core_type<sc_vector_subcore>, window_params = [{transform_indices = #map}, {transform_indices = #map1}, {transform_indices = #map2}]} {
    "tpu.region"() ({
      %run_scoped3A = tpu.sem_alloc : memref<!tpu.dma_semaphore, #tpu.memory_space<semaphore_mem>>
      %dma_start3A = arith.constant 0 : i32
      %dma_start3A_59 = arith.constant 0 : i32
      %dma_start3A_60 = tpu.memref_slice %arg2[%arg0, %arg1, %dma_start3A, %dma_start3A_59] : memref<2x16x160x128xi32, #tpu.memory_space<hbm>> -> memref<1x1x160x128xi32, #tpu.memory_space<hbm>>
      %dma_start3A_61 = tpu.memref_squeeze %dma_start3A_60 : memref<1x1x160x128xi32, #tpu.memory_space<hbm>> -> memref<160x128xi32, #tpu.memory_space<hbm>>
      %dma_start3A_62 = arith.constant 0 : i32
      %dma_start3A_63 = arith.constant 0 : i32
      %dma_start3A_64 = tpu.memref_slice %arg2[%arg0, %arg1, %dma_start3A_62, %dma_start3A_63] : memref<2x16x160x128xi32, #tpu.memory_space<hbm>> -> memref<1x1x160x128xi32, #tpu.memory_space<hbm>>
      %dma_start3A_65 = tpu.memref_squeeze %dma_start3A_64 : memref<1x1x160x128xi32, #tpu.memory_space<hbm>> -> memref<160x128xi32, #tpu.memory_space<hbm>>
      tpu.enqueue_dma source(%dma_start3A_65 : memref<160x128xi32, #tpu.memory_space<hbm>>) target(%arg5 : memref<160x128xi32, #tpu.memory_space<vmem>>) target_semaphore(%run_scoped3A : memref<!tpu.dma_semaphore, #tpu.memory_space<semaphore_mem>>)
      %dma_wait3A = arith.constant 0 : i32
      %dma_wait3A_66 = arith.constant 0 : i32
      %dma_wait3A_67 = tpu.memref_slice %arg2[%arg0, %arg1, %dma_wait3A, %dma_wait3A_66] : memref<2x16x160x128xi32, #tpu.memory_space<hbm>> -> memref<1x1x160x128xi32, #tpu.memory_space<hbm>>
      %dma_wait3A_68 = tpu.memref_squeeze %dma_wait3A_67 : memref<1x1x160x128xi32, #tpu.memory_space<hbm>> -> memref<160x128xi32, #tpu.memory_space<hbm>>
      %dma_wait3A_69 = arith.constant 0 : i32
      %dma_wait3A_70 = arith.constant 0 : i32
      %dma_wait3A_71 = tpu.memref_slice %arg2[%arg0, %arg1, %dma_wait3A_69, %dma_wait3A_70] : memref<2x16x160x128xi32, #tpu.memory_space<hbm>> -> memref<1x1x160x128xi32, #tpu.memory_space<hbm>>
      %dma_wait3A_72 = tpu.memref_squeeze %dma_wait3A_71 : memref<1x1x160x128xi32, #tpu.memory_space<hbm>> -> memref<160x128xi32, #tpu.memory_space<hbm>>
      tpu.wait_dma2 semaphore(%run_scoped3A : memref<!tpu.dma_semaphore, #tpu.memory_space<semaphore_mem>>) src(%dma_wait3A_72 : memref<160x128xi32, #tpu.memory_space<hbm>>) dst(%arg5 : memref<160x128xi32, #tpu.memory_space<vmem>>)
      tpu.yield
    }) : () -> ()
    %broadcast_in_dim3A = arith.constant 1.000000e+00 : f32
    %broadcast_in_dim3A_0 = vector.broadcast %broadcast_in_dim3A : f32 to vector<16xf32>
    %swap3A = arith.constant 0 : index
    %swap3A_1 = tpu.vector_load %arg6[%swap3A] {strides = array<i32>} : memref<128xf32, #tpu.memory_space<vmem>>, vector<16xf32>,
    %swap3A_2 = vector.shape_cast %swap3A_1 : vector<16xf32> to vector<16xf32>
    %swap3A_3 = vector.shape_cast %broadcast_in_dim3A_0 : vector<16xf32> to vector<16xf32>
    tpu.vector_store %arg6[%swap3A], %swap3A_3 {strides = array<i32>} : memref<128xf32, #tpu.memory_space<vmem>>, vector<16xf32>,
    %broadcast_in_dim3A_4 = arith.constant 1.000000e+00 : f32
    %broadcast_in_dim3A_5 = vector.broadcast %broadcast_in_dim3A_4 : f32 to vector<16xf32>
    %swap3A_6 = arith.constant 16 : index
    %swap3A_7 = tpu.vector_load %arg6[%swap3A_6] {strides = array<i32>} : memref<128xf32, #tpu.memory_space<vmem>>, vector<16xf32>,
    %swap3A_8 = vector.shape_cast %swap3A_7 : vector<16xf32> to vector<16xf32>
    %swap3A_9 = vector.shape_cast %broadcast_in_dim3A_5 : vector<16xf32> to vector<16xf32>
    tpu.vector_store %arg6[%swap3A_6], %swap3A_9 {strides = array<i32>} : memref<128xf32, #tpu.memory_space<vmem>>, vector<16xf32>,
    %broadcast_in_dim3A_10 = arith.constant 1.000000e+00 : f32
    %broadcast_in_dim3A_11 = vector.broadcast %broadcast_in_dim3A_10 : f32 to vector<16xf32>
    %swap3A_12 = arith.constant 32 : index
    %swap3A_13 = tpu.vector_load %arg6[%swap3A_12] {strides = array<i32>} : memref<128xf32, #tpu.memory_space<vmem>>, vector<16xf32>,
    %swap3A_14 = vector.shape_cast %swap3A_13 : vector<16xf32> to vector<16xf32>
    %swap3A_15 = vector.shape_cast %broadcast_in_dim3A_11 : vector<16xf32> to vector<16xf32>
    tpu.vector_store %arg6[%swap3A_12], %swap3A_15 {strides = array<i32>} : memref<128xf32, #tpu.memory_space<vmem>>, vector<16xf32>,
    %broadcast_in_dim3A_16 = arith.constant 1.000000e+00 : f32
    %broadcast_in_dim3A_17 = vector.broadcast %broadcast_in_dim3A_16 : f32 to vector<16xf32>
    %swap3A_18 = arith.constant 48 : index
    %swap3A_19 = tpu.vector_load %arg6[%swap3A_18] {strides = array<i32>} : memref<128xf32, #tpu.memory_space<vmem>>, vector<16xf32>,
    %swap3A_20 = vector.shape_cast %swap3A_19 : vector<16xf32> to vector<16xf32>
    %swap3A_21 = vector.shape_cast %broadcast_in_dim3A_17 : vector<16xf32> to vector<16xf32>
    tpu.vector_store %arg6[%swap3A_18], %swap3A_21 {strides = array<i32>} : memref<128xf32, #tpu.memory_space<vmem>>, vector<16xf32>,
    %broadcast_in_dim3A_22 = arith.constant 1.000000e+00 : f32
    %broadcast_in_dim3A_23 = vector.broadcast %broadcast_in_dim3A_22 : f32 to vector<16xf32>
    %swap3A_24 = arith.constant 64 : index
    %swap3A_25 = tpu.vector_load %arg6[%swap3A_24] {strides = array<i32>} : memref<128xf32, #tpu.memory_space<vmem>>, vector<16xf32>,
    %swap3A_26 = vector.shape_cast %swap3A_25 : vector<16xf32> to vector<16xf32>
    %swap3A_27 = vector.shape_cast %broadcast_in_dim3A_23 : vector<16xf32> to vector<16xf32>
    tpu.vector_store %arg6[%swap3A_24], %swap3A_27 {strides = array<i32>} : memref<128xf32, #tpu.memory_space<vmem>>, vector<16xf32>,
    %broadcast_in_dim3A_28 = arith.constant 1.000000e+00 : f32
    %broadcast_in_dim3A_29 = vector.broadcast %broadcast_in_dim3A_28 : f32 to vector<16xf32>
    %swap3A_30 = arith.constant 80 : index
    %swap3A_31 = tpu.vector_load %arg6[%swap3A_30] {strides = array<i32>} : memref<128xf32, #tpu.memory_space<vmem>>, vector<16xf32>,
    %swap3A_32 = vector.shape_cast %swap3A_31 : vector<16xf32> to vector<16xf32>
    %swap3A_33 = vector.shape_cast %broadcast_in_dim3A_29 : vector<16xf32> to vector<16xf32>
    tpu.vector_store %arg6[%swap3A_30], %swap3A_33 {strides = array<i32>} : memref<128xf32, #tpu.memory_space<vmem>>, vector<16xf32>,
    %broadcast_in_dim3A_34 = arith.constant 1.000000e+00 : f32
    %broadcast_in_dim3A_35 = vector.broadcast %broadcast_in_dim3A_34 : f32 to vector<16xf32>
    %swap3A_36 = arith.constant 96 : index
    %swap3A_37 = tpu.vector_load %arg6[%swap3A_36] {strides = array<i32>} : memref<128xf32, #tpu.memory_space<vmem>>, vector<16xf32>,
    %swap3A_38 = vector.shape_cast %swap3A_37 : vector<16xf32> to vector<16xf32>
    %swap3A_39 = vector.shape_cast %broadcast_in_dim3A_35 : vector<16xf32> to vector<16xf32>
    tpu.vector_store %arg6[%swap3A_36], %swap3A_39 {strides = array<i32>} : memref<128xf32, #tpu.memory_space<vmem>>, vector<16xf32>,
    %broadcast_in_dim3A_40 = arith.constant 1.000000e+00 : f32
    %broadcast_in_dim3A_41 = vector.broadcast %broadcast_in_dim3A_40 : f32 to vector<16xf32>
    %swap3A_42 = arith.constant 112 : index
    %swap3A_43 = tpu.vector_load %arg6[%swap3A_42] {strides = array<i32>} : memref<128xf32, #tpu.memory_space<vmem>>, vector<16xf32>,
    %swap3A_44 = vector.shape_cast %swap3A_43 : vector<16xf32> to vector<16xf32>
    %swap3A_45 = vector.shape_cast %broadcast_in_dim3A_41 : vector<16xf32> to vector<16xf32>
    tpu.vector_store %arg6[%swap3A_42], %swap3A_45 {strides = array<i32>} : memref<128xf32, #tpu.memory_space<vmem>>, vector<16xf32>,
    %mul3A = arith.constant 640 : i32
    %mul3A_46 = arith.muli %arg1, %mul3A : i32
    %mul3A_47 = arith.constant 640 : i32
    %mul3A_48 = arith.muli %arg1, %mul3A_47 : i32
    "tpu.region"() ({
      %run_scoped3A = tpu.sem_alloc : memref<!tpu.dma_semaphore, #tpu.memory_space<semaphore_mem>>
      %dma_start3A = tpu.memref_slice %arg7[%mul3A_48] : memref<10240xf32, #tpu.memory_space<vmem_shared>> -> memref<640xf32, #tpu.memory_space<vmem_shared>>
      %dma_start3A_59 = tpu.memref_slice %arg3[%mul3A_46] : memref<10240xf32, #tpu.memory_space<hbm>> -> memref<640xf32, #tpu.memory_space<hbm>>
      tpu.enqueue_dma source(%dma_start3A_59 : memref<640xf32, #tpu.memory_space<hbm>>) target(%dma_start3A : memref<640xf32, #tpu.memory_space<vmem_shared>>) target_semaphore(%run_scoped3A : memref<!tpu.dma_semaphore, #tpu.memory_space<semaphore_mem>>)
      %dma_wait3A = tpu.memref_slice %arg7[%mul3A_48] : memref<10240xf32, #tpu.memory_space<vmem_shared>> -> memref<640xf32, #tpu.memory_space<vmem_shared>>
      %dma_wait3A_60 = tpu.memref_slice %arg3[%mul3A_46] : memref<10240xf32, #tpu.memory_space<hbm>> -> memref<640xf32, #tpu.memory_space<hbm>>
      tpu.wait_dma2 semaphore(%run_scoped3A : memref<!tpu.dma_semaphore, #tpu.memory_space<semaphore_mem>>) src(%dma_wait3A_60 : memref<640xf32, #tpu.memory_space<hbm>>) dst(%dma_wait3A : memref<640xf32, #tpu.memory_space<vmem_shared>>)
      tpu.yield
    }) : () -> ()
    %barrier3A = arith.constant 0 : index
    tpu.barrier barrier_id(%barrier3A)
    %scan3A = arith.constant 0 : i32
    %scan3A_49 = arith.constant 0 : i32
    %scan3A_50 = arith.constant 160 : i32
    %scan3A_51 = arith.addi %scan3A_49, %scan3A_50 : i32
    %scan3A_52 = arith.constant 1 : i32
    scf.for %scan3A_59 = %scan3A_49 to %scan3A_51 step %scan3A_52  : i32 {
      "tpu.region"() ({
        %run_scoped3A = tpu.sem_alloc : memref<!tpu.dma_semaphore, #tpu.memory_space<semaphore_mem>>
        %dma_start3A = arith.constant 0 : i32
        %dma_start3A_60 = tpu.memref_slice %arg5[%scan3A_59, %dma_start3A] : memref<160x128xi32, #tpu.memory_space<vmem>> -> memref<1x128xi32, #tpu.memory_space<vmem>>
        %dma_start3A_61 = tpu.memref_squeeze %dma_start3A_60 : memref<1x128xi32, #tpu.memory_space<vmem>> -> memref<128xi32, #tpu.memory_space<vmem>>
        %dma_start3A_62 = arith.constant 0 : i32
        %dma_start3A_63 = tpu.memref_slice %arg7[%dma_start3A_62] : memref<10240xf32, #tpu.memory_space<vmem_shared>> -> memref<10240xf32, #tpu.memory_space<vmem_shared>>
        tpu.enqueue_indirect_dma source(%arg6 : memref<128xf32, #tpu.memory_space<vmem>>) target(%dma_start3A_63 : memref<10240xf32, #tpu.memory_space<vmem_shared>>) offsets(%dma_start3A_61 : memref<128xi32, #tpu.memory_space<vmem>>) semaphore(%run_scoped3A : memref<!tpu.dma_semaphore, #tpu.memory_space<semaphore_mem>>) {add = true}
        %dma_wait3A = arith.constant 0 : i32
        %dma_wait3A_64 = tpu.memref_slice %arg5[%scan3A_59, %dma_wait3A] : memref<160x128xi32, #tpu.memory_space<vmem>> -> memref<1x128xi32, #tpu.memory_space<vmem>>
        %dma_wait3A_65 = tpu.memref_squeeze %dma_wait3A_64 : memref<1x128xi32, #tpu.memory_space<vmem>> -> memref<128xi32, #tpu.memory_space<vmem>>
        %dma_wait3A_66 = arith.constant 0 : i32
        %dma_wait3A_67 = tpu.memref_slice %arg7[%dma_wait3A_66] : memref<10240xf32, #tpu.memory_space<vmem_shared>> -> memref<10240xf32, #tpu.memory_space<vmem_shared>>
        tpu.wait_indirect_dma semaphore(%run_scoped3A : memref<!tpu.dma_semaphore, #tpu.memory_space<semaphore_mem>>) src(%arg6 : memref<128xf32, #tpu.memory_space<vmem>>) dst(%dma_wait3A_67 : memref<10240xf32, #tpu.memory_space<vmem_shared>>)
        tpu.yield
      }) : () -> ()
    }
    %scan3A_53 = arith.constant 160 : i32
    %barrier3A_54 = arith.constant 0 : index
    tpu.barrier barrier_id(%barrier3A_54)
    %mul3A_55 = arith.constant 640 : i32
    %mul3A_56 = arith.muli %arg1, %mul3A_55 : i32
    %mul3A_57 = arith.constant 640 : i32
    %mul3A_58 = arith.muli %arg1, %mul3A_57 : i32
    "tpu.region"() ({
      %run_scoped3A = tpu.sem_alloc : memref<!tpu.dma_semaphore, #tpu.memory_space<semaphore_mem>>
      %dma_start3A = tpu.memref_slice %arg4[%arg0, %mul3A_58] : memref<2x10240xf32, #tpu.memory_space<hbm>> -> memref<1x640xf32, #tpu.memory_space<hbm>>
      %dma_start3A_59 = tpu.memref_squeeze %dma_start3A : memref<1x640xf32, #tpu.memory_space<hbm>> -> memref<640xf32, #tpu.memory_space<hbm>>
      %dma_start3A_60 = tpu.memref_slice %arg7[%mul3A_56] : memref<10240xf32, #tpu.memory_space<vmem_shared>> -> memref<640xf32, #tpu.memory_space<vmem_shared>>
      tpu.enqueue_dma source(%dma_start3A_60 : memref<640xf32, #tpu.memory_space<vmem_shared>>) target(%dma_start3A_59 : memref<640xf32, #tpu.memory_space<hbm>>) target_semaphore(%run_scoped3A : memref<!tpu.dma_semaphore, #tpu.memory_space<semaphore_mem>>)
      %dma_wait3A = tpu.memref_slice %arg4[%arg0, %mul3A_58] : memref<2x10240xf32, #tpu.memory_space<hbm>> -> memref<1x640xf32, #tpu.memory_space<hbm>>
      %dma_wait3A_61 = tpu.memref_squeeze %dma_wait3A : memref<1x640xf32, #tpu.memory_space<hbm>> -> memref<640xf32, #tpu.memory_space<hbm>>
      %dma_wait3A_62 = tpu.memref_slice %arg7[%mul3A_56] : memref<10240xf32, #tpu.memory_space<vmem_shared>> -> memref<640xf32, #tpu.memory_space<vmem_shared>>
      tpu.wait_dma2 semaphore(%run_scoped3A : memref<!tpu.dma_semaphore, #tpu.memory_space<semaphore_mem>>) src(%dma_wait3A_62 : memref<640xf32, #tpu.memory_space<vmem_shared>>) dst(%dma_wait3A_61 : memref<640xf32, #tpu.memory_space<hbm>>)
      tpu.yield
    }) : () -> ()
    return
  }
}

#map = affine_map<(d0, d1) -> (0, 0)>
#map1 = affine_map<(d0, d1) -> (0, 0, 0, 0, 0)>
#map2 = affine_map<(d0, d1) -> (0, 0, 0)>
module attributes {stable_mosaic.version = 14 : i64} {
  func.func @_spmm_entry(%arg0: i32, %arg1: i32, %arg2: memref<10000x128xf32, #tpu.memory_space<hbm>>, %arg3: memref<2x16x2x40x128xi32, #tpu.memory_space<hbm>>, %arg4: memref<2x16x2x80x64xi32, #tpu.memory_space<hbm>>, %arg5: memref<10240x128xf32, #tpu.memory_space<hbm>>, %arg6: memref<2x10240x128xf32, #tpu.memory_space<hbm>>, %arg7: memref<40x128xi32, #tpu.memory_space<vmem>>, %arg8: memref<80x64xi32, #tpu.memory_space<vmem>>, %arg9: memref<64x128xf32, #tpu.memory_space<vmem>>, %arg10: memref<64x128xf32, #tpu.memory_space<vmem>>, %arg11: memref<64x128xf32, #tpu.memory_space<vmem>>, %arg12: memref<64x128xf32, #tpu.memory_space<vmem>>, %arg13: memref<10240x128xf32, #tpu.memory_space<vmem_shared>>, %arg14: memref<!tpu.dma_semaphore, #tpu.memory_space<semaphore_mem>>, %arg15: memref<!tpu.dma_semaphore, #tpu.memory_space<semaphore_mem>>, %arg16: memref<!tpu.dma_semaphore, #tpu.memory_space<semaphore_mem>>, %arg17: memref<!tpu.dma_semaphore, #tpu.memory_space<semaphore_mem>>) attributes {dimension_semantics = [#tpu.dimension_semantics<core_parallel>, #tpu.dimension_semantics<subcore_parallel>], iteration_bounds = array<i64: 2, 16>, scalar_prefetch = 0 : i64, scratch_operands = 11 : i64, tpu.core_type = #tpu.core_type<sc_vector_subcore>, window_params = [{transform_indices = #map}, {transform_indices = #map1}, {transform_indices = #map1}, {transform_indices = #map}, {transform_indices = #map2}]} {
    %mul3A = arith.constant 640 : i32
    %mul3A_0 = arith.muli %arg1, %mul3A : i32
    %mul3A_1 = arith.constant 640 : i32
    %mul3A_2 = arith.muli %arg1, %mul3A_1 : i32
    "tpu.region"() ({
      %run_scoped3A_140 = tpu.sem_alloc : memref<!tpu.dma_semaphore, #tpu.memory_space<semaphore_mem>>
      %dma_start3A_141 = arith.constant 0 : i32
      %dma_start3A_142 = tpu.memref_slice %arg13[%mul3A_2, %dma_start3A_141] : memref<10240x128xf32, #tpu.memory_space<vmem_shared>> -> memref<640x128xf32, #tpu.memory_space<vmem_shared>>
      %dma_start3A_143 = arith.constant 0 : i32
      %dma_start3A_144 = tpu.memref_slice %arg5[%mul3A_0, %dma_start3A_143] : memref<10240x128xf32, #tpu.memory_space<hbm>> -> memref<640x128xf32, #tpu.memory_space<hbm>>
      tpu.enqueue_dma source(%dma_start3A_144 : memref<640x128xf32, #tpu.memory_space<hbm>>) target(%dma_start3A_142 : memref<640x128xf32, #tpu.memory_space<vmem_shared>>) target_semaphore(%run_scoped3A_140 : memref<!tpu.dma_semaphore, #tpu.memory_space<semaphore_mem>>)
      %dma_wait3A_145 = arith.constant 0 : i32
      %dma_wait3A_146 = tpu.memref_slice %arg13[%mul3A_2, %dma_wait3A_145] : memref<10240x128xf32, #tpu.memory_space<vmem_shared>> -> memref<640x128xf32, #tpu.memory_space<vmem_shared>>
      %dma_wait3A_147 = arith.constant 0 : i32
      %dma_wait3A_148 = tpu.memref_slice %arg5[%mul3A_0, %dma_wait3A_147] : memref<10240x128xf32, #tpu.memory_space<hbm>> -> memref<640x128xf32, #tpu.memory_space<hbm>>
      tpu.wait_dma2 semaphore(%run_scoped3A_140 : memref<!tpu.dma_semaphore, #tpu.memory_space<semaphore_mem>>) src(%dma_wait3A_148 : memref<640x128xf32, #tpu.memory_space<hbm>>) dst(%dma_wait3A_146 : memref<640x128xf32, #tpu.memory_space<vmem_shared>>)
      tpu.yield
    }) : () -> ()
    %barrier3A = arith.constant 0 : index
    tpu.barrier barrier_id(%barrier3A)
    %run_scoped3A = arith.constant 0 : i32
    "tpu.region"() ({
      %run_scoped3A_140 = tpu.sem_alloc : memref<!tpu.dma_semaphore, #tpu.memory_space<semaphore_mem>>
      %dma_start3A_141 = arith.constant 0 : i32
      %dma_start3A_142 = arith.constant 0 : i32
      %dma_start3A_143 = tpu.memref_slice %arg3[%arg0, %arg1, %run_scoped3A, %dma_start3A_141, %dma_start3A_142] : memref<2x16x2x40x128xi32, #tpu.memory_space<hbm>> -> memref<1x1x1x40x128xi32, #tpu.memory_space<hbm>>
      %dma_start3A_144 = tpu.memref_squeeze %dma_start3A_143 : memref<1x1x1x40x128xi32, #tpu.memory_space<hbm>> -> memref<40x128xi32, #tpu.memory_space<hbm>>
      %dma_start3A_145 = arith.constant 0 : i32
      %dma_start3A_146 = arith.constant 0 : i32
      %dma_start3A_147 = tpu.memref_slice %arg3[%arg0, %arg1, %run_scoped3A, %dma_start3A_145, %dma_start3A_146] : memref<2x16x2x40x128xi32, #tpu.memory_space<hbm>> -> memref<1x1x1x40x128xi32, #tpu.memory_space<hbm>>
      %dma_start3A_148 = tpu.memref_squeeze %dma_start3A_147 : memref<1x1x1x40x128xi32, #tpu.memory_space<hbm>> -> memref<40x128xi32, #tpu.memory_space<hbm>>
      tpu.enqueue_dma source(%dma_start3A_148 : memref<40x128xi32, #tpu.memory_space<hbm>>) target(%arg7 : memref<40x128xi32, #tpu.memory_space<vmem>>) target_semaphore(%run_scoped3A_140 : memref<!tpu.dma_semaphore, #tpu.memory_space<semaphore_mem>>)
      %dma_wait3A_149 = arith.constant 0 : i32
      %dma_wait3A_150 = arith.constant 0 : i32
      %dma_wait3A_151 = tpu.memref_slice %arg3[%arg0, %arg1, %run_scoped3A, %dma_wait3A_149, %dma_wait3A_150] : memref<2x16x2x40x128xi32, #tpu.memory_space<hbm>> -> memref<1x1x1x40x128xi32, #tpu.memory_space<hbm>>
      %dma_wait3A_152 = tpu.memref_squeeze %dma_wait3A_151 : memref<1x1x1x40x128xi32, #tpu.memory_space<hbm>> -> memref<40x128xi32, #tpu.memory_space<hbm>>
      %dma_wait3A_153 = arith.constant 0 : i32
      %dma_wait3A_154 = arith.constant 0 : i32
      %dma_wait3A_155 = tpu.memref_slice %arg3[%arg0, %arg1, %run_scoped3A, %dma_wait3A_153, %dma_wait3A_154] : memref<2x16x2x40x128xi32, #tpu.memory_space<hbm>> -> memref<1x1x1x40x128xi32, #tpu.memory_space<hbm>>
      %dma_wait3A_156 = tpu.memref_squeeze %dma_wait3A_155 : memref<1x1x1x40x128xi32, #tpu.memory_space<hbm>> -> memref<40x128xi32, #tpu.memory_space<hbm>>
      tpu.wait_dma2 semaphore(%run_scoped3A_140 : memref<!tpu.dma_semaphore, #tpu.memory_space<semaphore_mem>>) src(%dma_wait3A_156 : memref<40x128xi32, #tpu.memory_space<hbm>>) dst(%arg7 : memref<40x128xi32, #tpu.memory_space<vmem>>)
      tpu.yield
    }) : () -> ()
    %run_scoped3A_3 = arith.constant 0 : i32
    "tpu.region"() ({
      %run_scoped3A_140 = tpu.sem_alloc : memref<!tpu.dma_semaphore, #tpu.memory_space<semaphore_mem>>
      %dma_start3A_141 = arith.constant 0 : i32
      %dma_start3A_142 = arith.constant 0 : i32
      %dma_start3A_143 = tpu.memref_slice %arg4[%arg0, %arg1, %run_scoped3A_3, %dma_start3A_141, %dma_start3A_142] : memref<2x16x2x80x64xi32, #tpu.memory_space<hbm>> -> memref<1x1x1x80x64xi32, #tpu.memory_space<hbm>>
      %dma_start3A_144 = tpu.memref_squeeze %dma_start3A_143 : memref<1x1x1x80x64xi32, #tpu.memory_space<hbm>> -> memref<80x64xi32, #tpu.memory_space<hbm>>
      %dma_start3A_145 = arith.constant 0 : i32
      %dma_start3A_146 = arith.constant 0 : i32
      %dma_start3A_147 = tpu.memref_slice %arg4[%arg0, %arg1, %run_scoped3A_3, %dma_start3A_145, %dma_start3A_146] : memref<2x16x2x80x64xi32, #tpu.memory_space<hbm>> -> memref<1x1x1x80x64xi32, #tpu.memory_space<hbm>>
      %dma_start3A_148 = tpu.memref_squeeze %dma_start3A_147 : memref<1x1x1x80x64xi32, #tpu.memory_space<hbm>> -> memref<80x64xi32, #tpu.memory_space<hbm>>
      tpu.enqueue_dma source(%dma_start3A_148 : memref<80x64xi32, #tpu.memory_space<hbm>>) target(%arg8 : memref<80x64xi32, #tpu.memory_space<vmem>>) target_semaphore(%run_scoped3A_140 : memref<!tpu.dma_semaphore, #tpu.memory_space<semaphore_mem>>)
      %dma_wait3A_149 = arith.constant 0 : i32
      %dma_wait3A_150 = arith.constant 0 : i32
      %dma_wait3A_151 = tpu.memref_slice %arg4[%arg0, %arg1, %run_scoped3A_3, %dma_wait3A_149, %dma_wait3A_150] : memref<2x16x2x80x64xi32, #tpu.memory_space<hbm>> -> memref<1x1x1x80x64xi32, #tpu.memory_space<hbm>>
      %dma_wait3A_152 = tpu.memref_squeeze %dma_wait3A_151 : memref<1x1x1x80x64xi32, #tpu.memory_space<hbm>> -> memref<80x64xi32, #tpu.memory_space<hbm>>
      %dma_wait3A_153 = arith.constant 0 : i32
      %dma_wait3A_154 = arith.constant 0 : i32
      %dma_wait3A_155 = tpu.memref_slice %arg4[%arg0, %arg1, %run_scoped3A_3, %dma_wait3A_153, %dma_wait3A_154] : memref<2x16x2x80x64xi32, #tpu.memory_space<hbm>> -> memref<1x1x1x80x64xi32, #tpu.memory_space<hbm>>
      %dma_wait3A_156 = tpu.memref_squeeze %dma_wait3A_155 : memref<1x1x1x80x64xi32, #tpu.memory_space<hbm>> -> memref<80x64xi32, #tpu.memory_space<hbm>>
      tpu.wait_dma2 semaphore(%run_scoped3A_140 : memref<!tpu.dma_semaphore, #tpu.memory_space<semaphore_mem>>) src(%dma_wait3A_156 : memref<80x64xi32, #tpu.memory_space<hbm>>) dst(%arg8 : memref<80x64xi32, #tpu.memory_space<vmem>>)
      tpu.yield
    }) : () -> ()
    %dma_start3A = arith.constant 0 : i32
    %dma_start3A_4 = arith.constant 0 : i32
    %dma_start3A_5 = tpu.memref_slice %arg7[%dma_start3A, %dma_start3A_4] : memref<40x128xi32, #tpu.memory_space<vmem>> -> memref<1x64xi32, #tpu.memory_space<vmem>>
    %dma_start3A_6 = tpu.memref_squeeze %dma_start3A_5 : memref<1x64xi32, #tpu.memory_space<vmem>> -> memref<64xi32, #tpu.memory_space<vmem>>
    %dma_start3A_7 = arith.constant 0 : i32
    %dma_start3A_8 = arith.constant 0 : i32
    %dma_start3A_9 = tpu.memref_slice %arg2[%dma_start3A_7, %dma_start3A_8] : memref<10000x128xf32, #tpu.memory_space<hbm>> -> memref<10000x128xf32, #tpu.memory_space<hbm>>
    tpu.enqueue_indirect_dma source(%dma_start3A_9 : memref<10000x128xf32, #tpu.memory_space<hbm>>) target(%arg9 : memref<64x128xf32, #tpu.memory_space<vmem>>) offsets(%dma_start3A_6 : memref<64xi32, #tpu.memory_space<vmem>>) semaphore(%arg14 : memref<!tpu.dma_semaphore, #tpu.memory_space<semaphore_mem>>)
    %dma_start3A_10 = arith.constant 0 : i32
    %dma_start3A_11 = arith.constant 64 : i32
    %dma_start3A_12 = tpu.memref_slice %arg7[%dma_start3A_10, %dma_start3A_11] : memref<40x128xi32, #tpu.memory_space<vmem>> -> memref<1x64xi32, #tpu.memory_space<vmem>>
    %dma_start3A_13 = tpu.memref_squeeze %dma_start3A_12 : memref<1x64xi32, #tpu.memory_space<vmem>> -> memref<64xi32, #tpu.memory_space<vmem>>
    %dma_start3A_14 = arith.constant 0 : i32
    %dma_start3A_15 = arith.constant 0 : i32
    %dma_start3A_16 = tpu.memref_slice %arg2[%dma_start3A_14, %dma_start3A_15] : memref<10000x128xf32, #tpu.memory_space<hbm>> -> memref<10000x128xf32, #tpu.memory_space<hbm>>
    tpu.enqueue_indirect_dma source(%dma_start3A_16 : memref<10000x128xf32, #tpu.memory_space<hbm>>) target(%arg10 : memref<64x128xf32, #tpu.memory_space<vmem>>) offsets(%dma_start3A_13 : memref<64xi32, #tpu.memory_space<vmem>>) semaphore(%arg15 : memref<!tpu.dma_semaphore, #tpu.memory_space<semaphore_mem>>)
    %dma_start3A_17 = arith.constant 1 : i32
    %dma_start3A_18 = arith.constant 0 : i32
    %dma_start3A_19 = tpu.memref_slice %arg7[%dma_start3A_17, %dma_start3A_18] : memref<40x128xi32, #tpu.memory_space<vmem>> -> memref<1x64xi32, #tpu.memory_space<vmem>>
    %dma_start3A_20 = tpu.memref_squeeze %dma_start3A_19 : memref<1x64xi32, #tpu.memory_space<vmem>> -> memref<64xi32, #tpu.memory_space<vmem>>
    %dma_start3A_21 = arith.constant 0 : i32
    %dma_start3A_22 = arith.constant 0 : i32
    %dma_start3A_23 = tpu.memref_slice %arg2[%dma_start3A_21, %dma_start3A_22] : memref<10000x128xf32, #tpu.memory_space<hbm>> -> memref<10000x128xf32, #tpu.memory_space<hbm>>
    tpu.enqueue_indirect_dma source(%dma_start3A_23 : memref<10000x128xf32, #tpu.memory_space<hbm>>) target(%arg11 : memref<64x128xf32, #tpu.memory_space<vmem>>) offsets(%dma_start3A_20 : memref<64xi32, #tpu.memory_space<vmem>>) semaphore(%arg16 : memref<!tpu.dma_semaphore, #tpu.memory_space<semaphore_mem>>)
    %dma_start3A_24 = arith.constant 1 : i32
    %dma_start3A_25 = arith.constant 64 : i32
    %dma_start3A_26 = tpu.memref_slice %arg7[%dma_start3A_24, %dma_start3A_25] : memref<40x128xi32, #tpu.memory_space<vmem>> -> memref<1x64xi32, #tpu.memory_space<vmem>>
    %dma_start3A_27 = tpu.memref_squeeze %dma_start3A_26 : memref<1x64xi32, #tpu.memory_space<vmem>> -> memref<64xi32, #tpu.memory_space<vmem>>
    %dma_start3A_28 = arith.constant 0 : i32
    %dma_start3A_29 = arith.constant 0 : i32
    %dma_start3A_30 = tpu.memref_slice %arg2[%dma_start3A_28, %dma_start3A_29] : memref<10000x128xf32, #tpu.memory_space<hbm>> -> memref<10000x128xf32, #tpu.memory_space<hbm>>
    tpu.enqueue_indirect_dma source(%dma_start3A_30 : memref<10000x128xf32, #tpu.memory_space<hbm>>) target(%arg12 : memref<64x128xf32, #tpu.memory_space<vmem>>) offsets(%dma_start3A_27 : memref<64xi32, #tpu.memory_space<vmem>>) semaphore(%arg17 : memref<!tpu.dma_semaphore, #tpu.memory_space<semaphore_mem>>)
    %scan3A = arith.constant 0 : i32
    %scan3A_31 = arith.constant 0 : i32
    %scan3A_32 = arith.constant 19 : i32
    %scan3A_33 = arith.addi %scan3A_31, %scan3A_32 : i32
    %scan3A_34 = arith.constant 1 : i32
    scf.for %scan3A_140 = %scan3A_31 to %scan3A_33 step %scan3A_34  : i32 {
      %mul3A_141 = arith.constant 4 : i32
      %mul3A_142 = arith.muli %mul3A_141, %scan3A_140 : i32
      %jit3A = arith.constant 2 : i32
      %div3A = arith.divsi %mul3A_142, %jit3A : i32
      %sign3A = arith.constant 0 : i32
      %sign3A_143 = arith.cmpi sgt, %mul3A_142, %sign3A : i32
      %sign3A_144 = arith.extui %sign3A_143 : i1 to i32
      %sign3A_145 = arith.constant 0 : i32
      %sign3A_146 = arith.cmpi slt, %mul3A_142, %sign3A_145 : i32
      %sign3A_147 = arith.extui %sign3A_146 : i1 to i32
      %sign3A_148 = arith.subi %sign3A_144, %sign3A_147 : i32
      %sign3A_149 = arith.constant 0 : i32
      %sign3A_150 = arith.cmpi sgt, %jit3A, %sign3A_149 : i32
      %sign3A_151 = arith.extui %sign3A_150 : i1 to i32
      %sign3A_152 = arith.constant 0 : i32
      %sign3A_153 = arith.cmpi slt, %jit3A, %sign3A_152 : i32
      %sign3A_154 = arith.extui %sign3A_153 : i1 to i32
      %sign3A_155 = arith.subi %sign3A_151, %sign3A_154 : i32
      %ne3A = arith.cmpi ne, %sign3A_148, %sign3A_155 : i32
      %rem3A = arith.remsi %mul3A_142, %jit3A : i32
      %ne3A_156 = arith.constant 0 : i32
      %ne3A_157 = arith.cmpi ne, %rem3A, %ne3A_156 : i32
      %and3A = arith.andi %ne3A, %ne3A_157 : i1
      %sub3A = arith.constant 1 : i32
      %sub3A_158 = arith.subi %div3A, %sub3A : i32
      %select_n3A = arith.select %and3A, %sub3A_158, %div3A : i32
      %add3A = arith.constant 0 : i32
      %add3A_159 = arith.addi %select_n3A, %add3A : i32
      %dma_wait3A_160 = arith.constant 0 : i32
      %dma_wait3A_161 = tpu.memref_slice %arg7[%add3A_159, %dma_wait3A_160] : memref<40x128xi32, #tpu.memory_space<vmem>> -> memref<1x64xi32, #tpu.memory_space<vmem>>
      %dma_wait3A_162 = tpu.memref_squeeze %dma_wait3A_161 : memref<1x64xi32, #tpu.memory_space<vmem>> -> memref<64xi32, #tpu.memory_space<vmem>>
      %dma_wait3A_163 = arith.constant 0 : i32
      %dma_wait3A_164 = arith.constant 0 : i32
      %dma_wait3A_165 = tpu.memref_slice %arg2[%dma_wait3A_163, %dma_wait3A_164] : memref<10000x128xf32, #tpu.memory_space<hbm>> -> memref<10000x128xf32, #tpu.memory_space<hbm>>
      tpu.wait_indirect_dma semaphore(%arg14 : memref<!tpu.dma_semaphore, #tpu.memory_space<semaphore_mem>>) src(%dma_wait3A_165 : memref<10000x128xf32, #tpu.memory_space<hbm>>) dst(%arg9 : memref<64x128xf32, #tpu.memory_space<vmem>>)
      %add3A_166 = arith.constant 0 : i32
      %add3A_167 = arith.addi %mul3A_142, %add3A_166 : i32
      "tpu.region"() ({
        %run_scoped3A_406 = tpu.sem_alloc : memref<!tpu.dma_semaphore, #tpu.memory_space<semaphore_mem>>
        %dma_start3A_407 = arith.constant 0 : i32
        %dma_start3A_408 = tpu.memref_slice %arg8[%add3A_167, %dma_start3A_407] : memref<80x64xi32, #tpu.memory_space<vmem>> -> memref<1x64xi32, #tpu.memory_space<vmem>>
        %dma_start3A_409 = tpu.memref_squeeze %dma_start3A_408 : memref<1x64xi32, #tpu.memory_space<vmem>> -> memref<64xi32, #tpu.memory_space<vmem>>
        %dma_start3A_410 = arith.constant 0 : i32
        %dma_start3A_411 = arith.constant 0 : i32
        %dma_start3A_412 = tpu.memref_slice %arg13[%dma_start3A_410, %dma_start3A_411] : memref<10240x128xf32, #tpu.memory_space<vmem_shared>> -> memref<10240x128xf32, #tpu.memory_space<vmem_shared>>
        tpu.enqueue_indirect_dma source(%arg9 : memref<64x128xf32, #tpu.memory_space<vmem>>) target(%dma_start3A_412 : memref<10240x128xf32, #tpu.memory_space<vmem_shared>>) offsets(%dma_start3A_409 : memref<64xi32, #tpu.memory_space<vmem>>) semaphore(%run_scoped3A_406 : memref<!tpu.dma_semaphore, #tpu.memory_space<semaphore_mem>>) {add = true}
        %dma_wait3A_413 = arith.constant 0 : i32
        %dma_wait3A_414 = tpu.memref_slice %arg8[%add3A_167, %dma_wait3A_413] : memref<80x64xi32, #tpu.memory_space<vmem>> -> memref<1x64xi32, #tpu.memory_space<vmem>>
        %dma_wait3A_415 = tpu.memref_squeeze %dma_wait3A_414 : memref<1x64xi32, #tpu.memory_space<vmem>> -> memref<64xi32, #tpu.memory_space<vmem>>
        %dma_wait3A_416 = arith.constant 0 : i32
        %dma_wait3A_417 = arith.constant 0 : i32
        %dma_wait3A_418 = tpu.memref_slice %arg13[%dma_wait3A_416, %dma_wait3A_417] : memref<10240x128xf32, #tpu.memory_space<vmem_shared>> -> memref<10240x128xf32, #tpu.memory_space<vmem_shared>>
        tpu.wait_indirect_dma semaphore(%run_scoped3A_406 : memref<!tpu.dma_semaphore, #tpu.memory_space<semaphore_mem>>) src(%arg9 : memref<64x128xf32, #tpu.memory_space<vmem>>) dst(%dma_wait3A_418 : memref<10240x128xf32, #tpu.memory_space<vmem_shared>>)
        tpu.yield
      }) : () -> ()
      %jit3A_168 = arith.constant 2 : i32
      %div3A_169 = arith.divsi %mul3A_142, %jit3A_168 : i32
      %sign3A_170 = arith.constant 0 : i32
      %sign3A_171 = arith.cmpi sgt, %mul3A_142, %sign3A_170 : i32
      %sign3A_172 = arith.extui %sign3A_171 : i1 to i32
      %sign3A_173 = arith.constant 0 : i32
      %sign3A_174 = arith.cmpi slt, %mul3A_142, %sign3A_173 : i32
      %sign3A_175 = arith.extui %sign3A_174 : i1 to i32
      %sign3A_176 = arith.subi %sign3A_172, %sign3A_175 : i32
      %sign3A_177 = arith.constant 0 : i32
      %sign3A_178 = arith.cmpi sgt, %jit3A_168, %sign3A_177 : i32
      %sign3A_179 = arith.extui %sign3A_178 : i1 to i32
      %sign3A_180 = arith.constant 0 : i32
      %sign3A_181 = arith.cmpi slt, %jit3A_168, %sign3A_180 : i32
      %sign3A_182 = arith.extui %sign3A_181 : i1 to i32
      %sign3A_183 = arith.subi %sign3A_179, %sign3A_182 : i32
      %ne3A_184 = arith.cmpi ne, %sign3A_176, %sign3A_183 : i32
      %rem3A_185 = arith.remsi %mul3A_142, %jit3A_168 : i32
      %ne3A_186 = arith.constant 0 : i32
      %ne3A_187 = arith.cmpi ne, %rem3A_185, %ne3A_186 : i32
      %and3A_188 = arith.andi %ne3A_184, %ne3A_187 : i1
      %sub3A_189 = arith.constant 1 : i32
      %sub3A_190 = arith.subi %div3A_169, %sub3A_189 : i32
      %select_n3A_191 = arith.select %and3A_188, %sub3A_190, %div3A_169 : i32
      %add3A_192 = arith.constant 2 : i32
      %add3A_193 = arith.addi %select_n3A_191, %add3A_192 : i32
      %add3A_194 = arith.constant 0 : i32
      %add3A_195 = arith.addi %add3A_193, %add3A_194 : i32
      %dma_start3A_196 = arith.constant 0 : i32
      %dma_start3A_197 = tpu.memref_slice %arg7[%add3A_195, %dma_start3A_196] : memref<40x128xi32, #tpu.memory_space<vmem>> -> memref<1x64xi32, #tpu.memory_space<vmem>>
      %dma_start3A_198 = tpu.memref_squeeze %dma_start3A_197 : memref<1x64xi32, #tpu.memory_space<vmem>> -> memref<64xi32, #tpu.memory_space<vmem>>
      %dma_start3A_199 = arith.constant 0 : i32
      %dma_start3A_200 = arith.constant 0 : i32
      %dma_start3A_201 = tpu.memref_slice %arg2[%dma_start3A_199, %dma_start3A_200] : memref<10000x128xf32, #tpu.memory_space<hbm>> -> memref<10000x128xf32, #tpu.memory_space<hbm>>
      tpu.enqueue_indirect_dma source(%dma_start3A_201 : memref<10000x128xf32, #tpu.memory_space<hbm>>) target(%arg9 : memref<64x128xf32, #tpu.memory_space<vmem>>) offsets(%dma_start3A_198 : memref<64xi32, #tpu.memory_space<vmem>>) semaphore(%arg14 : memref<!tpu.dma_semaphore, #tpu.memory_space<semaphore_mem>>)
      %jit3A_202 = arith.constant 2 : i32
      %div3A_203 = arith.divsi %mul3A_142, %jit3A_202 : i32
      %sign3A_204 = arith.constant 0 : i32
      %sign3A_205 = arith.cmpi sgt, %mul3A_142, %sign3A_204 : i32
      %sign3A_206 = arith.extui %sign3A_205 : i1 to i32
      %sign3A_207 = arith.constant 0 : i32
      %sign3A_208 = arith.cmpi slt, %mul3A_142, %sign3A_207 : i32
      %sign3A_209 = arith.extui %sign3A_208 : i1 to i32
      %sign3A_210 = arith.subi %sign3A_206, %sign3A_209 : i32
      %sign3A_211 = arith.constant 0 : i32
      %sign3A_212 = arith.cmpi sgt, %jit3A_202, %sign3A_211 : i32
      %sign3A_213 = arith.extui %sign3A_212 : i1 to i32
      %sign3A_214 = arith.constant 0 : i32
      %sign3A_215 = arith.cmpi slt, %jit3A_202, %sign3A_214 : i32
      %sign3A_216 = arith.extui %sign3A_215 : i1 to i32
      %sign3A_217 = arith.subi %sign3A_213, %sign3A_216 : i32
      %ne3A_218 = arith.cmpi ne, %sign3A_210, %sign3A_217 : i32
      %rem3A_219 = arith.remsi %mul3A_142, %jit3A_202 : i32
      %ne3A_220 = arith.constant 0 : i32
      %ne3A_221 = arith.cmpi ne, %rem3A_219, %ne3A_220 : i32
      %and3A_222 = arith.andi %ne3A_218, %ne3A_221 : i1
      %sub3A_223 = arith.constant 1 : i32
      %sub3A_224 = arith.subi %div3A_203, %sub3A_223 : i32
      %select_n3A_225 = arith.select %and3A_222, %sub3A_224, %div3A_203 : i32
      %add3A_226 = arith.constant 0 : i32
      %add3A_227 = arith.addi %select_n3A_225, %add3A_226 : i32
      %dma_wait3A_228 = arith.constant 64 : i32
      %dma_wait3A_229 = tpu.memref_slice %arg7[%add3A_227, %dma_wait3A_228] : memref<40x128xi32, #tpu.memory_space<vmem>> -> memref<1x64xi32, #tpu.memory_space<vmem>>
      %dma_wait3A_230 = tpu.memref_squeeze %dma_wait3A_229 : memref<1x64xi32, #tpu.memory_space<vmem>> -> memref<64xi32, #tpu.memory_space<vmem>>
      %dma_wait3A_231 = arith.constant 0 : i32
      %dma_wait3A_232 = arith.constant 0 : i32
      %dma_wait3A_233 = tpu.memref_slice %arg2[%dma_wait3A_231, %dma_wait3A_232] : memref<10000x128xf32, #tpu.memory_space<hbm>> -> memref<10000x128xf32, #tpu.memory_space<hbm>>
      tpu.wait_indirect_dma semaphore(%arg15 : memref<!tpu.dma_semaphore, #tpu.memory_space<semaphore_mem>>) src(%dma_wait3A_233 : memref<10000x128xf32, #tpu.memory_space<hbm>>) dst(%arg10 : memref<64x128xf32, #tpu.memory_space<vmem>>)
      %add3A_234 = arith.constant 1 : i32
      %add3A_235 = arith.addi %mul3A_142, %add3A_234 : i32
      "tpu.region"() ({
        %run_scoped3A_406 = tpu.sem_alloc : memref<!tpu.dma_semaphore, #tpu.memory_space<semaphore_mem>>
        %dma_start3A_407 = arith.constant 0 : i32
        %dma_start3A_408 = tpu.memref_slice %arg8[%add3A_235, %dma_start3A_407] : memref<80x64xi32, #tpu.memory_space<vmem>> -> memref<1x64xi32, #tpu.memory_space<vmem>>
        %dma_start3A_409 = tpu.memref_squeeze %dma_start3A_408 : memref<1x64xi32, #tpu.memory_space<vmem>> -> memref<64xi32, #tpu.memory_space<vmem>>
        %dma_start3A_410 = arith.constant 0 : i32
        %dma_start3A_411 = arith.constant 0 : i32
        %dma_start3A_412 = tpu.memref_slice %arg13[%dma_start3A_410, %dma_start3A_411] : memref<10240x128xf32, #tpu.memory_space<vmem_shared>> -> memref<10240x128xf32, #tpu.memory_space<vmem_shared>>
        tpu.enqueue_indirect_dma source(%arg10 : memref<64x128xf32, #tpu.memory_space<vmem>>) target(%dma_start3A_412 : memref<10240x128xf32, #tpu.memory_space<vmem_shared>>) offsets(%dma_start3A_409 : memref<64xi32, #tpu.memory_space<vmem>>) semaphore(%run_scoped3A_406 : memref<!tpu.dma_semaphore, #tpu.memory_space<semaphore_mem>>) {add = true}
        %dma_wait3A_413 = arith.constant 0 : i32
        %dma_wait3A_414 = tpu.memref_slice %arg8[%add3A_235, %dma_wait3A_413] : memref<80x64xi32, #tpu.memory_space<vmem>> -> memref<1x64xi32, #tpu.memory_space<vmem>>
        %dma_wait3A_415 = tpu.memref_squeeze %dma_wait3A_414 : memref<1x64xi32, #tpu.memory_space<vmem>> -> memref<64xi32, #tpu.memory_space<vmem>>
        %dma_wait3A_416 = arith.constant 0 : i32
        %dma_wait3A_417 = arith.constant 0 : i32
        %dma_wait3A_418 = tpu.memref_slice %arg13[%dma_wait3A_416, %dma_wait3A_417] : memref<10240x128xf32, #tpu.memory_space<vmem_shared>> -> memref<10240x128xf32, #tpu.memory_space<vmem_shared>>
        tpu.wait_indirect_dma semaphore(%run_scoped3A_406 : memref<!tpu.dma_semaphore, #tpu.memory_space<semaphore_mem>>) src(%arg10 : memref<64x128xf32, #tpu.memory_space<vmem>>) dst(%dma_wait3A_418 : memref<10240x128xf32, #tpu.memory_space<vmem_shared>>)
        tpu.yield
      }) : () -> ()
      %jit3A_236 = arith.constant 2 : i32
      %div3A_237 = arith.divsi %mul3A_142, %jit3A_236 : i32
      %sign3A_238 = arith.constant 0 : i32
      %sign3A_239 = arith.cmpi sgt, %mul3A_142, %sign3A_238 : i32
      %sign3A_240 = arith.extui %sign3A_239 : i1 to i32
      %sign3A_241 = arith.constant 0 : i32
      %sign3A_242 = arith.cmpi slt, %mul3A_142, %sign3A_241 : i32
      %sign3A_243 = arith.extui %sign3A_242 : i1 to i32
      %sign3A_244 = arith.subi %sign3A_240, %sign3A_243 : i32
      %sign3A_245 = arith.constant 0 : i32
      %sign3A_246 = arith.cmpi sgt, %jit3A_236, %sign3A_245 : i32
      %sign3A_247 = arith.extui %sign3A_246 : i1 to i32
      %sign3A_248 = arith.constant 0 : i32
      %sign3A_249 = arith.cmpi slt, %jit3A_236, %sign3A_248 : i32
      %sign3A_250 = arith.extui %sign3A_249 : i1 to i32
      %sign3A_251 = arith.subi %sign3A_247, %sign3A_250 : i32
      %ne3A_252 = arith.cmpi ne, %sign3A_244, %sign3A_251 : i32
      %rem3A_253 = arith.remsi %mul3A_142, %jit3A_236 : i32
      %ne3A_254 = arith.constant 0 : i32
      %ne3A_255 = arith.cmpi ne, %rem3A_253, %ne3A_254 : i32
      %and3A_256 = arith.andi %ne3A_252, %ne3A_255 : i1
      %sub3A_257 = arith.constant 1 : i32
      %sub3A_258 = arith.subi %div3A_237, %sub3A_257 : i32
      %select_n3A_259 = arith.select %and3A_256, %sub3A_258, %div3A_237 : i32
      %add3A_260 = arith.constant 2 : i32
      %add3A_261 = arith.addi %select_n3A_259, %add3A_260 : i32
      %add3A_262 = arith.constant 0 : i32
      %add3A_263 = arith.addi %add3A_261, %add3A_262 : i32
      %dma_start3A_264 = arith.constant 64 : i32
      %dma_start3A_265 = tpu.memref_slice %arg7[%add3A_263, %dma_start3A_264] : memref<40x128xi32, #tpu.memory_space<vmem>> -> memref<1x64xi32, #tpu.memory_space<vmem>>
      %dma_start3A_266 = tpu.memref_squeeze %dma_start3A_265 : memref<1x64xi32, #tpu.memory_space<vmem>> -> memref<64xi32, #tpu.memory_space<vmem>>
      %dma_start3A_267 = arith.constant 0 : i32
      %dma_start3A_268 = arith.constant 0 : i32
      %dma_start3A_269 = tpu.memref_slice %arg2[%dma_start3A_267, %dma_start3A_268] : memref<10000x128xf32, #tpu.memory_space<hbm>> -> memref<10000x128xf32, #tpu.memory_space<hbm>>
      tpu.enqueue_indirect_dma source(%dma_start3A_269 : memref<10000x128xf32, #tpu.memory_space<hbm>>) target(%arg10 : memref<64x128xf32, #tpu.memory_space<vmem>>) offsets(%dma_start3A_266 : memref<64xi32, #tpu.memory_space<vmem>>) semaphore(%arg15 : memref<!tpu.dma_semaphore, #tpu.memory_space<semaphore_mem>>)
      %jit3A_270 = arith.constant 2 : i32
      %div3A_271 = arith.divsi %mul3A_142, %jit3A_270 : i32
      %sign3A_272 = arith.constant 0 : i32
      %sign3A_273 = arith.cmpi sgt, %mul3A_142, %sign3A_272 : i32
      %sign3A_274 = arith.extui %sign3A_273 : i1 to i32
      %sign3A_275 = arith.constant 0 : i32
      %sign3A_276 = arith.cmpi slt, %mul3A_142, %sign3A_275 : i32
      %sign3A_277 = arith.extui %sign3A_276 : i1 to i32
      %sign3A_278 = arith.subi %sign3A_274, %sign3A_277 : i32
      %sign3A_279 = arith.constant 0 : i32
      %sign3A_280 = arith.cmpi sgt, %jit3A_270, %sign3A_279 : i32
      %sign3A_281 = arith.extui %sign3A_280 : i1 to i32
      %sign3A_282 = arith.constant 0 : i32
      %sign3A_283 = arith.cmpi slt, %jit3A_270, %sign3A_282 : i32
      %sign3A_284 = arith.extui %sign3A_283 : i1 to i32
      %sign3A_285 = arith.subi %sign3A_281, %sign3A_284 : i32
      %ne3A_286 = arith.cmpi ne, %sign3A_278, %sign3A_285 : i32
      %rem3A_287 = arith.remsi %mul3A_142, %jit3A_270 : i32
      %ne3A_288 = arith.constant 0 : i32
      %ne3A_289 = arith.cmpi ne, %rem3A_287, %ne3A_288 : i32
      %and3A_290 = arith.andi %ne3A_286, %ne3A_289 : i1
      %sub3A_291 = arith.constant 1 : i32
      %sub3A_292 = arith.subi %div3A_271, %sub3A_291 : i32
      %select_n3A_293 = arith.select %and3A_290, %sub3A_292, %div3A_271 : i32
      %add3A_294 = arith.constant 1 : i32
      %add3A_295 = arith.addi %select_n3A_293, %add3A_294 : i32
      %dma_wait3A_296 = arith.constant 0 : i32
      %dma_wait3A_297 = tpu.memref_slice %arg7[%add3A_295, %dma_wait3A_296] : memref<40x128xi32, #tpu.memory_space<vmem>> -> memref<1x64xi32, #tpu.memory_space<vmem>>
      %dma_wait3A_298 = tpu.memref_squeeze %dma_wait3A_297 : memref<1x64xi32, #tpu.memory_space<vmem>> -> memref<64xi32, #tpu.memory_space<vmem>>
      %dma_wait3A_299 = arith.constant 0 : i32
      %dma_wait3A_300 = arith.constant 0 : i32
      %dma_wait3A_301 = tpu.memref_slice %arg2[%dma_wait3A_299, %dma_wait3A_300] : memref<10000x128xf32, #tpu.memory_space<hbm>> -> memref<10000x128xf32, #tpu.memory_space<hbm>>
      tpu.wait_indirect_dma semaphore(%arg16 : memref<!tpu.dma_semaphore, #tpu.memory_space<semaphore_mem>>) src(%dma_wait3A_301 : memref<10000x128xf32, #tpu.memory_space<hbm>>) dst(%arg11 : memref<64x128xf32, #tpu.memory_space<vmem>>)
      %add3A_302 = arith.constant 2 : i32
      %add3A_303 = arith.addi %mul3A_142, %add3A_302 : i32
      "tpu.region"() ({
        %run_scoped3A_406 = tpu.sem_alloc : memref<!tpu.dma_semaphore, #tpu.memory_space<semaphore_mem>>
        %dma_start3A_407 = arith.constant 0 : i32
        %dma_start3A_408 = tpu.memref_slice %arg8[%add3A_303, %dma_start3A_407] : memref<80x64xi32, #tpu.memory_space<vmem>> -> memref<1x64xi32, #tpu.memory_space<vmem>>
        %dma_start3A_409 = tpu.memref_squeeze %dma_start3A_408 : memref<1x64xi32, #tpu.memory_space<vmem>> -> memref<64xi32, #tpu.memory_space<vmem>>
        %dma_start3A_410 = arith.constant 0 : i32
        %dma_start3A_411 = arith.constant 0 : i32
        %dma_start3A_412 = tpu.memref_slice %arg13[%dma_start3A_410, %dma_start3A_411] : memref<10240x128xf32, #tpu.memory_space<vmem_shared>> -> memref<10240x128xf32, #tpu.memory_space<vmem_shared>>
        tpu.enqueue_indirect_dma source(%arg11 : memref<64x128xf32, #tpu.memory_space<vmem>>) target(%dma_start3A_412 : memref<10240x128xf32, #tpu.memory_space<vmem_shared>>) offsets(%dma_start3A_409 : memref<64xi32, #tpu.memory_space<vmem>>) semaphore(%run_scoped3A_406 : memref<!tpu.dma_semaphore, #tpu.memory_space<semaphore_mem>>) {add = true}
        %dma_wait3A_413 = arith.constant 0 : i32
        %dma_wait3A_414 = tpu.memref_slice %arg8[%add3A_303, %dma_wait3A_413] : memref<80x64xi32, #tpu.memory_space<vmem>> -> memref<1x64xi32, #tpu.memory_space<vmem>>
        %dma_wait3A_415 = tpu.memref_squeeze %dma_wait3A_414 : memref<1x64xi32, #tpu.memory_space<vmem>> -> memref<64xi32, #tpu.memory_space<vmem>>
        %dma_wait3A_416 = arith.constant 0 : i32
        %dma_wait3A_417 = arith.constant 0 : i32
        %dma_wait3A_418 = tpu.memref_slice %arg13[%dma_wait3A_416, %dma_wait3A_417] : memref<10240x128xf32, #tpu.memory_space<vmem_shared>> -> memref<10240x128xf32, #tpu.memory_space<vmem_shared>>
        tpu.wait_indirect_dma semaphore(%run_scoped3A_406 : memref<!tpu.dma_semaphore, #tpu.memory_space<semaphore_mem>>) src(%arg11 : memref<64x128xf32, #tpu.memory_space<vmem>>) dst(%dma_wait3A_418 : memref<10240x128xf32, #tpu.memory_space<vmem_shared>>)
        tpu.yield
      }) : () -> ()
      %jit3A_304 = arith.constant 2 : i32
      %div3A_305 = arith.divsi %mul3A_142, %jit3A_304 : i32
      %sign3A_306 = arith.constant 0 : i32
      %sign3A_307 = arith.cmpi sgt, %mul3A_142, %sign3A_306 : i32
      %sign3A_308 = arith.extui %sign3A_307 : i1 to i32
      %sign3A_309 = arith.constant 0 : i32
      %sign3A_310 = arith.cmpi slt, %mul3A_142, %sign3A_309 : i32
      %sign3A_311 = arith.extui %sign3A_310 : i1 to i32
      %sign3A_312 = arith.subi %sign3A_308, %sign3A_311 : i32
      %sign3A_313 = arith.constant 0 : i32
      %sign3A_314 = arith.cmpi sgt, %jit3A_304, %sign3A_313 : i32
      %sign3A_315 = arith.extui %sign3A_314 : i1 to i32
      %sign3A_316 = arith.constant 0 : i32
      %sign3A_317 = arith.cmpi slt, %jit3A_304, %sign3A_316 : i32
      %sign3A_318 = arith.extui %sign3A_317 : i1 to i32
      %sign3A_319 = arith.subi %sign3A_315, %sign3A_318 : i32
      %ne3A_320 = arith.cmpi ne, %sign3A_312, %sign3A_319 : i32
      %rem3A_321 = arith.remsi %mul3A_142, %jit3A_304 : i32
      %ne3A_322 = arith.constant 0 : i32
      %ne3A_323 = arith.cmpi ne, %rem3A_321, %ne3A_322 : i32
      %and3A_324 = arith.andi %ne3A_320, %ne3A_323 : i1
      %sub3A_325 = arith.constant 1 : i32
      %sub3A_326 = arith.subi %div3A_305, %sub3A_325 : i32
      %select_n3A_327 = arith.select %and3A_324, %sub3A_326, %div3A_305 : i32
      %add3A_328 = arith.constant 2 : i32
      %add3A_329 = arith.addi %select_n3A_327, %add3A_328 : i32
      %add3A_330 = arith.constant 1 : i32
      %add3A_331 = arith.addi %add3A_329, %add3A_330 : i32
      %dma_start3A_332 = arith.constant 0 : i32
      %dma_start3A_333 = tpu.memref_slice %arg7[%add3A_331, %dma_start3A_332] : memref<40x128xi32, #tpu.memory_space<vmem>> -> memref<1x64xi32, #tpu.memory_space<vmem>>
      %dma_start3A_334 = tpu.memref_squeeze %dma_start3A_333 : memref<1x64xi32, #tpu.memory_space<vmem>> -> memref<64xi32, #tpu.memory_space<vmem>>
      %dma_start3A_335 = arith.constant 0 : i32
      %dma_start3A_336 = arith.constant 0 : i32
      %dma_start3A_337 = tpu.memref_slice %arg2[%dma_start3A_335, %dma_start3A_336] : memref<10000x128xf32, #tpu.memory_space<hbm>> -> memref<10000x128xf32, #tpu.memory_space<hbm>>
      tpu.enqueue_indirect_dma source(%dma_start3A_337 : memref<10000x128xf32, #tpu.memory_space<hbm>>) target(%arg11 : memref<64x128xf32, #tpu.memory_space<vmem>>) offsets(%dma_start3A_334 : memref<64xi32, #tpu.memory_space<vmem>>) semaphore(%arg16 : memref<!tpu.dma_semaphore, #tpu.memory_space<semaphore_mem>>)
      %jit3A_338 = arith.constant 2 : i32
      %div3A_339 = arith.divsi %mul3A_142, %jit3A_338 : i32
      %sign3A_340 = arith.constant 0 : i32
      %sign3A_341 = arith.cmpi sgt, %mul3A_142, %sign3A_340 : i32
      %sign3A_342 = arith.extui %sign3A_341 : i1 to i32
      %sign3A_343 = arith.constant 0 : i32
      %sign3A_344 = arith.cmpi slt, %mul3A_142, %sign3A_343 : i32
      %sign3A_345 = arith.extui %sign3A_344 : i1 to i32
      %sign3A_346 = arith.subi %sign3A_342, %sign3A_345 : i32
      %sign3A_347 = arith.constant 0 : i32
      %sign3A_348 = arith.cmpi sgt, %jit3A_338, %sign3A_347 : i32
      %sign3A_349 = arith.extui %sign3A_348 : i1 to i32
      %sign3A_350 = arith.constant 0 : i32
      %sign3A_351 = arith.cmpi slt, %jit3A_338, %sign3A_350 : i32
      %sign3A_352 = arith.extui %sign3A_351 : i1 to i32
      %sign3A_353 = arith.subi %sign3A_349, %sign3A_352 : i32
      %ne3A_354 = arith.cmpi ne, %sign3A_346, %sign3A_353 : i32
      %rem3A_355 = arith.remsi %mul3A_142, %jit3A_338 : i32
      %ne3A_356 = arith.constant 0 : i32
      %ne3A_357 = arith.cmpi ne, %rem3A_355, %ne3A_356 : i32
      %and3A_358 = arith.andi %ne3A_354, %ne3A_357 : i1
      %sub3A_359 = arith.constant 1 : i32
      %sub3A_360 = arith.subi %div3A_339, %sub3A_359 : i32
      %select_n3A_361 = arith.select %and3A_358, %sub3A_360, %div3A_339 : i32
      %add3A_362 = arith.constant 1 : i32
      %add3A_363 = arith.addi %select_n3A_361, %add3A_362 : i32
      %dma_wait3A_364 = arith.constant 64 : i32
      %dma_wait3A_365 = tpu.memref_slice %arg7[%add3A_363, %dma_wait3A_364] : memref<40x128xi32, #tpu.memory_space<vmem>> -> memref<1x64xi32, #tpu.memory_space<vmem>>
      %dma_wait3A_366 = tpu.memref_squeeze %dma_wait3A_365 : memref<1x64xi32, #tpu.memory_space<vmem>> -> memref<64xi32, #tpu.memory_space<vmem>>
      %dma_wait3A_367 = arith.constant 0 : i32
      %dma_wait3A_368 = arith.constant 0 : i32
      %dma_wait3A_369 = tpu.memref_slice %arg2[%dma_wait3A_367, %dma_wait3A_368] : memref<10000x128xf32, #tpu.memory_space<hbm>> -> memref<10000x128xf32, #tpu.memory_space<hbm>>
      tpu.wait_indirect_dma semaphore(%arg17 : memref<!tpu.dma_semaphore, #tpu.memory_space<semaphore_mem>>) src(%dma_wait3A_369 : memref<10000x128xf32, #tpu.memory_space<hbm>>) dst(%arg12 : memref<64x128xf32, #tpu.memory_space<vmem>>)
      %add3A_370 = arith.constant 3 : i32
      %add3A_371 = arith.addi %mul3A_142, %add3A_370 : i32
      "tpu.region"() ({
        %run_scoped3A_406 = tpu.sem_alloc : memref<!tpu.dma_semaphore, #tpu.memory_space<semaphore_mem>>
        %dma_start3A_407 = arith.constant 0 : i32
        %dma_start3A_408 = tpu.memref_slice %arg8[%add3A_371, %dma_start3A_407] : memref<80x64xi32, #tpu.memory_space<vmem>> -> memref<1x64xi32, #tpu.memory_space<vmem>>
        %dma_start3A_409 = tpu.memref_squeeze %dma_start3A_408 : memref<1x64xi32, #tpu.memory_space<vmem>> -> memref<64xi32, #tpu.memory_space<vmem>>
        %dma_start3A_410 = arith.constant 0 : i32
        %dma_start3A_411 = arith.constant 0 : i32
        %dma_start3A_412 = tpu.memref_slice %arg13[%dma_start3A_410, %dma_start3A_411] : memref<10240x128xf32, #tpu.memory_space<vmem_shared>> -> memref<10240x128xf32, #tpu.memory_space<vmem_shared>>
        tpu.enqueue_indirect_dma source(%arg12 : memref<64x128xf32, #tpu.memory_space<vmem>>) target(%dma_start3A_412 : memref<10240x128xf32, #tpu.memory_space<vmem_shared>>) offsets(%dma_start3A_409 : memref<64xi32, #tpu.memory_space<vmem>>) semaphore(%run_scoped3A_406 : memref<!tpu.dma_semaphore, #tpu.memory_space<semaphore_mem>>) {add = true}
        %dma_wait3A_413 = arith.constant 0 : i32
        %dma_wait3A_414 = tpu.memref_slice %arg8[%add3A_371, %dma_wait3A_413] : memref<80x64xi32, #tpu.memory_space<vmem>> -> memref<1x64xi32, #tpu.memory_space<vmem>>
        %dma_wait3A_415 = tpu.memref_squeeze %dma_wait3A_414 : memref<1x64xi32, #tpu.memory_space<vmem>> -> memref<64xi32, #tpu.memory_space<vmem>>
        %dma_wait3A_416 = arith.constant 0 : i32
        %dma_wait3A_417 = arith.constant 0 : i32
        %dma_wait3A_418 = tpu.memref_slice %arg13[%dma_wait3A_416, %dma_wait3A_417] : memref<10240x128xf32, #tpu.memory_space<vmem_shared>> -> memref<10240x128xf32, #tpu.memory_space<vmem_shared>>
        tpu.wait_indirect_dma semaphore(%run_scoped3A_406 : memref<!tpu.dma_semaphore, #tpu.memory_space<semaphore_mem>>) src(%arg12 : memref<64x128xf32, #tpu.memory_space<vmem>>) dst(%dma_wait3A_418 : memref<10240x128xf32, #tpu.memory_space<vmem_shared>>)
        tpu.yield
      }) : () -> ()
      %jit3A_372 = arith.constant 2 : i32
      %div3A_373 = arith.divsi %mul3A_142, %jit3A_372 : i32
      %sign3A_374 = arith.constant 0 : i32
      %sign3A_375 = arith.cmpi sgt, %mul3A_142, %sign3A_374 : i32
      %sign3A_376 = arith.extui %sign3A_375 : i1 to i32
      %sign3A_377 = arith.constant 0 : i32
      %sign3A_378 = arith.cmpi slt, %mul3A_142, %sign3A_377 : i32
      %sign3A_379 = arith.extui %sign3A_378 : i1 to i32
      %sign3A_380 = arith.subi %sign3A_376, %sign3A_379 : i32
      %sign3A_381 = arith.constant 0 : i32
      %sign3A_382 = arith.cmpi sgt, %jit3A_372, %sign3A_381 : i32
      %sign3A_383 = arith.extui %sign3A_382 : i1 to i32
      %sign3A_384 = arith.constant 0 : i32
      %sign3A_385 = arith.cmpi slt, %jit3A_372, %sign3A_384 : i32
      %sign3A_386 = arith.extui %sign3A_385 : i1 to i32
      %sign3A_387 = arith.subi %sign3A_383, %sign3A_386 : i32
      %ne3A_388 = arith.cmpi ne, %sign3A_380, %sign3A_387 : i32
      %rem3A_389 = arith.remsi %mul3A_142, %jit3A_372 : i32
      %ne3A_390 = arith.constant 0 : i32
      %ne3A_391 = arith.cmpi ne, %rem3A_389, %ne3A_390 : i32
      %and3A_392 = arith.andi %ne3A_388, %ne3A_391 : i1
      %sub3A_393 = arith.constant 1 : i32
      %sub3A_394 = arith.subi %div3A_373, %sub3A_393 : i32
      %select_n3A_395 = arith.select %and3A_392, %sub3A_394, %div3A_373 : i32
      %add3A_396 = arith.constant 2 : i32
      %add3A_397 = arith.addi %select_n3A_395, %add3A_396 : i32
      %add3A_398 = arith.constant 1 : i32
      %add3A_399 = arith.addi %add3A_397, %add3A_398 : i32
      %dma_start3A_400 = arith.constant 64 : i32
      %dma_start3A_401 = tpu.memref_slice %arg7[%add3A_399, %dma_start3A_400] : memref<40x128xi32, #tpu.memory_space<vmem>> -> memref<1x64xi32, #tpu.memory_space<vmem>>
      %dma_start3A_402 = tpu.memref_squeeze %dma_start3A_401 : memref<1x64xi32, #tpu.memory_space<vmem>> -> memref<64xi32, #tpu.memory_space<vmem>>
      %dma_start3A_403 = arith.constant 0 : i32
      %dma_start3A_404 = arith.constant 0 : i32
      %dma_start3A_405 = tpu.memref_slice %arg2[%dma_start3A_403, %dma_start3A_404] : memref<10000x128xf32, #tpu.memory_space<hbm>> -> memref<10000x128xf32, #tpu.memory_space<hbm>>
      tpu.enqueue_indirect_dma source(%dma_start3A_405 : memref<10000x128xf32, #tpu.memory_space<hbm>>) target(%arg12 : memref<64x128xf32, #tpu.memory_space<vmem>>) offsets(%dma_start3A_402 : memref<64xi32, #tpu.memory_space<vmem>>) semaphore(%arg17 : memref<!tpu.dma_semaphore, #tpu.memory_space<semaphore_mem>>)
    }
    %scan3A_35 = arith.constant 19 : i32
    %dma_wait3A = arith.constant 38 : i32
    %dma_wait3A_36 = arith.constant 0 : i32
    %dma_wait3A_37 = tpu.memref_slice %arg7[%dma_wait3A, %dma_wait3A_36] : memref<40x128xi32, #tpu.memory_space<vmem>> -> memref<1x64xi32, #tpu.memory_space<vmem>>
    %dma_wait3A_38 = tpu.memref_squeeze %dma_wait3A_37 : memref<1x64xi32, #tpu.memory_space<vmem>> -> memref<64xi32, #tpu.memory_space<vmem>>
    %dma_wait3A_39 = arith.constant 0 : i32
    %dma_wait3A_40 = arith.constant 0 : i32
    %dma_wait3A_41 = tpu.memref_slice %arg2[%dma_wait3A_39, %dma_wait3A_40] : memref<10000x128xf32, #tpu.memory_space<hbm>> -> memref<10000x128xf32, #tpu.memory_space<hbm>>
    tpu.wait_indirect_dma semaphore(%arg14 : memref<!tpu.dma_semaphore, #tpu.memory_space<semaphore_mem>>) src(%dma_wait3A_41 : memref<10000x128xf32, #tpu.memory_space<hbm>>) dst(%arg9 : memref<64x128xf32, #tpu.memory_space<vmem>>)
    %run_scoped3A_42 = arith.constant 76 : i32
    "tpu.region"() ({
      %run_scoped3A_140 = tpu.sem_alloc : memref<!tpu.dma_semaphore, #tpu.memory_space<semaphore_mem>>
      %dma_start3A_141 = arith.constant 0 : i32
      %dma_start3A_142 = tpu.memref_slice %arg8[%run_scoped3A_42, %dma_start3A_141] : memref<80x64xi32, #tpu.memory_space<vmem>> -> memref<1x64xi32, #tpu.memory_space<vmem>>
      %dma_start3A_143 = tpu.memref_squeeze %dma_start3A_142 : memref<1x64xi32, #tpu.memory_space<vmem>> -> memref<64xi32, #tpu.memory_space<vmem>>
      %dma_start3A_144 = arith.constant 0 : i32
      %dma_start3A_145 = arith.constant 0 : i32
      %dma_start3A_146 = tpu.memref_slice %arg13[%dma_start3A_144, %dma_start3A_145] : memref<10240x128xf32, #tpu.memory_space<vmem_shared>> -> memref<10240x128xf32, #tpu.memory_space<vmem_shared>>
      tpu.enqueue_indirect_dma source(%arg9 : memref<64x128xf32, #tpu.memory_space<vmem>>) target(%dma_start3A_146 : memref<10240x128xf32, #tpu.memory_space<vmem_shared>>) offsets(%dma_start3A_143 : memref<64xi32, #tpu.memory_space<vmem>>) semaphore(%run_scoped3A_140 : memref<!tpu.dma_semaphore, #tpu.memory_space<semaphore_mem>>) {add = true}
      %dma_wait3A_147 = arith.constant 0 : i32
      %dma_wait3A_148 = tpu.memref_slice %arg8[%run_scoped3A_42, %dma_wait3A_147] : memref<80x64xi32, #tpu.memory_space<vmem>> -> memref<1x64xi32, #tpu.memory_space<vmem>>
      %dma_wait3A_149 = tpu.memref_squeeze %dma_wait3A_148 : memref<1x64xi32, #tpu.memory_space<vmem>> -> memref<64xi32, #tpu.memory_space<vmem>>
      %dma_wait3A_150 = arith.constant 0 : i32
      %dma_wait3A_151 = arith.constant 0 : i32
      %dma_wait3A_152 = tpu.memref_slice %arg13[%dma_wait3A_150, %dma_wait3A_151] : memref<10240x128xf32, #tpu.memory_space<vmem_shared>> -> memref<10240x128xf32, #tpu.memory_space<vmem_shared>>
      tpu.wait_indirect_dma semaphore(%run_scoped3A_140 : memref<!tpu.dma_semaphore, #tpu.memory_space<semaphore_mem>>) src(%arg9 : memref<64x128xf32, #tpu.memory_space<vmem>>) dst(%dma_wait3A_152 : memref<10240x128xf32, #tpu.memory_space<vmem_shared>>)
      tpu.yield
    }) : () -> ()
    %dma_wait3A_43 = arith.constant 38 : i32
    %dma_wait3A_44 = arith.constant 64 : i32
    %dma_wait3A_45 = tpu.memref_slice %arg7[%dma_wait3A_43, %dma_wait3A_44] : memref<40x128xi32, #tpu.memory_space<vmem>> -> memref<1x64xi32, #tpu.memory_space<vmem>>
    %dma_wait3A_46 = tpu.memref_squeeze %dma_wait3A_45 : memref<1x64xi32, #tpu.memory_space<vmem>> -> memref<64xi32, #tpu.memory_space<vmem>>
    %dma_wait3A_47 = arith.constant 0 : i32
    %dma_wait3A_48 = arith.constant 0 : i32
    %dma_wait3A_49 = tpu.memref_slice %arg2[%dma_wait3A_47, %dma_wait3A_48] : memref<10000x128xf32, #tpu.memory_space<hbm>> -> memref<10000x128xf32, #tpu.memory_space<hbm>>
    tpu.wait_indirect_dma semaphore(%arg15 : memref<!tpu.dma_semaphore, #tpu.memory_space<semaphore_mem>>) src(%dma_wait3A_49 : memref<10000x128xf32, #tpu.memory_space<hbm>>) dst(%arg10 : memref<64x128xf32, #tpu.memory_space<vmem>>)
    %run_scoped3A_50 = arith.constant 77 : i32
    "tpu.region"() ({
      %run_scoped3A_140 = tpu.sem_alloc : memref<!tpu.dma_semaphore, #tpu.memory_space<semaphore_mem>>
      %dma_start3A_141 = arith.constant 0 : i32
      %dma_start3A_142 = tpu.memref_slice %arg8[%run_scoped3A_50, %dma_start3A_141] : memref<80x64xi32, #tpu.memory_space<vmem>> -> memref<1x64xi32, #tpu.memory_space<vmem>>
      %dma_start3A_143 = tpu.memref_squeeze %dma_start3A_142 : memref<1x64xi32, #tpu.memory_space<vmem>> -> memref<64xi32, #tpu.memory_space<vmem>>
      %dma_start3A_144 = arith.constant 0 : i32
      %dma_start3A_145 = arith.constant 0 : i32
      %dma_start3A_146 = tpu.memref_slice %arg13[%dma_start3A_144, %dma_start3A_145] : memref<10240x128xf32, #tpu.memory_space<vmem_shared>> -> memref<10240x128xf32, #tpu.memory_space<vmem_shared>>
      tpu.enqueue_indirect_dma source(%arg10 : memref<64x128xf32, #tpu.memory_space<vmem>>) target(%dma_start3A_146 : memref<10240x128xf32, #tpu.memory_space<vmem_shared>>) offsets(%dma_start3A_143 : memref<64xi32, #tpu.memory_space<vmem>>) semaphore(%run_scoped3A_140 : memref<!tpu.dma_semaphore, #tpu.memory_space<semaphore_mem>>) {add = true}
      %dma_wait3A_147 = arith.constant 0 : i32
      %dma_wait3A_148 = tpu.memref_slice %arg8[%run_scoped3A_50, %dma_wait3A_147] : memref<80x64xi32, #tpu.memory_space<vmem>> -> memref<1x64xi32, #tpu.memory_space<vmem>>
      %dma_wait3A_149 = tpu.memref_squeeze %dma_wait3A_148 : memref<1x64xi32, #tpu.memory_space<vmem>> -> memref<64xi32, #tpu.memory_space<vmem>>
      %dma_wait3A_150 = arith.constant 0 : i32
      %dma_wait3A_151 = arith.constant 0 : i32
      %dma_wait3A_152 = tpu.memref_slice %arg13[%dma_wait3A_150, %dma_wait3A_151] : memref<10240x128xf32, #tpu.memory_space<vmem_shared>> -> memref<10240x128xf32, #tpu.memory_space<vmem_shared>>
      tpu.wait_indirect_dma semaphore(%run_scoped3A_140 : memref<!tpu.dma_semaphore, #tpu.memory_space<semaphore_mem>>) src(%arg10 : memref<64x128xf32, #tpu.memory_space<vmem>>) dst(%dma_wait3A_152 : memref<10240x128xf32, #tpu.memory_space<vmem_shared>>)
      tpu.yield
    }) : () -> ()
    %dma_wait3A_51 = arith.constant 39 : i32
    %dma_wait3A_52 = arith.constant 0 : i32
    %dma_wait3A_53 = tpu.memref_slice %arg7[%dma_wait3A_51, %dma_wait3A_52] : memref<40x128xi32, #tpu.memory_space<vmem>> -> memref<1x64xi32, #tpu.memory_space<vmem>>
    %dma_wait3A_54 = tpu.memref_squeeze %dma_wait3A_53 : memref<1x64xi32, #tpu.memory_space<vmem>> -> memref<64xi32, #tpu.memory_space<vmem>>
    %dma_wait3A_55 = arith.constant 0 : i32
    %dma_wait3A_56 = arith.constant 0 : i32
    %dma_wait3A_57 = tpu.memref_slice %arg2[%dma_wait3A_55, %dma_wait3A_56] : memref<10000x128xf32, #tpu.memory_space<hbm>> -> memref<10000x128xf32, #tpu.memory_space<hbm>>
    tpu.wait_indirect_dma semaphore(%arg16 : memref<!tpu.dma_semaphore, #tpu.memory_space<semaphore_mem>>) src(%dma_wait3A_57 : memref<10000x128xf32, #tpu.memory_space<hbm>>) dst(%arg11 : memref<64x128xf32, #tpu.memory_space<vmem>>)
    %run_scoped3A_58 = arith.constant 78 : i32
    "tpu.region"() ({
      %run_scoped3A_140 = tpu.sem_alloc : memref<!tpu.dma_semaphore, #tpu.memory_space<semaphore_mem>>
      %dma_start3A_141 = arith.constant 0 : i32
      %dma_start3A_142 = tpu.memref_slice %arg8[%run_scoped3A_58, %dma_start3A_141] : memref<80x64xi32, #tpu.memory_space<vmem>> -> memref<1x64xi32, #tpu.memory_space<vmem>>
      %dma_start3A_143 = tpu.memref_squeeze %dma_start3A_142 : memref<1x64xi32, #tpu.memory_space<vmem>> -> memref<64xi32, #tpu.memory_space<vmem>>
      %dma_start3A_144 = arith.constant 0 : i32
      %dma_start3A_145 = arith.constant 0 : i32
      %dma_start3A_146 = tpu.memref_slice %arg13[%dma_start3A_144, %dma_start3A_145] : memref<10240x128xf32, #tpu.memory_space<vmem_shared>> -> memref<10240x128xf32, #tpu.memory_space<vmem_shared>>
      tpu.enqueue_indirect_dma source(%arg11 : memref<64x128xf32, #tpu.memory_space<vmem>>) target(%dma_start3A_146 : memref<10240x128xf32, #tpu.memory_space<vmem_shared>>) offsets(%dma_start3A_143 : memref<64xi32, #tpu.memory_space<vmem>>) semaphore(%run_scoped3A_140 : memref<!tpu.dma_semaphore, #tpu.memory_space<semaphore_mem>>) {add = true}
      %dma_wait3A_147 = arith.constant 0 : i32
      %dma_wait3A_148 = tpu.memref_slice %arg8[%run_scoped3A_58, %dma_wait3A_147] : memref<80x64xi32, #tpu.memory_space<vmem>> -> memref<1x64xi32, #tpu.memory_space<vmem>>
      %dma_wait3A_149 = tpu.memref_squeeze %dma_wait3A_148 : memref<1x64xi32, #tpu.memory_space<vmem>> -> memref<64xi32, #tpu.memory_space<vmem>>
      %dma_wait3A_150 = arith.constant 0 : i32
      %dma_wait3A_151 = arith.constant 0 : i32
      %dma_wait3A_152 = tpu.memref_slice %arg13[%dma_wait3A_150, %dma_wait3A_151] : memref<10240x128xf32, #tpu.memory_space<vmem_shared>> -> memref<10240x128xf32, #tpu.memory_space<vmem_shared>>
      tpu.wait_indirect_dma semaphore(%run_scoped3A_140 : memref<!tpu.dma_semaphore, #tpu.memory_space<semaphore_mem>>) src(%arg11 : memref<64x128xf32, #tpu.memory_space<vmem>>) dst(%dma_wait3A_152 : memref<10240x128xf32, #tpu.memory_space<vmem_shared>>)
      tpu.yield
    }) : () -> ()
    %dma_wait3A_59 = arith.constant 39 : i32
    %dma_wait3A_60 = arith.constant 64 : i32
    %dma_wait3A_61 = tpu.memref_slice %arg7[%dma_wait3A_59, %dma_wait3A_60] : memref<40x128xi32, #tpu.memory_space<vmem>> -> memref<1x64xi32, #tpu.memory_space<vmem>>
    %dma_wait3A_62 = tpu.memref_squeeze %dma_wait3A_61 : memref<1x64xi32, #tpu.memory_space<vmem>> -> memref<64xi32, #tpu.memory_space<vmem>>
    %dma_wait3A_63 = arith.constant 0 : i32
    %dma_wait3A_64 = arith.constant 0 : i32
    %dma_wait3A_65 = tpu.memref_slice %arg2[%dma_wait3A_63, %dma_wait3A_64] : memref<10000x128xf32, #tpu.memory_space<hbm>> -> memref<10000x128xf32, #tpu.memory_space<hbm>>
    tpu.wait_indirect_dma semaphore(%arg17 : memref<!tpu.dma_semaphore, #tpu.memory_space<semaphore_mem>>) src(%dma_wait3A_65 : memref<10000x128xf32, #tpu.memory_space<hbm>>) dst(%arg12 : memref<64x128xf32, #tpu.memory_space<vmem>>)
    %run_scoped3A_66 = arith.constant 79 : i32
    "tpu.region"() ({
      %run_scoped3A_140 = tpu.sem_alloc : memref<!tpu.dma_semaphore, #tpu.memory_space<semaphore_mem>>
      %dma_start3A_141 = arith.constant 0 : i32
      %dma_start3A_142 = tpu.memref_slice %arg8[%run_scoped3A_66, %dma_start3A_141] : memref<80x64xi32, #tpu.memory_space<vmem>> -> memref<1x64xi32, #tpu.memory_space<vmem>>
      %dma_start3A_143 = tpu.memref_squeeze %dma_start3A_142 : memref<1x64xi32, #tpu.memory_space<vmem>> -> memref<64xi32, #tpu.memory_space<vmem>>
      %dma_start3A_144 = arith.constant 0 : i32
      %dma_start3A_145 = arith.constant 0 : i32
      %dma_start3A_146 = tpu.memref_slice %arg13[%dma_start3A_144, %dma_start3A_145] : memref<10240x128xf32, #tpu.memory_space<vmem_shared>> -> memref<10240x128xf32, #tpu.memory_space<vmem_shared>>
      tpu.enqueue_indirect_dma source(%arg12 : memref<64x128xf32, #tpu.memory_space<vmem>>) target(%dma_start3A_146 : memref<10240x128xf32, #tpu.memory_space<vmem_shared>>) offsets(%dma_start3A_143 : memref<64xi32, #tpu.memory_space<vmem>>) semaphore(%run_scoped3A_140 : memref<!tpu.dma_semaphore, #tpu.memory_space<semaphore_mem>>) {add = true}
      %dma_wait3A_147 = arith.constant 0 : i32
      %dma_wait3A_148 = tpu.memref_slice %arg8[%run_scoped3A_66, %dma_wait3A_147] : memref<80x64xi32, #tpu.memory_space<vmem>> -> memref<1x64xi32, #tpu.memory_space<vmem>>
      %dma_wait3A_149 = tpu.memref_squeeze %dma_wait3A_148 : memref<1x64xi32, #tpu.memory_space<vmem>> -> memref<64xi32, #tpu.memory_space<vmem>>
      %dma_wait3A_150 = arith.constant 0 : i32
      %dma_wait3A_151 = arith.constant 0 : i32
      %dma_wait3A_152 = tpu.memref_slice %arg13[%dma_wait3A_150, %dma_wait3A_151] : memref<10240x128xf32, #tpu.memory_space<vmem_shared>> -> memref<10240x128xf32, #tpu.memory_space<vmem_shared>>
      tpu.wait_indirect_dma semaphore(%run_scoped3A_140 : memref<!tpu.dma_semaphore, #tpu.memory_space<semaphore_mem>>) src(%arg12 : memref<64x128xf32, #tpu.memory_space<vmem>>) dst(%dma_wait3A_152 : memref<10240x128xf32, #tpu.memory_space<vmem_shared>>)
      tpu.yield
    }) : () -> ()
    %run_scoped3A_67 = arith.constant 1 : i32
    "tpu.region"() ({
      %run_scoped3A_140 = tpu.sem_alloc : memref<!tpu.dma_semaphore, #tpu.memory_space<semaphore_mem>>
      %dma_start3A_141 = arith.constant 0 : i32
      %dma_start3A_142 = arith.constant 0 : i32
      %dma_start3A_143 = tpu.memref_slice %arg3[%arg0, %arg1, %run_scoped3A_67, %dma_start3A_141, %dma_start3A_142] : memref<2x16x2x40x128xi32, #tpu.memory_space<hbm>> -> memref<1x1x1x40x128xi32, #tpu.memory_space<hbm>>
      %dma_start3A_144 = tpu.memref_squeeze %dma_start3A_143 : memref<1x1x1x40x128xi32, #tpu.memory_space<hbm>> -> memref<40x128xi32, #tpu.memory_space<hbm>>
      %dma_start3A_145 = arith.constant 0 : i32
      %dma_start3A_146 = arith.constant 0 : i32
      %dma_start3A_147 = tpu.memref_slice %arg3[%arg0, %arg1, %run_scoped3A_67, %dma_start3A_145, %dma_start3A_146] : memref<2x16x2x40x128xi32, #tpu.memory_space<hbm>> -> memref<1x1x1x40x128xi32, #tpu.memory_space<hbm>>
      %dma_start3A_148 = tpu.memref_squeeze %dma_start3A_147 : memref<1x1x1x40x128xi32, #tpu.memory_space<hbm>> -> memref<40x128xi32, #tpu.memory_space<hbm>>
      tpu.enqueue_dma source(%dma_start3A_148 : memref<40x128xi32, #tpu.memory_space<hbm>>) target(%arg7 : memref<40x128xi32, #tpu.memory_space<vmem>>) target_semaphore(%run_scoped3A_140 : memref<!tpu.dma_semaphore, #tpu.memory_space<semaphore_mem>>)
      %dma_wait3A_149 = arith.constant 0 : i32
      %dma_wait3A_150 = arith.constant 0 : i32
      %dma_wait3A_151 = tpu.memref_slice %arg3[%arg0, %arg1, %run_scoped3A_67, %dma_wait3A_149, %dma_wait3A_150] : memref<2x16x2x40x128xi32, #tpu.memory_space<hbm>> -> memref<1x1x1x40x128xi32, #tpu.memory_space<hbm>>
      %dma_wait3A_152 = tpu.memref_squeeze %dma_wait3A_151 : memref<1x1x1x40x128xi32, #tpu.memory_space<hbm>> -> memref<40x128xi32, #tpu.memory_space<hbm>>
      %dma_wait3A_153 = arith.constant 0 : i32
      %dma_wait3A_154 = arith.constant 0 : i32
      %dma_wait3A_155 = tpu.memref_slice %arg3[%arg0, %arg1, %run_scoped3A_67, %dma_wait3A_153, %dma_wait3A_154] : memref<2x16x2x40x128xi32, #tpu.memory_space<hbm>> -> memref<1x1x1x40x128xi32, #tpu.memory_space<hbm>>
      %dma_wait3A_156 = tpu.memref_squeeze %dma_wait3A_155 : memref<1x1x1x40x128xi32, #tpu.memory_space<hbm>> -> memref<40x128xi32, #tpu.memory_space<hbm>>
      tpu.wait_dma2 semaphore(%run_scoped3A_140 : memref<!tpu.dma_semaphore, #tpu.memory_space<semaphore_mem>>) src(%dma_wait3A_156 : memref<40x128xi32, #tpu.memory_space<hbm>>) dst(%arg7 : memref<40x128xi32, #tpu.memory_space<vmem>>)
      tpu.yield
    }) : () -> ()
    %run_scoped3A_68 = arith.constant 1 : i32
    "tpu.region"() ({
      %run_scoped3A_140 = tpu.sem_alloc : memref<!tpu.dma_semaphore, #tpu.memory_space<semaphore_mem>>
      %dma_start3A_141 = arith.constant 0 : i32
      %dma_start3A_142 = arith.constant 0 : i32
      %dma_start3A_143 = tpu.memref_slice %arg4[%arg0, %arg1, %run_scoped3A_68, %dma_start3A_141, %dma_start3A_142] : memref<2x16x2x80x64xi32, #tpu.memory_space<hbm>> -> memref<1x1x1x80x64xi32, #tpu.memory_space<hbm>>
      %dma_start3A_144 = tpu.memref_squeeze %dma_start3A_143 : memref<1x1x1x80x64xi32, #tpu.memory_space<hbm>> -> memref<80x64xi32, #tpu.memory_space<hbm>>
      %dma_start3A_145 = arith.constant 0 : i32
      %dma_start3A_146 = arith.constant 0 : i32
      %dma_start3A_147 = tpu.memref_slice %arg4[%arg0, %arg1, %run_scoped3A_68, %dma_start3A_145, %dma_start3A_146] : memref<2x16x2x80x64xi32, #tpu.memory_space<hbm>> -> memref<1x1x1x80x64xi32, #tpu.memory_space<hbm>>
      %dma_start3A_148 = tpu.memref_squeeze %dma_start3A_147 : memref<1x1x1x80x64xi32, #tpu.memory_space<hbm>> -> memref<80x64xi32, #tpu.memory_space<hbm>>
      tpu.enqueue_dma source(%dma_start3A_148 : memref<80x64xi32, #tpu.memory_space<hbm>>) target(%arg8 : memref<80x64xi32, #tpu.memory_space<vmem>>) target_semaphore(%run_scoped3A_140 : memref<!tpu.dma_semaphore, #tpu.memory_space<semaphore_mem>>)
      %dma_wait3A_149 = arith.constant 0 : i32
      %dma_wait3A_150 = arith.constant 0 : i32
      %dma_wait3A_151 = tpu.memref_slice %arg4[%arg0, %arg1, %run_scoped3A_68, %dma_wait3A_149, %dma_wait3A_150] : memref<2x16x2x80x64xi32, #tpu.memory_space<hbm>> -> memref<1x1x1x80x64xi32, #tpu.memory_space<hbm>>
      %dma_wait3A_152 = tpu.memref_squeeze %dma_wait3A_151 : memref<1x1x1x80x64xi32, #tpu.memory_space<hbm>> -> memref<80x64xi32, #tpu.memory_space<hbm>>
      %dma_wait3A_153 = arith.constant 0 : i32
      %dma_wait3A_154 = arith.constant 0 : i32
      %dma_wait3A_155 = tpu.memref_slice %arg4[%arg0, %arg1, %run_scoped3A_68, %dma_wait3A_153, %dma_wait3A_154] : memref<2x16x2x80x64xi32, #tpu.memory_space<hbm>> -> memref<1x1x1x80x64xi32, #tpu.memory_space<hbm>>
      %dma_wait3A_156 = tpu.memref_squeeze %dma_wait3A_155 : memref<1x1x1x80x64xi32, #tpu.memory_space<hbm>> -> memref<80x64xi32, #tpu.memory_space<hbm>>
      tpu.wait_dma2 semaphore(%run_scoped3A_140 : memref<!tpu.dma_semaphore, #tpu.memory_space<semaphore_mem>>) src(%dma_wait3A_156 : memref<80x64xi32, #tpu.memory_space<hbm>>) dst(%arg8 : memref<80x64xi32, #tpu.memory_space<vmem>>)
      tpu.yield
    }) : () -> ()
    %dma_start3A_69 = arith.constant 0 : i32
    %dma_start3A_70 = arith.constant 0 : i32
    %dma_start3A_71 = tpu.memref_slice %arg7[%dma_start3A_69, %dma_start3A_70] : memref<40x128xi32, #tpu.memory_space<vmem>> -> memref<1x64xi32, #tpu.memory_space<vmem>>
    %dma_start3A_72 = tpu.memref_squeeze %dma_start3A_71 : memref<1x64xi32, #tpu.memory_space<vmem>> -> memref<64xi32, #tpu.memory_space<vmem>>
    %dma_start3A_73 = arith.constant 0 : i32
    %dma_start3A_74 = arith.constant 0 : i32
    %dma_start3A_75 = tpu.memref_slice %arg2[%dma_start3A_73, %dma_start3A_74] : memref<10000x128xf32, #tpu.memory_space<hbm>> -> memref<10000x128xf32, #tpu.memory_space<hbm>>
    tpu.enqueue_indirect_dma source(%dma_start3A_75 : memref<10000x128xf32, #tpu.memory_space<hbm>>) target(%arg9 : memref<64x128xf32, #tpu.memory_space<vmem>>) offsets(%dma_start3A_72 : memref<64xi32, #tpu.memory_space<vmem>>) semaphore(%arg14 : memref<!tpu.dma_semaphore, #tpu.memory_space<semaphore_mem>>)
    %dma_start3A_76 = arith.constant 0 : i32
    %dma_start3A_77 = arith.constant 64 : i32
    %dma_start3A_78 = tpu.memref_slice %arg7[%dma_start3A_76, %dma_start3A_77] : memref<40x128xi32, #tpu.memory_space<vmem>> -> memref<1x64xi32, #tpu.memory_space<vmem>>
    %dma_start3A_79 = tpu.memref_squeeze %dma_start3A_78 : memref<1x64xi32, #tpu.memory_space<vmem>> -> memref<64xi32, #tpu.memory_space<vmem>>
    %dma_start3A_80 = arith.constant 0 : i32
    %dma_start3A_81 = arith.constant 0 : i32
    %dma_start3A_82 = tpu.memref_slice %arg2[%dma_start3A_80, %dma_start3A_81] : memref<10000x128xf32, #tpu.memory_space<hbm>> -> memref<10000x128xf32, #tpu.memory_space<hbm>>
    tpu.enqueue_indirect_dma source(%dma_start3A_82 : memref<10000x128xf32, #tpu.memory_space<hbm>>) target(%arg10 : memref<64x128xf32, #tpu.memory_space<vmem>>) offsets(%dma_start3A_79 : memref<64xi32, #tpu.memory_space<vmem>>) semaphore(%arg15 : memref<!tpu.dma_semaphore, #tpu.memory_space<semaphore_mem>>)
    %dma_start3A_83 = arith.constant 1 : i32
    %dma_start3A_84 = arith.constant 0 : i32
    %dma_start3A_85 = tpu.memref_slice %arg7[%dma_start3A_83, %dma_start3A_84] : memref<40x128xi32, #tpu.memory_space<vmem>> -> memref<1x64xi32, #tpu.memory_space<vmem>>
    %dma_start3A_86 = tpu.memref_squeeze %dma_start3A_85 : memref<1x64xi32, #tpu.memory_space<vmem>> -> memref<64xi32, #tpu.memory_space<vmem>>
    %dma_start3A_87 = arith.constant 0 : i32
    %dma_start3A_88 = arith.constant 0 : i32
    %dma_start3A_89 = tpu.memref_slice %arg2[%dma_start3A_87, %dma_start3A_88] : memref<10000x128xf32, #tpu.memory_space<hbm>> -> memref<10000x128xf32, #tpu.memory_space<hbm>>
    tpu.enqueue_indirect_dma source(%dma_start3A_89 : memref<10000x128xf32, #tpu.memory_space<hbm>>) target(%arg11 : memref<64x128xf32, #tpu.memory_space<vmem>>) offsets(%dma_start3A_86 : memref<64xi32, #tpu.memory_space<vmem>>) semaphore(%arg16 : memref<!tpu.dma_semaphore, #tpu.memory_space<semaphore_mem>>)
    %dma_start3A_90 = arith.constant 1 : i32
    %dma_start3A_91 = arith.constant 64 : i32
    %dma_start3A_92 = tpu.memref_slice %arg7[%dma_start3A_90, %dma_start3A_91] : memref<40x128xi32, #tpu.memory_space<vmem>> -> memref<1x64xi32, #tpu.memory_space<vmem>>
    %dma_start3A_93 = tpu.memref_squeeze %dma_start3A_92 : memref<1x64xi32, #tpu.memory_space<vmem>> -> memref<64xi32, #tpu.memory_space<vmem>>
    %dma_start3A_94 = arith.constant 0 : i32
    %dma_start3A_95 = arith.constant 0 : i32
    %dma_start3A_96 = tpu.memref_slice %arg2[%dma_start3A_94, %dma_start3A_95] : memref<10000x128xf32, #tpu.memory_space<hbm>> -> memref<10000x128xf32, #tpu.memory_space<hbm>>
    tpu.enqueue_indirect_dma source(%dma_start3A_96 : memref<10000x128xf32, #tpu.memory_space<hbm>>) target(%arg12 : memref<64x128xf32, #tpu.memory_space<vmem>>) offsets(%dma_start3A_93 : memref<64xi32, #tpu.memory_space<vmem>>) semaphore(%arg17 : memref<!tpu.dma_semaphore, #tpu.memory_space<semaphore_mem>>)
    %scan3A_97 = arith.constant 0 : i32
    %scan3A_98 = arith.constant 0 : i32
    %scan3A_99 = arith.constant 19 : i32
    %scan3A_100 = arith.addi %scan3A_98, %scan3A_99 : i32
    %scan3A_101 = arith.constant 1 : i32
    scf.for %scan3A_140 = %scan3A_98 to %scan3A_100 step %scan3A_101  : i32 {
      %mul3A_141 = arith.constant 4 : i32
      %mul3A_142 = arith.muli %mul3A_141, %scan3A_140 : i32
      %jit3A = arith.constant 2 : i32
      %div3A = arith.divsi %mul3A_142, %jit3A : i32
      %sign3A = arith.constant 0 : i32
      %sign3A_143 = arith.cmpi sgt, %mul3A_142, %sign3A : i32
      %sign3A_144 = arith.extui %sign3A_143 : i1 to i32
      %sign3A_145 = arith.constant 0 : i32
      %sign3A_146 = arith.cmpi slt, %mul3A_142, %sign3A_145 : i32
      %sign3A_147 = arith.extui %sign3A_146 : i1 to i32
      %sign3A_148 = arith.subi %sign3A_144, %sign3A_147 : i32
      %sign3A_149 = arith.constant 0 : i32
      %sign3A_150 = arith.cmpi sgt, %jit3A, %sign3A_149 : i32
      %sign3A_151 = arith.extui %sign3A_150 : i1 to i32
      %sign3A_152 = arith.constant 0 : i32
      %sign3A_153 = arith.cmpi slt, %jit3A, %sign3A_152 : i32
      %sign3A_154 = arith.extui %sign3A_153 : i1 to i32
      %sign3A_155 = arith.subi %sign3A_151, %sign3A_154 : i32
      %ne3A = arith.cmpi ne, %sign3A_148, %sign3A_155 : i32
      %rem3A = arith.remsi %mul3A_142, %jit3A : i32
      %ne3A_156 = arith.constant 0 : i32
      %ne3A_157 = arith.cmpi ne, %rem3A, %ne3A_156 : i32
      %and3A = arith.andi %ne3A, %ne3A_157 : i1
      %sub3A = arith.constant 1 : i32
      %sub3A_158 = arith.subi %div3A, %sub3A : i32
      %select_n3A = arith.select %and3A, %sub3A_158, %div3A : i32
      %add3A = arith.constant 0 : i32
      %add3A_159 = arith.addi %select_n3A, %add3A : i32
      %dma_wait3A_160 = arith.constant 0 : i32
      %dma_wait3A_161 = tpu.memref_slice %arg7[%add3A_159, %dma_wait3A_160] : memref<40x128xi32, #tpu.memory_space<vmem>> -> memref<1x64xi32, #tpu.memory_space<vmem>>
      %dma_wait3A_162 = tpu.memref_squeeze %dma_wait3A_161 : memref<1x64xi32, #tpu.memory_space<vmem>> -> memref<64xi32, #tpu.memory_space<vmem>>
      %dma_wait3A_163 = arith.constant 0 : i32
      %dma_wait3A_164 = arith.constant 0 : i32
      %dma_wait3A_165 = tpu.memref_slice %arg2[%dma_wait3A_163, %dma_wait3A_164] : memref<10000x128xf32, #tpu.memory_space<hbm>> -> memref<10000x128xf32, #tpu.memory_space<hbm>>
      tpu.wait_indirect_dma semaphore(%arg14 : memref<!tpu.dma_semaphore, #tpu.memory_space<semaphore_mem>>) src(%dma_wait3A_165 : memref<10000x128xf32, #tpu.memory_space<hbm>>) dst(%arg9 : memref<64x128xf32, #tpu.memory_space<vmem>>)
      %add3A_166 = arith.constant 0 : i32
      %add3A_167 = arith.addi %mul3A_142, %add3A_166 : i32
      "tpu.region"() ({
        %run_scoped3A_406 = tpu.sem_alloc : memref<!tpu.dma_semaphore, #tpu.memory_space<semaphore_mem>>
        %dma_start3A_407 = arith.constant 0 : i32
        %dma_start3A_408 = tpu.memref_slice %arg8[%add3A_167, %dma_start3A_407] : memref<80x64xi32, #tpu.memory_space<vmem>> -> memref<1x64xi32, #tpu.memory_space<vmem>>
        %dma_start3A_409 = tpu.memref_squeeze %dma_start3A_408 : memref<1x64xi32, #tpu.memory_space<vmem>> -> memref<64xi32, #tpu.memory_space<vmem>>
        %dma_start3A_410 = arith.constant 0 : i32
        %dma_start3A_411 = arith.constant 0 : i32
        %dma_start3A_412 = tpu.memref_slice %arg13[%dma_start3A_410, %dma_start3A_411] : memref<10240x128xf32, #tpu.memory_space<vmem_shared>> -> memref<10240x128xf32, #tpu.memory_space<vmem_shared>>
        tpu.enqueue_indirect_dma source(%arg9 : memref<64x128xf32, #tpu.memory_space<vmem>>) target(%dma_start3A_412 : memref<10240x128xf32, #tpu.memory_space<vmem_shared>>) offsets(%dma_start3A_409 : memref<64xi32, #tpu.memory_space<vmem>>) semaphore(%run_scoped3A_406 : memref<!tpu.dma_semaphore, #tpu.memory_space<semaphore_mem>>) {add = true}
        %dma_wait3A_413 = arith.constant 0 : i32
        %dma_wait3A_414 = tpu.memref_slice %arg8[%add3A_167, %dma_wait3A_413] : memref<80x64xi32, #tpu.memory_space<vmem>> -> memref<1x64xi32, #tpu.memory_space<vmem>>
        %dma_wait3A_415 = tpu.memref_squeeze %dma_wait3A_414 : memref<1x64xi32, #tpu.memory_space<vmem>> -> memref<64xi32, #tpu.memory_space<vmem>>
        %dma_wait3A_416 = arith.constant 0 : i32
        %dma_wait3A_417 = arith.constant 0 : i32
        %dma_wait3A_418 = tpu.memref_slice %arg13[%dma_wait3A_416, %dma_wait3A_417] : memref<10240x128xf32, #tpu.memory_space<vmem_shared>> -> memref<10240x128xf32, #tpu.memory_space<vmem_shared>>
        tpu.wait_indirect_dma semaphore(%run_scoped3A_406 : memref<!tpu.dma_semaphore, #tpu.memory_space<semaphore_mem>>) src(%arg9 : memref<64x128xf32, #tpu.memory_space<vmem>>) dst(%dma_wait3A_418 : memref<10240x128xf32, #tpu.memory_space<vmem_shared>>)
        tpu.yield
      }) : () -> ()
      %jit3A_168 = arith.constant 2 : i32
      %div3A_169 = arith.divsi %mul3A_142, %jit3A_168 : i32
      %sign3A_170 = arith.constant 0 : i32
      %sign3A_171 = arith.cmpi sgt, %mul3A_142, %sign3A_170 : i32
      %sign3A_172 = arith.extui %sign3A_171 : i1 to i32
      %sign3A_173 = arith.constant 0 : i32
      %sign3A_174 = arith.cmpi slt, %mul3A_142, %sign3A_173 : i32
      %sign3A_175 = arith.extui %sign3A_174 : i1 to i32
      %sign3A_176 = arith.subi %sign3A_172, %sign3A_175 : i32
      %sign3A_177 = arith.constant 0 : i32
      %sign3A_178 = arith.cmpi sgt, %jit3A_168, %sign3A_177 : i32
      %sign3A_179 = arith.extui %sign3A_178 : i1 to i32
      %sign3A_180 = arith.constant 0 : i32
      %sign3A_181 = arith.cmpi slt, %jit3A_168, %sign3A_180 : i32
      %sign3A_182 = arith.extui %sign3A_181 : i1 to i32
      %sign3A_183 = arith.subi %sign3A_179, %sign3A_182 : i32
      %ne3A_184 = arith.cmpi ne, %sign3A_176, %sign3A_183 : i32
      %rem3A_185 = arith.remsi %mul3A_142, %jit3A_168 : i32
      %ne3A_186 = arith.constant 0 : i32
      %ne3A_187 = arith.cmpi ne, %rem3A_185, %ne3A_186 : i32
      %and3A_188 = arith.andi %ne3A_184, %ne3A_187 : i1
      %sub3A_189 = arith.constant 1 : i32
      %sub3A_190 = arith.subi %div3A_169, %sub3A_189 : i32
      %select_n3A_191 = arith.select %and3A_188, %sub3A_190, %div3A_169 : i32
      %add3A_192 = arith.constant 2 : i32
      %add3A_193 = arith.addi %select_n3A_191, %add3A_192 : i32
      %add3A_194 = arith.constant 0 : i32
      %add3A_195 = arith.addi %add3A_193, %add3A_194 : i32
      %dma_start3A_196 = arith.constant 0 : i32
      %dma_start3A_197 = tpu.memref_slice %arg7[%add3A_195, %dma_start3A_196] : memref<40x128xi32, #tpu.memory_space<vmem>> -> memref<1x64xi32, #tpu.memory_space<vmem>>
      %dma_start3A_198 = tpu.memref_squeeze %dma_start3A_197 : memref<1x64xi32, #tpu.memory_space<vmem>> -> memref<64xi32, #tpu.memory_space<vmem>>
      %dma_start3A_199 = arith.constant 0 : i32
      %dma_start3A_200 = arith.constant 0 : i32
      %dma_start3A_201 = tpu.memref_slice %arg2[%dma_start3A_199, %dma_start3A_200] : memref<10000x128xf32, #tpu.memory_space<hbm>> -> memref<10000x128xf32, #tpu.memory_space<hbm>>
      tpu.enqueue_indirect_dma source(%dma_start3A_201 : memref<10000x128xf32, #tpu.memory_space<hbm>>) target(%arg9 : memref<64x128xf32, #tpu.memory_space<vmem>>) offsets(%dma_start3A_198 : memref<64xi32, #tpu.memory_space<vmem>>) semaphore(%arg14 : memref<!tpu.dma_semaphore, #tpu.memory_space<semaphore_mem>>)
      %jit3A_202 = arith.constant 2 : i32
      %div3A_203 = arith.divsi %mul3A_142, %jit3A_202 : i32
      %sign3A_204 = arith.constant 0 : i32
      %sign3A_205 = arith.cmpi sgt, %mul3A_142, %sign3A_204 : i32
      %sign3A_206 = arith.extui %sign3A_205 : i1 to i32
      %sign3A_207 = arith.constant 0 : i32
      %sign3A_208 = arith.cmpi slt, %mul3A_142, %sign3A_207 : i32
      %sign3A_209 = arith.extui %sign3A_208 : i1 to i32
      %sign3A_210 = arith.subi %sign3A_206, %sign3A_209 : i32
      %sign3A_211 = arith.constant 0 : i32
      %sign3A_212 = arith.cmpi sgt, %jit3A_202, %sign3A_211 : i32
      %sign3A_213 = arith.extui %sign3A_212 : i1 to i32
      %sign3A_214 = arith.constant 0 : i32
      %sign3A_215 = arith.cmpi slt, %jit3A_202, %sign3A_214 : i32
      %sign3A_216 = arith.extui %sign3A_215 : i1 to i32
      %sign3A_217 = arith.subi %sign3A_213, %sign3A_216 : i32
      %ne3A_218 = arith.cmpi ne, %sign3A_210, %sign3A_217 : i32
      %rem3A_219 = arith.remsi %mul3A_142, %jit3A_202 : i32
      %ne3A_220 = arith.constant 0 : i32
      %ne3A_221 = arith.cmpi ne, %rem3A_219, %ne3A_220 : i32
      %and3A_222 = arith.andi %ne3A_218, %ne3A_221 : i1
      %sub3A_223 = arith.constant 1 : i32
      %sub3A_224 = arith.subi %div3A_203, %sub3A_223 : i32
      %select_n3A_225 = arith.select %and3A_222, %sub3A_224, %div3A_203 : i32
      %add3A_226 = arith.constant 0 : i32
      %add3A_227 = arith.addi %select_n3A_225, %add3A_226 : i32
      %dma_wait3A_228 = arith.constant 64 : i32
      %dma_wait3A_229 = tpu.memref_slice %arg7[%add3A_227, %dma_wait3A_228] : memref<40x128xi32, #tpu.memory_space<vmem>> -> memref<1x64xi32, #tpu.memory_space<vmem>>
      %dma_wait3A_230 = tpu.memref_squeeze %dma_wait3A_229 : memref<1x64xi32, #tpu.memory_space<vmem>> -> memref<64xi32, #tpu.memory_space<vmem>>
      %dma_wait3A_231 = arith.constant 0 : i32
      %dma_wait3A_232 = arith.constant 0 : i32
      %dma_wait3A_233 = tpu.memref_slice %arg2[%dma_wait3A_231, %dma_wait3A_232] : memref<10000x128xf32, #tpu.memory_space<hbm>> -> memref<10000x128xf32, #tpu.memory_space<hbm>>
      tpu.wait_indirect_dma semaphore(%arg15 : memref<!tpu.dma_semaphore, #tpu.memory_space<semaphore_mem>>) src(%dma_wait3A_233 : memref<10000x128xf32, #tpu.memory_space<hbm>>) dst(%arg10 : memref<64x128xf32, #tpu.memory_space<vmem>>)
      %add3A_234 = arith.constant 1 : i32
      %add3A_235 = arith.addi %mul3A_142, %add3A_234 : i32
      "tpu.region"() ({
        %run_scoped3A_406 = tpu.sem_alloc : memref<!tpu.dma_semaphore, #tpu.memory_space<semaphore_mem>>
        %dma_start3A_407 = arith.constant 0 : i32
        %dma_start3A_408 = tpu.memref_slice %arg8[%add3A_235, %dma_start3A_407] : memref<80x64xi32, #tpu.memory_space<vmem>> -> memref<1x64xi32, #tpu.memory_space<vmem>>
        %dma_start3A_409 = tpu.memref_squeeze %dma_start3A_408 : memref<1x64xi32, #tpu.memory_space<vmem>> -> memref<64xi32, #tpu.memory_space<vmem>>
        %dma_start3A_410 = arith.constant 0 : i32
        %dma_start3A_411 = arith.constant 0 : i32
        %dma_start3A_412 = tpu.memref_slice %arg13[%dma_start3A_410, %dma_start3A_411] : memref<10240x128xf32, #tpu.memory_space<vmem_shared>> -> memref<10240x128xf32, #tpu.memory_space<vmem_shared>>
        tpu.enqueue_indirect_dma source(%arg10 : memref<64x128xf32, #tpu.memory_space<vmem>>) target(%dma_start3A_412 : memref<10240x128xf32, #tpu.memory_space<vmem_shared>>) offsets(%dma_start3A_409 : memref<64xi32, #tpu.memory_space<vmem>>) semaphore(%run_scoped3A_406 : memref<!tpu.dma_semaphore, #tpu.memory_space<semaphore_mem>>) {add = true}
        %dma_wait3A_413 = arith.constant 0 : i32
        %dma_wait3A_414 = tpu.memref_slice %arg8[%add3A_235, %dma_wait3A_413] : memref<80x64xi32, #tpu.memory_space<vmem>> -> memref<1x64xi32, #tpu.memory_space<vmem>>
        %dma_wait3A_415 = tpu.memref_squeeze %dma_wait3A_414 : memref<1x64xi32, #tpu.memory_space<vmem>> -> memref<64xi32, #tpu.memory_space<vmem>>
        %dma_wait3A_416 = arith.constant 0 : i32
        %dma_wait3A_417 = arith.constant 0 : i32
        %dma_wait3A_418 = tpu.memref_slice %arg13[%dma_wait3A_416, %dma_wait3A_417] : memref<10240x128xf32, #tpu.memory_space<vmem_shared>> -> memref<10240x128xf32, #tpu.memory_space<vmem_shared>>
        tpu.wait_indirect_dma semaphore(%run_scoped3A_406 : memref<!tpu.dma_semaphore, #tpu.memory_space<semaphore_mem>>) src(%arg10 : memref<64x128xf32, #tpu.memory_space<vmem>>) dst(%dma_wait3A_418 : memref<10240x128xf32, #tpu.memory_space<vmem_shared>>)
        tpu.yield
      }) : () -> ()
      %jit3A_236 = arith.constant 2 : i32
      %div3A_237 = arith.divsi %mul3A_142, %jit3A_236 : i32
      %sign3A_238 = arith.constant 0 : i32
      %sign3A_239 = arith.cmpi sgt, %mul3A_142, %sign3A_238 : i32
      %sign3A_240 = arith.extui %sign3A_239 : i1 to i32
      %sign3A_241 = arith.constant 0 : i32
      %sign3A_242 = arith.cmpi slt, %mul3A_142, %sign3A_241 : i32
      %sign3A_243 = arith.extui %sign3A_242 : i1 to i32
      %sign3A_244 = arith.subi %sign3A_240, %sign3A_243 : i32
      %sign3A_245 = arith.constant 0 : i32
      %sign3A_246 = arith.cmpi sgt, %jit3A_236, %sign3A_245 : i32
      %sign3A_247 = arith.extui %sign3A_246 : i1 to i32
      %sign3A_248 = arith.constant 0 : i32
      %sign3A_249 = arith.cmpi slt, %jit3A_236, %sign3A_248 : i32
      %sign3A_250 = arith.extui %sign3A_249 : i1 to i32
      %sign3A_251 = arith.subi %sign3A_247, %sign3A_250 : i32
      %ne3A_252 = arith.cmpi ne, %sign3A_244, %sign3A_251 : i32
      %rem3A_253 = arith.remsi %mul3A_142, %jit3A_236 : i32
      %ne3A_254 = arith.constant 0 : i32
      %ne3A_255 = arith.cmpi ne, %rem3A_253, %ne3A_254 : i32
      %and3A_256 = arith.andi %ne3A_252, %ne3A_255 : i1
      %sub3A_257 = arith.constant 1 : i32
      %sub3A_258 = arith.subi %div3A_237, %sub3A_257 : i32
      %select_n3A_259 = arith.select %and3A_256, %sub3A_258, %div3A_237 : i32
      %add3A_260 = arith.constant 2 : i32
      %add3A_261 = arith.addi %select_n3A_259, %add3A_260 : i32
      %add3A_262 = arith.constant 0 : i32
      %add3A_263 = arith.addi %add3A_261, %add3A_262 : i32
      %dma_start3A_264 = arith.constant 64 : i32
      %dma_start3A_265 = tpu.memref_slice %arg7[%add3A_263, %dma_start3A_264] : memref<40x128xi32, #tpu.memory_space<vmem>> -> memref<1x64xi32, #tpu.memory_space<vmem>>
      %dma_start3A_266 = tpu.memref_squeeze %dma_start3A_265 : memref<1x64xi32, #tpu.memory_space<vmem>> -> memref<64xi32, #tpu.memory_space<vmem>>
      %dma_start3A_267 = arith.constant 0 : i32
      %dma_start3A_268 = arith.constant 0 : i32
      %dma_start3A_269 = tpu.memref_slice %arg2[%dma_start3A_267, %dma_start3A_268] : memref<10000x128xf32, #tpu.memory_space<hbm>> -> memref<10000x128xf32, #tpu.memory_space<hbm>>
      tpu.enqueue_indirect_dma source(%dma_start3A_269 : memref<10000x128xf32, #tpu.memory_space<hbm>>) target(%arg10 : memref<64x128xf32, #tpu.memory_space<vmem>>) offsets(%dma_start3A_266 : memref<64xi32, #tpu.memory_space<vmem>>) semaphore(%arg15 : memref<!tpu.dma_semaphore, #tpu.memory_space<semaphore_mem>>)
      %jit3A_270 = arith.constant 2 : i32
      %div3A_271 = arith.divsi %mul3A_142, %jit3A_270 : i32
      %sign3A_272 = arith.constant 0 : i32
      %sign3A_273 = arith.cmpi sgt, %mul3A_142, %sign3A_272 : i32
      %sign3A_274 = arith.extui %sign3A_273 : i1 to i32
      %sign3A_275 = arith.constant 0 : i32
      %sign3A_276 = arith.cmpi slt, %mul3A_142, %sign3A_275 : i32
      %sign3A_277 = arith.extui %sign3A_276 : i1 to i32
      %sign3A_278 = arith.subi %sign3A_274, %sign3A_277 : i32
      %sign3A_279 = arith.constant 0 : i32
      %sign3A_280 = arith.cmpi sgt, %jit3A_270, %sign3A_279 : i32
      %sign3A_281 = arith.extui %sign3A_280 : i1 to i32
      %sign3A_282 = arith.constant 0 : i32
      %sign3A_283 = arith.cmpi slt, %jit3A_270, %sign3A_282 : i32
      %sign3A_284 = arith.extui %sign3A_283 : i1 to i32
      %sign3A_285 = arith.subi %sign3A_281, %sign3A_284 : i32
      %ne3A_286 = arith.cmpi ne, %sign3A_278, %sign3A_285 : i32
      %rem3A_287 = arith.remsi %mul3A_142, %jit3A_270 : i32
      %ne3A_288 = arith.constant 0 : i32
      %ne3A_289 = arith.cmpi ne, %rem3A_287, %ne3A_288 : i32
      %and3A_290 = arith.andi %ne3A_286, %ne3A_289 : i1
      %sub3A_291 = arith.constant 1 : i32
      %sub3A_292 = arith.subi %div3A_271, %sub3A_291 : i32
      %select_n3A_293 = arith.select %and3A_290, %sub3A_292, %div3A_271 : i32
      %add3A_294 = arith.constant 1 : i32
      %add3A_295 = arith.addi %select_n3A_293, %add3A_294 : i32
      %dma_wait3A_296 = arith.constant 0 : i32
      %dma_wait3A_297 = tpu.memref_slice %arg7[%add3A_295, %dma_wait3A_296] : memref<40x128xi32, #tpu.memory_space<vmem>> -> memref<1x64xi32, #tpu.memory_space<vmem>>
      %dma_wait3A_298 = tpu.memref_squeeze %dma_wait3A_297 : memref<1x64xi32, #tpu.memory_space<vmem>> -> memref<64xi32, #tpu.memory_space<vmem>>
      %dma_wait3A_299 = arith.constant 0 : i32
      %dma_wait3A_300 = arith.constant 0 : i32
      %dma_wait3A_301 = tpu.memref_slice %arg2[%dma_wait3A_299, %dma_wait3A_300] : memref<10000x128xf32, #tpu.memory_space<hbm>> -> memref<10000x128xf32, #tpu.memory_space<hbm>>
      tpu.wait_indirect_dma semaphore(%arg16 : memref<!tpu.dma_semaphore, #tpu.memory_space<semaphore_mem>>) src(%dma_wait3A_301 : memref<10000x128xf32, #tpu.memory_space<hbm>>) dst(%arg11 : memref<64x128xf32, #tpu.memory_space<vmem>>)
      %add3A_302 = arith.constant 2 : i32
      %add3A_303 = arith.addi %mul3A_142, %add3A_302 : i32
      "tpu.region"() ({
        %run_scoped3A_406 = tpu.sem_alloc : memref<!tpu.dma_semaphore, #tpu.memory_space<semaphore_mem>>
        %dma_start3A_407 = arith.constant 0 : i32
        %dma_start3A_408 = tpu.memref_slice %arg8[%add3A_303, %dma_start3A_407] : memref<80x64xi32, #tpu.memory_space<vmem>> -> memref<1x64xi32, #tpu.memory_space<vmem>>
        %dma_start3A_409 = tpu.memref_squeeze %dma_start3A_408 : memref<1x64xi32, #tpu.memory_space<vmem>> -> memref<64xi32, #tpu.memory_space<vmem>>
        %dma_start3A_410 = arith.constant 0 : i32
        %dma_start3A_411 = arith.constant 0 : i32
        %dma_start3A_412 = tpu.memref_slice %arg13[%dma_start3A_410, %dma_start3A_411] : memref<10240x128xf32, #tpu.memory_space<vmem_shared>> -> memref<10240x128xf32, #tpu.memory_space<vmem_shared>>
        tpu.enqueue_indirect_dma source(%arg11 : memref<64x128xf32, #tpu.memory_space<vmem>>) target(%dma_start3A_412 : memref<10240x128xf32, #tpu.memory_space<vmem_shared>>) offsets(%dma_start3A_409 : memref<64xi32, #tpu.memory_space<vmem>>) semaphore(%run_scoped3A_406 : memref<!tpu.dma_semaphore, #tpu.memory_space<semaphore_mem>>) {add = true}
        %dma_wait3A_413 = arith.constant 0 : i32
        %dma_wait3A_414 = tpu.memref_slice %arg8[%add3A_303, %dma_wait3A_413] : memref<80x64xi32, #tpu.memory_space<vmem>> -> memref<1x64xi32, #tpu.memory_space<vmem>>
        %dma_wait3A_415 = tpu.memref_squeeze %dma_wait3A_414 : memref<1x64xi32, #tpu.memory_space<vmem>> -> memref<64xi32, #tpu.memory_space<vmem>>
        %dma_wait3A_416 = arith.constant 0 : i32
        %dma_wait3A_417 = arith.constant 0 : i32
        %dma_wait3A_418 = tpu.memref_slice %arg13[%dma_wait3A_416, %dma_wait3A_417] : memref<10240x128xf32, #tpu.memory_space<vmem_shared>> -> memref<10240x128xf32, #tpu.memory_space<vmem_shared>>
        tpu.wait_indirect_dma semaphore(%run_scoped3A_406 : memref<!tpu.dma_semaphore, #tpu.memory_space<semaphore_mem>>) src(%arg11 : memref<64x128xf32, #tpu.memory_space<vmem>>) dst(%dma_wait3A_418 : memref<10240x128xf32, #tpu.memory_space<vmem_shared>>)
        tpu.yield
      }) : () -> ()
      %jit3A_304 = arith.constant 2 : i32
      %div3A_305 = arith.divsi %mul3A_142, %jit3A_304 : i32
      %sign3A_306 = arith.constant 0 : i32
      %sign3A_307 = arith.cmpi sgt, %mul3A_142, %sign3A_306 : i32
      %sign3A_308 = arith.extui %sign3A_307 : i1 to i32
      %sign3A_309 = arith.constant 0 : i32
      %sign3A_310 = arith.cmpi slt, %mul3A_142, %sign3A_309 : i32
      %sign3A_311 = arith.extui %sign3A_310 : i1 to i32
      %sign3A_312 = arith.subi %sign3A_308, %sign3A_311 : i32
      %sign3A_313 = arith.constant 0 : i32
      %sign3A_314 = arith.cmpi sgt, %jit3A_304, %sign3A_313 : i32
      %sign3A_315 = arith.extui %sign3A_314 : i1 to i32
      %sign3A_316 = arith.constant 0 : i32
      %sign3A_317 = arith.cmpi slt, %jit3A_304, %sign3A_316 : i32
      %sign3A_318 = arith.extui %sign3A_317 : i1 to i32
      %sign3A_319 = arith.subi %sign3A_315, %sign3A_318 : i32
      %ne3A_320 = arith.cmpi ne, %sign3A_312, %sign3A_319 : i32
      %rem3A_321 = arith.remsi %mul3A_142, %jit3A_304 : i32
      %ne3A_322 = arith.constant 0 : i32
      %ne3A_323 = arith.cmpi ne, %rem3A_321, %ne3A_322 : i32
      %and3A_324 = arith.andi %ne3A_320, %ne3A_323 : i1
      %sub3A_325 = arith.constant 1 : i32
      %sub3A_326 = arith.subi %div3A_305, %sub3A_325 : i32
      %select_n3A_327 = arith.select %and3A_324, %sub3A_326, %div3A_305 : i32
      %add3A_328 = arith.constant 2 : i32
      %add3A_329 = arith.addi %select_n3A_327, %add3A_328 : i32
      %add3A_330 = arith.constant 1 : i32
      %add3A_331 = arith.addi %add3A_329, %add3A_330 : i32
      %dma_start3A_332 = arith.constant 0 : i32
      %dma_start3A_333 = tpu.memref_slice %arg7[%add3A_331, %dma_start3A_332] : memref<40x128xi32, #tpu.memory_space<vmem>> -> memref<1x64xi32, #tpu.memory_space<vmem>>
      %dma_start3A_334 = tpu.memref_squeeze %dma_start3A_333 : memref<1x64xi32, #tpu.memory_space<vmem>> -> memref<64xi32, #tpu.memory_space<vmem>>
      %dma_start3A_335 = arith.constant 0 : i32
      %dma_start3A_336 = arith.constant 0 : i32
      %dma_start3A_337 = tpu.memref_slice %arg2[%dma_start3A_335, %dma_start3A_336] : memref<10000x128xf32, #tpu.memory_space<hbm>> -> memref<10000x128xf32, #tpu.memory_space<hbm>>
      tpu.enqueue_indirect_dma source(%dma_start3A_337 : memref<10000x128xf32, #tpu.memory_space<hbm>>) target(%arg11 : memref<64x128xf32, #tpu.memory_space<vmem>>) offsets(%dma_start3A_334 : memref<64xi32, #tpu.memory_space<vmem>>) semaphore(%arg16 : memref<!tpu.dma_semaphore, #tpu.memory_space<semaphore_mem>>)
      %jit3A_338 = arith.constant 2 : i32
      %div3A_339 = arith.divsi %mul3A_142, %jit3A_338 : i32
      %sign3A_340 = arith.constant 0 : i32
      %sign3A_341 = arith.cmpi sgt, %mul3A_142, %sign3A_340 : i32
      %sign3A_342 = arith.extui %sign3A_341 : i1 to i32
      %sign3A_343 = arith.constant 0 : i32
      %sign3A_344 = arith.cmpi slt, %mul3A_142, %sign3A_343 : i32
      %sign3A_345 = arith.extui %sign3A_344 : i1 to i32
      %sign3A_346 = arith.subi %sign3A_342, %sign3A_345 : i32
      %sign3A_347 = arith.constant 0 : i32
      %sign3A_348 = arith.cmpi sgt, %jit3A_338, %sign3A_347 : i32
      %sign3A_349 = arith.extui %sign3A_348 : i1 to i32
      %sign3A_350 = arith.constant 0 : i32
      %sign3A_351 = arith.cmpi slt, %jit3A_338, %sign3A_350 : i32
      %sign3A_352 = arith.extui %sign3A_351 : i1 to i32
      %sign3A_353 = arith.subi %sign3A_349, %sign3A_352 : i32
      %ne3A_354 = arith.cmpi ne, %sign3A_346, %sign3A_353 : i32
      %rem3A_355 = arith.remsi %mul3A_142, %jit3A_338 : i32
      %ne3A_356 = arith.constant 0 : i32
      %ne3A_357 = arith.cmpi ne, %rem3A_355, %ne3A_356 : i32
      %and3A_358 = arith.andi %ne3A_354, %ne3A_357 : i1
      %sub3A_359 = arith.constant 1 : i32
      %sub3A_360 = arith.subi %div3A_339, %sub3A_359 : i32
      %select_n3A_361 = arith.select %and3A_358, %sub3A_360, %div3A_339 : i32
      %add3A_362 = arith.constant 1 : i32
      %add3A_363 = arith.addi %select_n3A_361, %add3A_362 : i32
      %dma_wait3A_364 = arith.constant 64 : i32
      %dma_wait3A_365 = tpu.memref_slice %arg7[%add3A_363, %dma_wait3A_364] : memref<40x128xi32, #tpu.memory_space<vmem>> -> memref<1x64xi32, #tpu.memory_space<vmem>>
      %dma_wait3A_366 = tpu.memref_squeeze %dma_wait3A_365 : memref<1x64xi32, #tpu.memory_space<vmem>> -> memref<64xi32, #tpu.memory_space<vmem>>
      %dma_wait3A_367 = arith.constant 0 : i32
      %dma_wait3A_368 = arith.constant 0 : i32
      %dma_wait3A_369 = tpu.memref_slice %arg2[%dma_wait3A_367, %dma_wait3A_368] : memref<10000x128xf32, #tpu.memory_space<hbm>> -> memref<10000x128xf32, #tpu.memory_space<hbm>>
      tpu.wait_indirect_dma semaphore(%arg17 : memref<!tpu.dma_semaphore, #tpu.memory_space<semaphore_mem>>) src(%dma_wait3A_369 : memref<10000x128xf32, #tpu.memory_space<hbm>>) dst(%arg12 : memref<64x128xf32, #tpu.memory_space<vmem>>)
      %add3A_370 = arith.constant 3 : i32
      %add3A_371 = arith.addi %mul3A_142, %add3A_370 : i32
      "tpu.region"() ({
        %run_scoped3A_406 = tpu.sem_alloc : memref<!tpu.dma_semaphore, #tpu.memory_space<semaphore_mem>>
        %dma_start3A_407 = arith.constant 0 : i32
        %dma_start3A_408 = tpu.memref_slice %arg8[%add3A_371, %dma_start3A_407] : memref<80x64xi32, #tpu.memory_space<vmem>> -> memref<1x64xi32, #tpu.memory_space<vmem>>
        %dma_start3A_409 = tpu.memref_squeeze %dma_start3A_408 : memref<1x64xi32, #tpu.memory_space<vmem>> -> memref<64xi32, #tpu.memory_space<vmem>>
        %dma_start3A_410 = arith.constant 0 : i32
        %dma_start3A_411 = arith.constant 0 : i32
        %dma_start3A_412 = tpu.memref_slice %arg13[%dma_start3A_410, %dma_start3A_411] : memref<10240x128xf32, #tpu.memory_space<vmem_shared>> -> memref<10240x128xf32, #tpu.memory_space<vmem_shared>>
        tpu.enqueue_indirect_dma source(%arg12 : memref<64x128xf32, #tpu.memory_space<vmem>>) target(%dma_start3A_412 : memref<10240x128xf32, #tpu.memory_space<vmem_shared>>) offsets(%dma_start3A_409 : memref<64xi32, #tpu.memory_space<vmem>>) semaphore(%run_scoped3A_406 : memref<!tpu.dma_semaphore, #tpu.memory_space<semaphore_mem>>) {add = true}
        %dma_wait3A_413 = arith.constant 0 : i32
        %dma_wait3A_414 = tpu.memref_slice %arg8[%add3A_371, %dma_wait3A_413] : memref<80x64xi32, #tpu.memory_space<vmem>> -> memref<1x64xi32, #tpu.memory_space<vmem>>
        %dma_wait3A_415 = tpu.memref_squeeze %dma_wait3A_414 : memref<1x64xi32, #tpu.memory_space<vmem>> -> memref<64xi32, #tpu.memory_space<vmem>>
        %dma_wait3A_416 = arith.constant 0 : i32
        %dma_wait3A_417 = arith.constant 0 : i32
        %dma_wait3A_418 = tpu.memref_slice %arg13[%dma_wait3A_416, %dma_wait3A_417] : memref<10240x128xf32, #tpu.memory_space<vmem_shared>> -> memref<10240x128xf32, #tpu.memory_space<vmem_shared>>
        tpu.wait_indirect_dma semaphore(%run_scoped3A_406 : memref<!tpu.dma_semaphore, #tpu.memory_space<semaphore_mem>>) src(%arg12 : memref<64x128xf32, #tpu.memory_space<vmem>>) dst(%dma_wait3A_418 : memref<10240x128xf32, #tpu.memory_space<vmem_shared>>)
        tpu.yield
      }) : () -> ()
      %jit3A_372 = arith.constant 2 : i32
      %div3A_373 = arith.divsi %mul3A_142, %jit3A_372 : i32
      %sign3A_374 = arith.constant 0 : i32
      %sign3A_375 = arith.cmpi sgt, %mul3A_142, %sign3A_374 : i32
      %sign3A_376 = arith.extui %sign3A_375 : i1 to i32
      %sign3A_377 = arith.constant 0 : i32
      %sign3A_378 = arith.cmpi slt, %mul3A_142, %sign3A_377 : i32
      %sign3A_379 = arith.extui %sign3A_378 : i1 to i32
      %sign3A_380 = arith.subi %sign3A_376, %sign3A_379 : i32
      %sign3A_381 = arith.constant 0 : i32
      %sign3A_382 = arith.cmpi sgt, %jit3A_372, %sign3A_381 : i32
      %sign3A_383 = arith.extui %sign3A_382 : i1 to i32
      %sign3A_384 = arith.constant 0 : i32
      %sign3A_385 = arith.cmpi slt, %jit3A_372, %sign3A_384 : i32
      %sign3A_386 = arith.extui %sign3A_385 : i1 to i32
      %sign3A_387 = arith.subi %sign3A_383, %sign3A_386 : i32
      %ne3A_388 = arith.cmpi ne, %sign3A_380, %sign3A_387 : i32
      %rem3A_389 = arith.remsi %mul3A_142, %jit3A_372 : i32
      %ne3A_390 = arith.constant 0 : i32
      %ne3A_391 = arith.cmpi ne, %rem3A_389, %ne3A_390 : i32
      %and3A_392 = arith.andi %ne3A_388, %ne3A_391 : i1
      %sub3A_393 = arith.constant 1 : i32
      %sub3A_394 = arith.subi %div3A_373, %sub3A_393 : i32
      %select_n3A_395 = arith.select %and3A_392, %sub3A_394, %div3A_373 : i32
      %add3A_396 = arith.constant 2 : i32
      %add3A_397 = arith.addi %select_n3A_395, %add3A_396 : i32
      %add3A_398 = arith.constant 1 : i32
      %add3A_399 = arith.addi %add3A_397, %add3A_398 : i32
      %dma_start3A_400 = arith.constant 64 : i32
      %dma_start3A_401 = tpu.memref_slice %arg7[%add3A_399, %dma_start3A_400] : memref<40x128xi32, #tpu.memory_space<vmem>> -> memref<1x64xi32, #tpu.memory_space<vmem>>
      %dma_start3A_402 = tpu.memref_squeeze %dma_start3A_401 : memref<1x64xi32, #tpu.memory_space<vmem>> -> memref<64xi32, #tpu.memory_space<vmem>>
      %dma_start3A_403 = arith.constant 0 : i32
      %dma_start3A_404 = arith.constant 0 : i32
      %dma_start3A_405 = tpu.memref_slice %arg2[%dma_start3A_403, %dma_start3A_404] : memref<10000x128xf32, #tpu.memory_space<hbm>> -> memref<10000x128xf32, #tpu.memory_space<hbm>>
      tpu.enqueue_indirect_dma source(%dma_start3A_405 : memref<10000x128xf32, #tpu.memory_space<hbm>>) target(%arg12 : memref<64x128xf32, #tpu.memory_space<vmem>>) offsets(%dma_start3A_402 : memref<64xi32, #tpu.memory_space<vmem>>) semaphore(%arg17 : memref<!tpu.dma_semaphore, #tpu.memory_space<semaphore_mem>>)
    }
    %scan3A_102 = arith.constant 19 : i32
    %dma_wait3A_103 = arith.constant 38 : i32
    %dma_wait3A_104 = arith.constant 0 : i32
    %dma_wait3A_105 = tpu.memref_slice %arg7[%dma_wait3A_103, %dma_wait3A_104] : memref<40x128xi32, #tpu.memory_space<vmem>> -> memref<1x64xi32, #tpu.memory_space<vmem>>
    %dma_wait3A_106 = tpu.memref_squeeze %dma_wait3A_105 : memref<1x64xi32, #tpu.memory_space<vmem>> -> memref<64xi32, #tpu.memory_space<vmem>>
    %dma_wait3A_107 = arith.constant 0 : i32
    %dma_wait3A_108 = arith.constant 0 : i32
    %dma_wait3A_109 = tpu.memref_slice %arg2[%dma_wait3A_107, %dma_wait3A_108] : memref<10000x128xf32, #tpu.memory_space<hbm>> -> memref<10000x128xf32, #tpu.memory_space<hbm>>
    tpu.wait_indirect_dma semaphore(%arg14 : memref<!tpu.dma_semaphore, #tpu.memory_space<semaphore_mem>>) src(%dma_wait3A_109 : memref<10000x128xf32, #tpu.memory_space<hbm>>) dst(%arg9 : memref<64x128xf32, #tpu.memory_space<vmem>>)
    %run_scoped3A_110 = arith.constant 76 : i32
    "tpu.region"() ({
      %run_scoped3A_140 = tpu.sem_alloc : memref<!tpu.dma_semaphore, #tpu.memory_space<semaphore_mem>>
      %dma_start3A_141 = arith.constant 0 : i32
      %dma_start3A_142 = tpu.memref_slice %arg8[%run_scoped3A_110, %dma_start3A_141] : memref<80x64xi32, #tpu.memory_space<vmem>> -> memref<1x64xi32, #tpu.memory_space<vmem>>
      %dma_start3A_143 = tpu.memref_squeeze %dma_start3A_142 : memref<1x64xi32, #tpu.memory_space<vmem>> -> memref<64xi32, #tpu.memory_space<vmem>>
      %dma_start3A_144 = arith.constant 0 : i32
      %dma_start3A_145 = arith.constant 0 : i32
      %dma_start3A_146 = tpu.memref_slice %arg13[%dma_start3A_144, %dma_start3A_145] : memref<10240x128xf32, #tpu.memory_space<vmem_shared>> -> memref<10240x128xf32, #tpu.memory_space<vmem_shared>>
      tpu.enqueue_indirect_dma source(%arg9 : memref<64x128xf32, #tpu.memory_space<vmem>>) target(%dma_start3A_146 : memref<10240x128xf32, #tpu.memory_space<vmem_shared>>) offsets(%dma_start3A_143 : memref<64xi32, #tpu.memory_space<vmem>>) semaphore(%run_scoped3A_140 : memref<!tpu.dma_semaphore, #tpu.memory_space<semaphore_mem>>) {add = true}
      %dma_wait3A_147 = arith.constant 0 : i32
      %dma_wait3A_148 = tpu.memref_slice %arg8[%run_scoped3A_110, %dma_wait3A_147] : memref<80x64xi32, #tpu.memory_space<vmem>> -> memref<1x64xi32, #tpu.memory_space<vmem>>
      %dma_wait3A_149 = tpu.memref_squeeze %dma_wait3A_148 : memref<1x64xi32, #tpu.memory_space<vmem>> -> memref<64xi32, #tpu.memory_space<vmem>>
      %dma_wait3A_150 = arith.constant 0 : i32
      %dma_wait3A_151 = arith.constant 0 : i32
      %dma_wait3A_152 = tpu.memref_slice %arg13[%dma_wait3A_150, %dma_wait3A_151] : memref<10240x128xf32, #tpu.memory_space<vmem_shared>> -> memref<10240x128xf32, #tpu.memory_space<vmem_shared>>
      tpu.wait_indirect_dma semaphore(%run_scoped3A_140 : memref<!tpu.dma_semaphore, #tpu.memory_space<semaphore_mem>>) src(%arg9 : memref<64x128xf32, #tpu.memory_space<vmem>>) dst(%dma_wait3A_152 : memref<10240x128xf32, #tpu.memory_space<vmem_shared>>)
      tpu.yield
    }) : () -> ()
    %dma_wait3A_111 = arith.constant 38 : i32
    %dma_wait3A_112 = arith.constant 64 : i32
    %dma_wait3A_113 = tpu.memref_slice %arg7[%dma_wait3A_111, %dma_wait3A_112] : memref<40x128xi32, #tpu.memory_space<vmem>> -> memref<1x64xi32, #tpu.memory_space<vmem>>
    %dma_wait3A_114 = tpu.memref_squeeze %dma_wait3A_113 : memref<1x64xi32, #tpu.memory_space<vmem>> -> memref<64xi32, #tpu.memory_space<vmem>>
    %dma_wait3A_115 = arith.constant 0 : i32
    %dma_wait3A_116 = arith.constant 0 : i32
    %dma_wait3A_117 = tpu.memref_slice %arg2[%dma_wait3A_115, %dma_wait3A_116] : memref<10000x128xf32, #tpu.memory_space<hbm>> -> memref<10000x128xf32, #tpu.memory_space<hbm>>
    tpu.wait_indirect_dma semaphore(%arg15 : memref<!tpu.dma_semaphore, #tpu.memory_space<semaphore_mem>>) src(%dma_wait3A_117 : memref<10000x128xf32, #tpu.memory_space<hbm>>) dst(%arg10 : memref<64x128xf32, #tpu.memory_space<vmem>>)
    %run_scoped3A_118 = arith.constant 77 : i32
    "tpu.region"() ({
      %run_scoped3A_140 = tpu.sem_alloc : memref<!tpu.dma_semaphore, #tpu.memory_space<semaphore_mem>>
      %dma_start3A_141 = arith.constant 0 : i32
      %dma_start3A_142 = tpu.memref_slice %arg8[%run_scoped3A_118, %dma_start3A_141] : memref<80x64xi32, #tpu.memory_space<vmem>> -> memref<1x64xi32, #tpu.memory_space<vmem>>
      %dma_start3A_143 = tpu.memref_squeeze %dma_start3A_142 : memref<1x64xi32, #tpu.memory_space<vmem>> -> memref<64xi32, #tpu.memory_space<vmem>>
      %dma_start3A_144 = arith.constant 0 : i32
      %dma_start3A_145 = arith.constant 0 : i32
      %dma_start3A_146 = tpu.memref_slice %arg13[%dma_start3A_144, %dma_start3A_145] : memref<10240x128xf32, #tpu.memory_space<vmem_shared>> -> memref<10240x128xf32, #tpu.memory_space<vmem_shared>>
      tpu.enqueue_indirect_dma source(%arg10 : memref<64x128xf32, #tpu.memory_space<vmem>>) target(%dma_start3A_146 : memref<10240x128xf32, #tpu.memory_space<vmem_shared>>) offsets(%dma_start3A_143 : memref<64xi32, #tpu.memory_space<vmem>>) semaphore(%run_scoped3A_140 : memref<!tpu.dma_semaphore, #tpu.memory_space<semaphore_mem>>) {add = true}
      %dma_wait3A_147 = arith.constant 0 : i32
      %dma_wait3A_148 = tpu.memref_slice %arg8[%run_scoped3A_118, %dma_wait3A_147] : memref<80x64xi32, #tpu.memory_space<vmem>> -> memref<1x64xi32, #tpu.memory_space<vmem>>
      %dma_wait3A_149 = tpu.memref_squeeze %dma_wait3A_148 : memref<1x64xi32, #tpu.memory_space<vmem>> -> memref<64xi32, #tpu.memory_space<vmem>>
      %dma_wait3A_150 = arith.constant 0 : i32
      %dma_wait3A_151 = arith.constant 0 : i32
      %dma_wait3A_152 = tpu.memref_slice %arg13[%dma_wait3A_150, %dma_wait3A_151] : memref<10240x128xf32, #tpu.memory_space<vmem_shared>> -> memref<10240x128xf32, #tpu.memory_space<vmem_shared>>
      tpu.wait_indirect_dma semaphore(%run_scoped3A_140 : memref<!tpu.dma_semaphore, #tpu.memory_space<semaphore_mem>>) src(%arg10 : memref<64x128xf32, #tpu.memory_space<vmem>>) dst(%dma_wait3A_152 : memref<10240x128xf32, #tpu.memory_space<vmem_shared>>)
      tpu.yield
    }) : () -> ()
    %dma_wait3A_119 = arith.constant 39 : i32
    %dma_wait3A_120 = arith.constant 0 : i32
    %dma_wait3A_121 = tpu.memref_slice %arg7[%dma_wait3A_119, %dma_wait3A_120] : memref<40x128xi32, #tpu.memory_space<vmem>> -> memref<1x64xi32, #tpu.memory_space<vmem>>
    %dma_wait3A_122 = tpu.memref_squeeze %dma_wait3A_121 : memref<1x64xi32, #tpu.memory_space<vmem>> -> memref<64xi32, #tpu.memory_space<vmem>>
    %dma_wait3A_123 = arith.constant 0 : i32
    %dma_wait3A_124 = arith.constant 0 : i32
    %dma_wait3A_125 = tpu.memref_slice %arg2[%dma_wait3A_123, %dma_wait3A_124] : memref<10000x128xf32, #tpu.memory_space<hbm>> -> memref<10000x128xf32, #tpu.memory_space<hbm>>
    tpu.wait_indirect_dma semaphore(%arg16 : memref<!tpu.dma_semaphore, #tpu.memory_space<semaphore_mem>>) src(%dma_wait3A_125 : memref<10000x128xf32, #tpu.memory_space<hbm>>) dst(%arg11 : memref<64x128xf32, #tpu.memory_space<vmem>>)
    %run_scoped3A_126 = arith.constant 78 : i32
    "tpu.region"() ({
      %run_scoped3A_140 = tpu.sem_alloc : memref<!tpu.dma_semaphore, #tpu.memory_space<semaphore_mem>>
      %dma_start3A_141 = arith.constant 0 : i32
      %dma_start3A_142 = tpu.memref_slice %arg8[%run_scoped3A_126, %dma_start3A_141] : memref<80x64xi32, #tpu.memory_space<vmem>> -> memref<1x64xi32, #tpu.memory_space<vmem>>
      %dma_start3A_143 = tpu.memref_squeeze %dma_start3A_142 : memref<1x64xi32, #tpu.memory_space<vmem>> -> memref<64xi32, #tpu.memory_space<vmem>>
      %dma_start3A_144 = arith.constant 0 : i32
      %dma_start3A_145 = arith.constant 0 : i32
      %dma_start3A_146 = tpu.memref_slice %arg13[%dma_start3A_144, %dma_start3A_145] : memref<10240x128xf32, #tpu.memory_space<vmem_shared>> -> memref<10240x128xf32, #tpu.memory_space<vmem_shared>>
      tpu.enqueue_indirect_dma source(%arg11 : memref<64x128xf32, #tpu.memory_space<vmem>>) target(%dma_start3A_146 : memref<10240x128xf32, #tpu.memory_space<vmem_shared>>) offsets(%dma_start3A_143 : memref<64xi32, #tpu.memory_space<vmem>>) semaphore(%run_scoped3A_140 : memref<!tpu.dma_semaphore, #tpu.memory_space<semaphore_mem>>) {add = true}
      %dma_wait3A_147 = arith.constant 0 : i32
      %dma_wait3A_148 = tpu.memref_slice %arg8[%run_scoped3A_126, %dma_wait3A_147] : memref<80x64xi32, #tpu.memory_space<vmem>> -> memref<1x64xi32, #tpu.memory_space<vmem>>
      %dma_wait3A_149 = tpu.memref_squeeze %dma_wait3A_148 : memref<1x64xi32, #tpu.memory_space<vmem>> -> memref<64xi32, #tpu.memory_space<vmem>>
      %dma_wait3A_150 = arith.constant 0 : i32
      %dma_wait3A_151 = arith.constant 0 : i32
      %dma_wait3A_152 = tpu.memref_slice %arg13[%dma_wait3A_150, %dma_wait3A_151] : memref<10240x128xf32, #tpu.memory_space<vmem_shared>> -> memref<10240x128xf32, #tpu.memory_space<vmem_shared>>
      tpu.wait_indirect_dma semaphore(%run_scoped3A_140 : memref<!tpu.dma_semaphore, #tpu.memory_space<semaphore_mem>>) src(%arg11 : memref<64x128xf32, #tpu.memory_space<vmem>>) dst(%dma_wait3A_152 : memref<10240x128xf32, #tpu.memory_space<vmem_shared>>)
      tpu.yield
    }) : () -> ()
    %dma_wait3A_127 = arith.constant 39 : i32
    %dma_wait3A_128 = arith.constant 64 : i32
    %dma_wait3A_129 = tpu.memref_slice %arg7[%dma_wait3A_127, %dma_wait3A_128] : memref<40x128xi32, #tpu.memory_space<vmem>> -> memref<1x64xi32, #tpu.memory_space<vmem>>
    %dma_wait3A_130 = tpu.memref_squeeze %dma_wait3A_129 : memref<1x64xi32, #tpu.memory_space<vmem>> -> memref<64xi32, #tpu.memory_space<vmem>>
    %dma_wait3A_131 = arith.constant 0 : i32
    %dma_wait3A_132 = arith.constant 0 : i32
    %dma_wait3A_133 = tpu.memref_slice %arg2[%dma_wait3A_131, %dma_wait3A_132] : memref<10000x128xf32, #tpu.memory_space<hbm>> -> memref<10000x128xf32, #tpu.memory_space<hbm>>
    tpu.wait_indirect_dma semaphore(%arg17 : memref<!tpu.dma_semaphore, #tpu.memory_space<semaphore_mem>>) src(%dma_wait3A_133 : memref<10000x128xf32, #tpu.memory_space<hbm>>) dst(%arg12 : memref<64x128xf32, #tpu.memory_space<vmem>>)
    %run_scoped3A_134 = arith.constant 79 : i32
    "tpu.region"() ({
      %run_scoped3A_140 = tpu.sem_alloc : memref<!tpu.dma_semaphore, #tpu.memory_space<semaphore_mem>>
      %dma_start3A_141 = arith.constant 0 : i32
      %dma_start3A_142 = tpu.memref_slice %arg8[%run_scoped3A_134, %dma_start3A_141] : memref<80x64xi32, #tpu.memory_space<vmem>> -> memref<1x64xi32, #tpu.memory_space<vmem>>
      %dma_start3A_143 = tpu.memref_squeeze %dma_start3A_142 : memref<1x64xi32, #tpu.memory_space<vmem>> -> memref<64xi32, #tpu.memory_space<vmem>>
      %dma_start3A_144 = arith.constant 0 : i32
      %dma_start3A_145 = arith.constant 0 : i32
      %dma_start3A_146 = tpu.memref_slice %arg13[%dma_start3A_144, %dma_start3A_145] : memref<10240x128xf32, #tpu.memory_space<vmem_shared>> -> memref<10240x128xf32, #tpu.memory_space<vmem_shared>>
      tpu.enqueue_indirect_dma source(%arg12 : memref<64x128xf32, #tpu.memory_space<vmem>>) target(%dma_start3A_146 : memref<10240x128xf32, #tpu.memory_space<vmem_shared>>) offsets(%dma_start3A_143 : memref<64xi32, #tpu.memory_space<vmem>>) semaphore(%run_scoped3A_140 : memref<!tpu.dma_semaphore, #tpu.memory_space<semaphore_mem>>) {add = true}
      %dma_wait3A_147 = arith.constant 0 : i32
      %dma_wait3A_148 = tpu.memref_slice %arg8[%run_scoped3A_134, %dma_wait3A_147] : memref<80x64xi32, #tpu.memory_space<vmem>> -> memref<1x64xi32, #tpu.memory_space<vmem>>
      %dma_wait3A_149 = tpu.memref_squeeze %dma_wait3A_148 : memref<1x64xi32, #tpu.memory_space<vmem>> -> memref<64xi32, #tpu.memory_space<vmem>>
      %dma_wait3A_150 = arith.constant 0 : i32
      %dma_wait3A_151 = arith.constant 0 : i32
      %dma_wait3A_152 = tpu.memref_slice %arg13[%dma_wait3A_150, %dma_wait3A_151] : memref<10240x128xf32, #tpu.memory_space<vmem_shared>> -> memref<10240x128xf32, #tpu.memory_space<vmem_shared>>
      tpu.wait_indirect_dma semaphore(%run_scoped3A_140 : memref<!tpu.dma_semaphore, #tpu.memory_space<semaphore_mem>>) src(%arg12 : memref<64x128xf32, #tpu.memory_space<vmem>>) dst(%dma_wait3A_152 : memref<10240x128xf32, #tpu.memory_space<vmem_shared>>)
      tpu.yield
    }) : () -> ()
    %barrier3A_135 = arith.constant 0 : index
    tpu.barrier barrier_id(%barrier3A_135)
    %mul3A_136 = arith.constant 640 : i32
    %mul3A_137 = arith.muli %arg1, %mul3A_136 : i32
    %mul3A_138 = arith.constant 640 : i32
    %mul3A_139 = arith.muli %arg1, %mul3A_138 : i32
    "tpu.region"() ({
      %run_scoped3A_140 = tpu.sem_alloc : memref<!tpu.dma_semaphore, #tpu.memory_space<semaphore_mem>>
      %dma_start3A_141 = arith.constant 0 : i32
      %dma_start3A_142 = tpu.memref_slice %arg6[%arg0, %mul3A_139, %dma_start3A_141] : memref<2x10240x128xf32, #tpu.memory_space<hbm>> -> memref<1x640x128xf32, #tpu.memory_space<hbm>>
      %dma_start3A_143 = tpu.memref_squeeze %dma_start3A_142 : memref<1x640x128xf32, #tpu.memory_space<hbm>> -> memref<640x128xf32, #tpu.memory_space<hbm>>
      %dma_start3A_144 = arith.constant 0 : i32
      %dma_start3A_145 = tpu.memref_slice %arg13[%mul3A_137, %dma_start3A_144] : memref<10240x128xf32, #tpu.memory_space<vmem_shared>> -> memref<640x128xf32, #tpu.memory_space<vmem_shared>>
      tpu.enqueue_dma source(%dma_start3A_145 : memref<640x128xf32, #tpu.memory_space<vmem_shared>>) target(%dma_start3A_143 : memref<640x128xf32, #tpu.memory_space<hbm>>) target_semaphore(%run_scoped3A_140 : memref<!tpu.dma_semaphore, #tpu.memory_space<semaphore_mem>>)
      %dma_wait3A_146 = arith.constant 0 : i32
      %dma_wait3A_147 = tpu.memref_slice %arg6[%arg0, %mul3A_139, %dma_wait3A_146] : memref<2x10240x128xf32, #tpu.memory_space<hbm>> -> memref<1x640x128xf32, #tpu.memory_space<hbm>>
      %dma_wait3A_148 = tpu.memref_squeeze %dma_wait3A_147 : memref<1x640x128xf32, #tpu.memory_space<hbm>> -> memref<640x128xf32, #tpu.memory_space<hbm>>
      %dma_wait3A_149 = arith.constant 0 : i32
      %dma_wait3A_150 = tpu.memref_slice %arg13[%mul3A_137, %dma_wait3A_149] : memref<10240x128xf32, #tpu.memory_space<vmem_shared>> -> memref<640x128xf32, #tpu.memory_space<vmem_shared>>
      tpu.wait_dma2 semaphore(%run_scoped3A_140 : memref<!tpu.dma_semaphore, #tpu.memory_space<semaphore_mem>>) src(%dma_wait3A_150 : memref<640x128xf32, #tpu.memory_space<vmem_shared>>) dst(%dma_wait3A_148 : memref<640x128xf32, #tpu.memory_space<hbm>>)
      tpu.yield
    }) : () -> ()
    return
  }
}

#map = affine_map<(d0, d1) -> (0, 0)>
#map1 = affine_map<(d0, d1) -> (0, 0, 0, 0, 0)>
#map2 = affine_map<(d0, d1) -> (0, 0, 0)>
module attributes {stable_mosaic.version = 14 : i64} {
  func.func @_spmm_entry(%arg0: i32, %arg1: i32, %arg2: memref<10000x128xf32, #tpu.memory_space<hbm>>, %arg3: memref<2x16x2x40x128xi32, #tpu.memory_space<hbm>>, %arg4: memref<2x16x2x80x64xi32, #tpu.memory_space<hbm>>, %arg5: memref<10240x128xf32, #tpu.memory_space<hbm>>, %arg6: memref<2x10240x128xf32, #tpu.memory_space<hbm>>, %arg7: memref<40x128xi32, #tpu.memory_space<vmem>>, %arg8: memref<80x64xi32, #tpu.memory_space<vmem>>, %arg9: memref<64x128xf32, #tpu.memory_space<vmem>>, %arg10: memref<64x128xf32, #tpu.memory_space<vmem>>, %arg11: memref<64x128xf32, #tpu.memory_space<vmem>>, %arg12: memref<64x128xf32, #tpu.memory_space<vmem>>, %arg13: memref<10240x128xf32, #tpu.memory_space<vmem_shared>>, %arg14: memref<!tpu.dma_semaphore, #tpu.memory_space<semaphore_mem>>, %arg15: memref<!tpu.dma_semaphore, #tpu.memory_space<semaphore_mem>>, %arg16: memref<!tpu.dma_semaphore, #tpu.memory_space<semaphore_mem>>, %arg17: memref<!tpu.dma_semaphore, #tpu.memory_space<semaphore_mem>>) attributes {dimension_semantics = [#tpu.dimension_semantics<core_parallel>, #tpu.dimension_semantics<subcore_parallel>], iteration_bounds = array<i64: 2, 16>, scalar_prefetch = 0 : i64, scratch_operands = 11 : i64, tpu.core_type = #tpu.core_type<sc_vector_subcore>, window_params = [{transform_indices = #map}, {transform_indices = #map1}, {transform_indices = #map1}, {transform_indices = #map}, {transform_indices = #map2}]} {
    %mul3A = arith.constant 640 : i32
    %mul3A_0 = arith.muli %arg1, %mul3A : i32
    %mul3A_1 = arith.constant 640 : i32
    %mul3A_2 = arith.muli %arg1, %mul3A_1 : i32
    "tpu.region"() ({
      %run_scoped3A_140 = tpu.sem_alloc : memref<!tpu.dma_semaphore, #tpu.memory_space<semaphore_mem>>
      %dma_start3A_141 = arith.constant 0 : i32
      %dma_start3A_142 = tpu.memref_slice %arg13[%mul3A_2, %dma_start3A_141] : memref<10240x128xf32, #tpu.memory_space<vmem_shared>> -> memref<640x128xf32, #tpu.memory_space<vmem_shared>>
      %dma_start3A_143 = arith.constant 0 : i32
      %dma_start3A_144 = tpu.memref_slice %arg5[%mul3A_0, %dma_start3A_143] : memref<10240x128xf32, #tpu.memory_space<hbm>> -> memref<640x128xf32, #tpu.memory_space<hbm>>
      tpu.enqueue_dma source(%dma_start3A_144 : memref<640x128xf32, #tpu.memory_space<hbm>>) target(%dma_start3A_142 : memref<640x128xf32, #tpu.memory_space<vmem_shared>>) target_semaphore(%run_scoped3A_140 : memref<!tpu.dma_semaphore, #tpu.memory_space<semaphore_mem>>)
      %dma_wait3A_145 = arith.constant 0 : i32
      %dma_wait3A_146 = tpu.memref_slice %arg13[%mul3A_2, %dma_wait3A_145] : memref<10240x128xf32, #tpu.memory_space<vmem_shared>> -> memref<640x128xf32, #tpu.memory_space<vmem_shared>>
      %dma_wait3A_147 = arith.constant 0 : i32
      %dma_wait3A_148 = tpu.memref_slice %arg5[%mul3A_0, %dma_wait3A_147] : memref<10240x128xf32, #tpu.memory_space<hbm>> -> memref<640x128xf32, #tpu.memory_space<hbm>>
      tpu.wait_dma2 semaphore(%run_scoped3A_140 : memref<!tpu.dma_semaphore, #tpu.memory_space<semaphore_mem>>) src(%dma_wait3A_148 : memref<640x128xf32, #tpu.memory_space<hbm>>) dst(%dma_wait3A_146 : memref<640x128xf32, #tpu.memory_space<vmem_shared>>)
      tpu.yield
    }) : () -> ()
    %barrier3A = arith.constant 0 : index
    tpu.barrier barrier_id(%barrier3A)
    %run_scoped3A = arith.constant 0 : i32
    "tpu.region"() ({
      %run_scoped3A_140 = tpu.sem_alloc : memref<!tpu.dma_semaphore, #tpu.memory_space<semaphore_mem>>
      %dma_start3A_141 = arith.constant 0 : i32
      %dma_start3A_142 = arith.constant 0 : i32
      %dma_start3A_143 = tpu.memref_slice %arg3[%arg0, %arg1, %run_scoped3A, %dma_start3A_141, %dma_start3A_142] : memref<2x16x2x40x128xi32, #tpu.memory_space<hbm>> -> memref<1x1x1x40x128xi32, #tpu.memory_space<hbm>>
      %dma_start3A_144 = tpu.memref_squeeze %dma_start3A_143 : memref<1x1x1x40x128xi32, #tpu.memory_space<hbm>> -> memref<40x128xi32, #tpu.memory_space<hbm>>
      %dma_start3A_145 = arith.constant 0 : i32
      %dma_start3A_146 = arith.constant 0 : i32
      %dma_start3A_147 = tpu.memref_slice %arg3[%arg0, %arg1, %run_scoped3A, %dma_start3A_145, %dma_start3A_146] : memref<2x16x2x40x128xi32, #tpu.memory_space<hbm>> -> memref<1x1x1x40x128xi32, #tpu.memory_space<hbm>>
      %dma_start3A_148 = tpu.memref_squeeze %dma_start3A_147 : memref<1x1x1x40x128xi32, #tpu.memory_space<hbm>> -> memref<40x128xi32, #tpu.memory_space<hbm>>
      tpu.enqueue_dma source(%dma_start3A_148 : memref<40x128xi32, #tpu.memory_space<hbm>>) target(%arg7 : memref<40x128xi32, #tpu.memory_space<vmem>>) target_semaphore(%run_scoped3A_140 : memref<!tpu.dma_semaphore, #tpu.memory_space<semaphore_mem>>)
      %dma_wait3A_149 = arith.constant 0 : i32
      %dma_wait3A_150 = arith.constant 0 : i32
      %dma_wait3A_151 = tpu.memref_slice %arg3[%arg0, %arg1, %run_scoped3A, %dma_wait3A_149, %dma_wait3A_150] : memref<2x16x2x40x128xi32, #tpu.memory_space<hbm>> -> memref<1x1x1x40x128xi32, #tpu.memory_space<hbm>>
      %dma_wait3A_152 = tpu.memref_squeeze %dma_wait3A_151 : memref<1x1x1x40x128xi32, #tpu.memory_space<hbm>> -> memref<40x128xi32, #tpu.memory_space<hbm>>
      %dma_wait3A_153 = arith.constant 0 : i32
      %dma_wait3A_154 = arith.constant 0 : i32
      %dma_wait3A_155 = tpu.memref_slice %arg3[%arg0, %arg1, %run_scoped3A, %dma_wait3A_153, %dma_wait3A_154] : memref<2x16x2x40x128xi32, #tpu.memory_space<hbm>> -> memref<1x1x1x40x128xi32, #tpu.memory_space<hbm>>
      %dma_wait3A_156 = tpu.memref_squeeze %dma_wait3A_155 : memref<1x1x1x40x128xi32, #tpu.memory_space<hbm>> -> memref<40x128xi32, #tpu.memory_space<hbm>>
      tpu.wait_dma2 semaphore(%run_scoped3A_140 : memref<!tpu.dma_semaphore, #tpu.memory_space<semaphore_mem>>) src(%dma_wait3A_156 : memref<40x128xi32, #tpu.memory_space<hbm>>) dst(%arg7 : memref<40x128xi32, #tpu.memory_space<vmem>>)
      tpu.yield
    }) : () -> ()
    %run_scoped3A_3 = arith.constant 0 : i32
    "tpu.region"() ({
      %run_scoped3A_140 = tpu.sem_alloc : memref<!tpu.dma_semaphore, #tpu.memory_space<semaphore_mem>>
      %dma_start3A_141 = arith.constant 0 : i32
      %dma_start3A_142 = arith.constant 0 : i32
      %dma_start3A_143 = tpu.memref_slice %arg4[%arg0, %arg1, %run_scoped3A_3, %dma_start3A_141, %dma_start3A_142] : memref<2x16x2x80x64xi32, #tpu.memory_space<hbm>> -> memref<1x1x1x80x64xi32, #tpu.memory_space<hbm>>
      %dma_start3A_144 = tpu.memref_squeeze %dma_start3A_143 : memref<1x1x1x80x64xi32, #tpu.memory_space<hbm>> -> memref<80x64xi32, #tpu.memory_space<hbm>>
      %dma_start3A_145 = arith.constant 0 : i32
      %dma_start3A_146 = arith.constant 0 : i32
      %dma_start3A_147 = tpu.memref_slice %arg4[%arg0, %arg1, %run_scoped3A_3, %dma_start3A_145, %dma_start3A_146] : memref<2x16x2x80x64xi32, #tpu.memory_space<hbm>> -> memref<1x1x1x80x64xi32, #tpu.memory_space<hbm>>
      %dma_start3A_148 = tpu.memref_squeeze %dma_start3A_147 : memref<1x1x1x80x64xi32, #tpu.memory_space<hbm>> -> memref<80x64xi32, #tpu.memory_space<hbm>>
      tpu.enqueue_dma source(%dma_start3A_148 : memref<80x64xi32, #tpu.memory_space<hbm>>) target(%arg8 : memref<80x64xi32, #tpu.memory_space<vmem>>) target_semaphore(%run_scoped3A_140 : memref<!tpu.dma_semaphore, #tpu.memory_space<semaphore_mem>>)
      %dma_wait3A_149 = arith.constant 0 : i32
      %dma_wait3A_150 = arith.constant 0 : i32
      %dma_wait3A_151 = tpu.memref_slice %arg4[%arg0, %arg1, %run_scoped3A_3, %dma_wait3A_149, %dma_wait3A_150] : memref<2x16x2x80x64xi32, #tpu.memory_space<hbm>> -> memref<1x1x1x80x64xi32, #tpu.memory_space<hbm>>
      %dma_wait3A_152 = tpu.memref_squeeze %dma_wait3A_151 : memref<1x1x1x80x64xi32, #tpu.memory_space<hbm>> -> memref<80x64xi32, #tpu.memory_space<hbm>>
      %dma_wait3A_153 = arith.constant 0 : i32
      %dma_wait3A_154 = arith.constant 0 : i32
      %dma_wait3A_155 = tpu.memref_slice %arg4[%arg0, %arg1, %run_scoped3A_3, %dma_wait3A_153, %dma_wait3A_154] : memref<2x16x2x80x64xi32, #tpu.memory_space<hbm>> -> memref<1x1x1x80x64xi32, #tpu.memory_space<hbm>>
      %dma_wait3A_156 = tpu.memref_squeeze %dma_wait3A_155 : memref<1x1x1x80x64xi32, #tpu.memory_space<hbm>> -> memref<80x64xi32, #tpu.memory_space<hbm>>
      tpu.wait_dma2 semaphore(%run_scoped3A_140 : memref<!tpu.dma_semaphore, #tpu.memory_space<semaphore_mem>>) src(%dma_wait3A_156 : memref<80x64xi32, #tpu.memory_space<hbm>>) dst(%arg8 : memref<80x64xi32, #tpu.memory_space<vmem>>)
      tpu.yield
    }) : () -> ()
    %dma_start3A = arith.constant 0 : i32
    %dma_start3A_4 = arith.constant 0 : i32
    %dma_start3A_5 = tpu.memref_slice %arg7[%dma_start3A, %dma_start3A_4] : memref<40x128xi32, #tpu.memory_space<vmem>> -> memref<1x64xi32, #tpu.memory_space<vmem>>
    %dma_start3A_6 = tpu.memref_squeeze %dma_start3A_5 : memref<1x64xi32, #tpu.memory_space<vmem>> -> memref<64xi32, #tpu.memory_space<vmem>>
    %dma_start3A_7 = arith.constant 0 : i32
    %dma_start3A_8 = arith.constant 0 : i32
    %dma_start3A_9 = tpu.memref_slice %arg2[%dma_start3A_7, %dma_start3A_8] : memref<10000x128xf32, #tpu.memory_space<hbm>> -> memref<10000x128xf32, #tpu.memory_space<hbm>>
    tpu.enqueue_indirect_dma source(%dma_start3A_9 : memref<10000x128xf32, #tpu.memory_space<hbm>>) target(%arg9 : memref<64x128xf32, #tpu.memory_space<vmem>>) offsets(%dma_start3A_6 : memref<64xi32, #tpu.memory_space<vmem>>) semaphore(%arg14 : memref<!tpu.dma_semaphore, #tpu.memory_space<semaphore_mem>>)
    %dma_start3A_10 = arith.constant 0 : i32
    %dma_start3A_11 = arith.constant 64 : i32
    %dma_start3A_12 = tpu.memref_slice %arg7[%dma_start3A_10, %dma_start3A_11] : memref<40x128xi32, #tpu.memory_space<vmem>> -> memref<1x64xi32, #tpu.memory_space<vmem>>
    %dma_start3A_13 = tpu.memref_squeeze %dma_start3A_12 : memref<1x64xi32, #tpu.memory_space<vmem>> -> memref<64xi32, #tpu.memory_space<vmem>>
    %dma_start3A_14 = arith.constant 0 : i32
    %dma_start3A_15 = arith.constant 0 : i32
    %dma_start3A_16 = tpu.memref_slice %arg2[%dma_start3A_14, %dma_start3A_15] : memref<10000x128xf32, #tpu.memory_space<hbm>> -> memref<10000x128xf32, #tpu.memory_space<hbm>>
    tpu.enqueue_indirect_dma source(%dma_start3A_16 : memref<10000x128xf32, #tpu.memory_space<hbm>>) target(%arg10 : memref<64x128xf32, #tpu.memory_space<vmem>>) offsets(%dma_start3A_13 : memref<64xi32, #tpu.memory_space<vmem>>) semaphore(%arg15 : memref<!tpu.dma_semaphore, #tpu.memory_space<semaphore_mem>>)
    %dma_start3A_17 = arith.constant 1 : i32
    %dma_start3A_18 = arith.constant 0 : i32
    %dma_start3A_19 = tpu.memref_slice %arg7[%dma_start3A_17, %dma_start3A_18] : memref<40x128xi32, #tpu.memory_space<vmem>> -> memref<1x64xi32, #tpu.memory_space<vmem>>
    %dma_start3A_20 = tpu.memref_squeeze %dma_start3A_19 : memref<1x64xi32, #tpu.memory_space<vmem>> -> memref<64xi32, #tpu.memory_space<vmem>>
    %dma_start3A_21 = arith.constant 0 : i32
    %dma_start3A_22 = arith.constant 0 : i32
    %dma_start3A_23 = tpu.memref_slice %arg2[%dma_start3A_21, %dma_start3A_22] : memref<10000x128xf32, #tpu.memory_space<hbm>> -> memref<10000x128xf32, #tpu.memory_space<hbm>>
    tpu.enqueue_indirect_dma source(%dma_start3A_23 : memref<10000x128xf32, #tpu.memory_space<hbm>>) target(%arg11 : memref<64x128xf32, #tpu.memory_space<vmem>>) offsets(%dma_start3A_20 : memref<64xi32, #tpu.memory_space<vmem>>) semaphore(%arg16 : memref<!tpu.dma_semaphore, #tpu.memory_space<semaphore_mem>>)
    %dma_start3A_24 = arith.constant 1 : i32
    %dma_start3A_25 = arith.constant 64 : i32
    %dma_start3A_26 = tpu.memref_slice %arg7[%dma_start3A_24, %dma_start3A_25] : memref<40x128xi32, #tpu.memory_space<vmem>> -> memref<1x64xi32, #tpu.memory_space<vmem>>
    %dma_start3A_27 = tpu.memref_squeeze %dma_start3A_26 : memref<1x64xi32, #tpu.memory_space<vmem>> -> memref<64xi32, #tpu.memory_space<vmem>>
    %dma_start3A_28 = arith.constant 0 : i32
    %dma_start3A_29 = arith.constant 0 : i32
    %dma_start3A_30 = tpu.memref_slice %arg2[%dma_start3A_28, %dma_start3A_29] : memref<10000x128xf32, #tpu.memory_space<hbm>> -> memref<10000x128xf32, #tpu.memory_space<hbm>>
    tpu.enqueue_indirect_dma source(%dma_start3A_30 : memref<10000x128xf32, #tpu.memory_space<hbm>>) target(%arg12 : memref<64x128xf32, #tpu.memory_space<vmem>>) offsets(%dma_start3A_27 : memref<64xi32, #tpu.memory_space<vmem>>) semaphore(%arg17 : memref<!tpu.dma_semaphore, #tpu.memory_space<semaphore_mem>>)
    %scan3A = arith.constant 0 : i32
    %scan3A_31 = arith.constant 0 : i32
    %scan3A_32 = arith.constant 19 : i32
    %scan3A_33 = arith.addi %scan3A_31, %scan3A_32 : i32
    %scan3A_34 = arith.constant 1 : i32
    scf.for %scan3A_140 = %scan3A_31 to %scan3A_33 step %scan3A_34  : i32 {
      %mul3A_141 = arith.constant 4 : i32
      %mul3A_142 = arith.muli %mul3A_141, %scan3A_140 : i32
      %jit3A = arith.constant 2 : i32
      %div3A = arith.divsi %mul3A_142, %jit3A : i32
      %sign3A = arith.constant 0 : i32
      %sign3A_143 = arith.cmpi sgt, %mul3A_142, %sign3A : i32
      %sign3A_144 = arith.extui %sign3A_143 : i1 to i32
      %sign3A_145 = arith.constant 0 : i32
      %sign3A_146 = arith.cmpi slt, %mul3A_142, %sign3A_145 : i32
      %sign3A_147 = arith.extui %sign3A_146 : i1 to i32
      %sign3A_148 = arith.subi %sign3A_144, %sign3A_147 : i32
      %sign3A_149 = arith.constant 0 : i32
      %sign3A_150 = arith.cmpi sgt, %jit3A, %sign3A_149 : i32
      %sign3A_151 = arith.extui %sign3A_150 : i1 to i32
      %sign3A_152 = arith.constant 0 : i32
      %sign3A_153 = arith.cmpi slt, %jit3A, %sign3A_152 : i32
      %sign3A_154 = arith.extui %sign3A_153 : i1 to i32
      %sign3A_155 = arith.subi %sign3A_151, %sign3A_154 : i32
      %ne3A = arith.cmpi ne, %sign3A_148, %sign3A_155 : i32
      %rem3A = arith.remsi %mul3A_142, %jit3A : i32
      %ne3A_156 = arith.constant 0 : i32
      %ne3A_157 = arith.cmpi ne, %rem3A, %ne3A_156 : i32
      %and3A = arith.andi %ne3A, %ne3A_157 : i1
      %sub3A = arith.constant 1 : i32
      %sub3A_158 = arith.subi %div3A, %sub3A : i32
      %select_n3A = arith.select %and3A, %sub3A_158, %div3A : i32
      %add3A = arith.constant 0 : i32
      %add3A_159 = arith.addi %select_n3A, %add3A : i32
      %dma_wait3A_160 = arith.constant 0 : i32
      %dma_wait3A_161 = tpu.memref_slice %arg7[%add3A_159, %dma_wait3A_160] : memref<40x128xi32, #tpu.memory_space<vmem>> -> memref<1x64xi32, #tpu.memory_space<vmem>>
      %dma_wait3A_162 = tpu.memref_squeeze %dma_wait3A_161 : memref<1x64xi32, #tpu.memory_space<vmem>> -> memref<64xi32, #tpu.memory_space<vmem>>
      %dma_wait3A_163 = arith.constant 0 : i32
      %dma_wait3A_164 = arith.constant 0 : i32
      %dma_wait3A_165 = tpu.memref_slice %arg2[%dma_wait3A_163, %dma_wait3A_164] : memref<10000x128xf32, #tpu.memory_space<hbm>> -> memref<10000x128xf32, #tpu.memory_space<hbm>>
      tpu.wait_indirect_dma semaphore(%arg14 : memref<!tpu.dma_semaphore, #tpu.memory_space<semaphore_mem>>) src(%dma_wait3A_165 : memref<10000x128xf32, #tpu.memory_space<hbm>>) dst(%arg9 : memref<64x128xf32, #tpu.memory_space<vmem>>)
      %add3A_166 = arith.constant 0 : i32
      %add3A_167 = arith.addi %mul3A_142, %add3A_166 : i32
      "tpu.region"() ({
        %run_scoped3A_406 = tpu.sem_alloc : memref<!tpu.dma_semaphore, #tpu.memory_space<semaphore_mem>>
        %dma_start3A_407 = arith.constant 0 : i32
        %dma_start3A_408 = tpu.memref_slice %arg8[%add3A_167, %dma_start3A_407] : memref<80x64xi32, #tpu.memory_space<vmem>> -> memref<1x64xi32, #tpu.memory_space<vmem>>
        %dma_start3A_409 = tpu.memref_squeeze %dma_start3A_408 : memref<1x64xi32, #tpu.memory_space<vmem>> -> memref<64xi32, #tpu.memory_space<vmem>>
        %dma_start3A_410 = arith.constant 0 : i32
        %dma_start3A_411 = arith.constant 0 : i32
        %dma_start3A_412 = tpu.memref_slice %arg13[%dma_start3A_410, %dma_start3A_411] : memref<10240x128xf32, #tpu.memory_space<vmem_shared>> -> memref<10240x128xf32, #tpu.memory_space<vmem_shared>>
        tpu.enqueue_indirect_dma source(%arg9 : memref<64x128xf32, #tpu.memory_space<vmem>>) target(%dma_start3A_412 : memref<10240x128xf32, #tpu.memory_space<vmem_shared>>) offsets(%dma_start3A_409 : memref<64xi32, #tpu.memory_space<vmem>>) semaphore(%run_scoped3A_406 : memref<!tpu.dma_semaphore, #tpu.memory_space<semaphore_mem>>) {add = true}
        %dma_wait3A_413 = arith.constant 0 : i32
        %dma_wait3A_414 = tpu.memref_slice %arg8[%add3A_167, %dma_wait3A_413] : memref<80x64xi32, #tpu.memory_space<vmem>> -> memref<1x64xi32, #tpu.memory_space<vmem>>
        %dma_wait3A_415 = tpu.memref_squeeze %dma_wait3A_414 : memref<1x64xi32, #tpu.memory_space<vmem>> -> memref<64xi32, #tpu.memory_space<vmem>>
        %dma_wait3A_416 = arith.constant 0 : i32
        %dma_wait3A_417 = arith.constant 0 : i32
        %dma_wait3A_418 = tpu.memref_slice %arg13[%dma_wait3A_416, %dma_wait3A_417] : memref<10240x128xf32, #tpu.memory_space<vmem_shared>> -> memref<10240x128xf32, #tpu.memory_space<vmem_shared>>
        tpu.wait_indirect_dma semaphore(%run_scoped3A_406 : memref<!tpu.dma_semaphore, #tpu.memory_space<semaphore_mem>>) src(%arg9 : memref<64x128xf32, #tpu.memory_space<vmem>>) dst(%dma_wait3A_418 : memref<10240x128xf32, #tpu.memory_space<vmem_shared>>)
        tpu.yield
      }) : () -> ()
      %jit3A_168 = arith.constant 2 : i32
      %div3A_169 = arith.divsi %mul3A_142, %jit3A_168 : i32
      %sign3A_170 = arith.constant 0 : i32
      %sign3A_171 = arith.cmpi sgt, %mul3A_142, %sign3A_170 : i32
      %sign3A_172 = arith.extui %sign3A_171 : i1 to i32
      %sign3A_173 = arith.constant 0 : i32
      %sign3A_174 = arith.cmpi slt, %mul3A_142, %sign3A_173 : i32
      %sign3A_175 = arith.extui %sign3A_174 : i1 to i32
      %sign3A_176 = arith.subi %sign3A_172, %sign3A_175 : i32
      %sign3A_177 = arith.constant 0 : i32
      %sign3A_178 = arith.cmpi sgt, %jit3A_168, %sign3A_177 : i32
      %sign3A_179 = arith.extui %sign3A_178 : i1 to i32
      %sign3A_180 = arith.constant 0 : i32
      %sign3A_181 = arith.cmpi slt, %jit3A_168, %sign3A_180 : i32
      %sign3A_182 = arith.extui %sign3A_181 : i1 to i32
      %sign3A_183 = arith.subi %sign3A_179, %sign3A_182 : i32
      %ne3A_184 = arith.cmpi ne, %sign3A_176, %sign3A_183 : i32
      %rem3A_185 = arith.remsi %mul3A_142, %jit3A_168 : i32
      %ne3A_186 = arith.constant 0 : i32
      %ne3A_187 = arith.cmpi ne, %rem3A_185, %ne3A_186 : i32
      %and3A_188 = arith.andi %ne3A_184, %ne3A_187 : i1
      %sub3A_189 = arith.constant 1 : i32
      %sub3A_190 = arith.subi %div3A_169, %sub3A_189 : i32
      %select_n3A_191 = arith.select %and3A_188, %sub3A_190, %div3A_169 : i32
      %add3A_192 = arith.constant 2 : i32
      %add3A_193 = arith.addi %select_n3A_191, %add3A_192 : i32
      %add3A_194 = arith.constant 0 : i32
      %add3A_195 = arith.addi %add3A_193, %add3A_194 : i32
      %dma_start3A_196 = arith.constant 0 : i32
      %dma_start3A_197 = tpu.memref_slice %arg7[%add3A_195, %dma_start3A_196] : memref<40x128xi32, #tpu.memory_space<vmem>> -> memref<1x64xi32, #tpu.memory_space<vmem>>
      %dma_start3A_198 = tpu.memref_squeeze %dma_start3A_197 : memref<1x64xi32, #tpu.memory_space<vmem>> -> memref<64xi32, #tpu.memory_space<vmem>>
      %dma_start3A_199 = arith.constant 0 : i32
      %dma_start3A_200 = arith.constant 0 : i32
      %dma_start3A_201 = tpu.memref_slice %arg2[%dma_start3A_199, %dma_start3A_200] : memref<10000x128xf32, #tpu.memory_space<hbm>> -> memref<10000x128xf32, #tpu.memory_space<hbm>>
      tpu.enqueue_indirect_dma source(%dma_start3A_201 : memref<10000x128xf32, #tpu.memory_space<hbm>>) target(%arg9 : memref<64x128xf32, #tpu.memory_space<vmem>>) offsets(%dma_start3A_198 : memref<64xi32, #tpu.memory_space<vmem>>) semaphore(%arg14 : memref<!tpu.dma_semaphore, #tpu.memory_space<semaphore_mem>>)
      %jit3A_202 = arith.constant 2 : i32
      %div3A_203 = arith.divsi %mul3A_142, %jit3A_202 : i32
      %sign3A_204 = arith.constant 0 : i32
      %sign3A_205 = arith.cmpi sgt, %mul3A_142, %sign3A_204 : i32
      %sign3A_206 = arith.extui %sign3A_205 : i1 to i32
      %sign3A_207 = arith.constant 0 : i32
      %sign3A_208 = arith.cmpi slt, %mul3A_142, %sign3A_207 : i32
      %sign3A_209 = arith.extui %sign3A_208 : i1 to i32
      %sign3A_210 = arith.subi %sign3A_206, %sign3A_209 : i32
      %sign3A_211 = arith.constant 0 : i32
      %sign3A_212 = arith.cmpi sgt, %jit3A_202, %sign3A_211 : i32
      %sign3A_213 = arith.extui %sign3A_212 : i1 to i32
      %sign3A_214 = arith.constant 0 : i32
      %sign3A_215 = arith.cmpi slt, %jit3A_202, %sign3A_214 : i32
      %sign3A_216 = arith.extui %sign3A_215 : i1 to i32
      %sign3A_217 = arith.subi %sign3A_213, %sign3A_216 : i32
      %ne3A_218 = arith.cmpi ne, %sign3A_210, %sign3A_217 : i32
      %rem3A_219 = arith.remsi %mul3A_142, %jit3A_202 : i32
      %ne3A_220 = arith.constant 0 : i32
      %ne3A_221 = arith.cmpi ne, %rem3A_219, %ne3A_220 : i32
      %and3A_222 = arith.andi %ne3A_218, %ne3A_221 : i1
      %sub3A_223 = arith.constant 1 : i32
      %sub3A_224 = arith.subi %div3A_203, %sub3A_223 : i32
      %select_n3A_225 = arith.select %and3A_222, %sub3A_224, %div3A_203 : i32
      %add3A_226 = arith.constant 0 : i32
      %add3A_227 = arith.addi %select_n3A_225, %add3A_226 : i32
      %dma_wait3A_228 = arith.constant 64 : i32
      %dma_wait3A_229 = tpu.memref_slice %arg7[%add3A_227, %dma_wait3A_228] : memref<40x128xi32, #tpu.memory_space<vmem>> -> memref<1x64xi32, #tpu.memory_space<vmem>>
      %dma_wait3A_230 = tpu.memref_squeeze %dma_wait3A_229 : memref<1x64xi32, #tpu.memory_space<vmem>> -> memref<64xi32, #tpu.memory_space<vmem>>
      %dma_wait3A_231 = arith.constant 0 : i32
      %dma_wait3A_232 = arith.constant 0 : i32
      %dma_wait3A_233 = tpu.memref_slice %arg2[%dma_wait3A_231, %dma_wait3A_232] : memref<10000x128xf32, #tpu.memory_space<hbm>> -> memref<10000x128xf32, #tpu.memory_space<hbm>>
      tpu.wait_indirect_dma semaphore(%arg15 : memref<!tpu.dma_semaphore, #tpu.memory_space<semaphore_mem>>) src(%dma_wait3A_233 : memref<10000x128xf32, #tpu.memory_space<hbm>>) dst(%arg10 : memref<64x128xf32, #tpu.memory_space<vmem>>)
      %add3A_234 = arith.constant 1 : i32
      %add3A_235 = arith.addi %mul3A_142, %add3A_234 : i32
      "tpu.region"() ({
        %run_scoped3A_406 = tpu.sem_alloc : memref<!tpu.dma_semaphore, #tpu.memory_space<semaphore_mem>>
        %dma_start3A_407 = arith.constant 0 : i32
        %dma_start3A_408 = tpu.memref_slice %arg8[%add3A_235, %dma_start3A_407] : memref<80x64xi32, #tpu.memory_space<vmem>> -> memref<1x64xi32, #tpu.memory_space<vmem>>
        %dma_start3A_409 = tpu.memref_squeeze %dma_start3A_408 : memref<1x64xi32, #tpu.memory_space<vmem>> -> memref<64xi32, #tpu.memory_space<vmem>>
        %dma_start3A_410 = arith.constant 0 : i32
        %dma_start3A_411 = arith.constant 0 : i32
        %dma_start3A_412 = tpu.memref_slice %arg13[%dma_start3A_410, %dma_start3A_411] : memref<10240x128xf32, #tpu.memory_space<vmem_shared>> -> memref<10240x128xf32, #tpu.memory_space<vmem_shared>>
        tpu.enqueue_indirect_dma source(%arg10 : memref<64x128xf32, #tpu.memory_space<vmem>>) target(%dma_start3A_412 : memref<10240x128xf32, #tpu.memory_space<vmem_shared>>) offsets(%dma_start3A_409 : memref<64xi32, #tpu.memory_space<vmem>>) semaphore(%run_scoped3A_406 : memref<!tpu.dma_semaphore, #tpu.memory_space<semaphore_mem>>) {add = true}
        %dma_wait3A_413 = arith.constant 0 : i32
        %dma_wait3A_414 = tpu.memref_slice %arg8[%add3A_235, %dma_wait3A_413] : memref<80x64xi32, #tpu.memory_space<vmem>> -> memref<1x64xi32, #tpu.memory_space<vmem>>
        %dma_wait3A_415 = tpu.memref_squeeze %dma_wait3A_414 : memref<1x64xi32, #tpu.memory_space<vmem>> -> memref<64xi32, #tpu.memory_space<vmem>>
        %dma_wait3A_416 = arith.constant 0 : i32
        %dma_wait3A_417 = arith.constant 0 : i32
        %dma_wait3A_418 = tpu.memref_slice %arg13[%dma_wait3A_416, %dma_wait3A_417] : memref<10240x128xf32, #tpu.memory_space<vmem_shared>> -> memref<10240x128xf32, #tpu.memory_space<vmem_shared>>
        tpu.wait_indirect_dma semaphore(%run_scoped3A_406 : memref<!tpu.dma_semaphore, #tpu.memory_space<semaphore_mem>>) src(%arg10 : memref<64x128xf32, #tpu.memory_space<vmem>>) dst(%dma_wait3A_418 : memref<10240x128xf32, #tpu.memory_space<vmem_shared>>)
        tpu.yield
      }) : () -> ()
      %jit3A_236 = arith.constant 2 : i32
      %div3A_237 = arith.divsi %mul3A_142, %jit3A_236 : i32
      %sign3A_238 = arith.constant 0 : i32
      %sign3A_239 = arith.cmpi sgt, %mul3A_142, %sign3A_238 : i32
      %sign3A_240 = arith.extui %sign3A_239 : i1 to i32
      %sign3A_241 = arith.constant 0 : i32
      %sign3A_242 = arith.cmpi slt, %mul3A_142, %sign3A_241 : i32
      %sign3A_243 = arith.extui %sign3A_242 : i1 to i32
      %sign3A_244 = arith.subi %sign3A_240, %sign3A_243 : i32
      %sign3A_245 = arith.constant 0 : i32
      %sign3A_246 = arith.cmpi sgt, %jit3A_236, %sign3A_245 : i32
      %sign3A_247 = arith.extui %sign3A_246 : i1 to i32
      %sign3A_248 = arith.constant 0 : i32
      %sign3A_249 = arith.cmpi slt, %jit3A_236, %sign3A_248 : i32
      %sign3A_250 = arith.extui %sign3A_249 : i1 to i32
      %sign3A_251 = arith.subi %sign3A_247, %sign3A_250 : i32
      %ne3A_252 = arith.cmpi ne, %sign3A_244, %sign3A_251 : i32
      %rem3A_253 = arith.remsi %mul3A_142, %jit3A_236 : i32
      %ne3A_254 = arith.constant 0 : i32
      %ne3A_255 = arith.cmpi ne, %rem3A_253, %ne3A_254 : i32
      %and3A_256 = arith.andi %ne3A_252, %ne3A_255 : i1
      %sub3A_257 = arith.constant 1 : i32
      %sub3A_258 = arith.subi %div3A_237, %sub3A_257 : i32
      %select_n3A_259 = arith.select %and3A_256, %sub3A_258, %div3A_237 : i32
      %add3A_260 = arith.constant 2 : i32
      %add3A_261 = arith.addi %select_n3A_259, %add3A_260 : i32
      %add3A_262 = arith.constant 0 : i32
      %add3A_263 = arith.addi %add3A_261, %add3A_262 : i32
      %dma_start3A_264 = arith.constant 64 : i32
      %dma_start3A_265 = tpu.memref_slice %arg7[%add3A_263, %dma_start3A_264] : memref<40x128xi32, #tpu.memory_space<vmem>> -> memref<1x64xi32, #tpu.memory_space<vmem>>
      %dma_start3A_266 = tpu.memref_squeeze %dma_start3A_265 : memref<1x64xi32, #tpu.memory_space<vmem>> -> memref<64xi32, #tpu.memory_space<vmem>>
      %dma_start3A_267 = arith.constant 0 : i32
      %dma_start3A_268 = arith.constant 0 : i32
      %dma_start3A_269 = tpu.memref_slice %arg2[%dma_start3A_267, %dma_start3A_268] : memref<10000x128xf32, #tpu.memory_space<hbm>> -> memref<10000x128xf32, #tpu.memory_space<hbm>>
      tpu.enqueue_indirect_dma source(%dma_start3A_269 : memref<10000x128xf32, #tpu.memory_space<hbm>>) target(%arg10 : memref<64x128xf32, #tpu.memory_space<vmem>>) offsets(%dma_start3A_266 : memref<64xi32, #tpu.memory_space<vmem>>) semaphore(%arg15 : memref<!tpu.dma_semaphore, #tpu.memory_space<semaphore_mem>>)
      %jit3A_270 = arith.constant 2 : i32
      %div3A_271 = arith.divsi %mul3A_142, %jit3A_270 : i32
      %sign3A_272 = arith.constant 0 : i32
      %sign3A_273 = arith.cmpi sgt, %mul3A_142, %sign3A_272 : i32
      %sign3A_274 = arith.extui %sign3A_273 : i1 to i32
      %sign3A_275 = arith.constant 0 : i32
      %sign3A_276 = arith.cmpi slt, %mul3A_142, %sign3A_275 : i32
      %sign3A_277 = arith.extui %sign3A_276 : i1 to i32
      %sign3A_278 = arith.subi %sign3A_274, %sign3A_277 : i32
      %sign3A_279 = arith.constant 0 : i32
      %sign3A_280 = arith.cmpi sgt, %jit3A_270, %sign3A_279 : i32
      %sign3A_281 = arith.extui %sign3A_280 : i1 to i32
      %sign3A_282 = arith.constant 0 : i32
      %sign3A_283 = arith.cmpi slt, %jit3A_270, %sign3A_282 : i32
      %sign3A_284 = arith.extui %sign3A_283 : i1 to i32
      %sign3A_285 = arith.subi %sign3A_281, %sign3A_284 : i32
      %ne3A_286 = arith.cmpi ne, %sign3A_278, %sign3A_285 : i32
      %rem3A_287 = arith.remsi %mul3A_142, %jit3A_270 : i32
      %ne3A_288 = arith.constant 0 : i32
      %ne3A_289 = arith.cmpi ne, %rem3A_287, %ne3A_288 : i32
      %and3A_290 = arith.andi %ne3A_286, %ne3A_289 : i1
      %sub3A_291 = arith.constant 1 : i32
      %sub3A_292 = arith.subi %div3A_271, %sub3A_291 : i32
      %select_n3A_293 = arith.select %and3A_290, %sub3A_292, %div3A_271 : i32
      %add3A_294 = arith.constant 1 : i32
      %add3A_295 = arith.addi %select_n3A_293, %add3A_294 : i32
      %dma_wait3A_296 = arith.constant 0 : i32
      %dma_wait3A_297 = tpu.memref_slice %arg7[%add3A_295, %dma_wait3A_296] : memref<40x128xi32, #tpu.memory_space<vmem>> -> memref<1x64xi32, #tpu.memory_space<vmem>>
      %dma_wait3A_298 = tpu.memref_squeeze %dma_wait3A_297 : memref<1x64xi32, #tpu.memory_space<vmem>> -> memref<64xi32, #tpu.memory_space<vmem>>
      %dma_wait3A_299 = arith.constant 0 : i32
      %dma_wait3A_300 = arith.constant 0 : i32
      %dma_wait3A_301 = tpu.memref_slice %arg2[%dma_wait3A_299, %dma_wait3A_300] : memref<10000x128xf32, #tpu.memory_space<hbm>> -> memref<10000x128xf32, #tpu.memory_space<hbm>>
      tpu.wait_indirect_dma semaphore(%arg16 : memref<!tpu.dma_semaphore, #tpu.memory_space<semaphore_mem>>) src(%dma_wait3A_301 : memref<10000x128xf32, #tpu.memory_space<hbm>>) dst(%arg11 : memref<64x128xf32, #tpu.memory_space<vmem>>)
      %add3A_302 = arith.constant 2 : i32
      %add3A_303 = arith.addi %mul3A_142, %add3A_302 : i32
      "tpu.region"() ({
        %run_scoped3A_406 = tpu.sem_alloc : memref<!tpu.dma_semaphore, #tpu.memory_space<semaphore_mem>>
        %dma_start3A_407 = arith.constant 0 : i32
        %dma_start3A_408 = tpu.memref_slice %arg8[%add3A_303, %dma_start3A_407] : memref<80x64xi32, #tpu.memory_space<vmem>> -> memref<1x64xi32, #tpu.memory_space<vmem>>
        %dma_start3A_409 = tpu.memref_squeeze %dma_start3A_408 : memref<1x64xi32, #tpu.memory_space<vmem>> -> memref<64xi32, #tpu.memory_space<vmem>>
        %dma_start3A_410 = arith.constant 0 : i32
        %dma_start3A_411 = arith.constant 0 : i32
        %dma_start3A_412 = tpu.memref_slice %arg13[%dma_start3A_410, %dma_start3A_411] : memref<10240x128xf32, #tpu.memory_space<vmem_shared>> -> memref<10240x128xf32, #tpu.memory_space<vmem_shared>>
        tpu.enqueue_indirect_dma source(%arg11 : memref<64x128xf32, #tpu.memory_space<vmem>>) target(%dma_start3A_412 : memref<10240x128xf32, #tpu.memory_space<vmem_shared>>) offsets(%dma_start3A_409 : memref<64xi32, #tpu.memory_space<vmem>>) semaphore(%run_scoped3A_406 : memref<!tpu.dma_semaphore, #tpu.memory_space<semaphore_mem>>) {add = true}
        %dma_wait3A_413 = arith.constant 0 : i32
        %dma_wait3A_414 = tpu.memref_slice %arg8[%add3A_303, %dma_wait3A_413] : memref<80x64xi32, #tpu.memory_space<vmem>> -> memref<1x64xi32, #tpu.memory_space<vmem>>
        %dma_wait3A_415 = tpu.memref_squeeze %dma_wait3A_414 : memref<1x64xi32, #tpu.memory_space<vmem>> -> memref<64xi32, #tpu.memory_space<vmem>>
        %dma_wait3A_416 = arith.constant 0 : i32
        %dma_wait3A_417 = arith.constant 0 : i32
        %dma_wait3A_418 = tpu.memref_slice %arg13[%dma_wait3A_416, %dma_wait3A_417] : memref<10240x128xf32, #tpu.memory_space<vmem_shared>> -> memref<10240x128xf32, #tpu.memory_space<vmem_shared>>
        tpu.wait_indirect_dma semaphore(%run_scoped3A_406 : memref<!tpu.dma_semaphore, #tpu.memory_space<semaphore_mem>>) src(%arg11 : memref<64x128xf32, #tpu.memory_space<vmem>>) dst(%dma_wait3A_418 : memref<10240x128xf32, #tpu.memory_space<vmem_shared>>)
        tpu.yield
      }) : () -> ()
      %jit3A_304 = arith.constant 2 : i32
      %div3A_305 = arith.divsi %mul3A_142, %jit3A_304 : i32
      %sign3A_306 = arith.constant 0 : i32
      %sign3A_307 = arith.cmpi sgt, %mul3A_142, %sign3A_306 : i32
      %sign3A_308 = arith.extui %sign3A_307 : i1 to i32
      %sign3A_309 = arith.constant 0 : i32
      %sign3A_310 = arith.cmpi slt, %mul3A_142, %sign3A_309 : i32
      %sign3A_311 = arith.extui %sign3A_310 : i1 to i32
      %sign3A_312 = arith.subi %sign3A_308, %sign3A_311 : i32
      %sign3A_313 = arith.constant 0 : i32
      %sign3A_314 = arith.cmpi sgt, %jit3A_304, %sign3A_313 : i32
      %sign3A_315 = arith.extui %sign3A_314 : i1 to i32
      %sign3A_316 = arith.constant 0 : i32
      %sign3A_317 = arith.cmpi slt, %jit3A_304, %sign3A_316 : i32
      %sign3A_318 = arith.extui %sign3A_317 : i1 to i32
      %sign3A_319 = arith.subi %sign3A_315, %sign3A_318 : i32
      %ne3A_320 = arith.cmpi ne, %sign3A_312, %sign3A_319 : i32
      %rem3A_321 = arith.remsi %mul3A_142, %jit3A_304 : i32
      %ne3A_322 = arith.constant 0 : i32
      %ne3A_323 = arith.cmpi ne, %rem3A_321, %ne3A_322 : i32
      %and3A_324 = arith.andi %ne3A_320, %ne3A_323 : i1
      %sub3A_325 = arith.constant 1 : i32
      %sub3A_326 = arith.subi %div3A_305, %sub3A_325 : i32
      %select_n3A_327 = arith.select %and3A_324, %sub3A_326, %div3A_305 : i32
      %add3A_328 = arith.constant 2 : i32
      %add3A_329 = arith.addi %select_n3A_327, %add3A_328 : i32
      %add3A_330 = arith.constant 1 : i32
      %add3A_331 = arith.addi %add3A_329, %add3A_330 : i32
      %dma_start3A_332 = arith.constant 0 : i32
      %dma_start3A_333 = tpu.memref_slice %arg7[%add3A_331, %dma_start3A_332] : memref<40x128xi32, #tpu.memory_space<vmem>> -> memref<1x64xi32, #tpu.memory_space<vmem>>
      %dma_start3A_334 = tpu.memref_squeeze %dma_start3A_333 : memref<1x64xi32, #tpu.memory_space<vmem>> -> memref<64xi32, #tpu.memory_space<vmem>>
      %dma_start3A_335 = arith.constant 0 : i32
      %dma_start3A_336 = arith.constant 0 : i32
      %dma_start3A_337 = tpu.memref_slice %arg2[%dma_start3A_335, %dma_start3A_336] : memref<10000x128xf32, #tpu.memory_space<hbm>> -> memref<10000x128xf32, #tpu.memory_space<hbm>>
      tpu.enqueue_indirect_dma source(%dma_start3A_337 : memref<10000x128xf32, #tpu.memory_space<hbm>>) target(%arg11 : memref<64x128xf32, #tpu.memory_space<vmem>>) offsets(%dma_start3A_334 : memref<64xi32, #tpu.memory_space<vmem>>) semaphore(%arg16 : memref<!tpu.dma_semaphore, #tpu.memory_space<semaphore_mem>>)
      %jit3A_338 = arith.constant 2 : i32
      %div3A_339 = arith.divsi %mul3A_142, %jit3A_338 : i32
      %sign3A_340 = arith.constant 0 : i32
      %sign3A_341 = arith.cmpi sgt, %mul3A_142, %sign3A_340 : i32
      %sign3A_342 = arith.extui %sign3A_341 : i1 to i32
      %sign3A_343 = arith.constant 0 : i32
      %sign3A_344 = arith.cmpi slt, %mul3A_142, %sign3A_343 : i32
      %sign3A_345 = arith.extui %sign3A_344 : i1 to i32
      %sign3A_346 = arith.subi %sign3A_342, %sign3A_345 : i32
      %sign3A_347 = arith.constant 0 : i32
      %sign3A_348 = arith.cmpi sgt, %jit3A_338, %sign3A_347 : i32
      %sign3A_349 = arith.extui %sign3A_348 : i1 to i32
      %sign3A_350 = arith.constant 0 : i32
      %sign3A_351 = arith.cmpi slt, %jit3A_338, %sign3A_350 : i32
      %sign3A_352 = arith.extui %sign3A_351 : i1 to i32
      %sign3A_353 = arith.subi %sign3A_349, %sign3A_352 : i32
      %ne3A_354 = arith.cmpi ne, %sign3A_346, %sign3A_353 : i32
      %rem3A_355 = arith.remsi %mul3A_142, %jit3A_338 : i32
      %ne3A_356 = arith.constant 0 : i32
      %ne3A_357 = arith.cmpi ne, %rem3A_355, %ne3A_356 : i32
      %and3A_358 = arith.andi %ne3A_354, %ne3A_357 : i1
      %sub3A_359 = arith.constant 1 : i32
      %sub3A_360 = arith.subi %div3A_339, %sub3A_359 : i32
      %select_n3A_361 = arith.select %and3A_358, %sub3A_360, %div3A_339 : i32
      %add3A_362 = arith.constant 1 : i32
      %add3A_363 = arith.addi %select_n3A_361, %add3A_362 : i32
      %dma_wait3A_364 = arith.constant 64 : i32
      %dma_wait3A_365 = tpu.memref_slice %arg7[%add3A_363, %dma_wait3A_364] : memref<40x128xi32, #tpu.memory_space<vmem>> -> memref<1x64xi32, #tpu.memory_space<vmem>>
      %dma_wait3A_366 = tpu.memref_squeeze %dma_wait3A_365 : memref<1x64xi32, #tpu.memory_space<vmem>> -> memref<64xi32, #tpu.memory_space<vmem>>
      %dma_wait3A_367 = arith.constant 0 : i32
      %dma_wait3A_368 = arith.constant 0 : i32
      %dma_wait3A_369 = tpu.memref_slice %arg2[%dma_wait3A_367, %dma_wait3A_368] : memref<10000x128xf32, #tpu.memory_space<hbm>> -> memref<10000x128xf32, #tpu.memory_space<hbm>>
      tpu.wait_indirect_dma semaphore(%arg17 : memref<!tpu.dma_semaphore, #tpu.memory_space<semaphore_mem>>) src(%dma_wait3A_369 : memref<10000x128xf32, #tpu.memory_space<hbm>>) dst(%arg12 : memref<64x128xf32, #tpu.memory_space<vmem>>)
      %add3A_370 = arith.constant 3 : i32
      %add3A_371 = arith.addi %mul3A_142, %add3A_370 : i32
      "tpu.region"() ({
        %run_scoped3A_406 = tpu.sem_alloc : memref<!tpu.dma_semaphore, #tpu.memory_space<semaphore_mem>>
        %dma_start3A_407 = arith.constant 0 : i32
        %dma_start3A_408 = tpu.memref_slice %arg8[%add3A_371, %dma_start3A_407] : memref<80x64xi32, #tpu.memory_space<vmem>> -> memref<1x64xi32, #tpu.memory_space<vmem>>
        %dma_start3A_409 = tpu.memref_squeeze %dma_start3A_408 : memref<1x64xi32, #tpu.memory_space<vmem>> -> memref<64xi32, #tpu.memory_space<vmem>>
        %dma_start3A_410 = arith.constant 0 : i32
        %dma_start3A_411 = arith.constant 0 : i32
        %dma_start3A_412 = tpu.memref_slice %arg13[%dma_start3A_410, %dma_start3A_411] : memref<10240x128xf32, #tpu.memory_space<vmem_shared>> -> memref<10240x128xf32, #tpu.memory_space<vmem_shared>>
        tpu.enqueue_indirect_dma source(%arg12 : memref<64x128xf32, #tpu.memory_space<vmem>>) target(%dma_start3A_412 : memref<10240x128xf32, #tpu.memory_space<vmem_shared>>) offsets(%dma_start3A_409 : memref<64xi32, #tpu.memory_space<vmem>>) semaphore(%run_scoped3A_406 : memref<!tpu.dma_semaphore, #tpu.memory_space<semaphore_mem>>) {add = true}
        %dma_wait3A_413 = arith.constant 0 : i32
        %dma_wait3A_414 = tpu.memref_slice %arg8[%add3A_371, %dma_wait3A_413] : memref<80x64xi32, #tpu.memory_space<vmem>> -> memref<1x64xi32, #tpu.memory_space<vmem>>
        %dma_wait3A_415 = tpu.memref_squeeze %dma_wait3A_414 : memref<1x64xi32, #tpu.memory_space<vmem>> -> memref<64xi32, #tpu.memory_space<vmem>>
        %dma_wait3A_416 = arith.constant 0 : i32
        %dma_wait3A_417 = arith.constant 0 : i32
        %dma_wait3A_418 = tpu.memref_slice %arg13[%dma_wait3A_416, %dma_wait3A_417] : memref<10240x128xf32, #tpu.memory_space<vmem_shared>> -> memref<10240x128xf32, #tpu.memory_space<vmem_shared>>
        tpu.wait_indirect_dma semaphore(%run_scoped3A_406 : memref<!tpu.dma_semaphore, #tpu.memory_space<semaphore_mem>>) src(%arg12 : memref<64x128xf32, #tpu.memory_space<vmem>>) dst(%dma_wait3A_418 : memref<10240x128xf32, #tpu.memory_space<vmem_shared>>)
        tpu.yield
      }) : () -> ()
      %jit3A_372 = arith.constant 2 : i32
      %div3A_373 = arith.divsi %mul3A_142, %jit3A_372 : i32
      %sign3A_374 = arith.constant 0 : i32
      %sign3A_375 = arith.cmpi sgt, %mul3A_142, %sign3A_374 : i32
      %sign3A_376 = arith.extui %sign3A_375 : i1 to i32
      %sign3A_377 = arith.constant 0 : i32
      %sign3A_378 = arith.cmpi slt, %mul3A_142, %sign3A_377 : i32
      %sign3A_379 = arith.extui %sign3A_378 : i1 to i32
      %sign3A_380 = arith.subi %sign3A_376, %sign3A_379 : i32
      %sign3A_381 = arith.constant 0 : i32
      %sign3A_382 = arith.cmpi sgt, %jit3A_372, %sign3A_381 : i32
      %sign3A_383 = arith.extui %sign3A_382 : i1 to i32
      %sign3A_384 = arith.constant 0 : i32
      %sign3A_385 = arith.cmpi slt, %jit3A_372, %sign3A_384 : i32
      %sign3A_386 = arith.extui %sign3A_385 : i1 to i32
      %sign3A_387 = arith.subi %sign3A_383, %sign3A_386 : i32
      %ne3A_388 = arith.cmpi ne, %sign3A_380, %sign3A_387 : i32
      %rem3A_389 = arith.remsi %mul3A_142, %jit3A_372 : i32
      %ne3A_390 = arith.constant 0 : i32
      %ne3A_391 = arith.cmpi ne, %rem3A_389, %ne3A_390 : i32
      %and3A_392 = arith.andi %ne3A_388, %ne3A_391 : i1
      %sub3A_393 = arith.constant 1 : i32
      %sub3A_394 = arith.subi %div3A_373, %sub3A_393 : i32
      %select_n3A_395 = arith.select %and3A_392, %sub3A_394, %div3A_373 : i32
      %add3A_396 = arith.constant 2 : i32
      %add3A_397 = arith.addi %select_n3A_395, %add3A_396 : i32
      %add3A_398 = arith.constant 1 : i32
      %add3A_399 = arith.addi %add3A_397, %add3A_398 : i32
      %dma_start3A_400 = arith.constant 64 : i32
      %dma_start3A_401 = tpu.memref_slice %arg7[%add3A_399, %dma_start3A_400] : memref<40x128xi32, #tpu.memory_space<vmem>> -> memref<1x64xi32, #tpu.memory_space<vmem>>
      %dma_start3A_402 = tpu.memref_squeeze %dma_start3A_401 : memref<1x64xi32, #tpu.memory_space<vmem>> -> memref<64xi32, #tpu.memory_space<vmem>>
      %dma_start3A_403 = arith.constant 0 : i32
      %dma_start3A_404 = arith.constant 0 : i32
      %dma_start3A_405 = tpu.memref_slice %arg2[%dma_start3A_403, %dma_start3A_404] : memref<10000x128xf32, #tpu.memory_space<hbm>> -> memref<10000x128xf32, #tpu.memory_space<hbm>>
      tpu.enqueue_indirect_dma source(%dma_start3A_405 : memref<10000x128xf32, #tpu.memory_space<hbm>>) target(%arg12 : memref<64x128xf32, #tpu.memory_space<vmem>>) offsets(%dma_start3A_402 : memref<64xi32, #tpu.memory_space<vmem>>) semaphore(%arg17 : memref<!tpu.dma_semaphore, #tpu.memory_space<semaphore_mem>>)
    }
    %scan3A_35 = arith.constant 19 : i32
    %dma_wait3A = arith.constant 38 : i32
    %dma_wait3A_36 = arith.constant 0 : i32
    %dma_wait3A_37 = tpu.memref_slice %arg7[%dma_wait3A, %dma_wait3A_36] : memref<40x128xi32, #tpu.memory_space<vmem>> -> memref<1x64xi32, #tpu.memory_space<vmem>>
    %dma_wait3A_38 = tpu.memref_squeeze %dma_wait3A_37 : memref<1x64xi32, #tpu.memory_space<vmem>> -> memref<64xi32, #tpu.memory_space<vmem>>
    %dma_wait3A_39 = arith.constant 0 : i32
    %dma_wait3A_40 = arith.constant 0 : i32
    %dma_wait3A_41 = tpu.memref_slice %arg2[%dma_wait3A_39, %dma_wait3A_40] : memref<10000x128xf32, #tpu.memory_space<hbm>> -> memref<10000x128xf32, #tpu.memory_space<hbm>>
    tpu.wait_indirect_dma semaphore(%arg14 : memref<!tpu.dma_semaphore, #tpu.memory_space<semaphore_mem>>) src(%dma_wait3A_41 : memref<10000x128xf32, #tpu.memory_space<hbm>>) dst(%arg9 : memref<64x128xf32, #tpu.memory_space<vmem>>)
    %run_scoped3A_42 = arith.constant 76 : i32
    "tpu.region"() ({
      %run_scoped3A_140 = tpu.sem_alloc : memref<!tpu.dma_semaphore, #tpu.memory_space<semaphore_mem>>
      %dma_start3A_141 = arith.constant 0 : i32
      %dma_start3A_142 = tpu.memref_slice %arg8[%run_scoped3A_42, %dma_start3A_141] : memref<80x64xi32, #tpu.memory_space<vmem>> -> memref<1x64xi32, #tpu.memory_space<vmem>>
      %dma_start3A_143 = tpu.memref_squeeze %dma_start3A_142 : memref<1x64xi32, #tpu.memory_space<vmem>> -> memref<64xi32, #tpu.memory_space<vmem>>
      %dma_start3A_144 = arith.constant 0 : i32
      %dma_start3A_145 = arith.constant 0 : i32
      %dma_start3A_146 = tpu.memref_slice %arg13[%dma_start3A_144, %dma_start3A_145] : memref<10240x128xf32, #tpu.memory_space<vmem_shared>> -> memref<10240x128xf32, #tpu.memory_space<vmem_shared>>
      tpu.enqueue_indirect_dma source(%arg9 : memref<64x128xf32, #tpu.memory_space<vmem>>) target(%dma_start3A_146 : memref<10240x128xf32, #tpu.memory_space<vmem_shared>>) offsets(%dma_start3A_143 : memref<64xi32, #tpu.memory_space<vmem>>) semaphore(%run_scoped3A_140 : memref<!tpu.dma_semaphore, #tpu.memory_space<semaphore_mem>>) {add = true}
      %dma_wait3A_147 = arith.constant 0 : i32
      %dma_wait3A_148 = tpu.memref_slice %arg8[%run_scoped3A_42, %dma_wait3A_147] : memref<80x64xi32, #tpu.memory_space<vmem>> -> memref<1x64xi32, #tpu.memory_space<vmem>>
      %dma_wait3A_149 = tpu.memref_squeeze %dma_wait3A_148 : memref<1x64xi32, #tpu.memory_space<vmem>> -> memref<64xi32, #tpu.memory_space<vmem>>
      %dma_wait3A_150 = arith.constant 0 : i32
      %dma_wait3A_151 = arith.constant 0 : i32
      %dma_wait3A_152 = tpu.memref_slice %arg13[%dma_wait3A_150, %dma_wait3A_151] : memref<10240x128xf32, #tpu.memory_space<vmem_shared>> -> memref<10240x128xf32, #tpu.memory_space<vmem_shared>>
      tpu.wait_indirect_dma semaphore(%run_scoped3A_140 : memref<!tpu.dma_semaphore, #tpu.memory_space<semaphore_mem>>) src(%arg9 : memref<64x128xf32, #tpu.memory_space<vmem>>) dst(%dma_wait3A_152 : memref<10240x128xf32, #tpu.memory_space<vmem_shared>>)
      tpu.yield
    }) : () -> ()
    %dma_wait3A_43 = arith.constant 38 : i32
    %dma_wait3A_44 = arith.constant 64 : i32
    %dma_wait3A_45 = tpu.memref_slice %arg7[%dma_wait3A_43, %dma_wait3A_44] : memref<40x128xi32, #tpu.memory_space<vmem>> -> memref<1x64xi32, #tpu.memory_space<vmem>>
    %dma_wait3A_46 = tpu.memref_squeeze %dma_wait3A_45 : memref<1x64xi32, #tpu.memory_space<vmem>> -> memref<64xi32, #tpu.memory_space<vmem>>
    %dma_wait3A_47 = arith.constant 0 : i32
    %dma_wait3A_48 = arith.constant 0 : i32
    %dma_wait3A_49 = tpu.memref_slice %arg2[%dma_wait3A_47, %dma_wait3A_48] : memref<10000x128xf32, #tpu.memory_space<hbm>> -> memref<10000x128xf32, #tpu.memory_space<hbm>>
    tpu.wait_indirect_dma semaphore(%arg15 : memref<!tpu.dma_semaphore, #tpu.memory_space<semaphore_mem>>) src(%dma_wait3A_49 : memref<10000x128xf32, #tpu.memory_space<hbm>>) dst(%arg10 : memref<64x128xf32, #tpu.memory_space<vmem>>)
    %run_scoped3A_50 = arith.constant 77 : i32
    "tpu.region"() ({
      %run_scoped3A_140 = tpu.sem_alloc : memref<!tpu.dma_semaphore, #tpu.memory_space<semaphore_mem>>
      %dma_start3A_141 = arith.constant 0 : i32
      %dma_start3A_142 = tpu.memref_slice %arg8[%run_scoped3A_50, %dma_start3A_141] : memref<80x64xi32, #tpu.memory_space<vmem>> -> memref<1x64xi32, #tpu.memory_space<vmem>>
      %dma_start3A_143 = tpu.memref_squeeze %dma_start3A_142 : memref<1x64xi32, #tpu.memory_space<vmem>> -> memref<64xi32, #tpu.memory_space<vmem>>
      %dma_start3A_144 = arith.constant 0 : i32
      %dma_start3A_145 = arith.constant 0 : i32
      %dma_start3A_146 = tpu.memref_slice %arg13[%dma_start3A_144, %dma_start3A_145] : memref<10240x128xf32, #tpu.memory_space<vmem_shared>> -> memref<10240x128xf32, #tpu.memory_space<vmem_shared>>
      tpu.enqueue_indirect_dma source(%arg10 : memref<64x128xf32, #tpu.memory_space<vmem>>) target(%dma_start3A_146 : memref<10240x128xf32, #tpu.memory_space<vmem_shared>>) offsets(%dma_start3A_143 : memref<64xi32, #tpu.memory_space<vmem>>) semaphore(%run_scoped3A_140 : memref<!tpu.dma_semaphore, #tpu.memory_space<semaphore_mem>>) {add = true}
      %dma_wait3A_147 = arith.constant 0 : i32
      %dma_wait3A_148 = tpu.memref_slice %arg8[%run_scoped3A_50, %dma_wait3A_147] : memref<80x64xi32, #tpu.memory_space<vmem>> -> memref<1x64xi32, #tpu.memory_space<vmem>>
      %dma_wait3A_149 = tpu.memref_squeeze %dma_wait3A_148 : memref<1x64xi32, #tpu.memory_space<vmem>> -> memref<64xi32, #tpu.memory_space<vmem>>
      %dma_wait3A_150 = arith.constant 0 : i32
      %dma_wait3A_151 = arith.constant 0 : i32
      %dma_wait3A_152 = tpu.memref_slice %arg13[%dma_wait3A_150, %dma_wait3A_151] : memref<10240x128xf32, #tpu.memory_space<vmem_shared>> -> memref<10240x128xf32, #tpu.memory_space<vmem_shared>>
      tpu.wait_indirect_dma semaphore(%run_scoped3A_140 : memref<!tpu.dma_semaphore, #tpu.memory_space<semaphore_mem>>) src(%arg10 : memref<64x128xf32, #tpu.memory_space<vmem>>) dst(%dma_wait3A_152 : memref<10240x128xf32, #tpu.memory_space<vmem_shared>>)
      tpu.yield
    }) : () -> ()
    %dma_wait3A_51 = arith.constant 39 : i32
    %dma_wait3A_52 = arith.constant 0 : i32
    %dma_wait3A_53 = tpu.memref_slice %arg7[%dma_wait3A_51, %dma_wait3A_52] : memref<40x128xi32, #tpu.memory_space<vmem>> -> memref<1x64xi32, #tpu.memory_space<vmem>>
    %dma_wait3A_54 = tpu.memref_squeeze %dma_wait3A_53 : memref<1x64xi32, #tpu.memory_space<vmem>> -> memref<64xi32, #tpu.memory_space<vmem>>
    %dma_wait3A_55 = arith.constant 0 : i32
    %dma_wait3A_56 = arith.constant 0 : i32
    %dma_wait3A_57 = tpu.memref_slice %arg2[%dma_wait3A_55, %dma_wait3A_56] : memref<10000x128xf32, #tpu.memory_space<hbm>> -> memref<10000x128xf32, #tpu.memory_space<hbm>>
    tpu.wait_indirect_dma semaphore(%arg16 : memref<!tpu.dma_semaphore, #tpu.memory_space<semaphore_mem>>) src(%dma_wait3A_57 : memref<10000x128xf32, #tpu.memory_space<hbm>>) dst(%arg11 : memref<64x128xf32, #tpu.memory_space<vmem>>)
    %run_scoped3A_58 = arith.constant 78 : i32
    "tpu.region"() ({
      %run_scoped3A_140 = tpu.sem_alloc : memref<!tpu.dma_semaphore, #tpu.memory_space<semaphore_mem>>
      %dma_start3A_141 = arith.constant 0 : i32
      %dma_start3A_142 = tpu.memref_slice %arg8[%run_scoped3A_58, %dma_start3A_141] : memref<80x64xi32, #tpu.memory_space<vmem>> -> memref<1x64xi32, #tpu.memory_space<vmem>>
      %dma_start3A_143 = tpu.memref_squeeze %dma_start3A_142 : memref<1x64xi32, #tpu.memory_space<vmem>> -> memref<64xi32, #tpu.memory_space<vmem>>
      %dma_start3A_144 = arith.constant 0 : i32
      %dma_start3A_145 = arith.constant 0 : i32
      %dma_start3A_146 = tpu.memref_slice %arg13[%dma_start3A_144, %dma_start3A_145] : memref<10240x128xf32, #tpu.memory_space<vmem_shared>> -> memref<10240x128xf32, #tpu.memory_space<vmem_shared>>
      tpu.enqueue_indirect_dma source(%arg11 : memref<64x128xf32, #tpu.memory_space<vmem>>) target(%dma_start3A_146 : memref<10240x128xf32, #tpu.memory_space<vmem_shared>>) offsets(%dma_start3A_143 : memref<64xi32, #tpu.memory_space<vmem>>) semaphore(%run_scoped3A_140 : memref<!tpu.dma_semaphore, #tpu.memory_space<semaphore_mem>>) {add = true}
      %dma_wait3A_147 = arith.constant 0 : i32
      %dma_wait3A_148 = tpu.memref_slice %arg8[%run_scoped3A_58, %dma_wait3A_147] : memref<80x64xi32, #tpu.memory_space<vmem>> -> memref<1x64xi32, #tpu.memory_space<vmem>>
      %dma_wait3A_149 = tpu.memref_squeeze %dma_wait3A_148 : memref<1x64xi32, #tpu.memory_space<vmem>> -> memref<64xi32, #tpu.memory_space<vmem>>
      %dma_wait3A_150 = arith.constant 0 : i32
      %dma_wait3A_151 = arith.constant 0 : i32
      %dma_wait3A_152 = tpu.memref_slice %arg13[%dma_wait3A_150, %dma_wait3A_151] : memref<10240x128xf32, #tpu.memory_space<vmem_shared>> -> memref<10240x128xf32, #tpu.memory_space<vmem_shared>>
      tpu.wait_indirect_dma semaphore(%run_scoped3A_140 : memref<!tpu.dma_semaphore, #tpu.memory_space<semaphore_mem>>) src(%arg11 : memref<64x128xf32, #tpu.memory_space<vmem>>) dst(%dma_wait3A_152 : memref<10240x128xf32, #tpu.memory_space<vmem_shared>>)
      tpu.yield
    }) : () -> ()
    %dma_wait3A_59 = arith.constant 39 : i32
    %dma_wait3A_60 = arith.constant 64 : i32
    %dma_wait3A_61 = tpu.memref_slice %arg7[%dma_wait3A_59, %dma_wait3A_60] : memref<40x128xi32, #tpu.memory_space<vmem>> -> memref<1x64xi32, #tpu.memory_space<vmem>>
    %dma_wait3A_62 = tpu.memref_squeeze %dma_wait3A_61 : memref<1x64xi32, #tpu.memory_space<vmem>> -> memref<64xi32, #tpu.memory_space<vmem>>
    %dma_wait3A_63 = arith.constant 0 : i32
    %dma_wait3A_64 = arith.constant 0 : i32
    %dma_wait3A_65 = tpu.memref_slice %arg2[%dma_wait3A_63, %dma_wait3A_64] : memref<10000x128xf32, #tpu.memory_space<hbm>> -> memref<10000x128xf32, #tpu.memory_space<hbm>>
    tpu.wait_indirect_dma semaphore(%arg17 : memref<!tpu.dma_semaphore, #tpu.memory_space<semaphore_mem>>) src(%dma_wait3A_65 : memref<10000x128xf32, #tpu.memory_space<hbm>>) dst(%arg12 : memref<64x128xf32, #tpu.memory_space<vmem>>)
    %run_scoped3A_66 = arith.constant 79 : i32
    "tpu.region"() ({
      %run_scoped3A_140 = tpu.sem_alloc : memref<!tpu.dma_semaphore, #tpu.memory_space<semaphore_mem>>
      %dma_start3A_141 = arith.constant 0 : i32
      %dma_start3A_142 = tpu.memref_slice %arg8[%run_scoped3A_66, %dma_start3A_141] : memref<80x64xi32, #tpu.memory_space<vmem>> -> memref<1x64xi32, #tpu.memory_space<vmem>>
      %dma_start3A_143 = tpu.memref_squeeze %dma_start3A_142 : memref<1x64xi32, #tpu.memory_space<vmem>> -> memref<64xi32, #tpu.memory_space<vmem>>
      %dma_start3A_144 = arith.constant 0 : i32
      %dma_start3A_145 = arith.constant 0 : i32
      %dma_start3A_146 = tpu.memref_slice %arg13[%dma_start3A_144, %dma_start3A_145] : memref<10240x128xf32, #tpu.memory_space<vmem_shared>> -> memref<10240x128xf32, #tpu.memory_space<vmem_shared>>
      tpu.enqueue_indirect_dma source(%arg12 : memref<64x128xf32, #tpu.memory_space<vmem>>) target(%dma_start3A_146 : memref<10240x128xf32, #tpu.memory_space<vmem_shared>>) offsets(%dma_start3A_143 : memref<64xi32, #tpu.memory_space<vmem>>) semaphore(%run_scoped3A_140 : memref<!tpu.dma_semaphore, #tpu.memory_space<semaphore_mem>>) {add = true}
      %dma_wait3A_147 = arith.constant 0 : i32
      %dma_wait3A_148 = tpu.memref_slice %arg8[%run_scoped3A_66, %dma_wait3A_147] : memref<80x64xi32, #tpu.memory_space<vmem>> -> memref<1x64xi32, #tpu.memory_space<vmem>>
      %dma_wait3A_149 = tpu.memref_squeeze %dma_wait3A_148 : memref<1x64xi32, #tpu.memory_space<vmem>> -> memref<64xi32, #tpu.memory_space<vmem>>
      %dma_wait3A_150 = arith.constant 0 : i32
      %dma_wait3A_151 = arith.constant 0 : i32
      %dma_wait3A_152 = tpu.memref_slice %arg13[%dma_wait3A_150, %dma_wait3A_151] : memref<10240x128xf32, #tpu.memory_space<vmem_shared>> -> memref<10240x128xf32, #tpu.memory_space<vmem_shared>>
      tpu.wait_indirect_dma semaphore(%run_scoped3A_140 : memref<!tpu.dma_semaphore, #tpu.memory_space<semaphore_mem>>) src(%arg12 : memref<64x128xf32, #tpu.memory_space<vmem>>) dst(%dma_wait3A_152 : memref<10240x128xf32, #tpu.memory_space<vmem_shared>>)
      tpu.yield
    }) : () -> ()
    %run_scoped3A_67 = arith.constant 1 : i32
    "tpu.region"() ({
      %run_scoped3A_140 = tpu.sem_alloc : memref<!tpu.dma_semaphore, #tpu.memory_space<semaphore_mem>>
      %dma_start3A_141 = arith.constant 0 : i32
      %dma_start3A_142 = arith.constant 0 : i32
      %dma_start3A_143 = tpu.memref_slice %arg3[%arg0, %arg1, %run_scoped3A_67, %dma_start3A_141, %dma_start3A_142] : memref<2x16x2x40x128xi32, #tpu.memory_space<hbm>> -> memref<1x1x1x40x128xi32, #tpu.memory_space<hbm>>
      %dma_start3A_144 = tpu.memref_squeeze %dma_start3A_143 : memref<1x1x1x40x128xi32, #tpu.memory_space<hbm>> -> memref<40x128xi32, #tpu.memory_space<hbm>>
      %dma_start3A_145 = arith.constant 0 : i32
      %dma_start3A_146 = arith.constant 0 : i32
      %dma_start3A_147 = tpu.memref_slice %arg3[%arg0, %arg1, %run_scoped3A_67, %dma_start3A_145, %dma_start3A_146] : memref<2x16x2x40x128xi32, #tpu.memory_space<hbm>> -> memref<1x1x1x40x128xi32, #tpu.memory_space<hbm>>
      %dma_start3A_148 = tpu.memref_squeeze %dma_start3A_147 : memref<1x1x1x40x128xi32, #tpu.memory_space<hbm>> -> memref<40x128xi32, #tpu.memory_space<hbm>>
      tpu.enqueue_dma source(%dma_start3A_148 : memref<40x128xi32, #tpu.memory_space<hbm>>) target(%arg7 : memref<40x128xi32, #tpu.memory_space<vmem>>) target_semaphore(%run_scoped3A_140 : memref<!tpu.dma_semaphore, #tpu.memory_space<semaphore_mem>>)
      %dma_wait3A_149 = arith.constant 0 : i32
      %dma_wait3A_150 = arith.constant 0 : i32
      %dma_wait3A_151 = tpu.memref_slice %arg3[%arg0, %arg1, %run_scoped3A_67, %dma_wait3A_149, %dma_wait3A_150] : memref<2x16x2x40x128xi32, #tpu.memory_space<hbm>> -> memref<1x1x1x40x128xi32, #tpu.memory_space<hbm>>
      %dma_wait3A_152 = tpu.memref_squeeze %dma_wait3A_151 : memref<1x1x1x40x128xi32, #tpu.memory_space<hbm>> -> memref<40x128xi32, #tpu.memory_space<hbm>>
      %dma_wait3A_153 = arith.constant 0 : i32
      %dma_wait3A_154 = arith.constant 0 : i32
      %dma_wait3A_155 = tpu.memref_slice %arg3[%arg0, %arg1, %run_scoped3A_67, %dma_wait3A_153, %dma_wait3A_154] : memref<2x16x2x40x128xi32, #tpu.memory_space<hbm>> -> memref<1x1x1x40x128xi32, #tpu.memory_space<hbm>>
      %dma_wait3A_156 = tpu.memref_squeeze %dma_wait3A_155 : memref<1x1x1x40x128xi32, #tpu.memory_space<hbm>> -> memref<40x128xi32, #tpu.memory_space<hbm>>
      tpu.wait_dma2 semaphore(%run_scoped3A_140 : memref<!tpu.dma_semaphore, #tpu.memory_space<semaphore_mem>>) src(%dma_wait3A_156 : memref<40x128xi32, #tpu.memory_space<hbm>>) dst(%arg7 : memref<40x128xi32, #tpu.memory_space<vmem>>)
      tpu.yield
    }) : () -> ()
    %run_scoped3A_68 = arith.constant 1 : i32
    "tpu.region"() ({
      %run_scoped3A_140 = tpu.sem_alloc : memref<!tpu.dma_semaphore, #tpu.memory_space<semaphore_mem>>
      %dma_start3A_141 = arith.constant 0 : i32
      %dma_start3A_142 = arith.constant 0 : i32
      %dma_start3A_143 = tpu.memref_slice %arg4[%arg0, %arg1, %run_scoped3A_68, %dma_start3A_141, %dma_start3A_142] : memref<2x16x2x80x64xi32, #tpu.memory_space<hbm>> -> memref<1x1x1x80x64xi32, #tpu.memory_space<hbm>>
      %dma_start3A_144 = tpu.memref_squeeze %dma_start3A_143 : memref<1x1x1x80x64xi32, #tpu.memory_space<hbm>> -> memref<80x64xi32, #tpu.memory_space<hbm>>
      %dma_start3A_145 = arith.constant 0 : i32
      %dma_start3A_146 = arith.constant 0 : i32
      %dma_start3A_147 = tpu.memref_slice %arg4[%arg0, %arg1, %run_scoped3A_68, %dma_start3A_145, %dma_start3A_146] : memref<2x16x2x80x64xi32, #tpu.memory_space<hbm>> -> memref<1x1x1x80x64xi32, #tpu.memory_space<hbm>>
      %dma_start3A_148 = tpu.memref_squeeze %dma_start3A_147 : memref<1x1x1x80x64xi32, #tpu.memory_space<hbm>> -> memref<80x64xi32, #tpu.memory_space<hbm>>
      tpu.enqueue_dma source(%dma_start3A_148 : memref<80x64xi32, #tpu.memory_space<hbm>>) target(%arg8 : memref<80x64xi32, #tpu.memory_space<vmem>>) target_semaphore(%run_scoped3A_140 : memref<!tpu.dma_semaphore, #tpu.memory_space<semaphore_mem>>)
      %dma_wait3A_149 = arith.constant 0 : i32
      %dma_wait3A_150 = arith.constant 0 : i32
      %dma_wait3A_151 = tpu.memref_slice %arg4[%arg0, %arg1, %run_scoped3A_68, %dma_wait3A_149, %dma_wait3A_150] : memref<2x16x2x80x64xi32, #tpu.memory_space<hbm>> -> memref<1x1x1x80x64xi32, #tpu.memory_space<hbm>>
      %dma_wait3A_152 = tpu.memref_squeeze %dma_wait3A_151 : memref<1x1x1x80x64xi32, #tpu.memory_space<hbm>> -> memref<80x64xi32, #tpu.memory_space<hbm>>
      %dma_wait3A_153 = arith.constant 0 : i32
      %dma_wait3A_154 = arith.constant 0 : i32
      %dma_wait3A_155 = tpu.memref_slice %arg4[%arg0, %arg1, %run_scoped3A_68, %dma_wait3A_153, %dma_wait3A_154] : memref<2x16x2x80x64xi32, #tpu.memory_space<hbm>> -> memref<1x1x1x80x64xi32, #tpu.memory_space<hbm>>
      %dma_wait3A_156 = tpu.memref_squeeze %dma_wait3A_155 : memref<1x1x1x80x64xi32, #tpu.memory_space<hbm>> -> memref<80x64xi32, #tpu.memory_space<hbm>>
      tpu.wait_dma2 semaphore(%run_scoped3A_140 : memref<!tpu.dma_semaphore, #tpu.memory_space<semaphore_mem>>) src(%dma_wait3A_156 : memref<80x64xi32, #tpu.memory_space<hbm>>) dst(%arg8 : memref<80x64xi32, #tpu.memory_space<vmem>>)
      tpu.yield
    }) : () -> ()
    %dma_start3A_69 = arith.constant 0 : i32
    %dma_start3A_70 = arith.constant 0 : i32
    %dma_start3A_71 = tpu.memref_slice %arg7[%dma_start3A_69, %dma_start3A_70] : memref<40x128xi32, #tpu.memory_space<vmem>> -> memref<1x64xi32, #tpu.memory_space<vmem>>
    %dma_start3A_72 = tpu.memref_squeeze %dma_start3A_71 : memref<1x64xi32, #tpu.memory_space<vmem>> -> memref<64xi32, #tpu.memory_space<vmem>>
    %dma_start3A_73 = arith.constant 0 : i32
    %dma_start3A_74 = arith.constant 0 : i32
    %dma_start3A_75 = tpu.memref_slice %arg2[%dma_start3A_73, %dma_start3A_74] : memref<10000x128xf32, #tpu.memory_space<hbm>> -> memref<10000x128xf32, #tpu.memory_space<hbm>>
    tpu.enqueue_indirect_dma source(%dma_start3A_75 : memref<10000x128xf32, #tpu.memory_space<hbm>>) target(%arg9 : memref<64x128xf32, #tpu.memory_space<vmem>>) offsets(%dma_start3A_72 : memref<64xi32, #tpu.memory_space<vmem>>) semaphore(%arg14 : memref<!tpu.dma_semaphore, #tpu.memory_space<semaphore_mem>>)
    %dma_start3A_76 = arith.constant 0 : i32
    %dma_start3A_77 = arith.constant 64 : i32
    %dma_start3A_78 = tpu.memref_slice %arg7[%dma_start3A_76, %dma_start3A_77] : memref<40x128xi32, #tpu.memory_space<vmem>> -> memref<1x64xi32, #tpu.memory_space<vmem>>
    %dma_start3A_79 = tpu.memref_squeeze %dma_start3A_78 : memref<1x64xi32, #tpu.memory_space<vmem>> -> memref<64xi32, #tpu.memory_space<vmem>>
    %dma_start3A_80 = arith.constant 0 : i32
    %dma_start3A_81 = arith.constant 0 : i32
    %dma_start3A_82 = tpu.memref_slice %arg2[%dma_start3A_80, %dma_start3A_81] : memref<10000x128xf32, #tpu.memory_space<hbm>> -> memref<10000x128xf32, #tpu.memory_space<hbm>>
    tpu.enqueue_indirect_dma source(%dma_start3A_82 : memref<10000x128xf32, #tpu.memory_space<hbm>>) target(%arg10 : memref<64x128xf32, #tpu.memory_space<vmem>>) offsets(%dma_start3A_79 : memref<64xi32, #tpu.memory_space<vmem>>) semaphore(%arg15 : memref<!tpu.dma_semaphore, #tpu.memory_space<semaphore_mem>>)
    %dma_start3A_83 = arith.constant 1 : i32
    %dma_start3A_84 = arith.constant 0 : i32
    %dma_start3A_85 = tpu.memref_slice %arg7[%dma_start3A_83, %dma_start3A_84] : memref<40x128xi32, #tpu.memory_space<vmem>> -> memref<1x64xi32, #tpu.memory_space<vmem>>
    %dma_start3A_86 = tpu.memref_squeeze %dma_start3A_85 : memref<1x64xi32, #tpu.memory_space<vmem>> -> memref<64xi32, #tpu.memory_space<vmem>>
    %dma_start3A_87 = arith.constant 0 : i32
    %dma_start3A_88 = arith.constant 0 : i32
    %dma_start3A_89 = tpu.memref_slice %arg2[%dma_start3A_87, %dma_start3A_88] : memref<10000x128xf32, #tpu.memory_space<hbm>> -> memref<10000x128xf32, #tpu.memory_space<hbm>>
    tpu.enqueue_indirect_dma source(%dma_start3A_89 : memref<10000x128xf32, #tpu.memory_space<hbm>>) target(%arg11 : memref<64x128xf32, #tpu.memory_space<vmem>>) offsets(%dma_start3A_86 : memref<64xi32, #tpu.memory_space<vmem>>) semaphore(%arg16 : memref<!tpu.dma_semaphore, #tpu.memory_space<semaphore_mem>>)
    %dma_start3A_90 = arith.constant 1 : i32
    %dma_start3A_91 = arith.constant 64 : i32
    %dma_start3A_92 = tpu.memref_slice %arg7[%dma_start3A_90, %dma_start3A_91] : memref<40x128xi32, #tpu.memory_space<vmem>> -> memref<1x64xi32, #tpu.memory_space<vmem>>
    %dma_start3A_93 = tpu.memref_squeeze %dma_start3A_92 : memref<1x64xi32, #tpu.memory_space<vmem>> -> memref<64xi32, #tpu.memory_space<vmem>>
    %dma_start3A_94 = arith.constant 0 : i32
    %dma_start3A_95 = arith.constant 0 : i32
    %dma_start3A_96 = tpu.memref_slice %arg2[%dma_start3A_94, %dma_start3A_95] : memref<10000x128xf32, #tpu.memory_space<hbm>> -> memref<10000x128xf32, #tpu.memory_space<hbm>>
    tpu.enqueue_indirect_dma source(%dma_start3A_96 : memref<10000x128xf32, #tpu.memory_space<hbm>>) target(%arg12 : memref<64x128xf32, #tpu.memory_space<vmem>>) offsets(%dma_start3A_93 : memref<64xi32, #tpu.memory_space<vmem>>) semaphore(%arg17 : memref<!tpu.dma_semaphore, #tpu.memory_space<semaphore_mem>>)
    %scan3A_97 = arith.constant 0 : i32
    %scan3A_98 = arith.constant 0 : i32
    %scan3A_99 = arith.constant 19 : i32
    %scan3A_100 = arith.addi %scan3A_98, %scan3A_99 : i32
    %scan3A_101 = arith.constant 1 : i32
    scf.for %scan3A_140 = %scan3A_98 to %scan3A_100 step %scan3A_101  : i32 {
      %mul3A_141 = arith.constant 4 : i32
      %mul3A_142 = arith.muli %mul3A_141, %scan3A_140 : i32
      %jit3A = arith.constant 2 : i32
      %div3A = arith.divsi %mul3A_142, %jit3A : i32
      %sign3A = arith.constant 0 : i32
      %sign3A_143 = arith.cmpi sgt, %mul3A_142, %sign3A : i32
      %sign3A_144 = arith.extui %sign3A_143 : i1 to i32
      %sign3A_145 = arith.constant 0 : i32
      %sign3A_146 = arith.cmpi slt, %mul3A_142, %sign3A_145 : i32
      %sign3A_147 = arith.extui %sign3A_146 : i1 to i32
      %sign3A_148 = arith.subi %sign3A_144, %sign3A_147 : i32
      %sign3A_149 = arith.constant 0 : i32
      %sign3A_150 = arith.cmpi sgt, %jit3A, %sign3A_149 : i32
      %sign3A_151 = arith.extui %sign3A_150 : i1 to i32
      %sign3A_152 = arith.constant 0 : i32
      %sign3A_153 = arith.cmpi slt, %jit3A, %sign3A_152 : i32
      %sign3A_154 = arith.extui %sign3A_153 : i1 to i32
      %sign3A_155 = arith.subi %sign3A_151, %sign3A_154 : i32
      %ne3A = arith.cmpi ne, %sign3A_148, %sign3A_155 : i32
      %rem3A = arith.remsi %mul3A_142, %jit3A : i32
      %ne3A_156 = arith.constant 0 : i32
      %ne3A_157 = arith.cmpi ne, %rem3A, %ne3A_156 : i32
      %and3A = arith.andi %ne3A, %ne3A_157 : i1
      %sub3A = arith.constant 1 : i32
      %sub3A_158 = arith.subi %div3A, %sub3A : i32
      %select_n3A = arith.select %and3A, %sub3A_158, %div3A : i32
      %add3A = arith.constant 0 : i32
      %add3A_159 = arith.addi %select_n3A, %add3A : i32
      %dma_wait3A_160 = arith.constant 0 : i32
      %dma_wait3A_161 = tpu.memref_slice %arg7[%add3A_159, %dma_wait3A_160] : memref<40x128xi32, #tpu.memory_space<vmem>> -> memref<1x64xi32, #tpu.memory_space<vmem>>
      %dma_wait3A_162 = tpu.memref_squeeze %dma_wait3A_161 : memref<1x64xi32, #tpu.memory_space<vmem>> -> memref<64xi32, #tpu.memory_space<vmem>>
      %dma_wait3A_163 = arith.constant 0 : i32
      %dma_wait3A_164 = arith.constant 0 : i32
      %dma_wait3A_165 = tpu.memref_slice %arg2[%dma_wait3A_163, %dma_wait3A_164] : memref<10000x128xf32, #tpu.memory_space<hbm>> -> memref<10000x128xf32, #tpu.memory_space<hbm>>
      tpu.wait_indirect_dma semaphore(%arg14 : memref<!tpu.dma_semaphore, #tpu.memory_space<semaphore_mem>>) src(%dma_wait3A_165 : memref<10000x128xf32, #tpu.memory_space<hbm>>) dst(%arg9 : memref<64x128xf32, #tpu.memory_space<vmem>>)
      %add3A_166 = arith.constant 0 : i32
      %add3A_167 = arith.addi %mul3A_142, %add3A_166 : i32
      "tpu.region"() ({
        %run_scoped3A_406 = tpu.sem_alloc : memref<!tpu.dma_semaphore, #tpu.memory_space<semaphore_mem>>
        %dma_start3A_407 = arith.constant 0 : i32
        %dma_start3A_408 = tpu.memref_slice %arg8[%add3A_167, %dma_start3A_407] : memref<80x64xi32, #tpu.memory_space<vmem>> -> memref<1x64xi32, #tpu.memory_space<vmem>>
        %dma_start3A_409 = tpu.memref_squeeze %dma_start3A_408 : memref<1x64xi32, #tpu.memory_space<vmem>> -> memref<64xi32, #tpu.memory_space<vmem>>
        %dma_start3A_410 = arith.constant 0 : i32
        %dma_start3A_411 = arith.constant 0 : i32
        %dma_start3A_412 = tpu.memref_slice %arg13[%dma_start3A_410, %dma_start3A_411] : memref<10240x128xf32, #tpu.memory_space<vmem_shared>> -> memref<10240x128xf32, #tpu.memory_space<vmem_shared>>
        tpu.enqueue_indirect_dma source(%arg9 : memref<64x128xf32, #tpu.memory_space<vmem>>) target(%dma_start3A_412 : memref<10240x128xf32, #tpu.memory_space<vmem_shared>>) offsets(%dma_start3A_409 : memref<64xi32, #tpu.memory_space<vmem>>) semaphore(%run_scoped3A_406 : memref<!tpu.dma_semaphore, #tpu.memory_space<semaphore_mem>>) {add = true}
        %dma_wait3A_413 = arith.constant 0 : i32
        %dma_wait3A_414 = tpu.memref_slice %arg8[%add3A_167, %dma_wait3A_413] : memref<80x64xi32, #tpu.memory_space<vmem>> -> memref<1x64xi32, #tpu.memory_space<vmem>>
        %dma_wait3A_415 = tpu.memref_squeeze %dma_wait3A_414 : memref<1x64xi32, #tpu.memory_space<vmem>> -> memref<64xi32, #tpu.memory_space<vmem>>
        %dma_wait3A_416 = arith.constant 0 : i32
        %dma_wait3A_417 = arith.constant 0 : i32
        %dma_wait3A_418 = tpu.memref_slice %arg13[%dma_wait3A_416, %dma_wait3A_417] : memref<10240x128xf32, #tpu.memory_space<vmem_shared>> -> memref<10240x128xf32, #tpu.memory_space<vmem_shared>>
        tpu.wait_indirect_dma semaphore(%run_scoped3A_406 : memref<!tpu.dma_semaphore, #tpu.memory_space<semaphore_mem>>) src(%arg9 : memref<64x128xf32, #tpu.memory_space<vmem>>) dst(%dma_wait3A_418 : memref<10240x128xf32, #tpu.memory_space<vmem_shared>>)
        tpu.yield
      }) : () -> ()
      %jit3A_168 = arith.constant 2 : i32
      %div3A_169 = arith.divsi %mul3A_142, %jit3A_168 : i32
      %sign3A_170 = arith.constant 0 : i32
      %sign3A_171 = arith.cmpi sgt, %mul3A_142, %sign3A_170 : i32
      %sign3A_172 = arith.extui %sign3A_171 : i1 to i32
      %sign3A_173 = arith.constant 0 : i32
      %sign3A_174 = arith.cmpi slt, %mul3A_142, %sign3A_173 : i32
      %sign3A_175 = arith.extui %sign3A_174 : i1 to i32
      %sign3A_176 = arith.subi %sign3A_172, %sign3A_175 : i32
      %sign3A_177 = arith.constant 0 : i32
      %sign3A_178 = arith.cmpi sgt, %jit3A_168, %sign3A_177 : i32
      %sign3A_179 = arith.extui %sign3A_178 : i1 to i32
      %sign3A_180 = arith.constant 0 : i32
      %sign3A_181 = arith.cmpi slt, %jit3A_168, %sign3A_180 : i32
      %sign3A_182 = arith.extui %sign3A_181 : i1 to i32
      %sign3A_183 = arith.subi %sign3A_179, %sign3A_182 : i32
      %ne3A_184 = arith.cmpi ne, %sign3A_176, %sign3A_183 : i32
      %rem3A_185 = arith.remsi %mul3A_142, %jit3A_168 : i32
      %ne3A_186 = arith.constant 0 : i32
      %ne3A_187 = arith.cmpi ne, %rem3A_185, %ne3A_186 : i32
      %and3A_188 = arith.andi %ne3A_184, %ne3A_187 : i1
      %sub3A_189 = arith.constant 1 : i32
      %sub3A_190 = arith.subi %div3A_169, %sub3A_189 : i32
      %select_n3A_191 = arith.select %and3A_188, %sub3A_190, %div3A_169 : i32
      %add3A_192 = arith.constant 2 : i32
      %add3A_193 = arith.addi %select_n3A_191, %add3A_192 : i32
      %add3A_194 = arith.constant 0 : i32
      %add3A_195 = arith.addi %add3A_193, %add3A_194 : i32
      %dma_start3A_196 = arith.constant 0 : i32
      %dma_start3A_197 = tpu.memref_slice %arg7[%add3A_195, %dma_start3A_196] : memref<40x128xi32, #tpu.memory_space<vmem>> -> memref<1x64xi32, #tpu.memory_space<vmem>>
      %dma_start3A_198 = tpu.memref_squeeze %dma_start3A_197 : memref<1x64xi32, #tpu.memory_space<vmem>> -> memref<64xi32, #tpu.memory_space<vmem>>
      %dma_start3A_199 = arith.constant 0 : i32
      %dma_start3A_200 = arith.constant 0 : i32
      %dma_start3A_201 = tpu.memref_slice %arg2[%dma_start3A_199, %dma_start3A_200] : memref<10000x128xf32, #tpu.memory_space<hbm>> -> memref<10000x128xf32, #tpu.memory_space<hbm>>
      tpu.enqueue_indirect_dma source(%dma_start3A_201 : memref<10000x128xf32, #tpu.memory_space<hbm>>) target(%arg9 : memref<64x128xf32, #tpu.memory_space<vmem>>) offsets(%dma_start3A_198 : memref<64xi32, #tpu.memory_space<vmem>>) semaphore(%arg14 : memref<!tpu.dma_semaphore, #tpu.memory_space<semaphore_mem>>)
      %jit3A_202 = arith.constant 2 : i32
      %div3A_203 = arith.divsi %mul3A_142, %jit3A_202 : i32
      %sign3A_204 = arith.constant 0 : i32
      %sign3A_205 = arith.cmpi sgt, %mul3A_142, %sign3A_204 : i32
      %sign3A_206 = arith.extui %sign3A_205 : i1 to i32
      %sign3A_207 = arith.constant 0 : i32
      %sign3A_208 = arith.cmpi slt, %mul3A_142, %sign3A_207 : i32
      %sign3A_209 = arith.extui %sign3A_208 : i1 to i32
      %sign3A_210 = arith.subi %sign3A_206, %sign3A_209 : i32
      %sign3A_211 = arith.constant 0 : i32
      %sign3A_212 = arith.cmpi sgt, %jit3A_202, %sign3A_211 : i32
      %sign3A_213 = arith.extui %sign3A_212 : i1 to i32
      %sign3A_214 = arith.constant 0 : i32
      %sign3A_215 = arith.cmpi slt, %jit3A_202, %sign3A_214 : i32
      %sign3A_216 = arith.extui %sign3A_215 : i1 to i32
      %sign3A_217 = arith.subi %sign3A_213, %sign3A_216 : i32
      %ne3A_218 = arith.cmpi ne, %sign3A_210, %sign3A_217 : i32
      %rem3A_219 = arith.remsi %mul3A_142, %jit3A_202 : i32
      %ne3A_220 = arith.constant 0 : i32
      %ne3A_221 = arith.cmpi ne, %rem3A_219, %ne3A_220 : i32
      %and3A_222 = arith.andi %ne3A_218, %ne3A_221 : i1
      %sub3A_223 = arith.constant 1 : i32
      %sub3A_224 = arith.subi %div3A_203, %sub3A_223 : i32
      %select_n3A_225 = arith.select %and3A_222, %sub3A_224, %div3A_203 : i32
      %add3A_226 = arith.constant 0 : i32
      %add3A_227 = arith.addi %select_n3A_225, %add3A_226 : i32
      %dma_wait3A_228 = arith.constant 64 : i32
      %dma_wait3A_229 = tpu.memref_slice %arg7[%add3A_227, %dma_wait3A_228] : memref<40x128xi32, #tpu.memory_space<vmem>> -> memref<1x64xi32, #tpu.memory_space<vmem>>
      %dma_wait3A_230 = tpu.memref_squeeze %dma_wait3A_229 : memref<1x64xi32, #tpu.memory_space<vmem>> -> memref<64xi32, #tpu.memory_space<vmem>>
      %dma_wait3A_231 = arith.constant 0 : i32
      %dma_wait3A_232 = arith.constant 0 : i32
      %dma_wait3A_233 = tpu.memref_slice %arg2[%dma_wait3A_231, %dma_wait3A_232] : memref<10000x128xf32, #tpu.memory_space<hbm>> -> memref<10000x128xf32, #tpu.memory_space<hbm>>
      tpu.wait_indirect_dma semaphore(%arg15 : memref<!tpu.dma_semaphore, #tpu.memory_space<semaphore_mem>>) src(%dma_wait3A_233 : memref<10000x128xf32, #tpu.memory_space<hbm>>) dst(%arg10 : memref<64x128xf32, #tpu.memory_space<vmem>>)
      %add3A_234 = arith.constant 1 : i32
      %add3A_235 = arith.addi %mul3A_142, %add3A_234 : i32
      "tpu.region"() ({
        %run_scoped3A_406 = tpu.sem_alloc : memref<!tpu.dma_semaphore, #tpu.memory_space<semaphore_mem>>
        %dma_start3A_407 = arith.constant 0 : i32
        %dma_start3A_408 = tpu.memref_slice %arg8[%add3A_235, %dma_start3A_407] : memref<80x64xi32, #tpu.memory_space<vmem>> -> memref<1x64xi32, #tpu.memory_space<vmem>>
        %dma_start3A_409 = tpu.memref_squeeze %dma_start3A_408 : memref<1x64xi32, #tpu.memory_space<vmem>> -> memref<64xi32, #tpu.memory_space<vmem>>
        %dma_start3A_410 = arith.constant 0 : i32
        %dma_start3A_411 = arith.constant 0 : i32
        %dma_start3A_412 = tpu.memref_slice %arg13[%dma_start3A_410, %dma_start3A_411] : memref<10240x128xf32, #tpu.memory_space<vmem_shared>> -> memref<10240x128xf32, #tpu.memory_space<vmem_shared>>
        tpu.enqueue_indirect_dma source(%arg10 : memref<64x128xf32, #tpu.memory_space<vmem>>) target(%dma_start3A_412 : memref<10240x128xf32, #tpu.memory_space<vmem_shared>>) offsets(%dma_start3A_409 : memref<64xi32, #tpu.memory_space<vmem>>) semaphore(%run_scoped3A_406 : memref<!tpu.dma_semaphore, #tpu.memory_space<semaphore_mem>>) {add = true}
        %dma_wait3A_413 = arith.constant 0 : i32
        %dma_wait3A_414 = tpu.memref_slice %arg8[%add3A_235, %dma_wait3A_413] : memref<80x64xi32, #tpu.memory_space<vmem>> -> memref<1x64xi32, #tpu.memory_space<vmem>>
        %dma_wait3A_415 = tpu.memref_squeeze %dma_wait3A_414 : memref<1x64xi32, #tpu.memory_space<vmem>> -> memref<64xi32, #tpu.memory_space<vmem>>
        %dma_wait3A_416 = arith.constant 0 : i32
        %dma_wait3A_417 = arith.constant 0 : i32
        %dma_wait3A_418 = tpu.memref_slice %arg13[%dma_wait3A_416, %dma_wait3A_417] : memref<10240x128xf32, #tpu.memory_space<vmem_shared>> -> memref<10240x128xf32, #tpu.memory_space<vmem_shared>>
        tpu.wait_indirect_dma semaphore(%run_scoped3A_406 : memref<!tpu.dma_semaphore, #tpu.memory_space<semaphore_mem>>) src(%arg10 : memref<64x128xf32, #tpu.memory_space<vmem>>) dst(%dma_wait3A_418 : memref<10240x128xf32, #tpu.memory_space<vmem_shared>>)
        tpu.yield
      }) : () -> ()
      %jit3A_236 = arith.constant 2 : i32
      %div3A_237 = arith.divsi %mul3A_142, %jit3A_236 : i32
      %sign3A_238 = arith.constant 0 : i32
      %sign3A_239 = arith.cmpi sgt, %mul3A_142, %sign3A_238 : i32
      %sign3A_240 = arith.extui %sign3A_239 : i1 to i32
      %sign3A_241 = arith.constant 0 : i32
      %sign3A_242 = arith.cmpi slt, %mul3A_142, %sign3A_241 : i32
      %sign3A_243 = arith.extui %sign3A_242 : i1 to i32
      %sign3A_244 = arith.subi %sign3A_240, %sign3A_243 : i32
      %sign3A_245 = arith.constant 0 : i32
      %sign3A_246 = arith.cmpi sgt, %jit3A_236, %sign3A_245 : i32
      %sign3A_247 = arith.extui %sign3A_246 : i1 to i32
      %sign3A_248 = arith.constant 0 : i32
      %sign3A_249 = arith.cmpi slt, %jit3A_236, %sign3A_248 : i32
      %sign3A_250 = arith.extui %sign3A_249 : i1 to i32
      %sign3A_251 = arith.subi %sign3A_247, %sign3A_250 : i32
      %ne3A_252 = arith.cmpi ne, %sign3A_244, %sign3A_251 : i32
      %rem3A_253 = arith.remsi %mul3A_142, %jit3A_236 : i32
      %ne3A_254 = arith.constant 0 : i32
      %ne3A_255 = arith.cmpi ne, %rem3A_253, %ne3A_254 : i32
      %and3A_256 = arith.andi %ne3A_252, %ne3A_255 : i1
      %sub3A_257 = arith.constant 1 : i32
      %sub3A_258 = arith.subi %div3A_237, %sub3A_257 : i32
      %select_n3A_259 = arith.select %and3A_256, %sub3A_258, %div3A_237 : i32
      %add3A_260 = arith.constant 2 : i32
      %add3A_261 = arith.addi %select_n3A_259, %add3A_260 : i32
      %add3A_262 = arith.constant 0 : i32
      %add3A_263 = arith.addi %add3A_261, %add3A_262 : i32
      %dma_start3A_264 = arith.constant 64 : i32
      %dma_start3A_265 = tpu.memref_slice %arg7[%add3A_263, %dma_start3A_264] : memref<40x128xi32, #tpu.memory_space<vmem>> -> memref<1x64xi32, #tpu.memory_space<vmem>>
      %dma_start3A_266 = tpu.memref_squeeze %dma_start3A_265 : memref<1x64xi32, #tpu.memory_space<vmem>> -> memref<64xi32, #tpu.memory_space<vmem>>
      %dma_start3A_267 = arith.constant 0 : i32
      %dma_start3A_268 = arith.constant 0 : i32
      %dma_start3A_269 = tpu.memref_slice %arg2[%dma_start3A_267, %dma_start3A_268] : memref<10000x128xf32, #tpu.memory_space<hbm>> -> memref<10000x128xf32, #tpu.memory_space<hbm>>
      tpu.enqueue_indirect_dma source(%dma_start3A_269 : memref<10000x128xf32, #tpu.memory_space<hbm>>) target(%arg10 : memref<64x128xf32, #tpu.memory_space<vmem>>) offsets(%dma_start3A_266 : memref<64xi32, #tpu.memory_space<vmem>>) semaphore(%arg15 : memref<!tpu.dma_semaphore, #tpu.memory_space<semaphore_mem>>)
      %jit3A_270 = arith.constant 2 : i32
      %div3A_271 = arith.divsi %mul3A_142, %jit3A_270 : i32
      %sign3A_272 = arith.constant 0 : i32
      %sign3A_273 = arith.cmpi sgt, %mul3A_142, %sign3A_272 : i32
      %sign3A_274 = arith.extui %sign3A_273 : i1 to i32
      %sign3A_275 = arith.constant 0 : i32
      %sign3A_276 = arith.cmpi slt, %mul3A_142, %sign3A_275 : i32
      %sign3A_277 = arith.extui %sign3A_276 : i1 to i32
      %sign3A_278 = arith.subi %sign3A_274, %sign3A_277 : i32
      %sign3A_279 = arith.constant 0 : i32
      %sign3A_280 = arith.cmpi sgt, %jit3A_270, %sign3A_279 : i32
      %sign3A_281 = arith.extui %sign3A_280 : i1 to i32
      %sign3A_282 = arith.constant 0 : i32
      %sign3A_283 = arith.cmpi slt, %jit3A_270, %sign3A_282 : i32
      %sign3A_284 = arith.extui %sign3A_283 : i1 to i32
      %sign3A_285 = arith.subi %sign3A_281, %sign3A_284 : i32
      %ne3A_286 = arith.cmpi ne, %sign3A_278, %sign3A_285 : i32
      %rem3A_287 = arith.remsi %mul3A_142, %jit3A_270 : i32
      %ne3A_288 = arith.constant 0 : i32
      %ne3A_289 = arith.cmpi ne, %rem3A_287, %ne3A_288 : i32
      %and3A_290 = arith.andi %ne3A_286, %ne3A_289 : i1
      %sub3A_291 = arith.constant 1 : i32
      %sub3A_292 = arith.subi %div3A_271, %sub3A_291 : i32
      %select_n3A_293 = arith.select %and3A_290, %sub3A_292, %div3A_271 : i32
      %add3A_294 = arith.constant 1 : i32
      %add3A_295 = arith.addi %select_n3A_293, %add3A_294 : i32
      %dma_wait3A_296 = arith.constant 0 : i32
      %dma_wait3A_297 = tpu.memref_slice %arg7[%add3A_295, %dma_wait3A_296] : memref<40x128xi32, #tpu.memory_space<vmem>> -> memref<1x64xi32, #tpu.memory_space<vmem>>
      %dma_wait3A_298 = tpu.memref_squeeze %dma_wait3A_297 : memref<1x64xi32, #tpu.memory_space<vmem>> -> memref<64xi32, #tpu.memory_space<vmem>>
      %dma_wait3A_299 = arith.constant 0 : i32
      %dma_wait3A_300 = arith.constant 0 : i32
      %dma_wait3A_301 = tpu.memref_slice %arg2[%dma_wait3A_299, %dma_wait3A_300] : memref<10000x128xf32, #tpu.memory_space<hbm>> -> memref<10000x128xf32, #tpu.memory_space<hbm>>
      tpu.wait_indirect_dma semaphore(%arg16 : memref<!tpu.dma_semaphore, #tpu.memory_space<semaphore_mem>>) src(%dma_wait3A_301 : memref<10000x128xf32, #tpu.memory_space<hbm>>) dst(%arg11 : memref<64x128xf32, #tpu.memory_space<vmem>>)
      %add3A_302 = arith.constant 2 : i32
      %add3A_303 = arith.addi %mul3A_142, %add3A_302 : i32
      "tpu.region"() ({
        %run_scoped3A_406 = tpu.sem_alloc : memref<!tpu.dma_semaphore, #tpu.memory_space<semaphore_mem>>
        %dma_start3A_407 = arith.constant 0 : i32
        %dma_start3A_408 = tpu.memref_slice %arg8[%add3A_303, %dma_start3A_407] : memref<80x64xi32, #tpu.memory_space<vmem>> -> memref<1x64xi32, #tpu.memory_space<vmem>>
        %dma_start3A_409 = tpu.memref_squeeze %dma_start3A_408 : memref<1x64xi32, #tpu.memory_space<vmem>> -> memref<64xi32, #tpu.memory_space<vmem>>
        %dma_start3A_410 = arith.constant 0 : i32
        %dma_start3A_411 = arith.constant 0 : i32
        %dma_start3A_412 = tpu.memref_slice %arg13[%dma_start3A_410, %dma_start3A_411] : memref<10240x128xf32, #tpu.memory_space<vmem_shared>> -> memref<10240x128xf32, #tpu.memory_space<vmem_shared>>
        tpu.enqueue_indirect_dma source(%arg11 : memref<64x128xf32, #tpu.memory_space<vmem>>) target(%dma_start3A_412 : memref<10240x128xf32, #tpu.memory_space<vmem_shared>>) offsets(%dma_start3A_409 : memref<64xi32, #tpu.memory_space<vmem>>) semaphore(%run_scoped3A_406 : memref<!tpu.dma_semaphore, #tpu.memory_space<semaphore_mem>>) {add = true}
        %dma_wait3A_413 = arith.constant 0 : i32
        %dma_wait3A_414 = tpu.memref_slice %arg8[%add3A_303, %dma_wait3A_413] : memref<80x64xi32, #tpu.memory_space<vmem>> -> memref<1x64xi32, #tpu.memory_space<vmem>>
        %dma_wait3A_415 = tpu.memref_squeeze %dma_wait3A_414 : memref<1x64xi32, #tpu.memory_space<vmem>> -> memref<64xi32, #tpu.memory_space<vmem>>
        %dma_wait3A_416 = arith.constant 0 : i32
        %dma_wait3A_417 = arith.constant 0 : i32
        %dma_wait3A_418 = tpu.memref_slice %arg13[%dma_wait3A_416, %dma_wait3A_417] : memref<10240x128xf32, #tpu.memory_space<vmem_shared>> -> memref<10240x128xf32, #tpu.memory_space<vmem_shared>>
        tpu.wait_indirect_dma semaphore(%run_scoped3A_406 : memref<!tpu.dma_semaphore, #tpu.memory_space<semaphore_mem>>) src(%arg11 : memref<64x128xf32, #tpu.memory_space<vmem>>) dst(%dma_wait3A_418 : memref<10240x128xf32, #tpu.memory_space<vmem_shared>>)
        tpu.yield
      }) : () -> ()
      %jit3A_304 = arith.constant 2 : i32
      %div3A_305 = arith.divsi %mul3A_142, %jit3A_304 : i32
      %sign3A_306 = arith.constant 0 : i32
      %sign3A_307 = arith.cmpi sgt, %mul3A_142, %sign3A_306 : i32
      %sign3A_308 = arith.extui %sign3A_307 : i1 to i32
      %sign3A_309 = arith.constant 0 : i32
      %sign3A_310 = arith.cmpi slt, %mul3A_142, %sign3A_309 : i32
      %sign3A_311 = arith.extui %sign3A_310 : i1 to i32
      %sign3A_312 = arith.subi %sign3A_308, %sign3A_311 : i32
      %sign3A_313 = arith.constant 0 : i32
      %sign3A_314 = arith.cmpi sgt, %jit3A_304, %sign3A_313 : i32
      %sign3A_315 = arith.extui %sign3A_314 : i1 to i32
      %sign3A_316 = arith.constant 0 : i32
      %sign3A_317 = arith.cmpi slt, %jit3A_304, %sign3A_316 : i32
      %sign3A_318 = arith.extui %sign3A_317 : i1 to i32
      %sign3A_319 = arith.subi %sign3A_315, %sign3A_318 : i32
      %ne3A_320 = arith.cmpi ne, %sign3A_312, %sign3A_319 : i32
      %rem3A_321 = arith.remsi %mul3A_142, %jit3A_304 : i32
      %ne3A_322 = arith.constant 0 : i32
      %ne3A_323 = arith.cmpi ne, %rem3A_321, %ne3A_322 : i32
      %and3A_324 = arith.andi %ne3A_320, %ne3A_323 : i1
      %sub3A_325 = arith.constant 1 : i32
      %sub3A_326 = arith.subi %div3A_305, %sub3A_325 : i32
      %select_n3A_327 = arith.select %and3A_324, %sub3A_326, %div3A_305 : i32
      %add3A_328 = arith.constant 2 : i32
      %add3A_329 = arith.addi %select_n3A_327, %add3A_328 : i32
      %add3A_330 = arith.constant 1 : i32
      %add3A_331 = arith.addi %add3A_329, %add3A_330 : i32
      %dma_start3A_332 = arith.constant 0 : i32
      %dma_start3A_333 = tpu.memref_slice %arg7[%add3A_331, %dma_start3A_332] : memref<40x128xi32, #tpu.memory_space<vmem>> -> memref<1x64xi32, #tpu.memory_space<vmem>>
      %dma_start3A_334 = tpu.memref_squeeze %dma_start3A_333 : memref<1x64xi32, #tpu.memory_space<vmem>> -> memref<64xi32, #tpu.memory_space<vmem>>
      %dma_start3A_335 = arith.constant 0 : i32
      %dma_start3A_336 = arith.constant 0 : i32
      %dma_start3A_337 = tpu.memref_slice %arg2[%dma_start3A_335, %dma_start3A_336] : memref<10000x128xf32, #tpu.memory_space<hbm>> -> memref<10000x128xf32, #tpu.memory_space<hbm>>
      tpu.enqueue_indirect_dma source(%dma_start3A_337 : memref<10000x128xf32, #tpu.memory_space<hbm>>) target(%arg11 : memref<64x128xf32, #tpu.memory_space<vmem>>) offsets(%dma_start3A_334 : memref<64xi32, #tpu.memory_space<vmem>>) semaphore(%arg16 : memref<!tpu.dma_semaphore, #tpu.memory_space<semaphore_mem>>)
      %jit3A_338 = arith.constant 2 : i32
      %div3A_339 = arith.divsi %mul3A_142, %jit3A_338 : i32
      %sign3A_340 = arith.constant 0 : i32
      %sign3A_341 = arith.cmpi sgt, %mul3A_142, %sign3A_340 : i32
      %sign3A_342 = arith.extui %sign3A_341 : i1 to i32
      %sign3A_343 = arith.constant 0 : i32
      %sign3A_344 = arith.cmpi slt, %mul3A_142, %sign3A_343 : i32
      %sign3A_345 = arith.extui %sign3A_344 : i1 to i32
      %sign3A_346 = arith.subi %sign3A_342, %sign3A_345 : i32
      %sign3A_347 = arith.constant 0 : i32
      %sign3A_348 = arith.cmpi sgt, %jit3A_338, %sign3A_347 : i32
      %sign3A_349 = arith.extui %sign3A_348 : i1 to i32
      %sign3A_350 = arith.constant 0 : i32
      %sign3A_351 = arith.cmpi slt, %jit3A_338, %sign3A_350 : i32
      %sign3A_352 = arith.extui %sign3A_351 : i1 to i32
      %sign3A_353 = arith.subi %sign3A_349, %sign3A_352 : i32
      %ne3A_354 = arith.cmpi ne, %sign3A_346, %sign3A_353 : i32
      %rem3A_355 = arith.remsi %mul3A_142, %jit3A_338 : i32
      %ne3A_356 = arith.constant 0 : i32
      %ne3A_357 = arith.cmpi ne, %rem3A_355, %ne3A_356 : i32
      %and3A_358 = arith.andi %ne3A_354, %ne3A_357 : i1
      %sub3A_359 = arith.constant 1 : i32
      %sub3A_360 = arith.subi %div3A_339, %sub3A_359 : i32
      %select_n3A_361 = arith.select %and3A_358, %sub3A_360, %div3A_339 : i32
      %add3A_362 = arith.constant 1 : i32
      %add3A_363 = arith.addi %select_n3A_361, %add3A_362 : i32
      %dma_wait3A_364 = arith.constant 64 : i32
      %dma_wait3A_365 = tpu.memref_slice %arg7[%add3A_363, %dma_wait3A_364] : memref<40x128xi32, #tpu.memory_space<vmem>> -> memref<1x64xi32, #tpu.memory_space<vmem>>
      %dma_wait3A_366 = tpu.memref_squeeze %dma_wait3A_365 : memref<1x64xi32, #tpu.memory_space<vmem>> -> memref<64xi32, #tpu.memory_space<vmem>>
      %dma_wait3A_367 = arith.constant 0 : i32
      %dma_wait3A_368 = arith.constant 0 : i32
      %dma_wait3A_369 = tpu.memref_slice %arg2[%dma_wait3A_367, %dma_wait3A_368] : memref<10000x128xf32, #tpu.memory_space<hbm>> -> memref<10000x128xf32, #tpu.memory_space<hbm>>
      tpu.wait_indirect_dma semaphore(%arg17 : memref<!tpu.dma_semaphore, #tpu.memory_space<semaphore_mem>>) src(%dma_wait3A_369 : memref<10000x128xf32, #tpu.memory_space<hbm>>) dst(%arg12 : memref<64x128xf32, #tpu.memory_space<vmem>>)
      %add3A_370 = arith.constant 3 : i32
      %add3A_371 = arith.addi %mul3A_142, %add3A_370 : i32
      "tpu.region"() ({
        %run_scoped3A_406 = tpu.sem_alloc : memref<!tpu.dma_semaphore, #tpu.memory_space<semaphore_mem>>
        %dma_start3A_407 = arith.constant 0 : i32
        %dma_start3A_408 = tpu.memref_slice %arg8[%add3A_371, %dma_start3A_407] : memref<80x64xi32, #tpu.memory_space<vmem>> -> memref<1x64xi32, #tpu.memory_space<vmem>>
        %dma_start3A_409 = tpu.memref_squeeze %dma_start3A_408 : memref<1x64xi32, #tpu.memory_space<vmem>> -> memref<64xi32, #tpu.memory_space<vmem>>
        %dma_start3A_410 = arith.constant 0 : i32
        %dma_start3A_411 = arith.constant 0 : i32
        %dma_start3A_412 = tpu.memref_slice %arg13[%dma_start3A_410, %dma_start3A_411] : memref<10240x128xf32, #tpu.memory_space<vmem_shared>> -> memref<10240x128xf32, #tpu.memory_space<vmem_shared>>
        tpu.enqueue_indirect_dma source(%arg12 : memref<64x128xf32, #tpu.memory_space<vmem>>) target(%dma_start3A_412 : memref<10240x128xf32, #tpu.memory_space<vmem_shared>>) offsets(%dma_start3A_409 : memref<64xi32, #tpu.memory_space<vmem>>) semaphore(%run_scoped3A_406 : memref<!tpu.dma_semaphore, #tpu.memory_space<semaphore_mem>>) {add = true}
        %dma_wait3A_413 = arith.constant 0 : i32
        %dma_wait3A_414 = tpu.memref_slice %arg8[%add3A_371, %dma_wait3A_413] : memref<80x64xi32, #tpu.memory_space<vmem>> -> memref<1x64xi32, #tpu.memory_space<vmem>>
        %dma_wait3A_415 = tpu.memref_squeeze %dma_wait3A_414 : memref<1x64xi32, #tpu.memory_space<vmem>> -> memref<64xi32, #tpu.memory_space<vmem>>
        %dma_wait3A_416 = arith.constant 0 : i32
        %dma_wait3A_417 = arith.constant 0 : i32
        %dma_wait3A_418 = tpu.memref_slice %arg13[%dma_wait3A_416, %dma_wait3A_417] : memref<10240x128xf32, #tpu.memory_space<vmem_shared>> -> memref<10240x128xf32, #tpu.memory_space<vmem_shared>>
        tpu.wait_indirect_dma semaphore(%run_scoped3A_406 : memref<!tpu.dma_semaphore, #tpu.memory_space<semaphore_mem>>) src(%arg12 : memref<64x128xf32, #tpu.memory_space<vmem>>) dst(%dma_wait3A_418 : memref<10240x128xf32, #tpu.memory_space<vmem_shared>>)
        tpu.yield
      }) : () -> ()
      %jit3A_372 = arith.constant 2 : i32
      %div3A_373 = arith.divsi %mul3A_142, %jit3A_372 : i32
      %sign3A_374 = arith.constant 0 : i32
      %sign3A_375 = arith.cmpi sgt, %mul3A_142, %sign3A_374 : i32
      %sign3A_376 = arith.extui %sign3A_375 : i1 to i32
      %sign3A_377 = arith.constant 0 : i32
      %sign3A_378 = arith.cmpi slt, %mul3A_142, %sign3A_377 : i32
      %sign3A_379 = arith.extui %sign3A_378 : i1 to i32
      %sign3A_380 = arith.subi %sign3A_376, %sign3A_379 : i32
      %sign3A_381 = arith.constant 0 : i32
      %sign3A_382 = arith.cmpi sgt, %jit3A_372, %sign3A_381 : i32
      %sign3A_383 = arith.extui %sign3A_382 : i1 to i32
      %sign3A_384 = arith.constant 0 : i32
      %sign3A_385 = arith.cmpi slt, %jit3A_372, %sign3A_384 : i32
      %sign3A_386 = arith.extui %sign3A_385 : i1 to i32
      %sign3A_387 = arith.subi %sign3A_383, %sign3A_386 : i32
      %ne3A_388 = arith.cmpi ne, %sign3A_380, %sign3A_387 : i32
      %rem3A_389 = arith.remsi %mul3A_142, %jit3A_372 : i32
      %ne3A_390 = arith.constant 0 : i32
      %ne3A_391 = arith.cmpi ne, %rem3A_389, %ne3A_390 : i32
      %and3A_392 = arith.andi %ne3A_388, %ne3A_391 : i1
      %sub3A_393 = arith.constant 1 : i32
      %sub3A_394 = arith.subi %div3A_373, %sub3A_393 : i32
      %select_n3A_395 = arith.select %and3A_392, %sub3A_394, %div3A_373 : i32
      %add3A_396 = arith.constant 2 : i32
      %add3A_397 = arith.addi %select_n3A_395, %add3A_396 : i32
      %add3A_398 = arith.constant 1 : i32
      %add3A_399 = arith.addi %add3A_397, %add3A_398 : i32
      %dma_start3A_400 = arith.constant 64 : i32
      %dma_start3A_401 = tpu.memref_slice %arg7[%add3A_399, %dma_start3A_400] : memref<40x128xi32, #tpu.memory_space<vmem>> -> memref<1x64xi32, #tpu.memory_space<vmem>>
      %dma_start3A_402 = tpu.memref_squeeze %dma_start3A_401 : memref<1x64xi32, #tpu.memory_space<vmem>> -> memref<64xi32, #tpu.memory_space<vmem>>
      %dma_start3A_403 = arith.constant 0 : i32
      %dma_start3A_404 = arith.constant 0 : i32
      %dma_start3A_405 = tpu.memref_slice %arg2[%dma_start3A_403, %dma_start3A_404] : memref<10000x128xf32, #tpu.memory_space<hbm>> -> memref<10000x128xf32, #tpu.memory_space<hbm>>
      tpu.enqueue_indirect_dma source(%dma_start3A_405 : memref<10000x128xf32, #tpu.memory_space<hbm>>) target(%arg12 : memref<64x128xf32, #tpu.memory_space<vmem>>) offsets(%dma_start3A_402 : memref<64xi32, #tpu.memory_space<vmem>>) semaphore(%arg17 : memref<!tpu.dma_semaphore, #tpu.memory_space<semaphore_mem>>)
    }
    %scan3A_102 = arith.constant 19 : i32
    %dma_wait3A_103 = arith.constant 38 : i32
    %dma_wait3A_104 = arith.constant 0 : i32
    %dma_wait3A_105 = tpu.memref_slice %arg7[%dma_wait3A_103, %dma_wait3A_104] : memref<40x128xi32, #tpu.memory_space<vmem>> -> memref<1x64xi32, #tpu.memory_space<vmem>>
    %dma_wait3A_106 = tpu.memref_squeeze %dma_wait3A_105 : memref<1x64xi32, #tpu.memory_space<vmem>> -> memref<64xi32, #tpu.memory_space<vmem>>
    %dma_wait3A_107 = arith.constant 0 : i32
    %dma_wait3A_108 = arith.constant 0 : i32
    %dma_wait3A_109 = tpu.memref_slice %arg2[%dma_wait3A_107, %dma_wait3A_108] : memref<10000x128xf32, #tpu.memory_space<hbm>> -> memref<10000x128xf32, #tpu.memory_space<hbm>>
    tpu.wait_indirect_dma semaphore(%arg14 : memref<!tpu.dma_semaphore, #tpu.memory_space<semaphore_mem>>) src(%dma_wait3A_109 : memref<10000x128xf32, #tpu.memory_space<hbm>>) dst(%arg9 : memref<64x128xf32, #tpu.memory_space<vmem>>)
    %run_scoped3A_110 = arith.constant 76 : i32
    "tpu.region"() ({
      %run_scoped3A_140 = tpu.sem_alloc : memref<!tpu.dma_semaphore, #tpu.memory_space<semaphore_mem>>
      %dma_start3A_141 = arith.constant 0 : i32
      %dma_start3A_142 = tpu.memref_slice %arg8[%run_scoped3A_110, %dma_start3A_141] : memref<80x64xi32, #tpu.memory_space<vmem>> -> memref<1x64xi32, #tpu.memory_space<vmem>>
      %dma_start3A_143 = tpu.memref_squeeze %dma_start3A_142 : memref<1x64xi32, #tpu.memory_space<vmem>> -> memref<64xi32, #tpu.memory_space<vmem>>
      %dma_start3A_144 = arith.constant 0 : i32
      %dma_start3A_145 = arith.constant 0 : i32
      %dma_start3A_146 = tpu.memref_slice %arg13[%dma_start3A_144, %dma_start3A_145] : memref<10240x128xf32, #tpu.memory_space<vmem_shared>> -> memref<10240x128xf32, #tpu.memory_space<vmem_shared>>
      tpu.enqueue_indirect_dma source(%arg9 : memref<64x128xf32, #tpu.memory_space<vmem>>) target(%dma_start3A_146 : memref<10240x128xf32, #tpu.memory_space<vmem_shared>>) offsets(%dma_start3A_143 : memref<64xi32, #tpu.memory_space<vmem>>) semaphore(%run_scoped3A_140 : memref<!tpu.dma_semaphore, #tpu.memory_space<semaphore_mem>>) {add = true}
      %dma_wait3A_147 = arith.constant 0 : i32
      %dma_wait3A_148 = tpu.memref_slice %arg8[%run_scoped3A_110, %dma_wait3A_147] : memref<80x64xi32, #tpu.memory_space<vmem>> -> memref<1x64xi32, #tpu.memory_space<vmem>>
      %dma_wait3A_149 = tpu.memref_squeeze %dma_wait3A_148 : memref<1x64xi32, #tpu.memory_space<vmem>> -> memref<64xi32, #tpu.memory_space<vmem>>
      %dma_wait3A_150 = arith.constant 0 : i32
      %dma_wait3A_151 = arith.constant 0 : i32
      %dma_wait3A_152 = tpu.memref_slice %arg13[%dma_wait3A_150, %dma_wait3A_151] : memref<10240x128xf32, #tpu.memory_space<vmem_shared>> -> memref<10240x128xf32, #tpu.memory_space<vmem_shared>>
      tpu.wait_indirect_dma semaphore(%run_scoped3A_140 : memref<!tpu.dma_semaphore, #tpu.memory_space<semaphore_mem>>) src(%arg9 : memref<64x128xf32, #tpu.memory_space<vmem>>) dst(%dma_wait3A_152 : memref<10240x128xf32, #tpu.memory_space<vmem_shared>>)
      tpu.yield
    }) : () -> ()
    %dma_wait3A_111 = arith.constant 38 : i32
    %dma_wait3A_112 = arith.constant 64 : i32
    %dma_wait3A_113 = tpu.memref_slice %arg7[%dma_wait3A_111, %dma_wait3A_112] : memref<40x128xi32, #tpu.memory_space<vmem>> -> memref<1x64xi32, #tpu.memory_space<vmem>>
    %dma_wait3A_114 = tpu.memref_squeeze %dma_wait3A_113 : memref<1x64xi32, #tpu.memory_space<vmem>> -> memref<64xi32, #tpu.memory_space<vmem>>
    %dma_wait3A_115 = arith.constant 0 : i32
    %dma_wait3A_116 = arith.constant 0 : i32
    %dma_wait3A_117 = tpu.memref_slice %arg2[%dma_wait3A_115, %dma_wait3A_116] : memref<10000x128xf32, #tpu.memory_space<hbm>> -> memref<10000x128xf32, #tpu.memory_space<hbm>>
    tpu.wait_indirect_dma semaphore(%arg15 : memref<!tpu.dma_semaphore, #tpu.memory_space<semaphore_mem>>) src(%dma_wait3A_117 : memref<10000x128xf32, #tpu.memory_space<hbm>>) dst(%arg10 : memref<64x128xf32, #tpu.memory_space<vmem>>)
    %run_scoped3A_118 = arith.constant 77 : i32
    "tpu.region"() ({
      %run_scoped3A_140 = tpu.sem_alloc : memref<!tpu.dma_semaphore, #tpu.memory_space<semaphore_mem>>
      %dma_start3A_141 = arith.constant 0 : i32
      %dma_start3A_142 = tpu.memref_slice %arg8[%run_scoped3A_118, %dma_start3A_141] : memref<80x64xi32, #tpu.memory_space<vmem>> -> memref<1x64xi32, #tpu.memory_space<vmem>>
      %dma_start3A_143 = tpu.memref_squeeze %dma_start3A_142 : memref<1x64xi32, #tpu.memory_space<vmem>> -> memref<64xi32, #tpu.memory_space<vmem>>
      %dma_start3A_144 = arith.constant 0 : i32
      %dma_start3A_145 = arith.constant 0 : i32
      %dma_start3A_146 = tpu.memref_slice %arg13[%dma_start3A_144, %dma_start3A_145] : memref<10240x128xf32, #tpu.memory_space<vmem_shared>> -> memref<10240x128xf32, #tpu.memory_space<vmem_shared>>
      tpu.enqueue_indirect_dma source(%arg10 : memref<64x128xf32, #tpu.memory_space<vmem>>) target(%dma_start3A_146 : memref<10240x128xf32, #tpu.memory_space<vmem_shared>>) offsets(%dma_start3A_143 : memref<64xi32, #tpu.memory_space<vmem>>) semaphore(%run_scoped3A_140 : memref<!tpu.dma_semaphore, #tpu.memory_space<semaphore_mem>>) {add = true}
      %dma_wait3A_147 = arith.constant 0 : i32
      %dma_wait3A_148 = tpu.memref_slice %arg8[%run_scoped3A_118, %dma_wait3A_147] : memref<80x64xi32, #tpu.memory_space<vmem>> -> memref<1x64xi32, #tpu.memory_space<vmem>>
      %dma_wait3A_149 = tpu.memref_squeeze %dma_wait3A_148 : memref<1x64xi32, #tpu.memory_space<vmem>> -> memref<64xi32, #tpu.memory_space<vmem>>
      %dma_wait3A_150 = arith.constant 0 : i32
      %dma_wait3A_151 = arith.constant 0 : i32
      %dma_wait3A_152 = tpu.memref_slice %arg13[%dma_wait3A_150, %dma_wait3A_151] : memref<10240x128xf32, #tpu.memory_space<vmem_shared>> -> memref<10240x128xf32, #tpu.memory_space<vmem_shared>>
      tpu.wait_indirect_dma semaphore(%run_scoped3A_140 : memref<!tpu.dma_semaphore, #tpu.memory_space<semaphore_mem>>) src(%arg10 : memref<64x128xf32, #tpu.memory_space<vmem>>) dst(%dma_wait3A_152 : memref<10240x128xf32, #tpu.memory_space<vmem_shared>>)
      tpu.yield
    }) : () -> ()
    %dma_wait3A_119 = arith.constant 39 : i32
    %dma_wait3A_120 = arith.constant 0 : i32
    %dma_wait3A_121 = tpu.memref_slice %arg7[%dma_wait3A_119, %dma_wait3A_120] : memref<40x128xi32, #tpu.memory_space<vmem>> -> memref<1x64xi32, #tpu.memory_space<vmem>>
    %dma_wait3A_122 = tpu.memref_squeeze %dma_wait3A_121 : memref<1x64xi32, #tpu.memory_space<vmem>> -> memref<64xi32, #tpu.memory_space<vmem>>
    %dma_wait3A_123 = arith.constant 0 : i32
    %dma_wait3A_124 = arith.constant 0 : i32
    %dma_wait3A_125 = tpu.memref_slice %arg2[%dma_wait3A_123, %dma_wait3A_124] : memref<10000x128xf32, #tpu.memory_space<hbm>> -> memref<10000x128xf32, #tpu.memory_space<hbm>>
    tpu.wait_indirect_dma semaphore(%arg16 : memref<!tpu.dma_semaphore, #tpu.memory_space<semaphore_mem>>) src(%dma_wait3A_125 : memref<10000x128xf32, #tpu.memory_space<hbm>>) dst(%arg11 : memref<64x128xf32, #tpu.memory_space<vmem>>)
    %run_scoped3A_126 = arith.constant 78 : i32
    "tpu.region"() ({
      %run_scoped3A_140 = tpu.sem_alloc : memref<!tpu.dma_semaphore, #tpu.memory_space<semaphore_mem>>
      %dma_start3A_141 = arith.constant 0 : i32
      %dma_start3A_142 = tpu.memref_slice %arg8[%run_scoped3A_126, %dma_start3A_141] : memref<80x64xi32, #tpu.memory_space<vmem>> -> memref<1x64xi32, #tpu.memory_space<vmem>>
      %dma_start3A_143 = tpu.memref_squeeze %dma_start3A_142 : memref<1x64xi32, #tpu.memory_space<vmem>> -> memref<64xi32, #tpu.memory_space<vmem>>
      %dma_start3A_144 = arith.constant 0 : i32
      %dma_start3A_145 = arith.constant 0 : i32
      %dma_start3A_146 = tpu.memref_slice %arg13[%dma_start3A_144, %dma_start3A_145] : memref<10240x128xf32, #tpu.memory_space<vmem_shared>> -> memref<10240x128xf32, #tpu.memory_space<vmem_shared>>
      tpu.enqueue_indirect_dma source(%arg11 : memref<64x128xf32, #tpu.memory_space<vmem>>) target(%dma_start3A_146 : memref<10240x128xf32, #tpu.memory_space<vmem_shared>>) offsets(%dma_start3A_143 : memref<64xi32, #tpu.memory_space<vmem>>) semaphore(%run_scoped3A_140 : memref<!tpu.dma_semaphore, #tpu.memory_space<semaphore_mem>>) {add = true}
      %dma_wait3A_147 = arith.constant 0 : i32
      %dma_wait3A_148 = tpu.memref_slice %arg8[%run_scoped3A_126, %dma_wait3A_147] : memref<80x64xi32, #tpu.memory_space<vmem>> -> memref<1x64xi32, #tpu.memory_space<vmem>>
      %dma_wait3A_149 = tpu.memref_squeeze %dma_wait3A_148 : memref<1x64xi32, #tpu.memory_space<vmem>> -> memref<64xi32, #tpu.memory_space<vmem>>
      %dma_wait3A_150 = arith.constant 0 : i32
      %dma_wait3A_151 = arith.constant 0 : i32
      %dma_wait3A_152 = tpu.memref_slice %arg13[%dma_wait3A_150, %dma_wait3A_151] : memref<10240x128xf32, #tpu.memory_space<vmem_shared>> -> memref<10240x128xf32, #tpu.memory_space<vmem_shared>>
      tpu.wait_indirect_dma semaphore(%run_scoped3A_140 : memref<!tpu.dma_semaphore, #tpu.memory_space<semaphore_mem>>) src(%arg11 : memref<64x128xf32, #tpu.memory_space<vmem>>) dst(%dma_wait3A_152 : memref<10240x128xf32, #tpu.memory_space<vmem_shared>>)
      tpu.yield
    }) : () -> ()
    %dma_wait3A_127 = arith.constant 39 : i32
    %dma_wait3A_128 = arith.constant 64 : i32
    %dma_wait3A_129 = tpu.memref_slice %arg7[%dma_wait3A_127, %dma_wait3A_128] : memref<40x128xi32, #tpu.memory_space<vmem>> -> memref<1x64xi32, #tpu.memory_space<vmem>>
    %dma_wait3A_130 = tpu.memref_squeeze %dma_wait3A_129 : memref<1x64xi32, #tpu.memory_space<vmem>> -> memref<64xi32, #tpu.memory_space<vmem>>
    %dma_wait3A_131 = arith.constant 0 : i32
    %dma_wait3A_132 = arith.constant 0 : i32
    %dma_wait3A_133 = tpu.memref_slice %arg2[%dma_wait3A_131, %dma_wait3A_132] : memref<10000x128xf32, #tpu.memory_space<hbm>> -> memref<10000x128xf32, #tpu.memory_space<hbm>>
    tpu.wait_indirect_dma semaphore(%arg17 : memref<!tpu.dma_semaphore, #tpu.memory_space<semaphore_mem>>) src(%dma_wait3A_133 : memref<10000x128xf32, #tpu.memory_space<hbm>>) dst(%arg12 : memref<64x128xf32, #tpu.memory_space<vmem>>)
    %run_scoped3A_134 = arith.constant 79 : i32
    "tpu.region"() ({
      %run_scoped3A_140 = tpu.sem_alloc : memref<!tpu.dma_semaphore, #tpu.memory_space<semaphore_mem>>
      %dma_start3A_141 = arith.constant 0 : i32
      %dma_start3A_142 = tpu.memref_slice %arg8[%run_scoped3A_134, %dma_start3A_141] : memref<80x64xi32, #tpu.memory_space<vmem>> -> memref<1x64xi32, #tpu.memory_space<vmem>>
      %dma_start3A_143 = tpu.memref_squeeze %dma_start3A_142 : memref<1x64xi32, #tpu.memory_space<vmem>> -> memref<64xi32, #tpu.memory_space<vmem>>
      %dma_start3A_144 = arith.constant 0 : i32
      %dma_start3A_145 = arith.constant 0 : i32
      %dma_start3A_146 = tpu.memref_slice %arg13[%dma_start3A_144, %dma_start3A_145] : memref<10240x128xf32, #tpu.memory_space<vmem_shared>> -> memref<10240x128xf32, #tpu.memory_space<vmem_shared>>
      tpu.enqueue_indirect_dma source(%arg12 : memref<64x128xf32, #tpu.memory_space<vmem>>) target(%dma_start3A_146 : memref<10240x128xf32, #tpu.memory_space<vmem_shared>>) offsets(%dma_start3A_143 : memref<64xi32, #tpu.memory_space<vmem>>) semaphore(%run_scoped3A_140 : memref<!tpu.dma_semaphore, #tpu.memory_space<semaphore_mem>>) {add = true}
      %dma_wait3A_147 = arith.constant 0 : i32
      %dma_wait3A_148 = tpu.memref_slice %arg8[%run_scoped3A_134, %dma_wait3A_147] : memref<80x64xi32, #tpu.memory_space<vmem>> -> memref<1x64xi32, #tpu.memory_space<vmem>>
      %dma_wait3A_149 = tpu.memref_squeeze %dma_wait3A_148 : memref<1x64xi32, #tpu.memory_space<vmem>> -> memref<64xi32, #tpu.memory_space<vmem>>
      %dma_wait3A_150 = arith.constant 0 : i32
      %dma_wait3A_151 = arith.constant 0 : i32
      %dma_wait3A_152 = tpu.memref_slice %arg13[%dma_wait3A_150, %dma_wait3A_151] : memref<10240x128xf32, #tpu.memory_space<vmem_shared>> -> memref<10240x128xf32, #tpu.memory_space<vmem_shared>>
      tpu.wait_indirect_dma semaphore(%run_scoped3A_140 : memref<!tpu.dma_semaphore, #tpu.memory_space<semaphore_mem>>) src(%arg12 : memref<64x128xf32, #tpu.memory_space<vmem>>) dst(%dma_wait3A_152 : memref<10240x128xf32, #tpu.memory_space<vmem_shared>>)
      tpu.yield
    }) : () -> ()
    %barrier3A_135 = arith.constant 0 : index
    tpu.barrier barrier_id(%barrier3A_135)
    %mul3A_136 = arith.constant 640 : i32
    %mul3A_137 = arith.muli %arg1, %mul3A_136 : i32
    %mul3A_138 = arith.constant 640 : i32
    %mul3A_139 = arith.muli %arg1, %mul3A_138 : i32
    "tpu.region"() ({
      %run_scoped3A_140 = tpu.sem_alloc : memref<!tpu.dma_semaphore, #tpu.memory_space<semaphore_mem>>
      %dma_start3A_141 = arith.constant 0 : i32
      %dma_start3A_142 = tpu.memref_slice %arg6[%arg0, %mul3A_139, %dma_start3A_141] : memref<2x10240x128xf32, #tpu.memory_space<hbm>> -> memref<1x640x128xf32, #tpu.memory_space<hbm>>
      %dma_start3A_143 = tpu.memref_squeeze %dma_start3A_142 : memref<1x640x128xf32, #tpu.memory_space<hbm>> -> memref<640x128xf32, #tpu.memory_space<hbm>>
      %dma_start3A_144 = arith.constant 0 : i32
      %dma_start3A_145 = tpu.memref_slice %arg13[%mul3A_137, %dma_start3A_144] : memref<10240x128xf32, #tpu.memory_space<vmem_shared>> -> memref<640x128xf32, #tpu.memory_space<vmem_shared>>
      tpu.enqueue_dma source(%dma_start3A_145 : memref<640x128xf32, #tpu.memory_space<vmem_shared>>) target(%dma_start3A_143 : memref<640x128xf32, #tpu.memory_space<hbm>>) target_semaphore(%run_scoped3A_140 : memref<!tpu.dma_semaphore, #tpu.memory_space<semaphore_mem>>)
      %dma_wait3A_146 = arith.constant 0 : i32
      %dma_wait3A_147 = tpu.memref_slice %arg6[%arg0, %mul3A_139, %dma_wait3A_146] : memref<2x10240x128xf32, #tpu.memory_space<hbm>> -> memref<1x640x128xf32, #tpu.memory_space<hbm>>
      %dma_wait3A_148 = tpu.memref_squeeze %dma_wait3A_147 : memref<1x640x128xf32, #tpu.memory_space<hbm>> -> memref<640x128xf32, #tpu.memory_space<hbm>>
      %dma_wait3A_149 = arith.constant 0 : i32
      %dma_wait3A_150 = tpu.memref_slice %arg13[%mul3A_137, %dma_wait3A_149] : memref<10240x128xf32, #tpu.memory_space<vmem_shared>> -> memref<640x128xf32, #tpu.memory_space<vmem_shared>>
      tpu.wait_dma2 semaphore(%run_scoped3A_140 : memref<!tpu.dma_semaphore, #tpu.memory_space<semaphore_mem>>) src(%dma_wait3A_150 : memref<640x128xf32, #tpu.memory_space<vmem_shared>>) dst(%dma_wait3A_148 : memref<640x128xf32, #tpu.memory_space<hbm>>)
      tpu.yield
    }) : () -> ()
    return
  }
}

#map = affine_map<(d0, d1) -> (0, 0)>
#map1 = affine_map<(d0, d1) -> (0, 0, 0, 0, 0)>
#map2 = affine_map<(d0, d1) -> (0, 0, 0)>
module attributes {stable_mosaic.version = 14 : i64} {
  func.func @_spmm_entry(%arg0: i32, %arg1: i32, %arg2: memref<10000x128xf32, #tpu.memory_space<hbm>>, %arg3: memref<2x16x2x40x128xi32, #tpu.memory_space<hbm>>, %arg4: memref<2x16x2x80x64xi32, #tpu.memory_space<hbm>>, %arg5: memref<10240x128xf32, #tpu.memory_space<hbm>>, %arg6: memref<2x10240x128xf32, #tpu.memory_space<hbm>>, %arg7: memref<40x128xi32, #tpu.memory_space<vmem>>, %arg8: memref<80x64xi32, #tpu.memory_space<vmem>>, %arg9: memref<64x128xf32, #tpu.memory_space<vmem>>, %arg10: memref<64x128xf32, #tpu.memory_space<vmem>>, %arg11: memref<64x128xf32, #tpu.memory_space<vmem>>, %arg12: memref<64x128xf32, #tpu.memory_space<vmem>>, %arg13: memref<10240x128xf32, #tpu.memory_space<vmem_shared>>, %arg14: memref<!tpu.dma_semaphore, #tpu.memory_space<semaphore_mem>>, %arg15: memref<!tpu.dma_semaphore, #tpu.memory_space<semaphore_mem>>, %arg16: memref<!tpu.dma_semaphore, #tpu.memory_space<semaphore_mem>>, %arg17: memref<!tpu.dma_semaphore, #tpu.memory_space<semaphore_mem>>) attributes {dimension_semantics = [#tpu.dimension_semantics<core_parallel>, #tpu.dimension_semantics<subcore_parallel>], iteration_bounds = array<i64: 2, 16>, scalar_prefetch = 0 : i64, scratch_operands = 11 : i64, tpu.core_type = #tpu.core_type<sc_vector_subcore>, window_params = [{transform_indices = #map}, {transform_indices = #map1}, {transform_indices = #map1}, {transform_indices = #map}, {transform_indices = #map2}]} {
    %mul3A = arith.constant 640 : i32
    %mul3A_0 = arith.muli %arg1, %mul3A : i32
    %mul3A_1 = arith.constant 640 : i32
    %mul3A_2 = arith.muli %arg1, %mul3A_1 : i32
    "tpu.region"() ({
      %run_scoped3A_140 = tpu.sem_alloc : memref<!tpu.dma_semaphore, #tpu.memory_space<semaphore_mem>>
      %dma_start3A_141 = arith.constant 0 : i32
      %dma_start3A_142 = tpu.memref_slice %arg13[%mul3A_2, %dma_start3A_141] : memref<10240x128xf32, #tpu.memory_space<vmem_shared>> -> memref<640x128xf32, #tpu.memory_space<vmem_shared>>
      %dma_start3A_143 = arith.constant 0 : i32
      %dma_start3A_144 = tpu.memref_slice %arg5[%mul3A_0, %dma_start3A_143] : memref<10240x128xf32, #tpu.memory_space<hbm>> -> memref<640x128xf32, #tpu.memory_space<hbm>>
      tpu.enqueue_dma source(%dma_start3A_144 : memref<640x128xf32, #tpu.memory_space<hbm>>) target(%dma_start3A_142 : memref<640x128xf32, #tpu.memory_space<vmem_shared>>) target_semaphore(%run_scoped3A_140 : memref<!tpu.dma_semaphore, #tpu.memory_space<semaphore_mem>>)
      %dma_wait3A_145 = arith.constant 0 : i32
      %dma_wait3A_146 = tpu.memref_slice %arg13[%mul3A_2, %dma_wait3A_145] : memref<10240x128xf32, #tpu.memory_space<vmem_shared>> -> memref<640x128xf32, #tpu.memory_space<vmem_shared>>
      %dma_wait3A_147 = arith.constant 0 : i32
      %dma_wait3A_148 = tpu.memref_slice %arg5[%mul3A_0, %dma_wait3A_147] : memref<10240x128xf32, #tpu.memory_space<hbm>> -> memref<640x128xf32, #tpu.memory_space<hbm>>
      tpu.wait_dma2 semaphore(%run_scoped3A_140 : memref<!tpu.dma_semaphore, #tpu.memory_space<semaphore_mem>>) src(%dma_wait3A_148 : memref<640x128xf32, #tpu.memory_space<hbm>>) dst(%dma_wait3A_146 : memref<640x128xf32, #tpu.memory_space<vmem_shared>>)
      tpu.yield
    }) : () -> ()
    %barrier3A = arith.constant 0 : index
    tpu.barrier barrier_id(%barrier3A)
    %run_scoped3A = arith.constant 0 : i32
    "tpu.region"() ({
      %run_scoped3A_140 = tpu.sem_alloc : memref<!tpu.dma_semaphore, #tpu.memory_space<semaphore_mem>>
      %dma_start3A_141 = arith.constant 0 : i32
      %dma_start3A_142 = arith.constant 0 : i32
      %dma_start3A_143 = tpu.memref_slice %arg3[%arg0, %arg1, %run_scoped3A, %dma_start3A_141, %dma_start3A_142] : memref<2x16x2x40x128xi32, #tpu.memory_space<hbm>> -> memref<1x1x1x40x128xi32, #tpu.memory_space<hbm>>
      %dma_start3A_144 = tpu.memref_squeeze %dma_start3A_143 : memref<1x1x1x40x128xi32, #tpu.memory_space<hbm>> -> memref<40x128xi32, #tpu.memory_space<hbm>>
      %dma_start3A_145 = arith.constant 0 : i32
      %dma_start3A_146 = arith.constant 0 : i32
      %dma_start3A_147 = tpu.memref_slice %arg3[%arg0, %arg1, %run_scoped3A, %dma_start3A_145, %dma_start3A_146] : memref<2x16x2x40x128xi32, #tpu.memory_space<hbm>> -> memref<1x1x1x40x128xi32, #tpu.memory_space<hbm>>
      %dma_start3A_148 = tpu.memref_squeeze %dma_start3A_147 : memref<1x1x1x40x128xi32, #tpu.memory_space<hbm>> -> memref<40x128xi32, #tpu.memory_space<hbm>>
      tpu.enqueue_dma source(%dma_start3A_148 : memref<40x128xi32, #tpu.memory_space<hbm>>) target(%arg7 : memref<40x128xi32, #tpu.memory_space<vmem>>) target_semaphore(%run_scoped3A_140 : memref<!tpu.dma_semaphore, #tpu.memory_space<semaphore_mem>>)
      %dma_wait3A_149 = arith.constant 0 : i32
      %dma_wait3A_150 = arith.constant 0 : i32
      %dma_wait3A_151 = tpu.memref_slice %arg3[%arg0, %arg1, %run_scoped3A, %dma_wait3A_149, %dma_wait3A_150] : memref<2x16x2x40x128xi32, #tpu.memory_space<hbm>> -> memref<1x1x1x40x128xi32, #tpu.memory_space<hbm>>
      %dma_wait3A_152 = tpu.memref_squeeze %dma_wait3A_151 : memref<1x1x1x40x128xi32, #tpu.memory_space<hbm>> -> memref<40x128xi32, #tpu.memory_space<hbm>>
      %dma_wait3A_153 = arith.constant 0 : i32
      %dma_wait3A_154 = arith.constant 0 : i32
      %dma_wait3A_155 = tpu.memref_slice %arg3[%arg0, %arg1, %run_scoped3A, %dma_wait3A_153, %dma_wait3A_154] : memref<2x16x2x40x128xi32, #tpu.memory_space<hbm>> -> memref<1x1x1x40x128xi32, #tpu.memory_space<hbm>>
      %dma_wait3A_156 = tpu.memref_squeeze %dma_wait3A_155 : memref<1x1x1x40x128xi32, #tpu.memory_space<hbm>> -> memref<40x128xi32, #tpu.memory_space<hbm>>
      tpu.wait_dma2 semaphore(%run_scoped3A_140 : memref<!tpu.dma_semaphore, #tpu.memory_space<semaphore_mem>>) src(%dma_wait3A_156 : memref<40x128xi32, #tpu.memory_space<hbm>>) dst(%arg7 : memref<40x128xi32, #tpu.memory_space<vmem>>)
      tpu.yield
    }) : () -> ()
    %run_scoped3A_3 = arith.constant 0 : i32
    "tpu.region"() ({
      %run_scoped3A_140 = tpu.sem_alloc : memref<!tpu.dma_semaphore, #tpu.memory_space<semaphore_mem>>
      %dma_start3A_141 = arith.constant 0 : i32
      %dma_start3A_142 = arith.constant 0 : i32
      %dma_start3A_143 = tpu.memref_slice %arg4[%arg0, %arg1, %run_scoped3A_3, %dma_start3A_141, %dma_start3A_142] : memref<2x16x2x80x64xi32, #tpu.memory_space<hbm>> -> memref<1x1x1x80x64xi32, #tpu.memory_space<hbm>>
      %dma_start3A_144 = tpu.memref_squeeze %dma_start3A_143 : memref<1x1x1x80x64xi32, #tpu.memory_space<hbm>> -> memref<80x64xi32, #tpu.memory_space<hbm>>
      %dma_start3A_145 = arith.constant 0 : i32
      %dma_start3A_146 = arith.constant 0 : i32
      %dma_start3A_147 = tpu.memref_slice %arg4[%arg0, %arg1, %run_scoped3A_3, %dma_start3A_145, %dma_start3A_146] : memref<2x16x2x80x64xi32, #tpu.memory_space<hbm>> -> memref<1x1x1x80x64xi32, #tpu.memory_space<hbm>>
      %dma_start3A_148 = tpu.memref_squeeze %dma_start3A_147 : memref<1x1x1x80x64xi32, #tpu.memory_space<hbm>> -> memref<80x64xi32, #tpu.memory_space<hbm>>
      tpu.enqueue_dma source(%dma_start3A_148 : memref<80x64xi32, #tpu.memory_space<hbm>>) target(%arg8 : memref<80x64xi32, #tpu.memory_space<vmem>>) target_semaphore(%run_scoped3A_140 : memref<!tpu.dma_semaphore, #tpu.memory_space<semaphore_mem>>)
      %dma_wait3A_149 = arith.constant 0 : i32
      %dma_wait3A_150 = arith.constant 0 : i32
      %dma_wait3A_151 = tpu.memref_slice %arg4[%arg0, %arg1, %run_scoped3A_3, %dma_wait3A_149, %dma_wait3A_150] : memref<2x16x2x80x64xi32, #tpu.memory_space<hbm>> -> memref<1x1x1x80x64xi32, #tpu.memory_space<hbm>>
      %dma_wait3A_152 = tpu.memref_squeeze %dma_wait3A_151 : memref<1x1x1x80x64xi32, #tpu.memory_space<hbm>> -> memref<80x64xi32, #tpu.memory_space<hbm>>
      %dma_wait3A_153 = arith.constant 0 : i32
      %dma_wait3A_154 = arith.constant 0 : i32
      %dma_wait3A_155 = tpu.memref_slice %arg4[%arg0, %arg1, %run_scoped3A_3, %dma_wait3A_153, %dma_wait3A_154] : memref<2x16x2x80x64xi32, #tpu.memory_space<hbm>> -> memref<1x1x1x80x64xi32, #tpu.memory_space<hbm>>
      %dma_wait3A_156 = tpu.memref_squeeze %dma_wait3A_155 : memref<1x1x1x80x64xi32, #tpu.memory_space<hbm>> -> memref<80x64xi32, #tpu.memory_space<hbm>>
      tpu.wait_dma2 semaphore(%run_scoped3A_140 : memref<!tpu.dma_semaphore, #tpu.memory_space<semaphore_mem>>) src(%dma_wait3A_156 : memref<80x64xi32, #tpu.memory_space<hbm>>) dst(%arg8 : memref<80x64xi32, #tpu.memory_space<vmem>>)
      tpu.yield
    }) : () -> ()
    %dma_start3A = arith.constant 0 : i32
    %dma_start3A_4 = arith.constant 0 : i32
    %dma_start3A_5 = tpu.memref_slice %arg7[%dma_start3A, %dma_start3A_4] : memref<40x128xi32, #tpu.memory_space<vmem>> -> memref<1x64xi32, #tpu.memory_space<vmem>>
    %dma_start3A_6 = tpu.memref_squeeze %dma_start3A_5 : memref<1x64xi32, #tpu.memory_space<vmem>> -> memref<64xi32, #tpu.memory_space<vmem>>
    %dma_start3A_7 = arith.constant 0 : i32
    %dma_start3A_8 = arith.constant 0 : i32
    %dma_start3A_9 = tpu.memref_slice %arg2[%dma_start3A_7, %dma_start3A_8] : memref<10000x128xf32, #tpu.memory_space<hbm>> -> memref<10000x128xf32, #tpu.memory_space<hbm>>
    tpu.enqueue_indirect_dma source(%dma_start3A_9 : memref<10000x128xf32, #tpu.memory_space<hbm>>) target(%arg9 : memref<64x128xf32, #tpu.memory_space<vmem>>) offsets(%dma_start3A_6 : memref<64xi32, #tpu.memory_space<vmem>>) semaphore(%arg14 : memref<!tpu.dma_semaphore, #tpu.memory_space<semaphore_mem>>)
    %dma_start3A_10 = arith.constant 0 : i32
    %dma_start3A_11 = arith.constant 64 : i32
    %dma_start3A_12 = tpu.memref_slice %arg7[%dma_start3A_10, %dma_start3A_11] : memref<40x128xi32, #tpu.memory_space<vmem>> -> memref<1x64xi32, #tpu.memory_space<vmem>>
    %dma_start3A_13 = tpu.memref_squeeze %dma_start3A_12 : memref<1x64xi32, #tpu.memory_space<vmem>> -> memref<64xi32, #tpu.memory_space<vmem>>
    %dma_start3A_14 = arith.constant 0 : i32
    %dma_start3A_15 = arith.constant 0 : i32
    %dma_start3A_16 = tpu.memref_slice %arg2[%dma_start3A_14, %dma_start3A_15] : memref<10000x128xf32, #tpu.memory_space<hbm>> -> memref<10000x128xf32, #tpu.memory_space<hbm>>
    tpu.enqueue_indirect_dma source(%dma_start3A_16 : memref<10000x128xf32, #tpu.memory_space<hbm>>) target(%arg10 : memref<64x128xf32, #tpu.memory_space<vmem>>) offsets(%dma_start3A_13 : memref<64xi32, #tpu.memory_space<vmem>>) semaphore(%arg15 : memref<!tpu.dma_semaphore, #tpu.memory_space<semaphore_mem>>)
    %dma_start3A_17 = arith.constant 1 : i32
    %dma_start3A_18 = arith.constant 0 : i32
    %dma_start3A_19 = tpu.memref_slice %arg7[%dma_start3A_17, %dma_start3A_18] : memref<40x128xi32, #tpu.memory_space<vmem>> -> memref<1x64xi32, #tpu.memory_space<vmem>>
    %dma_start3A_20 = tpu.memref_squeeze %dma_start3A_19 : memref<1x64xi32, #tpu.memory_space<vmem>> -> memref<64xi32, #tpu.memory_space<vmem>>
    %dma_start3A_21 = arith.constant 0 : i32
    %dma_start3A_22 = arith.constant 0 : i32
    %dma_start3A_23 = tpu.memref_slice %arg2[%dma_start3A_21, %dma_start3A_22] : memref<10000x128xf32, #tpu.memory_space<hbm>> -> memref<10000x128xf32, #tpu.memory_space<hbm>>
    tpu.enqueue_indirect_dma source(%dma_start3A_23 : memref<10000x128xf32, #tpu.memory_space<hbm>>) target(%arg11 : memref<64x128xf32, #tpu.memory_space<vmem>>) offsets(%dma_start3A_20 : memref<64xi32, #tpu.memory_space<vmem>>) semaphore(%arg16 : memref<!tpu.dma_semaphore, #tpu.memory_space<semaphore_mem>>)
    %dma_start3A_24 = arith.constant 1 : i32
    %dma_start3A_25 = arith.constant 64 : i32
    %dma_start3A_26 = tpu.memref_slice %arg7[%dma_start3A_24, %dma_start3A_25] : memref<40x128xi32, #tpu.memory_space<vmem>> -> memref<1x64xi32, #tpu.memory_space<vmem>>
    %dma_start3A_27 = tpu.memref_squeeze %dma_start3A_26 : memref<1x64xi32, #tpu.memory_space<vmem>> -> memref<64xi32, #tpu.memory_space<vmem>>
    %dma_start3A_28 = arith.constant 0 : i32
    %dma_start3A_29 = arith.constant 0 : i32
    %dma_start3A_30 = tpu.memref_slice %arg2[%dma_start3A_28, %dma_start3A_29] : memref<10000x128xf32, #tpu.memory_space<hbm>> -> memref<10000x128xf32, #tpu.memory_space<hbm>>
    tpu.enqueue_indirect_dma source(%dma_start3A_30 : memref<10000x128xf32, #tpu.memory_space<hbm>>) target(%arg12 : memref<64x128xf32, #tpu.memory_space<vmem>>) offsets(%dma_start3A_27 : memref<64xi32, #tpu.memory_space<vmem>>) semaphore(%arg17 : memref<!tpu.dma_semaphore, #tpu.memory_space<semaphore_mem>>)
    %scan3A = arith.constant 0 : i32
    %scan3A_31 = arith.constant 0 : i32
    %scan3A_32 = arith.constant 19 : i32
    %scan3A_33 = arith.addi %scan3A_31, %scan3A_32 : i32
    %scan3A_34 = arith.constant 1 : i32
    scf.for %scan3A_140 = %scan3A_31 to %scan3A_33 step %scan3A_34  : i32 {
      %mul3A_141 = arith.constant 4 : i32
      %mul3A_142 = arith.muli %mul3A_141, %scan3A_140 : i32
      %jit3A = arith.constant 2 : i32
      %div3A = arith.divsi %mul3A_142, %jit3A : i32
      %sign3A = arith.constant 0 : i32
      %sign3A_143 = arith.cmpi sgt, %mul3A_142, %sign3A : i32
      %sign3A_144 = arith.extui %sign3A_143 : i1 to i32
      %sign3A_145 = arith.constant 0 : i32
      %sign3A_146 = arith.cmpi slt, %mul3A_142, %sign3A_145 : i32
      %sign3A_147 = arith.extui %sign3A_146 : i1 to i32
      %sign3A_148 = arith.subi %sign3A_144, %sign3A_147 : i32
      %sign3A_149 = arith.constant 0 : i32
      %sign3A_150 = arith.cmpi sgt, %jit3A, %sign3A_149 : i32
      %sign3A_151 = arith.extui %sign3A_150 : i1 to i32
      %sign3A_152 = arith.constant 0 : i32
      %sign3A_153 = arith.cmpi slt, %jit3A, %sign3A_152 : i32
      %sign3A_154 = arith.extui %sign3A_153 : i1 to i32
      %sign3A_155 = arith.subi %sign3A_151, %sign3A_154 : i32
      %ne3A = arith.cmpi ne, %sign3A_148, %sign3A_155 : i32
      %rem3A = arith.remsi %mul3A_142, %jit3A : i32
      %ne3A_156 = arith.constant 0 : i32
      %ne3A_157 = arith.cmpi ne, %rem3A, %ne3A_156 : i32
      %and3A = arith.andi %ne3A, %ne3A_157 : i1
      %sub3A = arith.constant 1 : i32
      %sub3A_158 = arith.subi %div3A, %sub3A : i32
      %select_n3A = arith.select %and3A, %sub3A_158, %div3A : i32
      %add3A = arith.constant 0 : i32
      %add3A_159 = arith.addi %select_n3A, %add3A : i32
      %dma_wait3A_160 = arith.constant 0 : i32
      %dma_wait3A_161 = tpu.memref_slice %arg7[%add3A_159, %dma_wait3A_160] : memref<40x128xi32, #tpu.memory_space<vmem>> -> memref<1x64xi32, #tpu.memory_space<vmem>>
      %dma_wait3A_162 = tpu.memref_squeeze %dma_wait3A_161 : memref<1x64xi32, #tpu.memory_space<vmem>> -> memref<64xi32, #tpu.memory_space<vmem>>
      %dma_wait3A_163 = arith.constant 0 : i32
      %dma_wait3A_164 = arith.constant 0 : i32
      %dma_wait3A_165 = tpu.memref_slice %arg2[%dma_wait3A_163, %dma_wait3A_164] : memref<10000x128xf32, #tpu.memory_space<hbm>> -> memref<10000x128xf32, #tpu.memory_space<hbm>>
      tpu.wait_indirect_dma semaphore(%arg14 : memref<!tpu.dma_semaphore, #tpu.memory_space<semaphore_mem>>) src(%dma_wait3A_165 : memref<10000x128xf32, #tpu.memory_space<hbm>>) dst(%arg9 : memref<64x128xf32, #tpu.memory_space<vmem>>)
      %add3A_166 = arith.constant 0 : i32
      %add3A_167 = arith.addi %mul3A_142, %add3A_166 : i32
      "tpu.region"() ({
        %run_scoped3A_406 = tpu.sem_alloc : memref<!tpu.dma_semaphore, #tpu.memory_space<semaphore_mem>>
        %dma_start3A_407 = arith.constant 0 : i32
        %dma_start3A_408 = tpu.memref_slice %arg8[%add3A_167, %dma_start3A_407] : memref<80x64xi32, #tpu.memory_space<vmem>> -> memref<1x64xi32, #tpu.memory_space<vmem>>
        %dma_start3A_409 = tpu.memref_squeeze %dma_start3A_408 : memref<1x64xi32, #tpu.memory_space<vmem>> -> memref<64xi32, #tpu.memory_space<vmem>>
        %dma_start3A_410 = arith.constant 0 : i32
        %dma_start3A_411 = arith.constant 0 : i32
        %dma_start3A_412 = tpu.memref_slice %arg13[%dma_start3A_410, %dma_start3A_411] : memref<10240x128xf32, #tpu.memory_space<vmem_shared>> -> memref<10240x128xf32, #tpu.memory_space<vmem_shared>>
        tpu.enqueue_indirect_dma source(%arg9 : memref<64x128xf32, #tpu.memory_space<vmem>>) target(%dma_start3A_412 : memref<10240x128xf32, #tpu.memory_space<vmem_shared>>) offsets(%dma_start3A_409 : memref<64xi32, #tpu.memory_space<vmem>>) semaphore(%run_scoped3A_406 : memref<!tpu.dma_semaphore, #tpu.memory_space<semaphore_mem>>) {add = true}
        %dma_wait3A_413 = arith.constant 0 : i32
        %dma_wait3A_414 = tpu.memref_slice %arg8[%add3A_167, %dma_wait3A_413] : memref<80x64xi32, #tpu.memory_space<vmem>> -> memref<1x64xi32, #tpu.memory_space<vmem>>
        %dma_wait3A_415 = tpu.memref_squeeze %dma_wait3A_414 : memref<1x64xi32, #tpu.memory_space<vmem>> -> memref<64xi32, #tpu.memory_space<vmem>>
        %dma_wait3A_416 = arith.constant 0 : i32
        %dma_wait3A_417 = arith.constant 0 : i32
        %dma_wait3A_418 = tpu.memref_slice %arg13[%dma_wait3A_416, %dma_wait3A_417] : memref<10240x128xf32, #tpu.memory_space<vmem_shared>> -> memref<10240x128xf32, #tpu.memory_space<vmem_shared>>
        tpu.wait_indirect_dma semaphore(%run_scoped3A_406 : memref<!tpu.dma_semaphore, #tpu.memory_space<semaphore_mem>>) src(%arg9 : memref<64x128xf32, #tpu.memory_space<vmem>>) dst(%dma_wait3A_418 : memref<10240x128xf32, #tpu.memory_space<vmem_shared>>)
        tpu.yield
      }) : () -> ()
      %jit3A_168 = arith.constant 2 : i32
      %div3A_169 = arith.divsi %mul3A_142, %jit3A_168 : i32
      %sign3A_170 = arith.constant 0 : i32
      %sign3A_171 = arith.cmpi sgt, %mul3A_142, %sign3A_170 : i32
      %sign3A_172 = arith.extui %sign3A_171 : i1 to i32
      %sign3A_173 = arith.constant 0 : i32
      %sign3A_174 = arith.cmpi slt, %mul3A_142, %sign3A_173 : i32
      %sign3A_175 = arith.extui %sign3A_174 : i1 to i32
      %sign3A_176 = arith.subi %sign3A_172, %sign3A_175 : i32
      %sign3A_177 = arith.constant 0 : i32
      %sign3A_178 = arith.cmpi sgt, %jit3A_168, %sign3A_177 : i32
      %sign3A_179 = arith.extui %sign3A_178 : i1 to i32
      %sign3A_180 = arith.constant 0 : i32
      %sign3A_181 = arith.cmpi slt, %jit3A_168, %sign3A_180 : i32
      %sign3A_182 = arith.extui %sign3A_181 : i1 to i32
      %sign3A_183 = arith.subi %sign3A_179, %sign3A_182 : i32
      %ne3A_184 = arith.cmpi ne, %sign3A_176, %sign3A_183 : i32
      %rem3A_185 = arith.remsi %mul3A_142, %jit3A_168 : i32
      %ne3A_186 = arith.constant 0 : i32
      %ne3A_187 = arith.cmpi ne, %rem3A_185, %ne3A_186 : i32
      %and3A_188 = arith.andi %ne3A_184, %ne3A_187 : i1
      %sub3A_189 = arith.constant 1 : i32
      %sub3A_190 = arith.subi %div3A_169, %sub3A_189 : i32
      %select_n3A_191 = arith.select %and3A_188, %sub3A_190, %div3A_169 : i32
      %add3A_192 = arith.constant 2 : i32
      %add3A_193 = arith.addi %select_n3A_191, %add3A_192 : i32
      %add3A_194 = arith.constant 0 : i32
      %add3A_195 = arith.addi %add3A_193, %add3A_194 : i32
      %dma_start3A_196 = arith.constant 0 : i32
      %dma_start3A_197 = tpu.memref_slice %arg7[%add3A_195, %dma_start3A_196] : memref<40x128xi32, #tpu.memory_space<vmem>> -> memref<1x64xi32, #tpu.memory_space<vmem>>
      %dma_start3A_198 = tpu.memref_squeeze %dma_start3A_197 : memref<1x64xi32, #tpu.memory_space<vmem>> -> memref<64xi32, #tpu.memory_space<vmem>>
      %dma_start3A_199 = arith.constant 0 : i32
      %dma_start3A_200 = arith.constant 0 : i32
      %dma_start3A_201 = tpu.memref_slice %arg2[%dma_start3A_199, %dma_start3A_200] : memref<10000x128xf32, #tpu.memory_space<hbm>> -> memref<10000x128xf32, #tpu.memory_space<hbm>>
      tpu.enqueue_indirect_dma source(%dma_start3A_201 : memref<10000x128xf32, #tpu.memory_space<hbm>>) target(%arg9 : memref<64x128xf32, #tpu.memory_space<vmem>>) offsets(%dma_start3A_198 : memref<64xi32, #tpu.memory_space<vmem>>) semaphore(%arg14 : memref<!tpu.dma_semaphore, #tpu.memory_space<semaphore_mem>>)
      %jit3A_202 = arith.constant 2 : i32
      %div3A_203 = arith.divsi %mul3A_142, %jit3A_202 : i32
      %sign3A_204 = arith.constant 0 : i32
      %sign3A_205 = arith.cmpi sgt, %mul3A_142, %sign3A_204 : i32
      %sign3A_206 = arith.extui %sign3A_205 : i1 to i32
      %sign3A_207 = arith.constant 0 : i32
      %sign3A_208 = arith.cmpi slt, %mul3A_142, %sign3A_207 : i32
      %sign3A_209 = arith.extui %sign3A_208 : i1 to i32
      %sign3A_210 = arith.subi %sign3A_206, %sign3A_209 : i32
      %sign3A_211 = arith.constant 0 : i32
      %sign3A_212 = arith.cmpi sgt, %jit3A_202, %sign3A_211 : i32
      %sign3A_213 = arith.extui %sign3A_212 : i1 to i32
      %sign3A_214 = arith.constant 0 : i32
      %sign3A_215 = arith.cmpi slt, %jit3A_202, %sign3A_214 : i32
      %sign3A_216 = arith.extui %sign3A_215 : i1 to i32
      %sign3A_217 = arith.subi %sign3A_213, %sign3A_216 : i32
      %ne3A_218 = arith.cmpi ne, %sign3A_210, %sign3A_217 : i32
      %rem3A_219 = arith.remsi %mul3A_142, %jit3A_202 : i32
      %ne3A_220 = arith.constant 0 : i32
      %ne3A_221 = arith.cmpi ne, %rem3A_219, %ne3A_220 : i32
      %and3A_222 = arith.andi %ne3A_218, %ne3A_221 : i1
      %sub3A_223 = arith.constant 1 : i32
      %sub3A_224 = arith.subi %div3A_203, %sub3A_223 : i32
      %select_n3A_225 = arith.select %and3A_222, %sub3A_224, %div3A_203 : i32
      %add3A_226 = arith.constant 0 : i32
      %add3A_227 = arith.addi %select_n3A_225, %add3A_226 : i32
      %dma_wait3A_228 = arith.constant 64 : i32
      %dma_wait3A_229 = tpu.memref_slice %arg7[%add3A_227, %dma_wait3A_228] : memref<40x128xi32, #tpu.memory_space<vmem>> -> memref<1x64xi32, #tpu.memory_space<vmem>>
      %dma_wait3A_230 = tpu.memref_squeeze %dma_wait3A_229 : memref<1x64xi32, #tpu.memory_space<vmem>> -> memref<64xi32, #tpu.memory_space<vmem>>
      %dma_wait3A_231 = arith.constant 0 : i32
      %dma_wait3A_232 = arith.constant 0 : i32
      %dma_wait3A_233 = tpu.memref_slice %arg2[%dma_wait3A_231, %dma_wait3A_232] : memref<10000x128xf32, #tpu.memory_space<hbm>> -> memref<10000x128xf32, #tpu.memory_space<hbm>>
      tpu.wait_indirect_dma semaphore(%arg15 : memref<!tpu.dma_semaphore, #tpu.memory_space<semaphore_mem>>) src(%dma_wait3A_233 : memref<10000x128xf32, #tpu.memory_space<hbm>>) dst(%arg10 : memref<64x128xf32, #tpu.memory_space<vmem>>)
      %add3A_234 = arith.constant 1 : i32
      %add3A_235 = arith.addi %mul3A_142, %add3A_234 : i32
      "tpu.region"() ({
        %run_scoped3A_406 = tpu.sem_alloc : memref<!tpu.dma_semaphore, #tpu.memory_space<semaphore_mem>>
        %dma_start3A_407 = arith.constant 0 : i32
        %dma_start3A_408 = tpu.memref_slice %arg8[%add3A_235, %dma_start3A_407] : memref<80x64xi32, #tpu.memory_space<vmem>> -> memref<1x64xi32, #tpu.memory_space<vmem>>
        %dma_start3A_409 = tpu.memref_squeeze %dma_start3A_408 : memref<1x64xi32, #tpu.memory_space<vmem>> -> memref<64xi32, #tpu.memory_space<vmem>>
        %dma_start3A_410 = arith.constant 0 : i32
        %dma_start3A_411 = arith.constant 0 : i32
        %dma_start3A_412 = tpu.memref_slice %arg13[%dma_start3A_410, %dma_start3A_411] : memref<10240x128xf32, #tpu.memory_space<vmem_shared>> -> memref<10240x128xf32, #tpu.memory_space<vmem_shared>>
        tpu.enqueue_indirect_dma source(%arg10 : memref<64x128xf32, #tpu.memory_space<vmem>>) target(%dma_start3A_412 : memref<10240x128xf32, #tpu.memory_space<vmem_shared>>) offsets(%dma_start3A_409 : memref<64xi32, #tpu.memory_space<vmem>>) semaphore(%run_scoped3A_406 : memref<!tpu.dma_semaphore, #tpu.memory_space<semaphore_mem>>) {add = true}
        %dma_wait3A_413 = arith.constant 0 : i32
        %dma_wait3A_414 = tpu.memref_slice %arg8[%add3A_235, %dma_wait3A_413] : memref<80x64xi32, #tpu.memory_space<vmem>> -> memref<1x64xi32, #tpu.memory_space<vmem>>
        %dma_wait3A_415 = tpu.memref_squeeze %dma_wait3A_414 : memref<1x64xi32, #tpu.memory_space<vmem>> -> memref<64xi32, #tpu.memory_space<vmem>>
        %dma_wait3A_416 = arith.constant 0 : i32
        %dma_wait3A_417 = arith.constant 0 : i32
        %dma_wait3A_418 = tpu.memref_slice %arg13[%dma_wait3A_416, %dma_wait3A_417] : memref<10240x128xf32, #tpu.memory_space<vmem_shared>> -> memref<10240x128xf32, #tpu.memory_space<vmem_shared>>
        tpu.wait_indirect_dma semaphore(%run_scoped3A_406 : memref<!tpu.dma_semaphore, #tpu.memory_space<semaphore_mem>>) src(%arg10 : memref<64x128xf32, #tpu.memory_space<vmem>>) dst(%dma_wait3A_418 : memref<10240x128xf32, #tpu.memory_space<vmem_shared>>)
        tpu.yield
      }) : () -> ()
      %jit3A_236 = arith.constant 2 : i32
      %div3A_237 = arith.divsi %mul3A_142, %jit3A_236 : i32
      %sign3A_238 = arith.constant 0 : i32
      %sign3A_239 = arith.cmpi sgt, %mul3A_142, %sign3A_238 : i32
      %sign3A_240 = arith.extui %sign3A_239 : i1 to i32
      %sign3A_241 = arith.constant 0 : i32
      %sign3A_242 = arith.cmpi slt, %mul3A_142, %sign3A_241 : i32
      %sign3A_243 = arith.extui %sign3A_242 : i1 to i32
      %sign3A_244 = arith.subi %sign3A_240, %sign3A_243 : i32
      %sign3A_245 = arith.constant 0 : i32
      %sign3A_246 = arith.cmpi sgt, %jit3A_236, %sign3A_245 : i32
      %sign3A_247 = arith.extui %sign3A_246 : i1 to i32
      %sign3A_248 = arith.constant 0 : i32
      %sign3A_249 = arith.cmpi slt, %jit3A_236, %sign3A_248 : i32
      %sign3A_250 = arith.extui %sign3A_249 : i1 to i32
      %sign3A_251 = arith.subi %sign3A_247, %sign3A_250 : i32
      %ne3A_252 = arith.cmpi ne, %sign3A_244, %sign3A_251 : i32
      %rem3A_253 = arith.remsi %mul3A_142, %jit3A_236 : i32
      %ne3A_254 = arith.constant 0 : i32
      %ne3A_255 = arith.cmpi ne, %rem3A_253, %ne3A_254 : i32
      %and3A_256 = arith.andi %ne3A_252, %ne3A_255 : i1
      %sub3A_257 = arith.constant 1 : i32
      %sub3A_258 = arith.subi %div3A_237, %sub3A_257 : i32
      %select_n3A_259 = arith.select %and3A_256, %sub3A_258, %div3A_237 : i32
      %add3A_260 = arith.constant 2 : i32
      %add3A_261 = arith.addi %select_n3A_259, %add3A_260 : i32
      %add3A_262 = arith.constant 0 : i32
      %add3A_263 = arith.addi %add3A_261, %add3A_262 : i32
      %dma_start3A_264 = arith.constant 64 : i32
      %dma_start3A_265 = tpu.memref_slice %arg7[%add3A_263, %dma_start3A_264] : memref<40x128xi32, #tpu.memory_space<vmem>> -> memref<1x64xi32, #tpu.memory_space<vmem>>
      %dma_start3A_266 = tpu.memref_squeeze %dma_start3A_265 : memref<1x64xi32, #tpu.memory_space<vmem>> -> memref<64xi32, #tpu.memory_space<vmem>>
      %dma_start3A_267 = arith.constant 0 : i32
      %dma_start3A_268 = arith.constant 0 : i32
      %dma_start3A_269 = tpu.memref_slice %arg2[%dma_start3A_267, %dma_start3A_268] : memref<10000x128xf32, #tpu.memory_space<hbm>> -> memref<10000x128xf32, #tpu.memory_space<hbm>>
      tpu.enqueue_indirect_dma source(%dma_start3A_269 : memref<10000x128xf32, #tpu.memory_space<hbm>>) target(%arg10 : memref<64x128xf32, #tpu.memory_space<vmem>>) offsets(%dma_start3A_266 : memref<64xi32, #tpu.memory_space<vmem>>) semaphore(%arg15 : memref<!tpu.dma_semaphore, #tpu.memory_space<semaphore_mem>>)
      %jit3A_270 = arith.constant 2 : i32
      %div3A_271 = arith.divsi %mul3A_142, %jit3A_270 : i32
      %sign3A_272 = arith.constant 0 : i32
      %sign3A_273 = arith.cmpi sgt, %mul3A_142, %sign3A_272 : i32
      %sign3A_274 = arith.extui %sign3A_273 : i1 to i32
      %sign3A_275 = arith.constant 0 : i32
      %sign3A_276 = arith.cmpi slt, %mul3A_142, %sign3A_275 : i32
      %sign3A_277 = arith.extui %sign3A_276 : i1 to i32
      %sign3A_278 = arith.subi %sign3A_274, %sign3A_277 : i32
      %sign3A_279 = arith.constant 0 : i32
      %sign3A_280 = arith.cmpi sgt, %jit3A_270, %sign3A_279 : i32
      %sign3A_281 = arith.extui %sign3A_280 : i1 to i32
      %sign3A_282 = arith.constant 0 : i32
      %sign3A_283 = arith.cmpi slt, %jit3A_270, %sign3A_282 : i32
      %sign3A_284 = arith.extui %sign3A_283 : i1 to i32
      %sign3A_285 = arith.subi %sign3A_281, %sign3A_284 : i32
      %ne3A_286 = arith.cmpi ne, %sign3A_278, %sign3A_285 : i32
      %rem3A_287 = arith.remsi %mul3A_142, %jit3A_270 : i32
      %ne3A_288 = arith.constant 0 : i32
      %ne3A_289 = arith.cmpi ne, %rem3A_287, %ne3A_288 : i32
      %and3A_290 = arith.andi %ne3A_286, %ne3A_289 : i1
      %sub3A_291 = arith.constant 1 : i32
      %sub3A_292 = arith.subi %div3A_271, %sub3A_291 : i32
      %select_n3A_293 = arith.select %and3A_290, %sub3A_292, %div3A_271 : i32
      %add3A_294 = arith.constant 1 : i32
      %add3A_295 = arith.addi %select_n3A_293, %add3A_294 : i32
      %dma_wait3A_296 = arith.constant 0 : i32
      %dma_wait3A_297 = tpu.memref_slice %arg7[%add3A_295, %dma_wait3A_296] : memref<40x128xi32, #tpu.memory_space<vmem>> -> memref<1x64xi32, #tpu.memory_space<vmem>>
      %dma_wait3A_298 = tpu.memref_squeeze %dma_wait3A_297 : memref<1x64xi32, #tpu.memory_space<vmem>> -> memref<64xi32, #tpu.memory_space<vmem>>
      %dma_wait3A_299 = arith.constant 0 : i32
      %dma_wait3A_300 = arith.constant 0 : i32
      %dma_wait3A_301 = tpu.memref_slice %arg2[%dma_wait3A_299, %dma_wait3A_300] : memref<10000x128xf32, #tpu.memory_space<hbm>> -> memref<10000x128xf32, #tpu.memory_space<hbm>>
      tpu.wait_indirect_dma semaphore(%arg16 : memref<!tpu.dma_semaphore, #tpu.memory_space<semaphore_mem>>) src(%dma_wait3A_301 : memref<10000x128xf32, #tpu.memory_space<hbm>>) dst(%arg11 : memref<64x128xf32, #tpu.memory_space<vmem>>)
      %add3A_302 = arith.constant 2 : i32
      %add3A_303 = arith.addi %mul3A_142, %add3A_302 : i32
      "tpu.region"() ({
        %run_scoped3A_406 = tpu.sem_alloc : memref<!tpu.dma_semaphore, #tpu.memory_space<semaphore_mem>>
        %dma_start3A_407 = arith.constant 0 : i32
        %dma_start3A_408 = tpu.memref_slice %arg8[%add3A_303, %dma_start3A_407] : memref<80x64xi32, #tpu.memory_space<vmem>> -> memref<1x64xi32, #tpu.memory_space<vmem>>
        %dma_start3A_409 = tpu.memref_squeeze %dma_start3A_408 : memref<1x64xi32, #tpu.memory_space<vmem>> -> memref<64xi32, #tpu.memory_space<vmem>>
        %dma_start3A_410 = arith.constant 0 : i32
        %dma_start3A_411 = arith.constant 0 : i32
        %dma_start3A_412 = tpu.memref_slice %arg13[%dma_start3A_410, %dma_start3A_411] : memref<10240x128xf32, #tpu.memory_space<vmem_shared>> -> memref<10240x128xf32, #tpu.memory_space<vmem_shared>>
        tpu.enqueue_indirect_dma source(%arg11 : memref<64x128xf32, #tpu.memory_space<vmem>>) target(%dma_start3A_412 : memref<10240x128xf32, #tpu.memory_space<vmem_shared>>) offsets(%dma_start3A_409 : memref<64xi32, #tpu.memory_space<vmem>>) semaphore(%run_scoped3A_406 : memref<!tpu.dma_semaphore, #tpu.memory_space<semaphore_mem>>) {add = true}
        %dma_wait3A_413 = arith.constant 0 : i32
        %dma_wait3A_414 = tpu.memref_slice %arg8[%add3A_303, %dma_wait3A_413] : memref<80x64xi32, #tpu.memory_space<vmem>> -> memref<1x64xi32, #tpu.memory_space<vmem>>
        %dma_wait3A_415 = tpu.memref_squeeze %dma_wait3A_414 : memref<1x64xi32, #tpu.memory_space<vmem>> -> memref<64xi32, #tpu.memory_space<vmem>>
        %dma_wait3A_416 = arith.constant 0 : i32
        %dma_wait3A_417 = arith.constant 0 : i32
        %dma_wait3A_418 = tpu.memref_slice %arg13[%dma_wait3A_416, %dma_wait3A_417] : memref<10240x128xf32, #tpu.memory_space<vmem_shared>> -> memref<10240x128xf32, #tpu.memory_space<vmem_shared>>
        tpu.wait_indirect_dma semaphore(%run_scoped3A_406 : memref<!tpu.dma_semaphore, #tpu.memory_space<semaphore_mem>>) src(%arg11 : memref<64x128xf32, #tpu.memory_space<vmem>>) dst(%dma_wait3A_418 : memref<10240x128xf32, #tpu.memory_space<vmem_shared>>)
        tpu.yield
      }) : () -> ()
      %jit3A_304 = arith.constant 2 : i32
      %div3A_305 = arith.divsi %mul3A_142, %jit3A_304 : i32
      %sign3A_306 = arith.constant 0 : i32
      %sign3A_307 = arith.cmpi sgt, %mul3A_142, %sign3A_306 : i32
      %sign3A_308 = arith.extui %sign3A_307 : i1 to i32
      %sign3A_309 = arith.constant 0 : i32
      %sign3A_310 = arith.cmpi slt, %mul3A_142, %sign3A_309 : i32
      %sign3A_311 = arith.extui %sign3A_310 : i1 to i32
      %sign3A_312 = arith.subi %sign3A_308, %sign3A_311 : i32
      %sign3A_313 = arith.constant 0 : i32
      %sign3A_314 = arith.cmpi sgt, %jit3A_304, %sign3A_313 : i32
      %sign3A_315 = arith.extui %sign3A_314 : i1 to i32
      %sign3A_316 = arith.constant 0 : i32
      %sign3A_317 = arith.cmpi slt, %jit3A_304, %sign3A_316 : i32
      %sign3A_318 = arith.extui %sign3A_317 : i1 to i32
      %sign3A_319 = arith.subi %sign3A_315, %sign3A_318 : i32
      %ne3A_320 = arith.cmpi ne, %sign3A_312, %sign3A_319 : i32
      %rem3A_321 = arith.remsi %mul3A_142, %jit3A_304 : i32
      %ne3A_322 = arith.constant 0 : i32
      %ne3A_323 = arith.cmpi ne, %rem3A_321, %ne3A_322 : i32
      %and3A_324 = arith.andi %ne3A_320, %ne3A_323 : i1
      %sub3A_325 = arith.constant 1 : i32
      %sub3A_326 = arith.subi %div3A_305, %sub3A_325 : i32
      %select_n3A_327 = arith.select %and3A_324, %sub3A_326, %div3A_305 : i32
      %add3A_328 = arith.constant 2 : i32
      %add3A_329 = arith.addi %select_n3A_327, %add3A_328 : i32
      %add3A_330 = arith.constant 1 : i32
      %add3A_331 = arith.addi %add3A_329, %add3A_330 : i32
      %dma_start3A_332 = arith.constant 0 : i32
      %dma_start3A_333 = tpu.memref_slice %arg7[%add3A_331, %dma_start3A_332] : memref<40x128xi32, #tpu.memory_space<vmem>> -> memref<1x64xi32, #tpu.memory_space<vmem>>
      %dma_start3A_334 = tpu.memref_squeeze %dma_start3A_333 : memref<1x64xi32, #tpu.memory_space<vmem>> -> memref<64xi32, #tpu.memory_space<vmem>>
      %dma_start3A_335 = arith.constant 0 : i32
      %dma_start3A_336 = arith.constant 0 : i32
      %dma_start3A_337 = tpu.memref_slice %arg2[%dma_start3A_335, %dma_start3A_336] : memref<10000x128xf32, #tpu.memory_space<hbm>> -> memref<10000x128xf32, #tpu.memory_space<hbm>>
      tpu.enqueue_indirect_dma source(%dma_start3A_337 : memref<10000x128xf32, #tpu.memory_space<hbm>>) target(%arg11 : memref<64x128xf32, #tpu.memory_space<vmem>>) offsets(%dma_start3A_334 : memref<64xi32, #tpu.memory_space<vmem>>) semaphore(%arg16 : memref<!tpu.dma_semaphore, #tpu.memory_space<semaphore_mem>>)
      %jit3A_338 = arith.constant 2 : i32
      %div3A_339 = arith.divsi %mul3A_142, %jit3A_338 : i32
      %sign3A_340 = arith.constant 0 : i32
      %sign3A_341 = arith.cmpi sgt, %mul3A_142, %sign3A_340 : i32
      %sign3A_342 = arith.extui %sign3A_341 : i1 to i32
      %sign3A_343 = arith.constant 0 : i32
      %sign3A_344 = arith.cmpi slt, %mul3A_142, %sign3A_343 : i32
      %sign3A_345 = arith.extui %sign3A_344 : i1 to i32
      %sign3A_346 = arith.subi %sign3A_342, %sign3A_345 : i32
      %sign3A_347 = arith.constant 0 : i32
      %sign3A_348 = arith.cmpi sgt, %jit3A_338, %sign3A_347 : i32
      %sign3A_349 = arith.extui %sign3A_348 : i1 to i32
      %sign3A_350 = arith.constant 0 : i32
      %sign3A_351 = arith.cmpi slt, %jit3A_338, %sign3A_350 : i32
      %sign3A_352 = arith.extui %sign3A_351 : i1 to i32
      %sign3A_353 = arith.subi %sign3A_349, %sign3A_352 : i32
      %ne3A_354 = arith.cmpi ne, %sign3A_346, %sign3A_353 : i32
      %rem3A_355 = arith.remsi %mul3A_142, %jit3A_338 : i32
      %ne3A_356 = arith.constant 0 : i32
      %ne3A_357 = arith.cmpi ne, %rem3A_355, %ne3A_356 : i32
      %and3A_358 = arith.andi %ne3A_354, %ne3A_357 : i1
      %sub3A_359 = arith.constant 1 : i32
      %sub3A_360 = arith.subi %div3A_339, %sub3A_359 : i32
      %select_n3A_361 = arith.select %and3A_358, %sub3A_360, %div3A_339 : i32
      %add3A_362 = arith.constant 1 : i32
      %add3A_363 = arith.addi %select_n3A_361, %add3A_362 : i32
      %dma_wait3A_364 = arith.constant 64 : i32
      %dma_wait3A_365 = tpu.memref_slice %arg7[%add3A_363, %dma_wait3A_364] : memref<40x128xi32, #tpu.memory_space<vmem>> -> memref<1x64xi32, #tpu.memory_space<vmem>>
      %dma_wait3A_366 = tpu.memref_squeeze %dma_wait3A_365 : memref<1x64xi32, #tpu.memory_space<vmem>> -> memref<64xi32, #tpu.memory_space<vmem>>
      %dma_wait3A_367 = arith.constant 0 : i32
      %dma_wait3A_368 = arith.constant 0 : i32
      %dma_wait3A_369 = tpu.memref_slice %arg2[%dma_wait3A_367, %dma_wait3A_368] : memref<10000x128xf32, #tpu.memory_space<hbm>> -> memref<10000x128xf32, #tpu.memory_space<hbm>>
      tpu.wait_indirect_dma semaphore(%arg17 : memref<!tpu.dma_semaphore, #tpu.memory_space<semaphore_mem>>) src(%dma_wait3A_369 : memref<10000x128xf32, #tpu.memory_space<hbm>>) dst(%arg12 : memref<64x128xf32, #tpu.memory_space<vmem>>)
      %add3A_370 = arith.constant 3 : i32
      %add3A_371 = arith.addi %mul3A_142, %add3A_370 : i32
      "tpu.region"() ({
        %run_scoped3A_406 = tpu.sem_alloc : memref<!tpu.dma_semaphore, #tpu.memory_space<semaphore_mem>>
        %dma_start3A_407 = arith.constant 0 : i32
        %dma_start3A_408 = tpu.memref_slice %arg8[%add3A_371, %dma_start3A_407] : memref<80x64xi32, #tpu.memory_space<vmem>> -> memref<1x64xi32, #tpu.memory_space<vmem>>
        %dma_start3A_409 = tpu.memref_squeeze %dma_start3A_408 : memref<1x64xi32, #tpu.memory_space<vmem>> -> memref<64xi32, #tpu.memory_space<vmem>>
        %dma_start3A_410 = arith.constant 0 : i32
        %dma_start3A_411 = arith.constant 0 : i32
        %dma_start3A_412 = tpu.memref_slice %arg13[%dma_start3A_410, %dma_start3A_411] : memref<10240x128xf32, #tpu.memory_space<vmem_shared>> -> memref<10240x128xf32, #tpu.memory_space<vmem_shared>>
        tpu.enqueue_indirect_dma source(%arg12 : memref<64x128xf32, #tpu.memory_space<vmem>>) target(%dma_start3A_412 : memref<10240x128xf32, #tpu.memory_space<vmem_shared>>) offsets(%dma_start3A_409 : memref<64xi32, #tpu.memory_space<vmem>>) semaphore(%run_scoped3A_406 : memref<!tpu.dma_semaphore, #tpu.memory_space<semaphore_mem>>) {add = true}
        %dma_wait3A_413 = arith.constant 0 : i32
        %dma_wait3A_414 = tpu.memref_slice %arg8[%add3A_371, %dma_wait3A_413] : memref<80x64xi32, #tpu.memory_space<vmem>> -> memref<1x64xi32, #tpu.memory_space<vmem>>
        %dma_wait3A_415 = tpu.memref_squeeze %dma_wait3A_414 : memref<1x64xi32, #tpu.memory_space<vmem>> -> memref<64xi32, #tpu.memory_space<vmem>>
        %dma_wait3A_416 = arith.constant 0 : i32
        %dma_wait3A_417 = arith.constant 0 : i32
        %dma_wait3A_418 = tpu.memref_slice %arg13[%dma_wait3A_416, %dma_wait3A_417] : memref<10240x128xf32, #tpu.memory_space<vmem_shared>> -> memref<10240x128xf32, #tpu.memory_space<vmem_shared>>
        tpu.wait_indirect_dma semaphore(%run_scoped3A_406 : memref<!tpu.dma_semaphore, #tpu.memory_space<semaphore_mem>>) src(%arg12 : memref<64x128xf32, #tpu.memory_space<vmem>>) dst(%dma_wait3A_418 : memref<10240x128xf32, #tpu.memory_space<vmem_shared>>)
        tpu.yield
      }) : () -> ()
      %jit3A_372 = arith.constant 2 : i32
      %div3A_373 = arith.divsi %mul3A_142, %jit3A_372 : i32
      %sign3A_374 = arith.constant 0 : i32
      %sign3A_375 = arith.cmpi sgt, %mul3A_142, %sign3A_374 : i32
      %sign3A_376 = arith.extui %sign3A_375 : i1 to i32
      %sign3A_377 = arith.constant 0 : i32
      %sign3A_378 = arith.cmpi slt, %mul3A_142, %sign3A_377 : i32
      %sign3A_379 = arith.extui %sign3A_378 : i1 to i32
      %sign3A_380 = arith.subi %sign3A_376, %sign3A_379 : i32
      %sign3A_381 = arith.constant 0 : i32
      %sign3A_382 = arith.cmpi sgt, %jit3A_372, %sign3A_381 : i32
      %sign3A_383 = arith.extui %sign3A_382 : i1 to i32
      %sign3A_384 = arith.constant 0 : i32
      %sign3A_385 = arith.cmpi slt, %jit3A_372, %sign3A_384 : i32
      %sign3A_386 = arith.extui %sign3A_385 : i1 to i32
      %sign3A_387 = arith.subi %sign3A_383, %sign3A_386 : i32
      %ne3A_388 = arith.cmpi ne, %sign3A_380, %sign3A_387 : i32
      %rem3A_389 = arith.remsi %mul3A_142, %jit3A_372 : i32
      %ne3A_390 = arith.constant 0 : i32
      %ne3A_391 = arith.cmpi ne, %rem3A_389, %ne3A_390 : i32
      %and3A_392 = arith.andi %ne3A_388, %ne3A_391 : i1
      %sub3A_393 = arith.constant 1 : i32
      %sub3A_394 = arith.subi %div3A_373, %sub3A_393 : i32
      %select_n3A_395 = arith.select %and3A_392, %sub3A_394, %div3A_373 : i32
      %add3A_396 = arith.constant 2 : i32
      %add3A_397 = arith.addi %select_n3A_395, %add3A_396 : i32
      %add3A_398 = arith.constant 1 : i32
      %add3A_399 = arith.addi %add3A_397, %add3A_398 : i32
      %dma_start3A_400 = arith.constant 64 : i32
      %dma_start3A_401 = tpu.memref_slice %arg7[%add3A_399, %dma_start3A_400] : memref<40x128xi32, #tpu.memory_space<vmem>> -> memref<1x64xi32, #tpu.memory_space<vmem>>
      %dma_start3A_402 = tpu.memref_squeeze %dma_start3A_401 : memref<1x64xi32, #tpu.memory_space<vmem>> -> memref<64xi32, #tpu.memory_space<vmem>>
      %dma_start3A_403 = arith.constant 0 : i32
      %dma_start3A_404 = arith.constant 0 : i32
      %dma_start3A_405 = tpu.memref_slice %arg2[%dma_start3A_403, %dma_start3A_404] : memref<10000x128xf32, #tpu.memory_space<hbm>> -> memref<10000x128xf32, #tpu.memory_space<hbm>>
      tpu.enqueue_indirect_dma source(%dma_start3A_405 : memref<10000x128xf32, #tpu.memory_space<hbm>>) target(%arg12 : memref<64x128xf32, #tpu.memory_space<vmem>>) offsets(%dma_start3A_402 : memref<64xi32, #tpu.memory_space<vmem>>) semaphore(%arg17 : memref<!tpu.dma_semaphore, #tpu.memory_space<semaphore_mem>>)
    }
    %scan3A_35 = arith.constant 19 : i32
    %dma_wait3A = arith.constant 38 : i32
    %dma_wait3A_36 = arith.constant 0 : i32
    %dma_wait3A_37 = tpu.memref_slice %arg7[%dma_wait3A, %dma_wait3A_36] : memref<40x128xi32, #tpu.memory_space<vmem>> -> memref<1x64xi32, #tpu.memory_space<vmem>>
    %dma_wait3A_38 = tpu.memref_squeeze %dma_wait3A_37 : memref<1x64xi32, #tpu.memory_space<vmem>> -> memref<64xi32, #tpu.memory_space<vmem>>
    %dma_wait3A_39 = arith.constant 0 : i32
    %dma_wait3A_40 = arith.constant 0 : i32
    %dma_wait3A_41 = tpu.memref_slice %arg2[%dma_wait3A_39, %dma_wait3A_40] : memref<10000x128xf32, #tpu.memory_space<hbm>> -> memref<10000x128xf32, #tpu.memory_space<hbm>>
    tpu.wait_indirect_dma semaphore(%arg14 : memref<!tpu.dma_semaphore, #tpu.memory_space<semaphore_mem>>) src(%dma_wait3A_41 : memref<10000x128xf32, #tpu.memory_space<hbm>>) dst(%arg9 : memref<64x128xf32, #tpu.memory_space<vmem>>)
    %run_scoped3A_42 = arith.constant 76 : i32
    "tpu.region"() ({
      %run_scoped3A_140 = tpu.sem_alloc : memref<!tpu.dma_semaphore, #tpu.memory_space<semaphore_mem>>
      %dma_start3A_141 = arith.constant 0 : i32
      %dma_start3A_142 = tpu.memref_slice %arg8[%run_scoped3A_42, %dma_start3A_141] : memref<80x64xi32, #tpu.memory_space<vmem>> -> memref<1x64xi32, #tpu.memory_space<vmem>>
      %dma_start3A_143 = tpu.memref_squeeze %dma_start3A_142 : memref<1x64xi32, #tpu.memory_space<vmem>> -> memref<64xi32, #tpu.memory_space<vmem>>
      %dma_start3A_144 = arith.constant 0 : i32
      %dma_start3A_145 = arith.constant 0 : i32
      %dma_start3A_146 = tpu.memref_slice %arg13[%dma_start3A_144, %dma_start3A_145] : memref<10240x128xf32, #tpu.memory_space<vmem_shared>> -> memref<10240x128xf32, #tpu.memory_space<vmem_shared>>
      tpu.enqueue_indirect_dma source(%arg9 : memref<64x128xf32, #tpu.memory_space<vmem>>) target(%dma_start3A_146 : memref<10240x128xf32, #tpu.memory_space<vmem_shared>>) offsets(%dma_start3A_143 : memref<64xi32, #tpu.memory_space<vmem>>) semaphore(%run_scoped3A_140 : memref<!tpu.dma_semaphore, #tpu.memory_space<semaphore_mem>>) {add = true}
      %dma_wait3A_147 = arith.constant 0 : i32
      %dma_wait3A_148 = tpu.memref_slice %arg8[%run_scoped3A_42, %dma_wait3A_147] : memref<80x64xi32, #tpu.memory_space<vmem>> -> memref<1x64xi32, #tpu.memory_space<vmem>>
      %dma_wait3A_149 = tpu.memref_squeeze %dma_wait3A_148 : memref<1x64xi32, #tpu.memory_space<vmem>> -> memref<64xi32, #tpu.memory_space<vmem>>
      %dma_wait3A_150 = arith.constant 0 : i32
      %dma_wait3A_151 = arith.constant 0 : i32
      %dma_wait3A_152 = tpu.memref_slice %arg13[%dma_wait3A_150, %dma_wait3A_151] : memref<10240x128xf32, #tpu.memory_space<vmem_shared>> -> memref<10240x128xf32, #tpu.memory_space<vmem_shared>>
      tpu.wait_indirect_dma semaphore(%run_scoped3A_140 : memref<!tpu.dma_semaphore, #tpu.memory_space<semaphore_mem>>) src(%arg9 : memref<64x128xf32, #tpu.memory_space<vmem>>) dst(%dma_wait3A_152 : memref<10240x128xf32, #tpu.memory_space<vmem_shared>>)
      tpu.yield
    }) : () -> ()
    %dma_wait3A_43 = arith.constant 38 : i32
    %dma_wait3A_44 = arith.constant 64 : i32
    %dma_wait3A_45 = tpu.memref_slice %arg7[%dma_wait3A_43, %dma_wait3A_44] : memref<40x128xi32, #tpu.memory_space<vmem>> -> memref<1x64xi32, #tpu.memory_space<vmem>>
    %dma_wait3A_46 = tpu.memref_squeeze %dma_wait3A_45 : memref<1x64xi32, #tpu.memory_space<vmem>> -> memref<64xi32, #tpu.memory_space<vmem>>
    %dma_wait3A_47 = arith.constant 0 : i32
    %dma_wait3A_48 = arith.constant 0 : i32
    %dma_wait3A_49 = tpu.memref_slice %arg2[%dma_wait3A_47, %dma_wait3A_48] : memref<10000x128xf32, #tpu.memory_space<hbm>> -> memref<10000x128xf32, #tpu.memory_space<hbm>>
    tpu.wait_indirect_dma semaphore(%arg15 : memref<!tpu.dma_semaphore, #tpu.memory_space<semaphore_mem>>) src(%dma_wait3A_49 : memref<10000x128xf32, #tpu.memory_space<hbm>>) dst(%arg10 : memref<64x128xf32, #tpu.memory_space<vmem>>)
    %run_scoped3A_50 = arith.constant 77 : i32
    "tpu.region"() ({
      %run_scoped3A_140 = tpu.sem_alloc : memref<!tpu.dma_semaphore, #tpu.memory_space<semaphore_mem>>
      %dma_start3A_141 = arith.constant 0 : i32
      %dma_start3A_142 = tpu.memref_slice %arg8[%run_scoped3A_50, %dma_start3A_141] : memref<80x64xi32, #tpu.memory_space<vmem>> -> memref<1x64xi32, #tpu.memory_space<vmem>>
      %dma_start3A_143 = tpu.memref_squeeze %dma_start3A_142 : memref<1x64xi32, #tpu.memory_space<vmem>> -> memref<64xi32, #tpu.memory_space<vmem>>
      %dma_start3A_144 = arith.constant 0 : i32
      %dma_start3A_145 = arith.constant 0 : i32
      %dma_start3A_146 = tpu.memref_slice %arg13[%dma_start3A_144, %dma_start3A_145] : memref<10240x128xf32, #tpu.memory_space<vmem_shared>> -> memref<10240x128xf32, #tpu.memory_space<vmem_shared>>
      tpu.enqueue_indirect_dma source(%arg10 : memref<64x128xf32, #tpu.memory_space<vmem>>) target(%dma_start3A_146 : memref<10240x128xf32, #tpu.memory_space<vmem_shared>>) offsets(%dma_start3A_143 : memref<64xi32, #tpu.memory_space<vmem>>) semaphore(%run_scoped3A_140 : memref<!tpu.dma_semaphore, #tpu.memory_space<semaphore_mem>>) {add = true}
      %dma_wait3A_147 = arith.constant 0 : i32
      %dma_wait3A_148 = tpu.memref_slice %arg8[%run_scoped3A_50, %dma_wait3A_147] : memref<80x64xi32, #tpu.memory_space<vmem>> -> memref<1x64xi32, #tpu.memory_space<vmem>>
      %dma_wait3A_149 = tpu.memref_squeeze %dma_wait3A_148 : memref<1x64xi32, #tpu.memory_space<vmem>> -> memref<64xi32, #tpu.memory_space<vmem>>
      %dma_wait3A_150 = arith.constant 0 : i32
      %dma_wait3A_151 = arith.constant 0 : i32
      %dma_wait3A_152 = tpu.memref_slice %arg13[%dma_wait3A_150, %dma_wait3A_151] : memref<10240x128xf32, #tpu.memory_space<vmem_shared>> -> memref<10240x128xf32, #tpu.memory_space<vmem_shared>>
      tpu.wait_indirect_dma semaphore(%run_scoped3A_140 : memref<!tpu.dma_semaphore, #tpu.memory_space<semaphore_mem>>) src(%arg10 : memref<64x128xf32, #tpu.memory_space<vmem>>) dst(%dma_wait3A_152 : memref<10240x128xf32, #tpu.memory_space<vmem_shared>>)
      tpu.yield
    }) : () -> ()
    %dma_wait3A_51 = arith.constant 39 : i32
    %dma_wait3A_52 = arith.constant 0 : i32
    %dma_wait3A_53 = tpu.memref_slice %arg7[%dma_wait3A_51, %dma_wait3A_52] : memref<40x128xi32, #tpu.memory_space<vmem>> -> memref<1x64xi32, #tpu.memory_space<vmem>>
    %dma_wait3A_54 = tpu.memref_squeeze %dma_wait3A_53 : memref<1x64xi32, #tpu.memory_space<vmem>> -> memref<64xi32, #tpu.memory_space<vmem>>
    %dma_wait3A_55 = arith.constant 0 : i32
    %dma_wait3A_56 = arith.constant 0 : i32
    %dma_wait3A_57 = tpu.memref_slice %arg2[%dma_wait3A_55, %dma_wait3A_56] : memref<10000x128xf32, #tpu.memory_space<hbm>> -> memref<10000x128xf32, #tpu.memory_space<hbm>>
    tpu.wait_indirect_dma semaphore(%arg16 : memref<!tpu.dma_semaphore, #tpu.memory_space<semaphore_mem>>) src(%dma_wait3A_57 : memref<10000x128xf32, #tpu.memory_space<hbm>>) dst(%arg11 : memref<64x128xf32, #tpu.memory_space<vmem>>)
    %run_scoped3A_58 = arith.constant 78 : i32
    "tpu.region"() ({
      %run_scoped3A_140 = tpu.sem_alloc : memref<!tpu.dma_semaphore, #tpu.memory_space<semaphore_mem>>
      %dma_start3A_141 = arith.constant 0 : i32
      %dma_start3A_142 = tpu.memref_slice %arg8[%run_scoped3A_58, %dma_start3A_141] : memref<80x64xi32, #tpu.memory_space<vmem>> -> memref<1x64xi32, #tpu.memory_space<vmem>>
      %dma_start3A_143 = tpu.memref_squeeze %dma_start3A_142 : memref<1x64xi32, #tpu.memory_space<vmem>> -> memref<64xi32, #tpu.memory_space<vmem>>
      %dma_start3A_144 = arith.constant 0 : i32
      %dma_start3A_145 = arith.constant 0 : i32
      %dma_start3A_146 = tpu.memref_slice %arg13[%dma_start3A_144, %dma_start3A_145] : memref<10240x128xf32, #tpu.memory_space<vmem_shared>> -> memref<10240x128xf32, #tpu.memory_space<vmem_shared>>
      tpu.enqueue_indirect_dma source(%arg11 : memref<64x128xf32, #tpu.memory_space<vmem>>) target(%dma_start3A_146 : memref<10240x128xf32, #tpu.memory_space<vmem_shared>>) offsets(%dma_start3A_143 : memref<64xi32, #tpu.memory_space<vmem>>) semaphore(%run_scoped3A_140 : memref<!tpu.dma_semaphore, #tpu.memory_space<semaphore_mem>>) {add = true}
      %dma_wait3A_147 = arith.constant 0 : i32
      %dma_wait3A_148 = tpu.memref_slice %arg8[%run_scoped3A_58, %dma_wait3A_147] : memref<80x64xi32, #tpu.memory_space<vmem>> -> memref<1x64xi32, #tpu.memory_space<vmem>>
      %dma_wait3A_149 = tpu.memref_squeeze %dma_wait3A_148 : memref<1x64xi32, #tpu.memory_space<vmem>> -> memref<64xi32, #tpu.memory_space<vmem>>
      %dma_wait3A_150 = arith.constant 0 : i32
      %dma_wait3A_151 = arith.constant 0 : i32
      %dma_wait3A_152 = tpu.memref_slice %arg13[%dma_wait3A_150, %dma_wait3A_151] : memref<10240x128xf32, #tpu.memory_space<vmem_shared>> -> memref<10240x128xf32, #tpu.memory_space<vmem_shared>>
      tpu.wait_indirect_dma semaphore(%run_scoped3A_140 : memref<!tpu.dma_semaphore, #tpu.memory_space<semaphore_mem>>) src(%arg11 : memref<64x128xf32, #tpu.memory_space<vmem>>) dst(%dma_wait3A_152 : memref<10240x128xf32, #tpu.memory_space<vmem_shared>>)
      tpu.yield
    }) : () -> ()
    %dma_wait3A_59 = arith.constant 39 : i32
    %dma_wait3A_60 = arith.constant 64 : i32
    %dma_wait3A_61 = tpu.memref_slice %arg7[%dma_wait3A_59, %dma_wait3A_60] : memref<40x128xi32, #tpu.memory_space<vmem>> -> memref<1x64xi32, #tpu.memory_space<vmem>>
    %dma_wait3A_62 = tpu.memref_squeeze %dma_wait3A_61 : memref<1x64xi32, #tpu.memory_space<vmem>> -> memref<64xi32, #tpu.memory_space<vmem>>
    %dma_wait3A_63 = arith.constant 0 : i32
    %dma_wait3A_64 = arith.constant 0 : i32
    %dma_wait3A_65 = tpu.memref_slice %arg2[%dma_wait3A_63, %dma_wait3A_64] : memref<10000x128xf32, #tpu.memory_space<hbm>> -> memref<10000x128xf32, #tpu.memory_space<hbm>>
    tpu.wait_indirect_dma semaphore(%arg17 : memref<!tpu.dma_semaphore, #tpu.memory_space<semaphore_mem>>) src(%dma_wait3A_65 : memref<10000x128xf32, #tpu.memory_space<hbm>>) dst(%arg12 : memref<64x128xf32, #tpu.memory_space<vmem>>)
    %run_scoped3A_66 = arith.constant 79 : i32
    "tpu.region"() ({
      %run_scoped3A_140 = tpu.sem_alloc : memref<!tpu.dma_semaphore, #tpu.memory_space<semaphore_mem>>
      %dma_start3A_141 = arith.constant 0 : i32
      %dma_start3A_142 = tpu.memref_slice %arg8[%run_scoped3A_66, %dma_start3A_141] : memref<80x64xi32, #tpu.memory_space<vmem>> -> memref<1x64xi32, #tpu.memory_space<vmem>>
      %dma_start3A_143 = tpu.memref_squeeze %dma_start3A_142 : memref<1x64xi32, #tpu.memory_space<vmem>> -> memref<64xi32, #tpu.memory_space<vmem>>
      %dma_start3A_144 = arith.constant 0 : i32
      %dma_start3A_145 = arith.constant 0 : i32
      %dma_start3A_146 = tpu.memref_slice %arg13[%dma_start3A_144, %dma_start3A_145] : memref<10240x128xf32, #tpu.memory_space<vmem_shared>> -> memref<10240x128xf32, #tpu.memory_space<vmem_shared>>
      tpu.enqueue_indirect_dma source(%arg12 : memref<64x128xf32, #tpu.memory_space<vmem>>) target(%dma_start3A_146 : memref<10240x128xf32, #tpu.memory_space<vmem_shared>>) offsets(%dma_start3A_143 : memref<64xi32, #tpu.memory_space<vmem>>) semaphore(%run_scoped3A_140 : memref<!tpu.dma_semaphore, #tpu.memory_space<semaphore_mem>>) {add = true}
      %dma_wait3A_147 = arith.constant 0 : i32
      %dma_wait3A_148 = tpu.memref_slice %arg8[%run_scoped3A_66, %dma_wait3A_147] : memref<80x64xi32, #tpu.memory_space<vmem>> -> memref<1x64xi32, #tpu.memory_space<vmem>>
      %dma_wait3A_149 = tpu.memref_squeeze %dma_wait3A_148 : memref<1x64xi32, #tpu.memory_space<vmem>> -> memref<64xi32, #tpu.memory_space<vmem>>
      %dma_wait3A_150 = arith.constant 0 : i32
      %dma_wait3A_151 = arith.constant 0 : i32
      %dma_wait3A_152 = tpu.memref_slice %arg13[%dma_wait3A_150, %dma_wait3A_151] : memref<10240x128xf32, #tpu.memory_space<vmem_shared>> -> memref<10240x128xf32, #tpu.memory_space<vmem_shared>>
      tpu.wait_indirect_dma semaphore(%run_scoped3A_140 : memref<!tpu.dma_semaphore, #tpu.memory_space<semaphore_mem>>) src(%arg12 : memref<64x128xf32, #tpu.memory_space<vmem>>) dst(%dma_wait3A_152 : memref<10240x128xf32, #tpu.memory_space<vmem_shared>>)
      tpu.yield
    }) : () -> ()
    %run_scoped3A_67 = arith.constant 1 : i32
    "tpu.region"() ({
      %run_scoped3A_140 = tpu.sem_alloc : memref<!tpu.dma_semaphore, #tpu.memory_space<semaphore_mem>>
      %dma_start3A_141 = arith.constant 0 : i32
      %dma_start3A_142 = arith.constant 0 : i32
      %dma_start3A_143 = tpu.memref_slice %arg3[%arg0, %arg1, %run_scoped3A_67, %dma_start3A_141, %dma_start3A_142] : memref<2x16x2x40x128xi32, #tpu.memory_space<hbm>> -> memref<1x1x1x40x128xi32, #tpu.memory_space<hbm>>
      %dma_start3A_144 = tpu.memref_squeeze %dma_start3A_143 : memref<1x1x1x40x128xi32, #tpu.memory_space<hbm>> -> memref<40x128xi32, #tpu.memory_space<hbm>>
      %dma_start3A_145 = arith.constant 0 : i32
      %dma_start3A_146 = arith.constant 0 : i32
      %dma_start3A_147 = tpu.memref_slice %arg3[%arg0, %arg1, %run_scoped3A_67, %dma_start3A_145, %dma_start3A_146] : memref<2x16x2x40x128xi32, #tpu.memory_space<hbm>> -> memref<1x1x1x40x128xi32, #tpu.memory_space<hbm>>
      %dma_start3A_148 = tpu.memref_squeeze %dma_start3A_147 : memref<1x1x1x40x128xi32, #tpu.memory_space<hbm>> -> memref<40x128xi32, #tpu.memory_space<hbm>>
      tpu.enqueue_dma source(%dma_start3A_148 : memref<40x128xi32, #tpu.memory_space<hbm>>) target(%arg7 : memref<40x128xi32, #tpu.memory_space<vmem>>) target_semaphore(%run_scoped3A_140 : memref<!tpu.dma_semaphore, #tpu.memory_space<semaphore_mem>>)
      %dma_wait3A_149 = arith.constant 0 : i32
      %dma_wait3A_150 = arith.constant 0 : i32
      %dma_wait3A_151 = tpu.memref_slice %arg3[%arg0, %arg1, %run_scoped3A_67, %dma_wait3A_149, %dma_wait3A_150] : memref<2x16x2x40x128xi32, #tpu.memory_space<hbm>> -> memref<1x1x1x40x128xi32, #tpu.memory_space<hbm>>
      %dma_wait3A_152 = tpu.memref_squeeze %dma_wait3A_151 : memref<1x1x1x40x128xi32, #tpu.memory_space<hbm>> -> memref<40x128xi32, #tpu.memory_space<hbm>>
      %dma_wait3A_153 = arith.constant 0 : i32
      %dma_wait3A_154 = arith.constant 0 : i32
      %dma_wait3A_155 = tpu.memref_slice %arg3[%arg0, %arg1, %run_scoped3A_67, %dma_wait3A_153, %dma_wait3A_154] : memref<2x16x2x40x128xi32, #tpu.memory_space<hbm>> -> memref<1x1x1x40x128xi32, #tpu.memory_space<hbm>>
      %dma_wait3A_156 = tpu.memref_squeeze %dma_wait3A_155 : memref<1x1x1x40x128xi32, #tpu.memory_space<hbm>> -> memref<40x128xi32, #tpu.memory_space<hbm>>
      tpu.wait_dma2 semaphore(%run_scoped3A_140 : memref<!tpu.dma_semaphore, #tpu.memory_space<semaphore_mem>>) src(%dma_wait3A_156 : memref<40x128xi32, #tpu.memory_space<hbm>>) dst(%arg7 : memref<40x128xi32, #tpu.memory_space<vmem>>)
      tpu.yield
    }) : () -> ()
    %run_scoped3A_68 = arith.constant 1 : i32
    "tpu.region"() ({
      %run_scoped3A_140 = tpu.sem_alloc : memref<!tpu.dma_semaphore, #tpu.memory_space<semaphore_mem>>
      %dma_start3A_141 = arith.constant 0 : i32
      %dma_start3A_142 = arith.constant 0 : i32
      %dma_start3A_143 = tpu.memref_slice %arg4[%arg0, %arg1, %run_scoped3A_68, %dma_start3A_141, %dma_start3A_142] : memref<2x16x2x80x64xi32, #tpu.memory_space<hbm>> -> memref<1x1x1x80x64xi32, #tpu.memory_space<hbm>>
      %dma_start3A_144 = tpu.memref_squeeze %dma_start3A_143 : memref<1x1x1x80x64xi32, #tpu.memory_space<hbm>> -> memref<80x64xi32, #tpu.memory_space<hbm>>
      %dma_start3A_145 = arith.constant 0 : i32
      %dma_start3A_146 = arith.constant 0 : i32
      %dma_start3A_147 = tpu.memref_slice %arg4[%arg0, %arg1, %run_scoped3A_68, %dma_start3A_145, %dma_start3A_146] : memref<2x16x2x80x64xi32, #tpu.memory_space<hbm>> -> memref<1x1x1x80x64xi32, #tpu.memory_space<hbm>>
      %dma_start3A_148 = tpu.memref_squeeze %dma_start3A_147 : memref<1x1x1x80x64xi32, #tpu.memory_space<hbm>> -> memref<80x64xi32, #tpu.memory_space<hbm>>
      tpu.enqueue_dma source(%dma_start3A_148 : memref<80x64xi32, #tpu.memory_space<hbm>>) target(%arg8 : memref<80x64xi32, #tpu.memory_space<vmem>>) target_semaphore(%run_scoped3A_140 : memref<!tpu.dma_semaphore, #tpu.memory_space<semaphore_mem>>)
      %dma_wait3A_149 = arith.constant 0 : i32
      %dma_wait3A_150 = arith.constant 0 : i32
      %dma_wait3A_151 = tpu.memref_slice %arg4[%arg0, %arg1, %run_scoped3A_68, %dma_wait3A_149, %dma_wait3A_150] : memref<2x16x2x80x64xi32, #tpu.memory_space<hbm>> -> memref<1x1x1x80x64xi32, #tpu.memory_space<hbm>>
      %dma_wait3A_152 = tpu.memref_squeeze %dma_wait3A_151 : memref<1x1x1x80x64xi32, #tpu.memory_space<hbm>> -> memref<80x64xi32, #tpu.memory_space<hbm>>
      %dma_wait3A_153 = arith.constant 0 : i32
      %dma_wait3A_154 = arith.constant 0 : i32
      %dma_wait3A_155 = tpu.memref_slice %arg4[%arg0, %arg1, %run_scoped3A_68, %dma_wait3A_153, %dma_wait3A_154] : memref<2x16x2x80x64xi32, #tpu.memory_space<hbm>> -> memref<1x1x1x80x64xi32, #tpu.memory_space<hbm>>
      %dma_wait3A_156 = tpu.memref_squeeze %dma_wait3A_155 : memref<1x1x1x80x64xi32, #tpu.memory_space<hbm>> -> memref<80x64xi32, #tpu.memory_space<hbm>>
      tpu.wait_dma2 semaphore(%run_scoped3A_140 : memref<!tpu.dma_semaphore, #tpu.memory_space<semaphore_mem>>) src(%dma_wait3A_156 : memref<80x64xi32, #tpu.memory_space<hbm>>) dst(%arg8 : memref<80x64xi32, #tpu.memory_space<vmem>>)
      tpu.yield
    }) : () -> ()
    %dma_start3A_69 = arith.constant 0 : i32
    %dma_start3A_70 = arith.constant 0 : i32
    %dma_start3A_71 = tpu.memref_slice %arg7[%dma_start3A_69, %dma_start3A_70] : memref<40x128xi32, #tpu.memory_space<vmem>> -> memref<1x64xi32, #tpu.memory_space<vmem>>
    %dma_start3A_72 = tpu.memref_squeeze %dma_start3A_71 : memref<1x64xi32, #tpu.memory_space<vmem>> -> memref<64xi32, #tpu.memory_space<vmem>>
    %dma_start3A_73 = arith.constant 0 : i32
    %dma_start3A_74 = arith.constant 0 : i32
    %dma_start3A_75 = tpu.memref_slice %arg2[%dma_start3A_73, %dma_start3A_74] : memref<10000x128xf32, #tpu.memory_space<hbm>> -> memref<10000x128xf32, #tpu.memory_space<hbm>>
    tpu.enqueue_indirect_dma source(%dma_start3A_75 : memref<10000x128xf32, #tpu.memory_space<hbm>>) target(%arg9 : memref<64x128xf32, #tpu.memory_space<vmem>>) offsets(%dma_start3A_72 : memref<64xi32, #tpu.memory_space<vmem>>) semaphore(%arg14 : memref<!tpu.dma_semaphore, #tpu.memory_space<semaphore_mem>>)
    %dma_start3A_76 = arith.constant 0 : i32
    %dma_start3A_77 = arith.constant 64 : i32
    %dma_start3A_78 = tpu.memref_slice %arg7[%dma_start3A_76, %dma_start3A_77] : memref<40x128xi32, #tpu.memory_space<vmem>> -> memref<1x64xi32, #tpu.memory_space<vmem>>
    %dma_start3A_79 = tpu.memref_squeeze %dma_start3A_78 : memref<1x64xi32, #tpu.memory_space<vmem>> -> memref<64xi32, #tpu.memory_space<vmem>>
    %dma_start3A_80 = arith.constant 0 : i32
    %dma_start3A_81 = arith.constant 0 : i32
    %dma_start3A_82 = tpu.memref_slice %arg2[%dma_start3A_80, %dma_start3A_81] : memref<10000x128xf32, #tpu.memory_space<hbm>> -> memref<10000x128xf32, #tpu.memory_space<hbm>>
    tpu.enqueue_indirect_dma source(%dma_start3A_82 : memref<10000x128xf32, #tpu.memory_space<hbm>>) target(%arg10 : memref<64x128xf32, #tpu.memory_space<vmem>>) offsets(%dma_start3A_79 : memref<64xi32, #tpu.memory_space<vmem>>) semaphore(%arg15 : memref<!tpu.dma_semaphore, #tpu.memory_space<semaphore_mem>>)
    %dma_start3A_83 = arith.constant 1 : i32
    %dma_start3A_84 = arith.constant 0 : i32
    %dma_start3A_85 = tpu.memref_slice %arg7[%dma_start3A_83, %dma_start3A_84] : memref<40x128xi32, #tpu.memory_space<vmem>> -> memref<1x64xi32, #tpu.memory_space<vmem>>
    %dma_start3A_86 = tpu.memref_squeeze %dma_start3A_85 : memref<1x64xi32, #tpu.memory_space<vmem>> -> memref<64xi32, #tpu.memory_space<vmem>>
    %dma_start3A_87 = arith.constant 0 : i32
    %dma_start3A_88 = arith.constant 0 : i32
    %dma_start3A_89 = tpu.memref_slice %arg2[%dma_start3A_87, %dma_start3A_88] : memref<10000x128xf32, #tpu.memory_space<hbm>> -> memref<10000x128xf32, #tpu.memory_space<hbm>>
    tpu.enqueue_indirect_dma source(%dma_start3A_89 : memref<10000x128xf32, #tpu.memory_space<hbm>>) target(%arg11 : memref<64x128xf32, #tpu.memory_space<vmem>>) offsets(%dma_start3A_86 : memref<64xi32, #tpu.memory_space<vmem>>) semaphore(%arg16 : memref<!tpu.dma_semaphore, #tpu.memory_space<semaphore_mem>>)
    %dma_start3A_90 = arith.constant 1 : i32
    %dma_start3A_91 = arith.constant 64 : i32
    %dma_start3A_92 = tpu.memref_slice %arg7[%dma_start3A_90, %dma_start3A_91] : memref<40x128xi32, #tpu.memory_space<vmem>> -> memref<1x64xi32, #tpu.memory_space<vmem>>
    %dma_start3A_93 = tpu.memref_squeeze %dma_start3A_92 : memref<1x64xi32, #tpu.memory_space<vmem>> -> memref<64xi32, #tpu.memory_space<vmem>>
    %dma_start3A_94 = arith.constant 0 : i32
    %dma_start3A_95 = arith.constant 0 : i32
    %dma_start3A_96 = tpu.memref_slice %arg2[%dma_start3A_94, %dma_start3A_95] : memref<10000x128xf32, #tpu.memory_space<hbm>> -> memref<10000x128xf32, #tpu.memory_space<hbm>>
    tpu.enqueue_indirect_dma source(%dma_start3A_96 : memref<10000x128xf32, #tpu.memory_space<hbm>>) target(%arg12 : memref<64x128xf32, #tpu.memory_space<vmem>>) offsets(%dma_start3A_93 : memref<64xi32, #tpu.memory_space<vmem>>) semaphore(%arg17 : memref<!tpu.dma_semaphore, #tpu.memory_space<semaphore_mem>>)
    %scan3A_97 = arith.constant 0 : i32
    %scan3A_98 = arith.constant 0 : i32
    %scan3A_99 = arith.constant 19 : i32
    %scan3A_100 = arith.addi %scan3A_98, %scan3A_99 : i32
    %scan3A_101 = arith.constant 1 : i32
    scf.for %scan3A_140 = %scan3A_98 to %scan3A_100 step %scan3A_101  : i32 {
      %mul3A_141 = arith.constant 4 : i32
      %mul3A_142 = arith.muli %mul3A_141, %scan3A_140 : i32
      %jit3A = arith.constant 2 : i32
      %div3A = arith.divsi %mul3A_142, %jit3A : i32
      %sign3A = arith.constant 0 : i32
      %sign3A_143 = arith.cmpi sgt, %mul3A_142, %sign3A : i32
      %sign3A_144 = arith.extui %sign3A_143 : i1 to i32
      %sign3A_145 = arith.constant 0 : i32
      %sign3A_146 = arith.cmpi slt, %mul3A_142, %sign3A_145 : i32
      %sign3A_147 = arith.extui %sign3A_146 : i1 to i32
      %sign3A_148 = arith.subi %sign3A_144, %sign3A_147 : i32
      %sign3A_149 = arith.constant 0 : i32
      %sign3A_150 = arith.cmpi sgt, %jit3A, %sign3A_149 : i32
      %sign3A_151 = arith.extui %sign3A_150 : i1 to i32
      %sign3A_152 = arith.constant 0 : i32
      %sign3A_153 = arith.cmpi slt, %jit3A, %sign3A_152 : i32
      %sign3A_154 = arith.extui %sign3A_153 : i1 to i32
      %sign3A_155 = arith.subi %sign3A_151, %sign3A_154 : i32
      %ne3A = arith.cmpi ne, %sign3A_148, %sign3A_155 : i32
      %rem3A = arith.remsi %mul3A_142, %jit3A : i32
      %ne3A_156 = arith.constant 0 : i32
      %ne3A_157 = arith.cmpi ne, %rem3A, %ne3A_156 : i32
      %and3A = arith.andi %ne3A, %ne3A_157 : i1
      %sub3A = arith.constant 1 : i32
      %sub3A_158 = arith.subi %div3A, %sub3A : i32
      %select_n3A = arith.select %and3A, %sub3A_158, %div3A : i32
      %add3A = arith.constant 0 : i32
      %add3A_159 = arith.addi %select_n3A, %add3A : i32
      %dma_wait3A_160 = arith.constant 0 : i32
      %dma_wait3A_161 = tpu.memref_slice %arg7[%add3A_159, %dma_wait3A_160] : memref<40x128xi32, #tpu.memory_space<vmem>> -> memref<1x64xi32, #tpu.memory_space<vmem>>
      %dma_wait3A_162 = tpu.memref_squeeze %dma_wait3A_161 : memref<1x64xi32, #tpu.memory_space<vmem>> -> memref<64xi32, #tpu.memory_space<vmem>>
      %dma_wait3A_163 = arith.constant 0 : i32
      %dma_wait3A_164 = arith.constant 0 : i32
      %dma_wait3A_165 = tpu.memref_slice %arg2[%dma_wait3A_163, %dma_wait3A_164] : memref<10000x128xf32, #tpu.memory_space<hbm>> -> memref<10000x128xf32, #tpu.memory_space<hbm>>
      tpu.wait_indirect_dma semaphore(%arg14 : memref<!tpu.dma_semaphore, #tpu.memory_space<semaphore_mem>>) src(%dma_wait3A_165 : memref<10000x128xf32, #tpu.memory_space<hbm>>) dst(%arg9 : memref<64x128xf32, #tpu.memory_space<vmem>>)
      %add3A_166 = arith.constant 0 : i32
      %add3A_167 = arith.addi %mul3A_142, %add3A_166 : i32
      "tpu.region"() ({
        %run_scoped3A_406 = tpu.sem_alloc : memref<!tpu.dma_semaphore, #tpu.memory_space<semaphore_mem>>
        %dma_start3A_407 = arith.constant 0 : i32
        %dma_start3A_408 = tpu.memref_slice %arg8[%add3A_167, %dma_start3A_407] : memref<80x64xi32, #tpu.memory_space<vmem>> -> memref<1x64xi32, #tpu.memory_space<vmem>>
        %dma_start3A_409 = tpu.memref_squeeze %dma_start3A_408 : memref<1x64xi32, #tpu.memory_space<vmem>> -> memref<64xi32, #tpu.memory_space<vmem>>
        %dma_start3A_410 = arith.constant 0 : i32
        %dma_start3A_411 = arith.constant 0 : i32
        %dma_start3A_412 = tpu.memref_slice %arg13[%dma_start3A_410, %dma_start3A_411] : memref<10240x128xf32, #tpu.memory_space<vmem_shared>> -> memref<10240x128xf32, #tpu.memory_space<vmem_shared>>
        tpu.enqueue_indirect_dma source(%arg9 : memref<64x128xf32, #tpu.memory_space<vmem>>) target(%dma_start3A_412 : memref<10240x128xf32, #tpu.memory_space<vmem_shared>>) offsets(%dma_start3A_409 : memref<64xi32, #tpu.memory_space<vmem>>) semaphore(%run_scoped3A_406 : memref<!tpu.dma_semaphore, #tpu.memory_space<semaphore_mem>>) {add = true}
        %dma_wait3A_413 = arith.constant 0 : i32
        %dma_wait3A_414 = tpu.memref_slice %arg8[%add3A_167, %dma_wait3A_413] : memref<80x64xi32, #tpu.memory_space<vmem>> -> memref<1x64xi32, #tpu.memory_space<vmem>>
        %dma_wait3A_415 = tpu.memref_squeeze %dma_wait3A_414 : memref<1x64xi32, #tpu.memory_space<vmem>> -> memref<64xi32, #tpu.memory_space<vmem>>
        %dma_wait3A_416 = arith.constant 0 : i32
        %dma_wait3A_417 = arith.constant 0 : i32
        %dma_wait3A_418 = tpu.memref_slice %arg13[%dma_wait3A_416, %dma_wait3A_417] : memref<10240x128xf32, #tpu.memory_space<vmem_shared>> -> memref<10240x128xf32, #tpu.memory_space<vmem_shared>>
        tpu.wait_indirect_dma semaphore(%run_scoped3A_406 : memref<!tpu.dma_semaphore, #tpu.memory_space<semaphore_mem>>) src(%arg9 : memref<64x128xf32, #tpu.memory_space<vmem>>) dst(%dma_wait3A_418 : memref<10240x128xf32, #tpu.memory_space<vmem_shared>>)
        tpu.yield
      }) : () -> ()
      %jit3A_168 = arith.constant 2 : i32
      %div3A_169 = arith.divsi %mul3A_142, %jit3A_168 : i32
      %sign3A_170 = arith.constant 0 : i32
      %sign3A_171 = arith.cmpi sgt, %mul3A_142, %sign3A_170 : i32
      %sign3A_172 = arith.extui %sign3A_171 : i1 to i32
      %sign3A_173 = arith.constant 0 : i32
      %sign3A_174 = arith.cmpi slt, %mul3A_142, %sign3A_173 : i32
      %sign3A_175 = arith.extui %sign3A_174 : i1 to i32
      %sign3A_176 = arith.subi %sign3A_172, %sign3A_175 : i32
      %sign3A_177 = arith.constant 0 : i32
      %sign3A_178 = arith.cmpi sgt, %jit3A_168, %sign3A_177 : i32
      %sign3A_179 = arith.extui %sign3A_178 : i1 to i32
      %sign3A_180 = arith.constant 0 : i32
      %sign3A_181 = arith.cmpi slt, %jit3A_168, %sign3A_180 : i32
      %sign3A_182 = arith.extui %sign3A_181 : i1 to i32
      %sign3A_183 = arith.subi %sign3A_179, %sign3A_182 : i32
      %ne3A_184 = arith.cmpi ne, %sign3A_176, %sign3A_183 : i32
      %rem3A_185 = arith.remsi %mul3A_142, %jit3A_168 : i32
      %ne3A_186 = arith.constant 0 : i32
      %ne3A_187 = arith.cmpi ne, %rem3A_185, %ne3A_186 : i32
      %and3A_188 = arith.andi %ne3A_184, %ne3A_187 : i1
      %sub3A_189 = arith.constant 1 : i32
      %sub3A_190 = arith.subi %div3A_169, %sub3A_189 : i32
      %select_n3A_191 = arith.select %and3A_188, %sub3A_190, %div3A_169 : i32
      %add3A_192 = arith.constant 2 : i32
      %add3A_193 = arith.addi %select_n3A_191, %add3A_192 : i32
      %add3A_194 = arith.constant 0 : i32
      %add3A_195 = arith.addi %add3A_193, %add3A_194 : i32
      %dma_start3A_196 = arith.constant 0 : i32
      %dma_start3A_197 = tpu.memref_slice %arg7[%add3A_195, %dma_start3A_196] : memref<40x128xi32, #tpu.memory_space<vmem>> -> memref<1x64xi32, #tpu.memory_space<vmem>>
      %dma_start3A_198 = tpu.memref_squeeze %dma_start3A_197 : memref<1x64xi32, #tpu.memory_space<vmem>> -> memref<64xi32, #tpu.memory_space<vmem>>
      %dma_start3A_199 = arith.constant 0 : i32
      %dma_start3A_200 = arith.constant 0 : i32
      %dma_start3A_201 = tpu.memref_slice %arg2[%dma_start3A_199, %dma_start3A_200] : memref<10000x128xf32, #tpu.memory_space<hbm>> -> memref<10000x128xf32, #tpu.memory_space<hbm>>
      tpu.enqueue_indirect_dma source(%dma_start3A_201 : memref<10000x128xf32, #tpu.memory_space<hbm>>) target(%arg9 : memref<64x128xf32, #tpu.memory_space<vmem>>) offsets(%dma_start3A_198 : memref<64xi32, #tpu.memory_space<vmem>>) semaphore(%arg14 : memref<!tpu.dma_semaphore, #tpu.memory_space<semaphore_mem>>)
      %jit3A_202 = arith.constant 2 : i32
      %div3A_203 = arith.divsi %mul3A_142, %jit3A_202 : i32
      %sign3A_204 = arith.constant 0 : i32
      %sign3A_205 = arith.cmpi sgt, %mul3A_142, %sign3A_204 : i32
      %sign3A_206 = arith.extui %sign3A_205 : i1 to i32
      %sign3A_207 = arith.constant 0 : i32
      %sign3A_208 = arith.cmpi slt, %mul3A_142, %sign3A_207 : i32
      %sign3A_209 = arith.extui %sign3A_208 : i1 to i32
      %sign3A_210 = arith.subi %sign3A_206, %sign3A_209 : i32
      %sign3A_211 = arith.constant 0 : i32
      %sign3A_212 = arith.cmpi sgt, %jit3A_202, %sign3A_211 : i32
      %sign3A_213 = arith.extui %sign3A_212 : i1 to i32
      %sign3A_214 = arith.constant 0 : i32
      %sign3A_215 = arith.cmpi slt, %jit3A_202, %sign3A_214 : i32
      %sign3A_216 = arith.extui %sign3A_215 : i1 to i32
      %sign3A_217 = arith.subi %sign3A_213, %sign3A_216 : i32
      %ne3A_218 = arith.cmpi ne, %sign3A_210, %sign3A_217 : i32
      %rem3A_219 = arith.remsi %mul3A_142, %jit3A_202 : i32
      %ne3A_220 = arith.constant 0 : i32
      %ne3A_221 = arith.cmpi ne, %rem3A_219, %ne3A_220 : i32
      %and3A_222 = arith.andi %ne3A_218, %ne3A_221 : i1
      %sub3A_223 = arith.constant 1 : i32
      %sub3A_224 = arith.subi %div3A_203, %sub3A_223 : i32
      %select_n3A_225 = arith.select %and3A_222, %sub3A_224, %div3A_203 : i32
      %add3A_226 = arith.constant 0 : i32
      %add3A_227 = arith.addi %select_n3A_225, %add3A_226 : i32
      %dma_wait3A_228 = arith.constant 64 : i32
      %dma_wait3A_229 = tpu.memref_slice %arg7[%add3A_227, %dma_wait3A_228] : memref<40x128xi32, #tpu.memory_space<vmem>> -> memref<1x64xi32, #tpu.memory_space<vmem>>
      %dma_wait3A_230 = tpu.memref_squeeze %dma_wait3A_229 : memref<1x64xi32, #tpu.memory_space<vmem>> -> memref<64xi32, #tpu.memory_space<vmem>>
      %dma_wait3A_231 = arith.constant 0 : i32
      %dma_wait3A_232 = arith.constant 0 : i32
      %dma_wait3A_233 = tpu.memref_slice %arg2[%dma_wait3A_231, %dma_wait3A_232] : memref<10000x128xf32, #tpu.memory_space<hbm>> -> memref<10000x128xf32, #tpu.memory_space<hbm>>
      tpu.wait_indirect_dma semaphore(%arg15 : memref<!tpu.dma_semaphore, #tpu.memory_space<semaphore_mem>>) src(%dma_wait3A_233 : memref<10000x128xf32, #tpu.memory_space<hbm>>) dst(%arg10 : memref<64x128xf32, #tpu.memory_space<vmem>>)
      %add3A_234 = arith.constant 1 : i32
      %add3A_235 = arith.addi %mul3A_142, %add3A_234 : i32
      "tpu.region"() ({
        %run_scoped3A_406 = tpu.sem_alloc : memref<!tpu.dma_semaphore, #tpu.memory_space<semaphore_mem>>
        %dma_start3A_407 = arith.constant 0 : i32
        %dma_start3A_408 = tpu.memref_slice %arg8[%add3A_235, %dma_start3A_407] : memref<80x64xi32, #tpu.memory_space<vmem>> -> memref<1x64xi32, #tpu.memory_space<vmem>>
        %dma_start3A_409 = tpu.memref_squeeze %dma_start3A_408 : memref<1x64xi32, #tpu.memory_space<vmem>> -> memref<64xi32, #tpu.memory_space<vmem>>
        %dma_start3A_410 = arith.constant 0 : i32
        %dma_start3A_411 = arith.constant 0 : i32
        %dma_start3A_412 = tpu.memref_slice %arg13[%dma_start3A_410, %dma_start3A_411] : memref<10240x128xf32, #tpu.memory_space<vmem_shared>> -> memref<10240x128xf32, #tpu.memory_space<vmem_shared>>
        tpu.enqueue_indirect_dma source(%arg10 : memref<64x128xf32, #tpu.memory_space<vmem>>) target(%dma_start3A_412 : memref<10240x128xf32, #tpu.memory_space<vmem_shared>>) offsets(%dma_start3A_409 : memref<64xi32, #tpu.memory_space<vmem>>) semaphore(%run_scoped3A_406 : memref<!tpu.dma_semaphore, #tpu.memory_space<semaphore_mem>>) {add = true}
        %dma_wait3A_413 = arith.constant 0 : i32
        %dma_wait3A_414 = tpu.memref_slice %arg8[%add3A_235, %dma_wait3A_413] : memref<80x64xi32, #tpu.memory_space<vmem>> -> memref<1x64xi32, #tpu.memory_space<vmem>>
        %dma_wait3A_415 = tpu.memref_squeeze %dma_wait3A_414 : memref<1x64xi32, #tpu.memory_space<vmem>> -> memref<64xi32, #tpu.memory_space<vmem>>
        %dma_wait3A_416 = arith.constant 0 : i32
        %dma_wait3A_417 = arith.constant 0 : i32
        %dma_wait3A_418 = tpu.memref_slice %arg13[%dma_wait3A_416, %dma_wait3A_417] : memref<10240x128xf32, #tpu.memory_space<vmem_shared>> -> memref<10240x128xf32, #tpu.memory_space<vmem_shared>>
        tpu.wait_indirect_dma semaphore(%run_scoped3A_406 : memref<!tpu.dma_semaphore, #tpu.memory_space<semaphore_mem>>) src(%arg10 : memref<64x128xf32, #tpu.memory_space<vmem>>) dst(%dma_wait3A_418 : memref<10240x128xf32, #tpu.memory_space<vmem_shared>>)
        tpu.yield
      }) : () -> ()
      %jit3A_236 = arith.constant 2 : i32
      %div3A_237 = arith.divsi %mul3A_142, %jit3A_236 : i32
      %sign3A_238 = arith.constant 0 : i32
      %sign3A_239 = arith.cmpi sgt, %mul3A_142, %sign3A_238 : i32
      %sign3A_240 = arith.extui %sign3A_239 : i1 to i32
      %sign3A_241 = arith.constant 0 : i32
      %sign3A_242 = arith.cmpi slt, %mul3A_142, %sign3A_241 : i32
      %sign3A_243 = arith.extui %sign3A_242 : i1 to i32
      %sign3A_244 = arith.subi %sign3A_240, %sign3A_243 : i32
      %sign3A_245 = arith.constant 0 : i32
      %sign3A_246 = arith.cmpi sgt, %jit3A_236, %sign3A_245 : i32
      %sign3A_247 = arith.extui %sign3A_246 : i1 to i32
      %sign3A_248 = arith.constant 0 : i32
      %sign3A_249 = arith.cmpi slt, %jit3A_236, %sign3A_248 : i32
      %sign3A_250 = arith.extui %sign3A_249 : i1 to i32
      %sign3A_251 = arith.subi %sign3A_247, %sign3A_250 : i32
      %ne3A_252 = arith.cmpi ne, %sign3A_244, %sign3A_251 : i32
      %rem3A_253 = arith.remsi %mul3A_142, %jit3A_236 : i32
      %ne3A_254 = arith.constant 0 : i32
      %ne3A_255 = arith.cmpi ne, %rem3A_253, %ne3A_254 : i32
      %and3A_256 = arith.andi %ne3A_252, %ne3A_255 : i1
      %sub3A_257 = arith.constant 1 : i32
      %sub3A_258 = arith.subi %div3A_237, %sub3A_257 : i32
      %select_n3A_259 = arith.select %and3A_256, %sub3A_258, %div3A_237 : i32
      %add3A_260 = arith.constant 2 : i32
      %add3A_261 = arith.addi %select_n3A_259, %add3A_260 : i32
      %add3A_262 = arith.constant 0 : i32
      %add3A_263 = arith.addi %add3A_261, %add3A_262 : i32
      %dma_start3A_264 = arith.constant 64 : i32
      %dma_start3A_265 = tpu.memref_slice %arg7[%add3A_263, %dma_start3A_264] : memref<40x128xi32, #tpu.memory_space<vmem>> -> memref<1x64xi32, #tpu.memory_space<vmem>>
      %dma_start3A_266 = tpu.memref_squeeze %dma_start3A_265 : memref<1x64xi32, #tpu.memory_space<vmem>> -> memref<64xi32, #tpu.memory_space<vmem>>
      %dma_start3A_267 = arith.constant 0 : i32
      %dma_start3A_268 = arith.constant 0 : i32
      %dma_start3A_269 = tpu.memref_slice %arg2[%dma_start3A_267, %dma_start3A_268] : memref<10000x128xf32, #tpu.memory_space<hbm>> -> memref<10000x128xf32, #tpu.memory_space<hbm>>
      tpu.enqueue_indirect_dma source(%dma_start3A_269 : memref<10000x128xf32, #tpu.memory_space<hbm>>) target(%arg10 : memref<64x128xf32, #tpu.memory_space<vmem>>) offsets(%dma_start3A_266 : memref<64xi32, #tpu.memory_space<vmem>>) semaphore(%arg15 : memref<!tpu.dma_semaphore, #tpu.memory_space<semaphore_mem>>)
      %jit3A_270 = arith.constant 2 : i32
      %div3A_271 = arith.divsi %mul3A_142, %jit3A_270 : i32
      %sign3A_272 = arith.constant 0 : i32
      %sign3A_273 = arith.cmpi sgt, %mul3A_142, %sign3A_272 : i32
      %sign3A_274 = arith.extui %sign3A_273 : i1 to i32
      %sign3A_275 = arith.constant 0 : i32
      %sign3A_276 = arith.cmpi slt, %mul3A_142, %sign3A_275 : i32
      %sign3A_277 = arith.extui %sign3A_276 : i1 to i32
      %sign3A_278 = arith.subi %sign3A_274, %sign3A_277 : i32
      %sign3A_279 = arith.constant 0 : i32
      %sign3A_280 = arith.cmpi sgt, %jit3A_270, %sign3A_279 : i32
      %sign3A_281 = arith.extui %sign3A_280 : i1 to i32
      %sign3A_282 = arith.constant 0 : i32
      %sign3A_283 = arith.cmpi slt, %jit3A_270, %sign3A_282 : i32
      %sign3A_284 = arith.extui %sign3A_283 : i1 to i32
      %sign3A_285 = arith.subi %sign3A_281, %sign3A_284 : i32
      %ne3A_286 = arith.cmpi ne, %sign3A_278, %sign3A_285 : i32
      %rem3A_287 = arith.remsi %mul3A_142, %jit3A_270 : i32
      %ne3A_288 = arith.constant 0 : i32
      %ne3A_289 = arith.cmpi ne, %rem3A_287, %ne3A_288 : i32
      %and3A_290 = arith.andi %ne3A_286, %ne3A_289 : i1
      %sub3A_291 = arith.constant 1 : i32
      %sub3A_292 = arith.subi %div3A_271, %sub3A_291 : i32
      %select_n3A_293 = arith.select %and3A_290, %sub3A_292, %div3A_271 : i32
      %add3A_294 = arith.constant 1 : i32
      %add3A_295 = arith.addi %select_n3A_293, %add3A_294 : i32
      %dma_wait3A_296 = arith.constant 0 : i32
      %dma_wait3A_297 = tpu.memref_slice %arg7[%add3A_295, %dma_wait3A_296] : memref<40x128xi32, #tpu.memory_space<vmem>> -> memref<1x64xi32, #tpu.memory_space<vmem>>
      %dma_wait3A_298 = tpu.memref_squeeze %dma_wait3A_297 : memref<1x64xi32, #tpu.memory_space<vmem>> -> memref<64xi32, #tpu.memory_space<vmem>>
      %dma_wait3A_299 = arith.constant 0 : i32
      %dma_wait3A_300 = arith.constant 0 : i32
      %dma_wait3A_301 = tpu.memref_slice %arg2[%dma_wait3A_299, %dma_wait3A_300] : memref<10000x128xf32, #tpu.memory_space<hbm>> -> memref<10000x128xf32, #tpu.memory_space<hbm>>
      tpu.wait_indirect_dma semaphore(%arg16 : memref<!tpu.dma_semaphore, #tpu.memory_space<semaphore_mem>>) src(%dma_wait3A_301 : memref<10000x128xf32, #tpu.memory_space<hbm>>) dst(%arg11 : memref<64x128xf32, #tpu.memory_space<vmem>>)
      %add3A_302 = arith.constant 2 : i32
      %add3A_303 = arith.addi %mul3A_142, %add3A_302 : i32
      "tpu.region"() ({
        %run_scoped3A_406 = tpu.sem_alloc : memref<!tpu.dma_semaphore, #tpu.memory_space<semaphore_mem>>
        %dma_start3A_407 = arith.constant 0 : i32
        %dma_start3A_408 = tpu.memref_slice %arg8[%add3A_303, %dma_start3A_407] : memref<80x64xi32, #tpu.memory_space<vmem>> -> memref<1x64xi32, #tpu.memory_space<vmem>>
        %dma_start3A_409 = tpu.memref_squeeze %dma_start3A_408 : memref<1x64xi32, #tpu.memory_space<vmem>> -> memref<64xi32, #tpu.memory_space<vmem>>
        %dma_start3A_410 = arith.constant 0 : i32
        %dma_start3A_411 = arith.constant 0 : i32
        %dma_start3A_412 = tpu.memref_slice %arg13[%dma_start3A_410, %dma_start3A_411] : memref<10240x128xf32, #tpu.memory_space<vmem_shared>> -> memref<10240x128xf32, #tpu.memory_space<vmem_shared>>
        tpu.enqueue_indirect_dma source(%arg11 : memref<64x128xf32, #tpu.memory_space<vmem>>) target(%dma_start3A_412 : memref<10240x128xf32, #tpu.memory_space<vmem_shared>>) offsets(%dma_start3A_409 : memref<64xi32, #tpu.memory_space<vmem>>) semaphore(%run_scoped3A_406 : memref<!tpu.dma_semaphore, #tpu.memory_space<semaphore_mem>>) {add = true}
        %dma_wait3A_413 = arith.constant 0 : i32
        %dma_wait3A_414 = tpu.memref_slice %arg8[%add3A_303, %dma_wait3A_413] : memref<80x64xi32, #tpu.memory_space<vmem>> -> memref<1x64xi32, #tpu.memory_space<vmem>>
        %dma_wait3A_415 = tpu.memref_squeeze %dma_wait3A_414 : memref<1x64xi32, #tpu.memory_space<vmem>> -> memref<64xi32, #tpu.memory_space<vmem>>
        %dma_wait3A_416 = arith.constant 0 : i32
        %dma_wait3A_417 = arith.constant 0 : i32
        %dma_wait3A_418 = tpu.memref_slice %arg13[%dma_wait3A_416, %dma_wait3A_417] : memref<10240x128xf32, #tpu.memory_space<vmem_shared>> -> memref<10240x128xf32, #tpu.memory_space<vmem_shared>>
        tpu.wait_indirect_dma semaphore(%run_scoped3A_406 : memref<!tpu.dma_semaphore, #tpu.memory_space<semaphore_mem>>) src(%arg11 : memref<64x128xf32, #tpu.memory_space<vmem>>) dst(%dma_wait3A_418 : memref<10240x128xf32, #tpu.memory_space<vmem_shared>>)
        tpu.yield
      }) : () -> ()
      %jit3A_304 = arith.constant 2 : i32
      %div3A_305 = arith.divsi %mul3A_142, %jit3A_304 : i32
      %sign3A_306 = arith.constant 0 : i32
      %sign3A_307 = arith.cmpi sgt, %mul3A_142, %sign3A_306 : i32
      %sign3A_308 = arith.extui %sign3A_307 : i1 to i32
      %sign3A_309 = arith.constant 0 : i32
      %sign3A_310 = arith.cmpi slt, %mul3A_142, %sign3A_309 : i32
      %sign3A_311 = arith.extui %sign3A_310 : i1 to i32
      %sign3A_312 = arith.subi %sign3A_308, %sign3A_311 : i32
      %sign3A_313 = arith.constant 0 : i32
      %sign3A_314 = arith.cmpi sgt, %jit3A_304, %sign3A_313 : i32
      %sign3A_315 = arith.extui %sign3A_314 : i1 to i32
      %sign3A_316 = arith.constant 0 : i32
      %sign3A_317 = arith.cmpi slt, %jit3A_304, %sign3A_316 : i32
      %sign3A_318 = arith.extui %sign3A_317 : i1 to i32
      %sign3A_319 = arith.subi %sign3A_315, %sign3A_318 : i32
      %ne3A_320 = arith.cmpi ne, %sign3A_312, %sign3A_319 : i32
      %rem3A_321 = arith.remsi %mul3A_142, %jit3A_304 : i32
      %ne3A_322 = arith.constant 0 : i32
      %ne3A_323 = arith.cmpi ne, %rem3A_321, %ne3A_322 : i32
      %and3A_324 = arith.andi %ne3A_320, %ne3A_323 : i1
      %sub3A_325 = arith.constant 1 : i32
      %sub3A_326 = arith.subi %div3A_305, %sub3A_325 : i32
      %select_n3A_327 = arith.select %and3A_324, %sub3A_326, %div3A_305 : i32
      %add3A_328 = arith.constant 2 : i32
      %add3A_329 = arith.addi %select_n3A_327, %add3A_328 : i32
      %add3A_330 = arith.constant 1 : i32
      %add3A_331 = arith.addi %add3A_329, %add3A_330 : i32
      %dma_start3A_332 = arith.constant 0 : i32
      %dma_start3A_333 = tpu.memref_slice %arg7[%add3A_331, %dma_start3A_332] : memref<40x128xi32, #tpu.memory_space<vmem>> -> memref<1x64xi32, #tpu.memory_space<vmem>>
      %dma_start3A_334 = tpu.memref_squeeze %dma_start3A_333 : memref<1x64xi32, #tpu.memory_space<vmem>> -> memref<64xi32, #tpu.memory_space<vmem>>
      %dma_start3A_335 = arith.constant 0 : i32
      %dma_start3A_336 = arith.constant 0 : i32
      %dma_start3A_337 = tpu.memref_slice %arg2[%dma_start3A_335, %dma_start3A_336] : memref<10000x128xf32, #tpu.memory_space<hbm>> -> memref<10000x128xf32, #tpu.memory_space<hbm>>
      tpu.enqueue_indirect_dma source(%dma_start3A_337 : memref<10000x128xf32, #tpu.memory_space<hbm>>) target(%arg11 : memref<64x128xf32, #tpu.memory_space<vmem>>) offsets(%dma_start3A_334 : memref<64xi32, #tpu.memory_space<vmem>>) semaphore(%arg16 : memref<!tpu.dma_semaphore, #tpu.memory_space<semaphore_mem>>)
      %jit3A_338 = arith.constant 2 : i32
      %div3A_339 = arith.divsi %mul3A_142, %jit3A_338 : i32
      %sign3A_340 = arith.constant 0 : i32
      %sign3A_341 = arith.cmpi sgt, %mul3A_142, %sign3A_340 : i32
      %sign3A_342 = arith.extui %sign3A_341 : i1 to i32
      %sign3A_343 = arith.constant 0 : i32
      %sign3A_344 = arith.cmpi slt, %mul3A_142, %sign3A_343 : i32
      %sign3A_345 = arith.extui %sign3A_344 : i1 to i32
      %sign3A_346 = arith.subi %sign3A_342, %sign3A_345 : i32
      %sign3A_347 = arith.constant 0 : i32
      %sign3A_348 = arith.cmpi sgt, %jit3A_338, %sign3A_347 : i32
      %sign3A_349 = arith.extui %sign3A_348 : i1 to i32
      %sign3A_350 = arith.constant 0 : i32
      %sign3A_351 = arith.cmpi slt, %jit3A_338, %sign3A_350 : i32
      %sign3A_352 = arith.extui %sign3A_351 : i1 to i32
      %sign3A_353 = arith.subi %sign3A_349, %sign3A_352 : i32
      %ne3A_354 = arith.cmpi ne, %sign3A_346, %sign3A_353 : i32
      %rem3A_355 = arith.remsi %mul3A_142, %jit3A_338 : i32
      %ne3A_356 = arith.constant 0 : i32
      %ne3A_357 = arith.cmpi ne, %rem3A_355, %ne3A_356 : i32
      %and3A_358 = arith.andi %ne3A_354, %ne3A_357 : i1
      %sub3A_359 = arith.constant 1 : i32
      %sub3A_360 = arith.subi %div3A_339, %sub3A_359 : i32
      %select_n3A_361 = arith.select %and3A_358, %sub3A_360, %div3A_339 : i32
      %add3A_362 = arith.constant 1 : i32
      %add3A_363 = arith.addi %select_n3A_361, %add3A_362 : i32
      %dma_wait3A_364 = arith.constant 64 : i32
      %dma_wait3A_365 = tpu.memref_slice %arg7[%add3A_363, %dma_wait3A_364] : memref<40x128xi32, #tpu.memory_space<vmem>> -> memref<1x64xi32, #tpu.memory_space<vmem>>
      %dma_wait3A_366 = tpu.memref_squeeze %dma_wait3A_365 : memref<1x64xi32, #tpu.memory_space<vmem>> -> memref<64xi32, #tpu.memory_space<vmem>>
      %dma_wait3A_367 = arith.constant 0 : i32
      %dma_wait3A_368 = arith.constant 0 : i32
      %dma_wait3A_369 = tpu.memref_slice %arg2[%dma_wait3A_367, %dma_wait3A_368] : memref<10000x128xf32, #tpu.memory_space<hbm>> -> memref<10000x128xf32, #tpu.memory_space<hbm>>
      tpu.wait_indirect_dma semaphore(%arg17 : memref<!tpu.dma_semaphore, #tpu.memory_space<semaphore_mem>>) src(%dma_wait3A_369 : memref<10000x128xf32, #tpu.memory_space<hbm>>) dst(%arg12 : memref<64x128xf32, #tpu.memory_space<vmem>>)
      %add3A_370 = arith.constant 3 : i32
      %add3A_371 = arith.addi %mul3A_142, %add3A_370 : i32
      "tpu.region"() ({
        %run_scoped3A_406 = tpu.sem_alloc : memref<!tpu.dma_semaphore, #tpu.memory_space<semaphore_mem>>
        %dma_start3A_407 = arith.constant 0 : i32
        %dma_start3A_408 = tpu.memref_slice %arg8[%add3A_371, %dma_start3A_407] : memref<80x64xi32, #tpu.memory_space<vmem>> -> memref<1x64xi32, #tpu.memory_space<vmem>>
        %dma_start3A_409 = tpu.memref_squeeze %dma_start3A_408 : memref<1x64xi32, #tpu.memory_space<vmem>> -> memref<64xi32, #tpu.memory_space<vmem>>
        %dma_start3A_410 = arith.constant 0 : i32
        %dma_start3A_411 = arith.constant 0 : i32
        %dma_start3A_412 = tpu.memref_slice %arg13[%dma_start3A_410, %dma_start3A_411] : memref<10240x128xf32, #tpu.memory_space<vmem_shared>> -> memref<10240x128xf32, #tpu.memory_space<vmem_shared>>
        tpu.enqueue_indirect_dma source(%arg12 : memref<64x128xf32, #tpu.memory_space<vmem>>) target(%dma_start3A_412 : memref<10240x128xf32, #tpu.memory_space<vmem_shared>>) offsets(%dma_start3A_409 : memref<64xi32, #tpu.memory_space<vmem>>) semaphore(%run_scoped3A_406 : memref<!tpu.dma_semaphore, #tpu.memory_space<semaphore_mem>>) {add = true}
        %dma_wait3A_413 = arith.constant 0 : i32
        %dma_wait3A_414 = tpu.memref_slice %arg8[%add3A_371, %dma_wait3A_413] : memref<80x64xi32, #tpu.memory_space<vmem>> -> memref<1x64xi32, #tpu.memory_space<vmem>>
        %dma_wait3A_415 = tpu.memref_squeeze %dma_wait3A_414 : memref<1x64xi32, #tpu.memory_space<vmem>> -> memref<64xi32, #tpu.memory_space<vmem>>
        %dma_wait3A_416 = arith.constant 0 : i32
        %dma_wait3A_417 = arith.constant 0 : i32
        %dma_wait3A_418 = tpu.memref_slice %arg13[%dma_wait3A_416, %dma_wait3A_417] : memref<10240x128xf32, #tpu.memory_space<vmem_shared>> -> memref<10240x128xf32, #tpu.memory_space<vmem_shared>>
        tpu.wait_indirect_dma semaphore(%run_scoped3A_406 : memref<!tpu.dma_semaphore, #tpu.memory_space<semaphore_mem>>) src(%arg12 : memref<64x128xf32, #tpu.memory_space<vmem>>) dst(%dma_wait3A_418 : memref<10240x128xf32, #tpu.memory_space<vmem_shared>>)
        tpu.yield
      }) : () -> ()
      %jit3A_372 = arith.constant 2 : i32
      %div3A_373 = arith.divsi %mul3A_142, %jit3A_372 : i32
      %sign3A_374 = arith.constant 0 : i32
      %sign3A_375 = arith.cmpi sgt, %mul3A_142, %sign3A_374 : i32
      %sign3A_376 = arith.extui %sign3A_375 : i1 to i32
      %sign3A_377 = arith.constant 0 : i32
      %sign3A_378 = arith.cmpi slt, %mul3A_142, %sign3A_377 : i32
      %sign3A_379 = arith.extui %sign3A_378 : i1 to i32
      %sign3A_380 = arith.subi %sign3A_376, %sign3A_379 : i32
      %sign3A_381 = arith.constant 0 : i32
      %sign3A_382 = arith.cmpi sgt, %jit3A_372, %sign3A_381 : i32
      %sign3A_383 = arith.extui %sign3A_382 : i1 to i32
      %sign3A_384 = arith.constant 0 : i32
      %sign3A_385 = arith.cmpi slt, %jit3A_372, %sign3A_384 : i32
      %sign3A_386 = arith.extui %sign3A_385 : i1 to i32
      %sign3A_387 = arith.subi %sign3A_383, %sign3A_386 : i32
      %ne3A_388 = arith.cmpi ne, %sign3A_380, %sign3A_387 : i32
      %rem3A_389 = arith.remsi %mul3A_142, %jit3A_372 : i32
      %ne3A_390 = arith.constant 0 : i32
      %ne3A_391 = arith.cmpi ne, %rem3A_389, %ne3A_390 : i32
      %and3A_392 = arith.andi %ne3A_388, %ne3A_391 : i1
      %sub3A_393 = arith.constant 1 : i32
      %sub3A_394 = arith.subi %div3A_373, %sub3A_393 : i32
      %select_n3A_395 = arith.select %and3A_392, %sub3A_394, %div3A_373 : i32
      %add3A_396 = arith.constant 2 : i32
      %add3A_397 = arith.addi %select_n3A_395, %add3A_396 : i32
      %add3A_398 = arith.constant 1 : i32
      %add3A_399 = arith.addi %add3A_397, %add3A_398 : i32
      %dma_start3A_400 = arith.constant 64 : i32
      %dma_start3A_401 = tpu.memref_slice %arg7[%add3A_399, %dma_start3A_400] : memref<40x128xi32, #tpu.memory_space<vmem>> -> memref<1x64xi32, #tpu.memory_space<vmem>>
      %dma_start3A_402 = tpu.memref_squeeze %dma_start3A_401 : memref<1x64xi32, #tpu.memory_space<vmem>> -> memref<64xi32, #tpu.memory_space<vmem>>
      %dma_start3A_403 = arith.constant 0 : i32
      %dma_start3A_404 = arith.constant 0 : i32
      %dma_start3A_405 = tpu.memref_slice %arg2[%dma_start3A_403, %dma_start3A_404] : memref<10000x128xf32, #tpu.memory_space<hbm>> -> memref<10000x128xf32, #tpu.memory_space<hbm>>
      tpu.enqueue_indirect_dma source(%dma_start3A_405 : memref<10000x128xf32, #tpu.memory_space<hbm>>) target(%arg12 : memref<64x128xf32, #tpu.memory_space<vmem>>) offsets(%dma_start3A_402 : memref<64xi32, #tpu.memory_space<vmem>>) semaphore(%arg17 : memref<!tpu.dma_semaphore, #tpu.memory_space<semaphore_mem>>)
    }
    %scan3A_102 = arith.constant 19 : i32
    %dma_wait3A_103 = arith.constant 38 : i32
    %dma_wait3A_104 = arith.constant 0 : i32
    %dma_wait3A_105 = tpu.memref_slice %arg7[%dma_wait3A_103, %dma_wait3A_104] : memref<40x128xi32, #tpu.memory_space<vmem>> -> memref<1x64xi32, #tpu.memory_space<vmem>>
    %dma_wait3A_106 = tpu.memref_squeeze %dma_wait3A_105 : memref<1x64xi32, #tpu.memory_space<vmem>> -> memref<64xi32, #tpu.memory_space<vmem>>
    %dma_wait3A_107 = arith.constant 0 : i32
    %dma_wait3A_108 = arith.constant 0 : i32
    %dma_wait3A_109 = tpu.memref_slice %arg2[%dma_wait3A_107, %dma_wait3A_108] : memref<10000x128xf32, #tpu.memory_space<hbm>> -> memref<10000x128xf32, #tpu.memory_space<hbm>>
    tpu.wait_indirect_dma semaphore(%arg14 : memref<!tpu.dma_semaphore, #tpu.memory_space<semaphore_mem>>) src(%dma_wait3A_109 : memref<10000x128xf32, #tpu.memory_space<hbm>>) dst(%arg9 : memref<64x128xf32, #tpu.memory_space<vmem>>)
    %run_scoped3A_110 = arith.constant 76 : i32
    "tpu.region"() ({
      %run_scoped3A_140 = tpu.sem_alloc : memref<!tpu.dma_semaphore, #tpu.memory_space<semaphore_mem>>
      %dma_start3A_141 = arith.constant 0 : i32
      %dma_start3A_142 = tpu.memref_slice %arg8[%run_scoped3A_110, %dma_start3A_141] : memref<80x64xi32, #tpu.memory_space<vmem>> -> memref<1x64xi32, #tpu.memory_space<vmem>>
      %dma_start3A_143 = tpu.memref_squeeze %dma_start3A_142 : memref<1x64xi32, #tpu.memory_space<vmem>> -> memref<64xi32, #tpu.memory_space<vmem>>
      %dma_start3A_144 = arith.constant 0 : i32
      %dma_start3A_145 = arith.constant 0 : i32
      %dma_start3A_146 = tpu.memref_slice %arg13[%dma_start3A_144, %dma_start3A_145] : memref<10240x128xf32, #tpu.memory_space<vmem_shared>> -> memref<10240x128xf32, #tpu.memory_space<vmem_shared>>
      tpu.enqueue_indirect_dma source(%arg9 : memref<64x128xf32, #tpu.memory_space<vmem>>) target(%dma_start3A_146 : memref<10240x128xf32, #tpu.memory_space<vmem_shared>>) offsets(%dma_start3A_143 : memref<64xi32, #tpu.memory_space<vmem>>) semaphore(%run_scoped3A_140 : memref<!tpu.dma_semaphore, #tpu.memory_space<semaphore_mem>>) {add = true}
      %dma_wait3A_147 = arith.constant 0 : i32
      %dma_wait3A_148 = tpu.memref_slice %arg8[%run_scoped3A_110, %dma_wait3A_147] : memref<80x64xi32, #tpu.memory_space<vmem>> -> memref<1x64xi32, #tpu.memory_space<vmem>>
      %dma_wait3A_149 = tpu.memref_squeeze %dma_wait3A_148 : memref<1x64xi32, #tpu.memory_space<vmem>> -> memref<64xi32, #tpu.memory_space<vmem>>
      %dma_wait3A_150 = arith.constant 0 : i32
      %dma_wait3A_151 = arith.constant 0 : i32
      %dma_wait3A_152 = tpu.memref_slice %arg13[%dma_wait3A_150, %dma_wait3A_151] : memref<10240x128xf32, #tpu.memory_space<vmem_shared>> -> memref<10240x128xf32, #tpu.memory_space<vmem_shared>>
      tpu.wait_indirect_dma semaphore(%run_scoped3A_140 : memref<!tpu.dma_semaphore, #tpu.memory_space<semaphore_mem>>) src(%arg9 : memref<64x128xf32, #tpu.memory_space<vmem>>) dst(%dma_wait3A_152 : memref<10240x128xf32, #tpu.memory_space<vmem_shared>>)
      tpu.yield
    }) : () -> ()
    %dma_wait3A_111 = arith.constant 38 : i32
    %dma_wait3A_112 = arith.constant 64 : i32
    %dma_wait3A_113 = tpu.memref_slice %arg7[%dma_wait3A_111, %dma_wait3A_112] : memref<40x128xi32, #tpu.memory_space<vmem>> -> memref<1x64xi32, #tpu.memory_space<vmem>>
    %dma_wait3A_114 = tpu.memref_squeeze %dma_wait3A_113 : memref<1x64xi32, #tpu.memory_space<vmem>> -> memref<64xi32, #tpu.memory_space<vmem>>
    %dma_wait3A_115 = arith.constant 0 : i32
    %dma_wait3A_116 = arith.constant 0 : i32
    %dma_wait3A_117 = tpu.memref_slice %arg2[%dma_wait3A_115, %dma_wait3A_116] : memref<10000x128xf32, #tpu.memory_space<hbm>> -> memref<10000x128xf32, #tpu.memory_space<hbm>>
    tpu.wait_indirect_dma semaphore(%arg15 : memref<!tpu.dma_semaphore, #tpu.memory_space<semaphore_mem>>) src(%dma_wait3A_117 : memref<10000x128xf32, #tpu.memory_space<hbm>>) dst(%arg10 : memref<64x128xf32, #tpu.memory_space<vmem>>)
    %run_scoped3A_118 = arith.constant 77 : i32
    "tpu.region"() ({
      %run_scoped3A_140 = tpu.sem_alloc : memref<!tpu.dma_semaphore, #tpu.memory_space<semaphore_mem>>
      %dma_start3A_141 = arith.constant 0 : i32
      %dma_start3A_142 = tpu.memref_slice %arg8[%run_scoped3A_118, %dma_start3A_141] : memref<80x64xi32, #tpu.memory_space<vmem>> -> memref<1x64xi32, #tpu.memory_space<vmem>>
      %dma_start3A_143 = tpu.memref_squeeze %dma_start3A_142 : memref<1x64xi32, #tpu.memory_space<vmem>> -> memref<64xi32, #tpu.memory_space<vmem>>
      %dma_start3A_144 = arith.constant 0 : i32
      %dma_start3A_145 = arith.constant 0 : i32
      %dma_start3A_146 = tpu.memref_slice %arg13[%dma_start3A_144, %dma_start3A_145] : memref<10240x128xf32, #tpu.memory_space<vmem_shared>> -> memref<10240x128xf32, #tpu.memory_space<vmem_shared>>
      tpu.enqueue_indirect_dma source(%arg10 : memref<64x128xf32, #tpu.memory_space<vmem>>) target(%dma_start3A_146 : memref<10240x128xf32, #tpu.memory_space<vmem_shared>>) offsets(%dma_start3A_143 : memref<64xi32, #tpu.memory_space<vmem>>) semaphore(%run_scoped3A_140 : memref<!tpu.dma_semaphore, #tpu.memory_space<semaphore_mem>>) {add = true}
      %dma_wait3A_147 = arith.constant 0 : i32
      %dma_wait3A_148 = tpu.memref_slice %arg8[%run_scoped3A_118, %dma_wait3A_147] : memref<80x64xi32, #tpu.memory_space<vmem>> -> memref<1x64xi32, #tpu.memory_space<vmem>>
      %dma_wait3A_149 = tpu.memref_squeeze %dma_wait3A_148 : memref<1x64xi32, #tpu.memory_space<vmem>> -> memref<64xi32, #tpu.memory_space<vmem>>
      %dma_wait3A_150 = arith.constant 0 : i32
      %dma_wait3A_151 = arith.constant 0 : i32
      %dma_wait3A_152 = tpu.memref_slice %arg13[%dma_wait3A_150, %dma_wait3A_151] : memref<10240x128xf32, #tpu.memory_space<vmem_shared>> -> memref<10240x128xf32, #tpu.memory_space<vmem_shared>>
      tpu.wait_indirect_dma semaphore(%run_scoped3A_140 : memref<!tpu.dma_semaphore, #tpu.memory_space<semaphore_mem>>) src(%arg10 : memref<64x128xf32, #tpu.memory_space<vmem>>) dst(%dma_wait3A_152 : memref<10240x128xf32, #tpu.memory_space<vmem_shared>>)
      tpu.yield
    }) : () -> ()
    %dma_wait3A_119 = arith.constant 39 : i32
    %dma_wait3A_120 = arith.constant 0 : i32
    %dma_wait3A_121 = tpu.memref_slice %arg7[%dma_wait3A_119, %dma_wait3A_120] : memref<40x128xi32, #tpu.memory_space<vmem>> -> memref<1x64xi32, #tpu.memory_space<vmem>>
    %dma_wait3A_122 = tpu.memref_squeeze %dma_wait3A_121 : memref<1x64xi32, #tpu.memory_space<vmem>> -> memref<64xi32, #tpu.memory_space<vmem>>
    %dma_wait3A_123 = arith.constant 0 : i32
    %dma_wait3A_124 = arith.constant 0 : i32
    %dma_wait3A_125 = tpu.memref_slice %arg2[%dma_wait3A_123, %dma_wait3A_124] : memref<10000x128xf32, #tpu.memory_space<hbm>> -> memref<10000x128xf32, #tpu.memory_space<hbm>>
    tpu.wait_indirect_dma semaphore(%arg16 : memref<!tpu.dma_semaphore, #tpu.memory_space<semaphore_mem>>) src(%dma_wait3A_125 : memref<10000x128xf32, #tpu.memory_space<hbm>>) dst(%arg11 : memref<64x128xf32, #tpu.memory_space<vmem>>)
    %run_scoped3A_126 = arith.constant 78 : i32
    "tpu.region"() ({
      %run_scoped3A_140 = tpu.sem_alloc : memref<!tpu.dma_semaphore, #tpu.memory_space<semaphore_mem>>
      %dma_start3A_141 = arith.constant 0 : i32
      %dma_start3A_142 = tpu.memref_slice %arg8[%run_scoped3A_126, %dma_start3A_141] : memref<80x64xi32, #tpu.memory_space<vmem>> -> memref<1x64xi32, #tpu.memory_space<vmem>>
      %dma_start3A_143 = tpu.memref_squeeze %dma_start3A_142 : memref<1x64xi32, #tpu.memory_space<vmem>> -> memref<64xi32, #tpu.memory_space<vmem>>
      %dma_start3A_144 = arith.constant 0 : i32
      %dma_start3A_145 = arith.constant 0 : i32
      %dma_start3A_146 = tpu.memref_slice %arg13[%dma_start3A_144, %dma_start3A_145] : memref<10240x128xf32, #tpu.memory_space<vmem_shared>> -> memref<10240x128xf32, #tpu.memory_space<vmem_shared>>
      tpu.enqueue_indirect_dma source(%arg11 : memref<64x128xf32, #tpu.memory_space<vmem>>) target(%dma_start3A_146 : memref<10240x128xf32, #tpu.memory_space<vmem_shared>>) offsets(%dma_start3A_143 : memref<64xi32, #tpu.memory_space<vmem>>) semaphore(%run_scoped3A_140 : memref<!tpu.dma_semaphore, #tpu.memory_space<semaphore_mem>>) {add = true}
      %dma_wait3A_147 = arith.constant 0 : i32
      %dma_wait3A_148 = tpu.memref_slice %arg8[%run_scoped3A_126, %dma_wait3A_147] : memref<80x64xi32, #tpu.memory_space<vmem>> -> memref<1x64xi32, #tpu.memory_space<vmem>>
      %dma_wait3A_149 = tpu.memref_squeeze %dma_wait3A_148 : memref<1x64xi32, #tpu.memory_space<vmem>> -> memref<64xi32, #tpu.memory_space<vmem>>
      %dma_wait3A_150 = arith.constant 0 : i32
      %dma_wait3A_151 = arith.constant 0 : i32
      %dma_wait3A_152 = tpu.memref_slice %arg13[%dma_wait3A_150, %dma_wait3A_151] : memref<10240x128xf32, #tpu.memory_space<vmem_shared>> -> memref<10240x128xf32, #tpu.memory_space<vmem_shared>>
      tpu.wait_indirect_dma semaphore(%run_scoped3A_140 : memref<!tpu.dma_semaphore, #tpu.memory_space<semaphore_mem>>) src(%arg11 : memref<64x128xf32, #tpu.memory_space<vmem>>) dst(%dma_wait3A_152 : memref<10240x128xf32, #tpu.memory_space<vmem_shared>>)
      tpu.yield
    }) : () -> ()
    %dma_wait3A_127 = arith.constant 39 : i32
    %dma_wait3A_128 = arith.constant 64 : i32
    %dma_wait3A_129 = tpu.memref_slice %arg7[%dma_wait3A_127, %dma_wait3A_128] : memref<40x128xi32, #tpu.memory_space<vmem>> -> memref<1x64xi32, #tpu.memory_space<vmem>>
    %dma_wait3A_130 = tpu.memref_squeeze %dma_wait3A_129 : memref<1x64xi32, #tpu.memory_space<vmem>> -> memref<64xi32, #tpu.memory_space<vmem>>
    %dma_wait3A_131 = arith.constant 0 : i32
    %dma_wait3A_132 = arith.constant 0 : i32
    %dma_wait3A_133 = tpu.memref_slice %arg2[%dma_wait3A_131, %dma_wait3A_132] : memref<10000x128xf32, #tpu.memory_space<hbm>> -> memref<10000x128xf32, #tpu.memory_space<hbm>>
    tpu.wait_indirect_dma semaphore(%arg17 : memref<!tpu.dma_semaphore, #tpu.memory_space<semaphore_mem>>) src(%dma_wait3A_133 : memref<10000x128xf32, #tpu.memory_space<hbm>>) dst(%arg12 : memref<64x128xf32, #tpu.memory_space<vmem>>)
    %run_scoped3A_134 = arith.constant 79 : i32
    "tpu.region"() ({
      %run_scoped3A_140 = tpu.sem_alloc : memref<!tpu.dma_semaphore, #tpu.memory_space<semaphore_mem>>
      %dma_start3A_141 = arith.constant 0 : i32
      %dma_start3A_142 = tpu.memref_slice %arg8[%run_scoped3A_134, %dma_start3A_141] : memref<80x64xi32, #tpu.memory_space<vmem>> -> memref<1x64xi32, #tpu.memory_space<vmem>>
      %dma_start3A_143 = tpu.memref_squeeze %dma_start3A_142 : memref<1x64xi32, #tpu.memory_space<vmem>> -> memref<64xi32, #tpu.memory_space<vmem>>
      %dma_start3A_144 = arith.constant 0 : i32
      %dma_start3A_145 = arith.constant 0 : i32
      %dma_start3A_146 = tpu.memref_slice %arg13[%dma_start3A_144, %dma_start3A_145] : memref<10240x128xf32, #tpu.memory_space<vmem_shared>> -> memref<10240x128xf32, #tpu.memory_space<vmem_shared>>
      tpu.enqueue_indirect_dma source(%arg12 : memref<64x128xf32, #tpu.memory_space<vmem>>) target(%dma_start3A_146 : memref<10240x128xf32, #tpu.memory_space<vmem_shared>>) offsets(%dma_start3A_143 : memref<64xi32, #tpu.memory_space<vmem>>) semaphore(%run_scoped3A_140 : memref<!tpu.dma_semaphore, #tpu.memory_space<semaphore_mem>>) {add = true}
      %dma_wait3A_147 = arith.constant 0 : i32
      %dma_wait3A_148 = tpu.memref_slice %arg8[%run_scoped3A_134, %dma_wait3A_147] : memref<80x64xi32, #tpu.memory_space<vmem>> -> memref<1x64xi32, #tpu.memory_space<vmem>>
      %dma_wait3A_149 = tpu.memref_squeeze %dma_wait3A_148 : memref<1x64xi32, #tpu.memory_space<vmem>> -> memref<64xi32, #tpu.memory_space<vmem>>
      %dma_wait3A_150 = arith.constant 0 : i32
      %dma_wait3A_151 = arith.constant 0 : i32
      %dma_wait3A_152 = tpu.memref_slice %arg13[%dma_wait3A_150, %dma_wait3A_151] : memref<10240x128xf32, #tpu.memory_space<vmem_shared>> -> memref<10240x128xf32, #tpu.memory_space<vmem_shared>>
      tpu.wait_indirect_dma semaphore(%run_scoped3A_140 : memref<!tpu.dma_semaphore, #tpu.memory_space<semaphore_mem>>) src(%arg12 : memref<64x128xf32, #tpu.memory_space<vmem>>) dst(%dma_wait3A_152 : memref<10240x128xf32, #tpu.memory_space<vmem_shared>>)
      tpu.yield
    }) : () -> ()
    %barrier3A_135 = arith.constant 0 : index
    tpu.barrier barrier_id(%barrier3A_135)
    %mul3A_136 = arith.constant 640 : i32
    %mul3A_137 = arith.muli %arg1, %mul3A_136 : i32
    %mul3A_138 = arith.constant 640 : i32
    %mul3A_139 = arith.muli %arg1, %mul3A_138 : i32
    "tpu.region"() ({
      %run_scoped3A_140 = tpu.sem_alloc : memref<!tpu.dma_semaphore, #tpu.memory_space<semaphore_mem>>
      %dma_start3A_141 = arith.constant 0 : i32
      %dma_start3A_142 = tpu.memref_slice %arg6[%arg0, %mul3A_139, %dma_start3A_141] : memref<2x10240x128xf32, #tpu.memory_space<hbm>> -> memref<1x640x128xf32, #tpu.memory_space<hbm>>
      %dma_start3A_143 = tpu.memref_squeeze %dma_start3A_142 : memref<1x640x128xf32, #tpu.memory_space<hbm>> -> memref<640x128xf32, #tpu.memory_space<hbm>>
      %dma_start3A_144 = arith.constant 0 : i32
      %dma_start3A_145 = tpu.memref_slice %arg13[%mul3A_137, %dma_start3A_144] : memref<10240x128xf32, #tpu.memory_space<vmem_shared>> -> memref<640x128xf32, #tpu.memory_space<vmem_shared>>
      tpu.enqueue_dma source(%dma_start3A_145 : memref<640x128xf32, #tpu.memory_space<vmem_shared>>) target(%dma_start3A_143 : memref<640x128xf32, #tpu.memory_space<hbm>>) target_semaphore(%run_scoped3A_140 : memref<!tpu.dma_semaphore, #tpu.memory_space<semaphore_mem>>)
      %dma_wait3A_146 = arith.constant 0 : i32
      %dma_wait3A_147 = tpu.memref_slice %arg6[%arg0, %mul3A_139, %dma_wait3A_146] : memref<2x10240x128xf32, #tpu.memory_space<hbm>> -> memref<1x640x128xf32, #tpu.memory_space<hbm>>
      %dma_wait3A_148 = tpu.memref_squeeze %dma_wait3A_147 : memref<1x640x128xf32, #tpu.memory_space<hbm>> -> memref<640x128xf32, #tpu.memory_space<hbm>>
      %dma_wait3A_149 = arith.constant 0 : i32
      %dma_wait3A_150 = tpu.memref_slice %arg13[%mul3A_137, %dma_wait3A_149] : memref<10240x128xf32, #tpu.memory_space<vmem_shared>> -> memref<640x128xf32, #tpu.memory_space<vmem_shared>>
      tpu.wait_dma2 semaphore(%run_scoped3A_140 : memref<!tpu.dma_semaphore, #tpu.memory_space<semaphore_mem>>) src(%dma_wait3A_150 : memref<640x128xf32, #tpu.memory_space<vmem_shared>>) dst(%dma_wait3A_148 : memref<640x128xf32, #tpu.memory_space<hbm>>)
      tpu.yield
    }) : () -> ()
    return
  }
}

module attributes {stable_mosaic.version = 14 : i64} {
  func.func @_pre_body(%arg0: memref<10000x128xf32, #tpu.memory_space<vmem>>, %arg1: memref<128x128xf32, #tpu.memory_space<vmem>>, %arg2: memref<2x10240xf32, #tpu.memory_space<vmem>>, %arg3: memref<10000x128xf32, #tpu.memory_space<vmem>>, %arg4: memref<10000x2xf32, #tpu.memory_space<vmem>>) attributes {dimension_semantics = [], scalar_prefetch = 0 : i64, scratch_operands = 0 : i64, tpu.core_type = #tpu.core_type<tc>} {
    %get3A = arith.constant 0 : index
    %get3A_0 = arith.constant 0 : index
    %get3A_1 = vector.load %arg2[%get3A, %get3A_0] : memref<2x10240xf32, #tpu.memory_space<vmem>>, vector<2x10240xf32>
    %jit3A = arith.constant 1.000000e+00 : f32
    %max3A = vector.broadcast %jit3A : f32 to vector<2x10240xf32>
    %max3A_2 = arith.maximumf %max3A, %get3A_1 : vector<2x10240xf32>
    %rsqrt3A = math.rsqrt %max3A_2 : vector<2x10240xf32>
    %slice3A = vector.extract_strided_slice %rsqrt3A {offsets = [0, 0], sizes = [2, 10000], strides = [1, 1]} : vector<2x10240xf32> to vector<2x10000xf32>
    %transpose3A = tpu.transpose %slice3A, [1, 0] : vector<2x10000xf32> -> vector<10000x2xf32>
    %swap3A = arith.constant 0 : index
    %swap3A_3 = arith.constant 0 : index
    %swap3A_4 = vector.load %arg4[%swap3A, %swap3A_3] : memref<10000x2xf32, #tpu.memory_space<vmem>>, vector<10000x2xf32>
    tpu.vector_store %arg4[%swap3A, %swap3A_3], %transpose3A {strides = array<i32>} : memref<10000x2xf32, #tpu.memory_space<vmem>>, vector<10000x2xf32>,
    %get3A_5 = arith.constant 0 : index
    %get3A_6 = arith.constant 0 : index
    %get3A_7 = vector.load %arg0[%get3A_5, %get3A_6] : memref<10000x128xf32, #tpu.memory_space<vmem>>, vector<10000x128xf32>
    %slice3A_8 = vector.extract_strided_slice %transpose3A {offsets = [0, 0], sizes = [10000, 1], strides = [1, 1]} : vector<10000x2xf32> to vector<10000x1xf32>
    %mul3A = vector.broadcast %slice3A_8 : vector<10000x1xf32> to vector<10000x128xf32>
    %mul3A_9 = arith.mulf %get3A_7, %mul3A : vector<10000x128xf32>
    %get3A_10 = arith.constant 0 : index
    %get3A_11 = arith.constant 0 : index
    %get3A_12 = vector.load %arg1[%get3A_10, %get3A_11] : memref<128x128xf32, #tpu.memory_space<vmem>>, vector<128x128xf32>
    %dot_general3A = arith.constant dense<0.000000e+00> : vector<10000x128xf32>
    %dot_general3A_13 = tpu.matmul %mul3A_9, %get3A_12, %dot_general3A {dimension_numbers = #tpu.dot_dimension_numbers<[1], [0], [0], [1], [0, 0, 1, 1], [], []>, transpose_lhs_hint = false} : vector<10000x128xf32>, vector<128x128xf32>, vector<10000x128xf32> -> vector<10000x128xf32>
    %swap3A_14 = arith.constant 0 : index
    %swap3A_15 = arith.constant 0 : index
    %swap3A_16 = vector.load %arg3[%swap3A_14, %swap3A_15] : memref<10000x128xf32, #tpu.memory_space<vmem>>, vector<10000x128xf32>
    tpu.vector_store %arg3[%swap3A_14, %swap3A_15], %dot_general3A_13 {strides = array<i32>} : memref<10000x128xf32, #tpu.memory_space<vmem>>, vector<10000x128xf32>,
    return
  }
}

module attributes {stable_mosaic.version = 14 : i64} {
  func.func @_post_body(%arg0: memref<2x10240x128xf32, #tpu.memory_space<vmem>>, %arg1: memref<10000x2xf32, #tpu.memory_space<vmem>>, %arg2: memref<128xf32, #tpu.memory_space<vmem>>, %arg3: memref<128xf32, #tpu.memory_space<vmem>>, %arg4: memref<128xf32, #tpu.memory_space<vmem>>, %arg5: memref<128x128xf32, #tpu.memory_space<vmem>>, %arg6: memref<10000x128xf32, #tpu.memory_space<vmem>>) attributes {dimension_semantics = [], scalar_prefetch = 0 : i64, scratch_operands = 0 : i64, tpu.core_type = #tpu.core_type<tc>} {
    %get3A = arith.constant 0 : index
    %get3A_0 = arith.constant 0 : index
    %get3A_1 = arith.constant 0 : index
    %get3A_2 = vector.load %arg0[%get3A, %get3A_0, %get3A_1] : memref<2x10240x128xf32, #tpu.memory_space<vmem>>, vector<1x10000x128xf32>
    %get3A_3 = vector.shape_cast %get3A_2 : vector<1x10000x128xf32> to vector<10000x128xf32>
    %get3A_4 = arith.constant 1 : index
    %get3A_5 = arith.constant 0 : index
    %get3A_6 = arith.constant 0 : index
    %get3A_7 = vector.load %arg0[%get3A_4, %get3A_5, %get3A_6] : memref<2x10240x128xf32, #tpu.memory_space<vmem>>, vector<1x10000x128xf32>
    %get3A_8 = vector.shape_cast %get3A_7 : vector<1x10000x128xf32> to vector<10000x128xf32>
    %add3A = arith.addf %get3A_3, %get3A_8 : vector<10000x128xf32>
    %get3A_9 = arith.constant 0 : index
    %get3A_10 = arith.constant 0 : index
    %get3A_11 = vector.load %arg1[%get3A_9, %get3A_10] : memref<10000x2xf32, #tpu.memory_space<vmem>>, vector<10000x2xf32>
    %slice3A = vector.extract_strided_slice %get3A_11 {offsets = [0, 1], sizes = [10000, 1], strides = [1, 1]} : vector<10000x2xf32> to vector<10000x1xf32>
    %mul3A = vector.broadcast %slice3A : vector<10000x1xf32> to vector<10000x128xf32>
    %mul3A_12 = arith.mulf %add3A, %mul3A : vector<10000x128xf32>
    %get3A_13 = arith.constant 0 : index
    %get3A_14 = vector.load %arg2[%get3A_13] : memref<128xf32, #tpu.memory_space<vmem>>, vector<128xf32>
    %broadcast_in_dim3A = vector.shape_cast %get3A_14 : vector<128xf32> to vector<1x128xf32>
    %add3A_15 = vector.broadcast %broadcast_in_dim3A : vector<1x128xf32> to vector<10000x128xf32>
    %add3A_16 = arith.addf %mul3A_12, %add3A_15 : vector<10000x128xf32>
    %max3A = arith.constant 0.000000e+00 : f32
    %max3A_17 = vector.broadcast %max3A : f32 to vector<10000x128xf32>
    %max3A_18 = arith.maximumf %add3A_16, %max3A_17 : vector<10000x128xf32>
    %reduce_sum3A = arith.constant dense<0.000000e+00> : vector<128xf32>
    %reduce_sum3A_19 = vector.multi_reduction <add>, %max3A_18, %reduce_sum3A [0] : vector<10000x128xf32> to vector<128xf32>
    %broadcast_in_dim3A_20 = vector.shape_cast %reduce_sum3A_19 : vector<128xf32> to vector<1x128xf32>
    %div3A = arith.constant 1.000000e+04 : f32
    %div3A_21 = vector.broadcast %div3A : f32 to vector<1x128xf32>
    %div3A_22 = arith.divf %broadcast_in_dim3A_20, %div3A_21 : vector<1x128xf32>
    %sub3A = vector.broadcast %div3A_22 : vector<1x128xf32> to vector<10000x128xf32>
    %sub3A_23 = arith.subf %max3A_18, %sub3A : vector<10000x128xf32>
    %sub3A_24 = vector.broadcast %div3A_22 : vector<1x128xf32> to vector<10000x128xf32>
    %sub3A_25 = arith.subf %max3A_18, %sub3A_24 : vector<10000x128xf32>
    %mul3A_26 = arith.mulf %sub3A_23, %sub3A_25 : vector<10000x128xf32>
    %reduce_sum3A_27 = arith.constant dense<0.000000e+00> : vector<128xf32>
    %reduce_sum3A_28 = vector.multi_reduction <add>, %mul3A_26, %reduce_sum3A_27 [0] : vector<10000x128xf32> to vector<128xf32>
    %broadcast_in_dim3A_29 = vector.shape_cast %reduce_sum3A_28 : vector<128xf32> to vector<1x128xf32>
    %div3A_30 = arith.constant 1.000000e+04 : f32
    %div3A_31 = vector.broadcast %div3A_30 : f32 to vector<1x128xf32>
    %div3A_32 = arith.divf %broadcast_in_dim3A_29, %div3A_31 : vector<1x128xf32>
    %sub3A_33 = vector.broadcast %div3A_22 : vector<1x128xf32> to vector<10000x128xf32>
    %sub3A_34 = arith.subf %max3A_18, %sub3A_33 : vector<10000x128xf32>
    %add3A_35 = arith.constant 9.99999974E-6 : f32
    %add3A_36 = vector.broadcast %add3A_35 : f32 to vector<1x128xf32>
    %add3A_37 = arith.addf %div3A_32, %add3A_36 : vector<1x128xf32>
    %rsqrt3A = math.rsqrt %add3A_37 : vector<1x128xf32>
    %mul3A_38 = vector.broadcast %rsqrt3A : vector<1x128xf32> to vector<10000x128xf32>
    %mul3A_39 = arith.mulf %sub3A_34, %mul3A_38 : vector<10000x128xf32>
    %get3A_40 = arith.constant 0 : index
    %get3A_41 = vector.load %arg3[%get3A_40] : memref<128xf32, #tpu.memory_space<vmem>>, vector<128xf32>
    %broadcast_in_dim3A_42 = vector.shape_cast %get3A_41 : vector<128xf32> to vector<1x128xf32>
    %mul3A_43 = vector.broadcast %broadcast_in_dim3A_42 : vector<1x128xf32> to vector<10000x128xf32>
    %mul3A_44 = arith.mulf %mul3A_39, %mul3A_43 : vector<10000x128xf32>
    %get3A_45 = arith.constant 0 : index
    %get3A_46 = vector.load %arg4[%get3A_45] : memref<128xf32, #tpu.memory_space<vmem>>, vector<128xf32>
    %broadcast_in_dim3A_47 = vector.shape_cast %get3A_46 : vector<128xf32> to vector<1x128xf32>
    %add3A_48 = vector.broadcast %broadcast_in_dim3A_47 : vector<1x128xf32> to vector<10000x128xf32>
    %add3A_49 = arith.addf %mul3A_44, %add3A_48 : vector<10000x128xf32>
    %slice3A_50 = vector.extract_strided_slice %get3A_11 {offsets = [0, 0], sizes = [10000, 1], strides = [1, 1]} : vector<10000x2xf32> to vector<10000x1xf32>
    %mul3A_51 = vector.broadcast %slice3A_50 : vector<10000x1xf32> to vector<10000x128xf32>
    %mul3A_52 = arith.mulf %add3A_49, %mul3A_51 : vector<10000x128xf32>
    %get3A_53 = arith.constant 0 : index
    %get3A_54 = arith.constant 0 : index
    %get3A_55 = vector.load %arg5[%get3A_53, %get3A_54] : memref<128x128xf32, #tpu.memory_space<vmem>>, vector<128x128xf32>
    %dot_general3A = arith.constant dense<0.000000e+00> : vector<10000x128xf32>
    %dot_general3A_56 = tpu.matmul %mul3A_52, %get3A_55, %dot_general3A {dimension_numbers = #tpu.dot_dimension_numbers<[1], [0], [0], [1], [0, 0, 1, 1], [], []>, transpose_lhs_hint = false} : vector<10000x128xf32>, vector<128x128xf32>, vector<10000x128xf32> -> vector<10000x128xf32>
    %swap3A = arith.constant 0 : index
    %swap3A_57 = arith.constant 0 : index
    %swap3A_58 = vector.load %arg6[%swap3A, %swap3A_57] : memref<10000x128xf32, #tpu.memory_space<vmem>>, vector<10000x128xf32>
    tpu.vector_store %arg6[%swap3A, %swap3A_57], %dot_general3A_56 {strides = array<i32>} : memref<10000x128xf32, #tpu.memory_space<vmem>>, vector<10000x128xf32>,
    return
  }
}

module attributes {stable_mosaic.version = 14 : i64} {
  func.func @_final_body(%arg0: memref<2x10240x128xf32, #tpu.memory_space<vmem>>, %arg1: memref<10000x2xf32, #tpu.memory_space<vmem>>, %arg2: memref<128xf32, #tpu.memory_space<vmem>>, %arg3: memref<10000x128xf32, #tpu.memory_space<vmem>>) attributes {dimension_semantics = [], scalar_prefetch = 0 : i64, scratch_operands = 0 : i64, tpu.core_type = #tpu.core_type<tc>} {
    %get3A = arith.constant 0 : index
    %get3A_0 = arith.constant 0 : index
    %get3A_1 = arith.constant 0 : index
    %get3A_2 = vector.load %arg0[%get3A, %get3A_0, %get3A_1] : memref<2x10240x128xf32, #tpu.memory_space<vmem>>, vector<1x10000x128xf32>
    %get3A_3 = vector.shape_cast %get3A_2 : vector<1x10000x128xf32> to vector<10000x128xf32>
    %get3A_4 = arith.constant 1 : index
    %get3A_5 = arith.constant 0 : index
    %get3A_6 = arith.constant 0 : index
    %get3A_7 = vector.load %arg0[%get3A_4, %get3A_5, %get3A_6] : memref<2x10240x128xf32, #tpu.memory_space<vmem>>, vector<1x10000x128xf32>
    %get3A_8 = vector.shape_cast %get3A_7 : vector<1x10000x128xf32> to vector<10000x128xf32>
    %add3A = arith.addf %get3A_3, %get3A_8 : vector<10000x128xf32>
    %get3A_9 = arith.constant 0 : index
    %get3A_10 = arith.constant 0 : index
    %get3A_11 = vector.load %arg1[%get3A_9, %get3A_10] : memref<10000x2xf32, #tpu.memory_space<vmem>>, vector<10000x2xf32>
    %slice3A = vector.extract_strided_slice %get3A_11 {offsets = [0, 1], sizes = [10000, 1], strides = [1, 1]} : vector<10000x2xf32> to vector<10000x1xf32>
    %mul3A = vector.broadcast %slice3A : vector<10000x1xf32> to vector<10000x128xf32>
    %mul3A_12 = arith.mulf %add3A, %mul3A : vector<10000x128xf32>
    %get3A_13 = arith.constant 0 : index
    %get3A_14 = vector.load %arg2[%get3A_13] : memref<128xf32, #tpu.memory_space<vmem>>, vector<128xf32>
    %broadcast_in_dim3A = vector.shape_cast %get3A_14 : vector<128xf32> to vector<1x128xf32>
    %add3A_15 = vector.broadcast %broadcast_in_dim3A : vector<1x128xf32> to vector<10000x128xf32>
    %add3A_16 = arith.addf %mul3A_12, %add3A_15 : vector<10000x128xf32>
    %reduce_max3A = arith.constant dense<0xFF800000> : vector<10000xf32>
    %reduce_max3A_17 = vector.multi_reduction <maximumf>, %add3A_16, %reduce_max3A [1] : vector<10000x128xf32> to vector<10000xf32>
    %broadcast_in_dim3A_18 = vector.shape_cast %reduce_max3A_17 : vector<10000xf32> to vector<10000x1xf32>
    %sub3A = vector.broadcast %broadcast_in_dim3A_18 : vector<10000x1xf32> to vector<10000x128xf32>
    %sub3A_19 = arith.subf %add3A_16, %sub3A : vector<10000x128xf32>
    %exp3A = math.exp %sub3A_19 : vector<10000x128xf32>
    %reduce_sum3A = arith.constant dense<0.000000e+00> : vector<10000xf32>
    %reduce_sum3A_20 = vector.multi_reduction <add>, %exp3A, %reduce_sum3A [1] : vector<10000x128xf32> to vector<10000xf32>
    %broadcast_in_dim3A_21 = vector.shape_cast %reduce_sum3A_20 : vector<10000xf32> to vector<10000x1xf32>
    %log3A = math.log %broadcast_in_dim3A_21 : vector<10000x1xf32>
    %sub3A_22 = vector.broadcast %log3A : vector<10000x1xf32> to vector<10000x128xf32>
    %sub3A_23 = arith.subf %sub3A_19, %sub3A_22 : vector<10000x128xf32>
    %swap3A = arith.constant 0 : index
    %swap3A_24 = arith.constant 0 : index
    %swap3A_25 = vector.load %arg3[%swap3A, %swap3A_24] : memref<10000x128xf32, #tpu.memory_space<vmem>>, vector<10000x128xf32>
    tpu.vector_store %arg3[%swap3A, %swap3A_24], %sub3A_23 {strides = array<i32>} : memref<10000x128xf32, #tpu.memory_space<vmem>>, vector<10000x128xf32>,
    return
  }
}

</mosaic_0001>

<sc_bundles>
// kernel: kernel.10.cloned.1.call-start
scs
__scs_entry_jumppad:
0x0: {  	(pc) =	sbr.rel $0x88, $3  }
0x1: {  	(tag) =	ssettag $0x0;
	lr =	simm.s32 $0x1  }
0x2: {  	[smem:$0x3F95] =	sst lr;
	_ =	strace $0xD0000000  }
0x3: {  	_ = 	snop  }
0x4: {  	_ = 	snop  }
0x5: {  	_ = 	snop  }
0x6: {  	_ = 	snop  }
0x7: {  	_ = 	snop  }
__scs_overlays_trampoline_lowered:
0x8: {  	[smem:$0x3FA4] =	sst s0  }
0x9: {  	[smem:$0x3FA5] =	sst s1  }
0xa: {  	[smem:$0x3FA6] =	sst s2  }
0xb: {  	[smem:$0x3FA7] =	sst s3  }
0xc: {  	[smem:$0x3FA8] =	sst s4  }
0xd: {  	[smem:$0x3FA9] =	sst s5  }
0xe: {  	[smem:$0x3FAA] =	sst s6  }
0xf: {  	[smem:$0x3FAB] =	sst s7  }
0x10: {  	[smem:$0x3FAC] =	sst s8  }
0x11: {  	[smem:$0x3FAD] =	sst s9;
	s0 =	simm.s32 @!p0 $0x0  }
0x12: {  	s1 =	sld [smem:$0x3F93];
	s0 =	simm.s32 @p0 $0x1  }
0x13: {  	[smem:$0x3FAE] =	sst s0;
	s0 =	simm.s32 @!p1 $0x0  }
0x14: {  	s2 =	sld [smem:$0x3F92];
	s0 =	simm.s32 @p1 $0x1  }
0x15: {  	[smem:$0x3FAF] =	sst s0;
	s0 =	simm.s32 @!p2 $0x0  }
0x16: {  	s3 =	sld [smem:$0x3FDB];
	s0 =	simm.s32 @p2 $0x1  }
0x17: {  	s4 =	simm.s32 $0x1BF5;
	[smem:$0x3FB1] =	sst s0  }
0x18: {  	s0 =	sld [smem:$0x3F94];
	_ =	swait.ge [sflag:s4], $0x0  }
0x19: {  	s7 =	sld [smem:$0x3F95]  }
0x1a: {  	s8 =	sadd.s32 $0xFFFFE003, lr  }
0x1b: {  	s9 =	sadd.s32 $0xFFFFFEF7, lr;
	s5 =	simm.s32 $0xFFFFFFFF;
	p2 =	slt.u32 s8, $0xFFFFF086  }
0x1c: {  	p1 =	slt.u32 s9, $0xF7A;
	s5 =	simm.s32 @!p2 $0x0  }
0x1d: {  	s5 =	simm.s32 @p1 $0x1;
	p0 =	seq.s32 s7, s2  }
0x1e: {  	s7 =	smul.u32 @!p0 $0xF7A, s2;
	p2 =	seq.s32 @!p0 s5, $0x0  }
0x1f: {  	s9 =	smul.u32 $0xF7A, s1;
	s8 =	simm.s32 @!p0 $0x1BF5;
	p2 =	por !p2, p0  }
0x20: {  	[sflag:s8] =	ssyncset.s32 @!p0 $0xFFFFF086;
	s6 =	sadd.s32 @!p0 s3, s7;
	s7 =	simm.s32 @!p0 $0x108  }
0x21: {  	s3 =	sadd.s32 s3, s9;
	s6 =	sadd.s32 @!p0 $0x88, s6;
	s7 =	simm.s32 @p2 $0x1082  }
0x22: {  	[simem:s7], [sflag:s8] =	dma.local @!p0 [hbm:s6], $0xF7A  }
0x23: {  	s9 =	sor.u32 $0xD0000000, s2;
	s6 =	simm.s32 $0x108;
	_ =	swait.ge @!p0 [sflag:s8], $0x0  }
0x24: {  	s3 =	sadd.s32 $0x88, s3;
	s6 =	simm.s32 @!p1 $0x1082;
	[sflag:s4] =	ssyncset.s32 $0xFFFFF086  }
0x25: {  	[simem:s6], [sflag:s4] =	dma.local [hbm:s3], $0xF7A  }
0x26: {  	[smem:$0x3F95] =	sst s1;
	(tag) =	ssettag s2;
	_ =	strace s9  }
0x27: {  	s1 =	sld [smem:$0x3FA5]  }
0x28: {  	s2 =	sld [smem:$0x3FA6]  }
0x29: {  	s4 =	sld [smem:$0x3FA8]  }
0x2a: {  	p0 =	seq.s32 s5, $0x0;
	s5 =	sld [smem:$0x3FA9]  }
0x2b: {  	s6 =	sld [smem:$0x3FAA]  }
0x2c: {  	s7 =	sld [smem:$0x3FAB]  }
0x2d: {  	s3 =	simm.s32 $0x108;
	s8 =	sld [smem:$0x3FAC]  }
0x2e: {  	s3 =	simm.s32 @!p0 $0x1082;
	s9 =	sld [smem:$0x3FAD]  }
0x2f: {  	lr =	sadd.s32 s0, s3;
	s0 =	sld [smem:$0x3FA4]  }
0x30: {  	s3 =	sld [smem:$0x3FA7]  }
0x31: {  	[smem:$0x3FB0] =	sst s10  }
0x32: {  	s10 =	sld [smem:$0x3FAE];
	_ =	sdelay $0x3  }
0x33: {  	p0 =	seq.s32 s10, $0x1;
	s10 =	sld [smem:$0x3FB0];
	_ =	sdelay $0x3  }
0x34: {  	[smem:$0x3FB0] =	sst s10  }
0x35: {  	s10 =	sld [smem:$0x3FAF];
	_ =	sdelay $0x3  }
0x36: {  	p1 =	seq.s32 s10, $0x1;
	s10 =	sld [smem:$0x3FB0];
	_ =	sdelay $0x3  }
0x37: {  	[smem:$0x3FB0] =	sst s10  }
0x38: {  	s10 =	sld [smem:$0x3FB1]  }
0x39: {  	_ = 	snop;
	(pc) =	sbr.ind lr, $3  }
0x3a: {  	_ = 	snop  }
0x3b: {  	_ = 	snop  }
0x3c: {  	p2 =	seq.s32 s10, $0x1;
	s10 =	sld [smem:$0x3FB0]  }
0x3d: {  	_ =	shalt  }
0x3e: {  	_ =	shalt  }
0x3f: {  	_ =	shalt  }
0x40: {  	_ =	shalt  }
0x41: {  	_ =	shalt  }
0x42: {  	_ =	shalt  }
0x43: {  	_ =	shalt  }
0x44: {  	_ =	shalt  }
0x45: {  	_ =	shalt  }
0x46: {  	_ =	shalt  }
0x47: {  	_ =	shalt  }
0x48: {  	_ =	shalt  }
0x49: {  	_ =	shalt  }
0x4a: {  	_ =	shalt  }
0x4b: {  	_ =	shalt  }
0x4c: {  	_ =	shalt  }
0x4d: {  	_ =	shalt  }
0x4e: {  	_ =	shalt  }
0x4f: {  	_ =	shalt  }
0x50: {  	_ =	shalt  }
0x51: {  	_ =	shalt  }
0x52: {  	_ =	shalt  }
0x53: {  	_ =	shalt  }
0x54: {  	_ =	shalt  }
0x55: {  	_ =	shalt  }
0x56: {  	_ =	shalt  }
0x57: {  	_ =	shalt  }
0x58: {  	_ =	shalt  }
0x59: {  	_ =	shalt  }
0x5a: {  	_ =	shalt  }
0x5b: {  	_ =	shalt  }
0x5c: {  	_ =	shalt  }
0x5d: {  	_ =	shalt  }
0x5e: {  	_ =	shalt  }
0x5f: {  	_ =	shalt  }
0x60: {  	_ =	shalt  }
0x61: {  	_ =	shalt  }
0x62: {  	_ =	shalt  }
0x63: {  	_ =	shalt  }
0x64: {  	_ =	shalt  }
0x65: {  	_ =	shalt  }
0x66: {  	_ =	shalt  }
0x67: {  	_ =	shalt  }
0x68: {  	_ =	shalt  }
0x69: {  	_ =	shalt  }
0x6a: {  	_ =	shalt  }
0x6b: {  	_ =	shalt  }
0x6c: {  	_ =	shalt  }
0x6d: {  	_ =	shalt  }
0x6e: {  	_ =	shalt  }
0x6f: {  	_ =	shalt  }
0x70: {  	_ =	shalt  }
0x71: {  	_ =	shalt  }
0x72: {  	_ =	shalt  }
0x73: {  	_ =	shalt  }
0x74: {  	_ =	shalt  }
0x75: {  	_ =	shalt  }
0x76: {  	_ =	shalt  }
0x77: {  	_ =	shalt  }
0x78: {  	_ =	shalt  }
0x79: {  	_ =	shalt  }
0x7a: {  	_ =	shalt  }
0x7b: {  	_ =	shalt  }
0x7c: {  	_ =	shalt  }
0x7d: {  	_ =	shalt  }
0x7e: {  	_ =	shalt  }
0x7f: {  	_ =	shalt  }
0x80: {  	_ =	shalt  }
0x81: {  	_ =	shalt  }
0x82: {  	_ =	shalt  }
0x83: {  	_ =	shalt  }
0x84: {  	_ =	shalt  }
0x85: {  	_ =	shalt  }
0x86: {  	_ =	shalt  }
0x87: {  	_ =	shalt  }
.Lfunc_end0:
.L_simem_size_0:
called_computation_lowered:
.L_overlay_start_0:
0x88: {  	s2 =	sld [smem:$0x3FD9]  }
0x89: {  	s3 =	sld [smem:$0x3FFE];
	_ =	sdelay $0x1  }
0x8a: {  	s1 =	srdreg.scid  }
0x8b: {  	s0 =	sand.u32 $0x1, s1  }
0x8c: {  	s17 =	sshll.u32 s0, $0xA;
	s2 =	sadd.s32 s3, s2  }
0x8d: {  	s2 =	sadd.s32 s2, s17  }
0x8e: {  	[smem:$0x3FBC] =	sst s2  }
0x8f: {  	_ = 	snop  }
0x90: {  	s2 =	sld [smem:$0x3FD0];
	(tm) =	ssettm $0x1  }
0x91: {  	s18 =	sld [smem:$0x3FFB];
	_ =	sdelay $0x3  }
0x92: {  	_ =	strace s18  }
0x93: {  	s3 =	sld [smem:$0x3FFC];
	_ =	sdelay $0x3  }
0x94: {  	_ =	strace s3  }
0x95: {  	s3 =	sld [smem:$0x3FFD];
	_ =	sdelay $0x3  }
0x96: {  	_ =	strace s3  }
0x97: {  	_ =	strace $0x8FFFFFFF  }
0x98: {  	s19 =	sld [smem:$0x3FDB];
	_ =	sdelay $0x1  }
0x99: {  	s4 =	simm.s32 $_scs_section_size  }
0x9a: {  	s5 =	simm.s32 $_size__tile_overlayer_lowered;
	s6 =	simm.s32 $_tile_overlayer_lowered  }
0x9b: {  	s22 =	simm.s32 $0x1BFF;
	s21 =	sshll.u32 s6, $0x1;
	s3 =	sadd.s32 s4, s19  }
0x9c: {  	s7 =	simm.s32 $0x0;
	s20 =	sshll.u32 s5, $0x1;
	s5 =	sadd.s32 s21, s3  }
0x9d: {  	[timem:s7], [sflag:s22] =	dma.local [hbm:s5], s20  }
0x9e: {  	_ =	swait.ge [sflag:s22], s20  }
0x9f: {  	s4 =	ssub.s32 $0x0, s20;
	[sflag:s22] =	ssyncset.done $0x0  }
0xa0: {  	[sflag:s22] =	ssyncadd.s32 s4;
	_ =	sdelay $0x1  }
0xa1: {  	s23 =	simm.s32 $0x1B8B  }
0xa2: {  	_ =	swait.ge [sflag:s23], $0x1  }
0xa3: {  	[sflag:s23] =	ssyncset.done $0x0  }
0xa4: {  	s25 =	simm.s32 $0x1B8E;
	s24 =	sld [smem:$0x3FFE];
	[sflag:s23] =	ssyncadd.s32 $0xFFFFFFFF  }
0xa5: {  	s26 =	simm.s32 $execute0_lowered;
	[smem:$0x3FD2] =	sst s25  }
0xa6: {  	s5 =	sshll.u32 s26, $0x1;
	_ =	strace $0x80000046;
	[dreg:$0x1] =	wrdreg $0xFFFFFFFF  }
0xa7: {  	s28 =	simm.s32 $_size_execute0_lowered;
	s3 =	sadd.s32 s3, s5;
	[dreg:$0x0] =	wrdreg $0x0  }
0xa8: {  	s5 =	sshll.u32 s28, $0x1;
	[dreg:$0x2] =	wrdreg s3  }
0xa9: {  	[dreg:$0x3] =	wrdreg s5  }
0xaa: {  	[dreg:$0x4] =	wrdreg $0xC0  }
0xab: {  	_ =	task [dreg:s7], $0x5FFFF  }
0xac: {  	[dreg:$0x1] =	wrdreg $0xFFFFFFFF  }
0xad: {  	[dreg:$0x0] =	wrdreg $0x60  }
0xae: {  	[dreg:$0x2] =	wrdreg s2  }
0xaf: {  	[dreg:$0x3] =	wrdreg s24  }
0xb0: {  	[dreg:$0x4] =	wrdreg $0x50800  }
0xb1: {  	[dreg:$0x5] =	wrdreg $0x9  }
0xb2: {  	_ =	task.clear_ibuf [dreg:s7], $0x6FFFF;
	_ =	strace $0x90000046  }
0xb3: {  	s29 =	simm.s32 $0x9;
	_ =	strace $0x80000048  }
0xb4: {  	_ =	swait.ge [sflag:s29], $0x1  }
0xb5: {  	[sflag:s29] =	ssyncadd.s32 $0xFFFFFFFF  }
0xb6: {  	_ =	strace $0x90000048  }
0xb7: {  	_ =	sfence  }
0xb8: {  	s30 =	sld [smem:$0x0];
	_ =	sdelay $0x2  }
0xb9: {  	s31 =	sshll.u32 s1, $0xD;
	s1 =	sshrl.u32 s1, $0x2  }
0xba: {  	s3 =	sand.u32 $0x4000, s31;
	s1 =	sadd.s32 s1, s30  }
0xbb: {  	s0 =	sor.u32 s3, s0;
	s1 =	sshll.u32 s1, $0x11  }
0xbc: {  	s0 =	sor.u32 s1, s0  }
0xbd: {  	s0 =	sadd.s32 $0x8F2B, s0  }
0xbe: {  	[sflag:s0] =	ssyncadd.remote.s32 $0x1  }
0xbf: {  	_ =	sfence.sel $0xFFFF  }
0xc0: {  	[dreg:$0x0] =	wrdreg $0xFFFFFFFF;
	(pc) =	sbr.abs _section_cstart, $3  }
0xc1: {  	[dreg:$0x1] =	wrdreg $0xFFFFFFFF  }
0xc2: {  	_ =	task.clear_ibuf [dreg:s7], $0x2FFFF;
	_ =	strace $0x9FFFFFFF  }
0xc3: {  	(tm) =	ssettm $0x7FFFFFFF  }
tec
execute0_lowered:
.L_overlay_start_1:
0x0: {  	(tag) =	ssettag $0x1  }
0x1: {  	s4 =	rddreg [dreg:$0x0]  }
0x2: {  	s5 =	rddreg [dreg:$0x1]  }
0x3: {  	s2 =	rddreg [dreg:$0x2]  }
0x4: {  	s0 =	rddreg [dreg:$0x3]  }
0x5: {  	s1 =	stileid.u32;
	s7 =	srdreg.scid  }
0x6: {  	s3 =	simm.s32 $0x0;
	s13 =	simm.s32 $0x20;
	s6 =	smul.u32 $0x280, s1  }
0x7: {  	s14 =	simm.s32 $0x10;
	s15 =	simm.s32 $0x0;
	s8 =	smul.u32 $0x500, s1  }
0x8: {  	s7 =	sand.u32 $0x1, s7;
	[smem:$0x7FF] =	sst s3;
	s12 =	smul.u32 $0x5000, s1  }
0x9: {  	s31 =	sshll.u32 s1, $0x6;
	s9 =	smul.u32 $0x50000, s7;
	s11 =	sshll.u32 s7, $0x7  }
0xa: {  	_ =	strace $0x80000047;
	s7 =	ssub.s32 $0x2, s7;
	s10 =	sshrl.u32 s6, $0x3  }
0xb: {  	s8 =	sor.u32 s11, s8;
	s29 =	sshrl.u32 s7, $0x1;
	s30 =	sadd.s32 s6, s2  }
0xc: {  	s11 =	simm.s32 $0x80;
	s10 =	sadd.s32 s10, s5;
	s8 =	sshrl.u32 s8, $0x3  }
0xd: {  	s9 =	sadd.s32 s12, s9;
	s7 =	ssub.s32 s7, s29;
	s12 =	simm.s32 $0x5000  }
0xe: {  	s8 =	sadd.s32 s8, s5;
	s9 =	sshrl.u32 s9, $0x3;
	s5 =	sadd.s32 $0x3800, s10  }
0xf: {  	s7 =	smax.u32 s7, $0x1;
	s10 =	sshrl.u32 s30, $0x3;
	s4 =	sadd.s32 s4, s9  }
0x10: {  	v0 =	vimm.f32 $1.000000000e+00;
	s6 =	sadd.s32 $0x3E00, s8;
	s8 =	simm.s32 $0x1;
	s9 =	sor.u32 $0x1C01, s31  }
.LBB2_1:
0x11: {  	[tilespmem:s3], [sflag:$0x1] =	stream.linear.gather [hbm4b:s4+s3], $0x5000, $0x38;
	[tilespmem:$0x5300] =	vst v63  }
0x12: {  	_ =	swait.ge [sflag:s8], $0x5000  }
0x13: {  	[sflag:s8] =	ssyncset.done $0x0  }
0x14: {  	[sflag:s8] =	ssyncadd.s32 $0xFFFFB000  }
0x15: {  	[tilespmem:$0x5000] =	vst v0  }
0x16: {  	[tilespmem:$0x5010] =	vst v0  }
0x17: {  	[tilespmem:$0x5020] =	vst v0  }
0x18: {  	[tilespmem:$0x5030] =	vst v0  }
0x19: {  	[tilespmem:$0x5040] =	vst v0  }
0x1a: {  	[tilespmem:$0x5050] =	vst v0  }
0x1b: {  	[tilespmem:$0x5060] =	vst v0  }
0x1c: {  	[tilespmem:$0x5070] =	vst v0  }
0x1d: {  	[spmem:s10], [sflag:s9] =	dma.local [hbm:s5], $0x50  }
0x1e: {  	_ =	swait.ge [sflag:s8], $0x50  }
0x1f: {  	[sflag:s8] =	ssyncset.done $0x0  }
0x20: {  	[sflag:s8] =	ssyncadd.s32 $0xFFFFFFB0  }
0x21: {  	s16 =	simm.s32 $0x0;
	[bflag:$0x0] =	sbarrier.arrive $0xFFFF  }
0x22: {  	[spmem:s2] =	stream.indirect.scatter.add.f32 [tilespmem:s12], [sflag:$0x1], $0x1, s16, s11, $0xb8;
	[tilespmem:$0x5300] =	vst v63  }
0x23: {  	_ =	swait.ge [sflag:s8], $0x80  }
0x24: {  	s16 =	simm.s32 $0x200;
	[sflag:s8] =	ssyncset.done $0x0  }
.LBB2_2:
0x25: {  	s17 =	sshra.s32 s16, $0x2;
	[sflag:s8] =	ssyncadd.s32 $0xFFFFFF80;
	p0 =	sne.s32 s16, $0x13E00  }
0x26: {  	[spmem:s2] =	stream.indirect.scatter.add.f32 [tilespmem:s12], [sflag:$0x1], $0x1, s17, s11, $0xb8;
	[tilespmem:$0x5300] =	vst v63  }
.Ltmp0:
0x27: {  	_ = 	snop;
	(pc) =	sbr.rel @p0 .LBB2_2-.Ltmp0, $4  }
0x28: {  	_ = 	snop  }
0x29: {  	s16 =	sadd.s32 $0x200, s16  }
0x2a: {  	_ =	swait.ge [sflag:s8], $0x80  }
0x2b: {  	[sflag:s8] =	ssyncset.done $0x0  }
0x2c: {  	s15 =	sadd.s32 $0x1, s15  }
0x2d: {  	[sflag:s8] =	ssyncadd.s32 $0xFFFFFF80;
	p0 =	sne.s32 s15, s7  }
.Ltmp1:
0x2e: {  	[bflag:$0x0] =	sbarrier.arrive $0xFFFF;
	(pc) =	sbr.rel @p0 .LBB2_1-.Ltmp1, $4  }
0x2f: {  	[hbm:s6@s13], [sflag:s9] =	dma.strided [spmem:s10@s14], $0x50, s8, $0x10   }
0x30: {  	_ =	swait.ge [sflag:s8], $0x50  }
0x31: {  	[sflag:s8] =	ssyncset.done $0x0  }
0x32: {  	[sflag:s8] =	ssyncadd.s32 $0xFFFFFFB0  }
0x33: {  	_ =	sfence.sel $0x180000  }
0x34: {  	[bflag:$0x0] =	sbarrier.arrive $0xFFFF  }
0x35: {  	p0 =	sne.s32 s1, $0x0;
	_ =	strace $0x90000047  }
0x36: {  	s0 =	sadd.s32 @!p0 $0x100000, s0;
	[bflag:$0x2] =	sbarrier.arrive $0xFFFF  }
0x37: {  	[sflag:s0] =	ssyncadd.tile.s32 @!p0 $0x1;
	_ =	shalt  }
.Lfunc_end2:
_tile_overlayer_lowered:
.L_overlay_start_2:
0x38: {  	(tag) =	ssettag $0x2  }
0x39: {  	s0 =	rddreg [dreg:$0x0];
	s2 =	stileid.u32  }
0x3a: {  	s1 =	rddreg [dreg:$0x1];
	p0 =	sne.s32 s2, $0x0  }
0x3b: {  	s3 =	rddreg [dreg:$0x2];
	[bflag:$0x3] =	sbarrier.arrive $0xFFFF;
	s2 =	simm.s32 @!p0 $0x1C01  }
0x3c: {  	[timem:s3], [sflag:s2] =	dma.local @!p0 [hbm:s0], s1  }
0x3d: {  	s0 =	simm.s32 @!p0 $0x1  }
0x3e: {  	_ =	swait.ge @!p0 [sflag:s0], s1  }
0x3f: {  	s1 =	ssub.s32 @!p0 $0x0, s1;
	[sflag:s0] =	ssyncset.done @!p0 $0x0  }
0x40: {  	[sflag:s0] =	ssyncadd.s32 @!p0 s1  }
0x41: {  	[bflag:$0x3] =	sbarrier.arrive $0xFFFF  }
0x42: {  	_ =	shalt  }

// kernel: kernel.13.cloned.1.call-start
scs
__scs_entry_jumppad:
0x0: {  	(pc) =	sbr.rel $0x88, $3  }
0x1: {  	(tag) =	ssettag $0x0;
	lr =	simm.s32 $0x1  }
0x2: {  	[smem:$0x3F95] =	sst lr;
	_ =	strace $0xD0000000  }
0x3: {  	_ = 	snop  }
0x4: {  	_ = 	snop  }
0x5: {  	_ = 	snop  }
0x6: {  	_ = 	snop  }
0x7: {  	_ = 	snop  }
__scs_overlays_trampoline_lowered:
0x8: {  	[smem:$0x3FA4] =	sst s0  }
0x9: {  	[smem:$0x3FA5] =	sst s1  }
0xa: {  	[smem:$0x3FA6] =	sst s2  }
0xb: {  	[smem:$0x3FA7] =	sst s3  }
0xc: {  	[smem:$0x3FA8] =	sst s4  }
0xd: {  	[smem:$0x3FA9] =	sst s5  }
0xe: {  	[smem:$0x3FAA] =	sst s6  }
0xf: {  	[smem:$0x3FAB] =	sst s7  }
0x10: {  	[smem:$0x3FAC] =	sst s8  }
0x11: {  	[smem:$0x3FAD] =	sst s9;
	s0 =	simm.s32 @!p0 $0x0  }
0x12: {  	s1 =	sld [smem:$0x3F93];
	s0 =	simm.s32 @p0 $0x1  }
0x13: {  	[smem:$0x3FAE] =	sst s0;
	s0 =	simm.s32 @!p1 $0x0  }
0x14: {  	s2 =	sld [smem:$0x3F92];
	s0 =	simm.s32 @p1 $0x1  }
0x15: {  	[smem:$0x3FAF] =	sst s0;
	s0 =	simm.s32 @!p2 $0x0  }
0x16: {  	s3 =	sld [smem:$0x3FDB];
	s0 =	simm.s32 @p2 $0x1  }
0x17: {  	s4 =	simm.s32 $0x1BF5;
	[smem:$0x3FB1] =	sst s0  }
0x18: {  	s0 =	sld [smem:$0x3F94];
	_ =	swait.ge [sflag:s4], $0x0  }
0x19: {  	s7 =	sld [smem:$0x3F95]  }
0x1a: {  	s8 =	sadd.s32 $0xFFFFE003, lr  }
0x1b: {  	s9 =	sadd.s32 $0xFFFFFEF7, lr;
	s5 =	simm.s32 $0xFFFFFFFF;
	p2 =	slt.u32 s8, $0xFFFFF086  }
0x1c: {  	p1 =	slt.u32 s9, $0xF7A;
	s5 =	simm.s32 @!p2 $0x0  }
0x1d: {  	s5 =	simm.s32 @p1 $0x1;
	p0 =	seq.s32 s7, s2  }
0x1e: {  	s7 =	smul.u32 @!p0 $0xF7A, s2;
	p2 =	seq.s32 @!p0 s5, $0x0  }
0x1f: {  	s9 =	smul.u32 $0xF7A, s1;
	s8 =	simm.s32 @!p0 $0x1BF5;
	p2 =	por !p2, p0  }
0x20: {  	[sflag:s8] =	ssyncset.s32 @!p0 $0xFFFFF086;
	s6 =	sadd.s32 @!p0 s3, s7;
	s7 =	simm.s32 @!p0 $0x108  }
0x21: {  	s3 =	sadd.s32 s3, s9;
	s6 =	sadd.s32 @!p0 $0x88, s6;
	s7 =	simm.s32 @p2 $0x1082  }
0x22: {  	[simem:s7], [sflag:s8] =	dma.local @!p0 [hbm:s6], $0xF7A  }
0x23: {  	s9 =	sor.u32 $0xD0000000, s2;
	s6 =	simm.s32 $0x108;
	_ =	swait.ge @!p0 [sflag:s8], $0x0  }
0x24: {  	s3 =	sadd.s32 $0x88, s3;
	s6 =	simm.s32 @!p1 $0x1082;
	[sflag:s4] =	ssyncset.s32 $0xFFFFF086  }
0x25: {  	[simem:s6], [sflag:s4] =	dma.local [hbm:s3], $0xF7A  }
0x26: {  	[smem:$0x3F95] =	sst s1;
	(tag) =	ssettag s2;
	_ =	strace s9  }
0x27: {  	s1 =	sld [smem:$0x3FA5]  }
0x28: {  	s2 =	sld [smem:$0x3FA6]  }
0x29: {  	s4 =	sld [smem:$0x3FA8]  }
0x2a: {  	p0 =	seq.s32 s5, $0x0;
	s5 =	sld [smem:$0x3FA9]  }
0x2b: {  	s6 =	sld [smem:$0x3FAA]  }
0x2c: {  	s7 =	sld [smem:$0x3FAB]  }
0x2d: {  	s3 =	simm.s32 $0x108;
	s8 =	sld [smem:$0x3FAC]  }
0x2e: {  	s3 =	simm.s32 @!p0 $0x1082;
	s9 =	sld [smem:$0x3FAD]  }
0x2f: {  	lr =	sadd.s32 s0, s3;
	s0 =	sld [smem:$0x3FA4]  }
0x30: {  	s3 =	sld [smem:$0x3FA7]  }
0x31: {  	[smem:$0x3FB0] =	sst s10  }
0x32: {  	s10 =	sld [smem:$0x3FAE];
	_ =	sdelay $0x3  }
0x33: {  	p0 =	seq.s32 s10, $0x1;
	s10 =	sld [smem:$0x3FB0];
	_ =	sdelay $0x3  }
0x34: {  	[smem:$0x3FB0] =	sst s10  }
0x35: {  	s10 =	sld [smem:$0x3FAF];
	_ =	sdelay $0x3  }
0x36: {  	p1 =	seq.s32 s10, $0x1;
	s10 =	sld [smem:$0x3FB0];
	_ =	sdelay $0x3  }
0x37: {  	[smem:$0x3FB0] =	sst s10  }
0x38: {  	s10 =	sld [smem:$0x3FB1]  }
0x39: {  	_ = 	snop;
	(pc) =	sbr.ind lr, $3  }
0x3a: {  	_ = 	snop  }
0x3b: {  	_ = 	snop  }
0x3c: {  	p2 =	seq.s32 s10, $0x1;
	s10 =	sld [smem:$0x3FB0]  }
0x3d: {  	_ =	shalt  }
0x3e: {  	_ =	shalt  }
0x3f: {  	_ =	shalt  }
0x40: {  	_ =	shalt  }
0x41: {  	_ =	shalt  }
0x42: {  	_ =	shalt  }
0x43: {  	_ =	shalt  }
0x44: {  	_ =	shalt  }
0x45: {  	_ =	shalt  }
0x46: {  	_ =	shalt  }
0x47: {  	_ =	shalt  }
0x48: {  	_ =	shalt  }
0x49: {  	_ =	shalt  }
0x4a: {  	_ =	shalt  }
0x4b: {  	_ =	shalt  }
0x4c: {  	_ =	shalt  }
0x4d: {  	_ =	shalt  }
0x4e: {  	_ =	shalt  }
0x4f: {  	_ =	shalt  }
0x50: {  	_ =	shalt  }
0x51: {  	_ =	shalt  }
0x52: {  	_ =	shalt  }
0x53: {  	_ =	shalt  }
0x54: {  	_ =	shalt  }
0x55: {  	_ =	shalt  }
0x56: {  	_ =	shalt  }
0x57: {  	_ =	shalt  }
0x58: {  	_ =	shalt  }
0x59: {  	_ =	shalt  }
0x5a: {  	_ =	shalt  }
0x5b: {  	_ =	shalt  }
0x5c: {  	_ =	shalt  }
0x5d: {  	_ =	shalt  }
0x5e: {  	_ =	shalt  }
0x5f: {  	_ =	shalt  }
0x60: {  	_ =	shalt  }
0x61: {  	_ =	shalt  }
0x62: {  	_ =	shalt  }
0x63: {  	_ =	shalt  }
0x64: {  	_ =	shalt  }
0x65: {  	_ =	shalt  }
0x66: {  	_ =	shalt  }
0x67: {  	_ =	shalt  }
0x68: {  	_ =	shalt  }
0x69: {  	_ =	shalt  }
0x6a: {  	_ =	shalt  }
0x6b: {  	_ =	shalt  }
0x6c: {  	_ =	shalt  }
0x6d: {  	_ =	shalt  }
0x6e: {  	_ =	shalt  }
0x6f: {  	_ =	shalt  }
0x70: {  	_ =	shalt  }
0x71: {  	_ =	shalt  }
0x72: {  	_ =	shalt  }
0x73: {  	_ =	shalt  }
0x74: {  	_ =	shalt  }
0x75: {  	_ =	shalt  }
0x76: {  	_ =	shalt  }
0x77: {  	_ =	shalt  }
0x78: {  	_ =	shalt  }
0x79: {  	_ =	shalt  }
0x7a: {  	_ =	shalt  }
0x7b: {  	_ =	shalt  }
0x7c: {  	_ =	shalt  }
0x7d: {  	_ =	shalt  }
0x7e: {  	_ =	shalt  }
0x7f: {  	_ =	shalt  }
0x80: {  	_ =	shalt  }
0x81: {  	_ =	shalt  }
0x82: {  	_ =	shalt  }
0x83: {  	_ =	shalt  }
0x84: {  	_ =	shalt  }
0x85: {  	_ =	shalt  }
0x86: {  	_ =	shalt  }
0x87: {  	_ =	shalt  }
.Lfunc_end0:
.L_simem_size_0:
called_computation.1_lowered:
.L_overlay_start_0:
0x88: {  	s2 =	sld [smem:$0x3FD9]  }
0x89: {  	s3 =	sld [smem:$0x3FFE];
	_ =	sdelay $0x1  }
0x8a: {  	s1 =	srdreg.scid  }
0x8b: {  	s0 =	sand.u32 $0x1, s1  }
0x8c: {  	s17 =	sshll.u32 s0, $0xA;
	s2 =	sadd.s32 s3, s2  }
0x8d: {  	s2 =	sadd.s32 s2, s17  }
0x8e: {  	[smem:$0x3FBC] =	sst s2  }
0x8f: {  	_ = 	snop  }
0x90: {  	s2 =	sld [smem:$0x3FD0];
	(tm) =	ssettm $0x1  }
0x91: {  	s18 =	sld [smem:$0x3FFB];
	_ =	sdelay $0x3  }
0x92: {  	_ =	strace s18  }
0x93: {  	s3 =	sld [smem:$0x3FFC];
	_ =	sdelay $0x3  }
0x94: {  	_ =	strace s3  }
0x95: {  	s3 =	sld [smem:$0x3FFD];
	_ =	sdelay $0x3  }
0x96: {  	_ =	strace s3  }
0x97: {  	_ =	strace $0x8FFFFFFF  }
0x98: {  	s19 =	sld [smem:$0x3FDB];
	_ =	sdelay $0x1  }
0x99: {  	s4 =	simm.s32 $_scs_section_size  }
0x9a: {  	s5 =	simm.s32 $_size__tile_overlayer_lowered;
	s6 =	simm.s32 $_tile_overlayer_lowered  }
0x9b: {  	s22 =	simm.s32 $0x1BFF;
	s21 =	sshll.u32 s6, $0x1;
	s3 =	sadd.s32 s4, s19  }
0x9c: {  	s7 =	simm.s32 $0x0;
	s20 =	sshll.u32 s5, $0x1;
	s5 =	sadd.s32 s21, s3  }
0x9d: {  	[timem:s7], [sflag:s22] =	dma.local [hbm:s5], s20  }
0x9e: {  	_ =	swait.ge [sflag:s22], s20  }
0x9f: {  	s4 =	ssub.s32 $0x0, s20;
	[sflag:s22] =	ssyncset.done $0x0  }
0xa0: {  	[sflag:s22] =	ssyncadd.s32 s4;
	_ =	sdelay $0x1  }
0xa1: {  	s23 =	simm.s32 $0x1B8B  }
0xa2: {  	_ =	swait.ge [sflag:s23], $0x1  }
0xa3: {  	[sflag:s23] =	ssyncset.done $0x0  }
0xa4: {  	s25 =	simm.s32 $0x1B8E;
	s24 =	sld [smem:$0x3FFE];
	[sflag:s23] =	ssyncadd.s32 $0xFFFFFFFF  }
0xa5: {  	s26 =	simm.s32 $execute0_lowered;
	[smem:$0x3FD2] =	sst s25  }
0xa6: {  	s5 =	sshll.u32 s26, $0x1;
	_ =	strace $0x80000049;
	[dreg:$0x1] =	wrdreg $0xFFFFFFFF  }
0xa7: {  	s28 =	simm.s32 $_size_execute0_lowered;
	s3 =	sadd.s32 s3, s5;
	[dreg:$0x0] =	wrdreg $0x0  }
0xa8: {  	s5 =	sshll.u32 s28, $0x1;
	[dreg:$0x2] =	wrdreg s3  }
0xa9: {  	[dreg:$0x3] =	wrdreg s5  }
0xaa: {  	[dreg:$0x4] =	wrdreg $0xC0  }
0xab: {  	_ =	task [dreg:s7], $0x5FFFF  }
0xac: {  	[dreg:$0x1] =	wrdreg $0xFFFFFFFF  }
0xad: {  	[dreg:$0x0] =	wrdreg $0x60  }
0xae: {  	[dreg:$0x2] =	wrdreg s2  }
0xaf: {  	[dreg:$0x3] =	wrdreg s24  }
0xb0: {  	[dreg:$0x4] =	wrdreg $0xBC000  }
0xb1: {  	[dreg:$0x5] =	wrdreg $0x9  }
0xb2: {  	_ =	task.clear_ibuf [dreg:s7], $0x6FFFF;
	_ =	strace $0x90000049  }
0xb3: {  	s29 =	simm.s32 $0x9;
	_ =	strace $0x8000004B  }
0xb4: {  	_ =	swait.ge [sflag:s29], $0x1  }
0xb5: {  	[sflag:s29] =	ssyncadd.s32 $0xFFFFFFFF  }
0xb6: {  	_ =	strace $0x9000004B  }
0xb7: {  	_ =	sfence  }
0xb8: {  	s30 =	sld [smem:$0x0];
	_ =	sdelay $0x2  }
0xb9: {  	s31 =	sshll.u32 s1, $0xD;
	s1 =	sshrl.u32 s1, $0x2  }
0xba: {  	s3 =	sand.u32 $0x4000, s31;
	s1 =	sadd.s32 s1, s30  }
0xbb: {  	s0 =	sor.u32 s3, s0;
	s1 =	sshll.u32 s1, $0x11  }
0xbc: {  	s0 =	sor.u32 s1, s0  }
0xbd: {  	s0 =	sadd.s32 $0x8F2B, s0  }
0xbe: {  	[sflag:s0] =	ssyncadd.remote.s32 $0x1  }
0xbf: {  	_ =	sfence.sel $0xFFFF  }
0xc0: {  	[dreg:$0x0] =	wrdreg $0xFFFFFFFF;
	(pc) =	sbr.abs _section_cstart, $3  }
0xc1: {  	[dreg:$0x1] =	wrdreg $0xFFFFFFFF  }
0xc2: {  	_ =	task.clear_ibuf [dreg:s7], $0x2FFFF;
	_ =	strace $0x9FFFFFFF  }
0xc3: {  	(tm) =	ssettm $0x7FFFFFFF  }
tec
execute0_lowered:
.L_overlay_start_1:
0x0: {  	(tag) =	ssettag $0x1  }
0x1: {  	s0 =	srdreg.scid;
	s1 =	rddreg [dreg:$0x0]  }
0x2: {  	s9 =	stileid.u32;
	s5 =	rddreg [dreg:$0x1]  }
0x3: {  	s3 =	rddreg [dreg:$0x2];
	s6 =	smul.u32 $0x2800, s9  }
0x4: {  	s4 =	simm.s32 $0x0;
	s14 =	simm.s32 $0x5;
	s8 =	smul.u32 $0x5000, s9  }
0x5: {  	s15 =	simm.s32 $0x1400;
	s16 =	simm.s32 $0x40;
	s18 =	smul.u32 $0x14000, s9  }
0x6: {  	s28 =	simm.s32 $0x3A00;
	s0 =	sand.u32 $0x1, s0;
	s21 =	smul.u32 $0x50000, s9  }
0x7: {  	s29 =	simm.s32 $0x3A80;
	s30 =	simm.s32 $0x3B00;
	s2 =	smul.u32 $0x28000, s0  }
0x8: {  	s31 =	simm.s32 $0x3B80;
	[smem:$0x7FF] =	sst s4;
	s7 =	smul.u32 $0x50000, s0  }
0x9: {  	s24 =	sshll.u32 s9, $0x6;
	s19 =	smul.u32 $0x140000, s0;
	s0 =	ssub.s32 $0x2, s0  }
0xa: {  	_ =	strace $0x8000004A;
	s20 =	sshrl.u32 s18, $0x3;
	s22 =	sshrl.u32 s0, $0x1  }
0xb: {  	s2 =	sadd.s32 s6, s2;
	s17 =	sadd.s32 s8, s7;
	s7 =	sadd.s32 s18, s19  }
0xc: {  	s8 =	sshrl.u32 s21, $0x2;
	s0 =	ssub.s32 s0, s22;
	s18 =	simm.s32 $0x5C00  }
0xd: {  	s19 =	simm.s32 $0x80;
	s21 =	simm.s32 $0xC0;
	s22 =	simm.s32 $0x9C00  }
0xe: {  	s2 =	sshrl.u32 s2, $0x3;
	s6 =	sshrl.u32 s17, $0x3;
	s7 =	sshrl.u32 s7, $0x3  }
0xf: {  	s23 =	sadd.s32 s8, s3;
	s12 =	smax.u32 s0, $0x1;
	s17 =	simm.s32 $0x3C00  }
0x10: {  	s2 =	sadd.s32 s2, s5;
	s10 =	sadd.s32 s6, s5;
	s6 =	sadd.s32 s20, s5  }
0x11: {  	s5 =	sadd.s32 s7, s5;
	s13 =	sshrl.u32 s23, $0x3;
	s20 =	simm.s32 $0x7C00  }
0x12: {  	s23 =	simm.s32 $0x1;
	s6 =	sadd.s32 $0x22800, s6;
	s25 =	sadd.s32 $0x4800, s2  }
0x13: {  	s26 =	sadd.s32 $0xE800, s10;
	s9 =	sadd.s32 $0x4A80, s2;
	[dreg:$0x4] =	wrdreg s6  }
0x14: {  	s10 =	sadd.s32 $0xED00, s10;
	s11 =	sadd.s32 $0x4A800, s5;
	[dreg:$0x5] =	wrdreg s25  }
0x15: {  	s2 =	simm.s32 $0x0;
	s6 =	sor.u32 $0x1C05, s24;
	[dreg:$0x6] =	wrdreg s26  }
0x16: {  	s24 =	simm.s32 $0x2;
	s25 =	simm.s32 $0x3;
	s26 =	simm.s32 $0x4  }
.LBB2_1:
0x17: {  	s0 =	rddreg [dreg:$0x4]  }
0x18: {  	[spmem:s13], [sflag:s6] =	dma.local [hbm:s0], $0x2800  }
0x19: {  	_ =	swait.ge [sflag:s14], $0x2800  }
0x1a: {  	[sflag:s14] =	ssyncset.done $0x0  }
0x1b: {  	[sflag:s14] =	ssyncadd.s32 $0xFFFFD800  }
0x1c: {  	[bflag:$0x0] =	sbarrier.arrive $0xFFFF  }
0x1d: {  	s5 =	rddreg [dreg:$0x5]  }
0x1e: {  	[tilespmem:s4], [sflag:$0x5] =	stream.linear.gather [hbm4b:s5+s4], $0x1400, $0x38;
	[tilespmem:$0x1FC00] =	vst v63  }
0x1f: {  	_ =	swait.ge [sflag:s14], $0x1400  }
0x20: {  	[sflag:s14] =	ssyncset.done $0x0  }
0x21: {  	s7 =	rddreg [dreg:$0x6];
	[sflag:s14] =	ssyncadd.s32 $0xFFFFEC00  }
0x22: {  	[tilespmem:s15], [sflag:$0x5] =	stream.linear.gather [hbm4b:s7+s4], $0x2800, $0x38;
	[tilespmem:$0x1FC00] =	vst v63  }
0x23: {  	_ =	swait.ge [sflag:s14], $0x2800  }
0x24: {  	[sflag:s14] =	ssyncset.done $0x0  }
0x25: {  	[sflag:s14] =	ssyncadd.s32 $0xFFFFD800  }
0x26: {  	[tilespmem:s17], [sflag:$0x1] =	stream.indirect.gather [hbm4b:s1+s16], $0x80, s4, s16, $0xb8;
	[tilespmem:$0x1FC00] =	vst v63  }
0x27: {  	_ = 	snop  }
0x28: {  	[tilespmem:s18], [sflag:$0x2] =	stream.indirect.gather [hbm4b:s1+s16], $0x80, s16, s16, $0xb8;
	[tilespmem:$0x1FC00] =	vst v63  }
0x29: {  	_ = 	snop  }
0x2a: {  	[tilespmem:s20], [sflag:$0x3] =	stream.indirect.gather [hbm4b:s1+s16], $0x80, s19, s16, $0xb8;
	[tilespmem:$0x1FC00] =	vst v63  }
0x2b: {  	_ = 	snop  }
0x2c: {  	[tilespmem:s22], [sflag:$0x4] =	stream.indirect.gather [hbm4b:s1+s16], $0x80, s21, s16, $0xb8;
	[tilespmem:$0x1FC00] =	vst v63  }
0x2d: {  	_ =	swait.ge [sflag:s23], $0x2000  }
0x2e: {  	[sflag:s23] =	ssyncset.done $0x0  }
0x2f: {  	s8 =	simm.s32 $0x1400;
	[sflag:s23] =	ssyncadd.s32 $0xFFFFE000  }
0x30: {  	[spmem:s3] =	stream.indirect.scatter.add.f32 [tilespmem:s17], [sflag:$0x5], $0x80, s8, s16, $0xb8;
	[tilespmem:$0x1FC00] =	vst v63  }
0x31: {  	_ =	swait.ge [sflag:s14], $0x2000  }
0x32: {  	[sflag:s14] =	ssyncset.done $0x0  }
0x33: {  	s5 =	simm.s32 $0x100;
	[sflag:s14] =	ssyncadd.s32 $0xFFFFE000  }
0x34: {  	[tilespmem:s17], [sflag:$0x1] =	stream.indirect.gather [hbm4b:s1+s16], $0x80, s5, s16, $0xb8;
	[tilespmem:$0x1FC00] =	vst v63  }
0x35: {  	_ =	swait.ge [sflag:s24], $0x2000  }
0x36: {  	[sflag:s24] =	ssyncset.done $0x0  }
0x37: {  	s7 =	simm.s32 $0x1480;
	[sflag:s24] =	ssyncadd.s32 $0xFFFFE000  }
0x38: {  	[spmem:s3] =	stream.indirect.scatter.add.f32 [tilespmem:s18], [sflag:$0x5], $0x80, s7, s16, $0xb8;
	[tilespmem:$0x1FC00] =	vst v63  }
0x39: {  	_ =	swait.ge [sflag:s14], $0x2000  }
0x3a: {  	[sflag:s14] =	ssyncset.done $0x0  }
0x3b: {  	s8 =	simm.s32 $0x140;
	[sflag:s14] =	ssyncadd.s32 $0xFFFFE000  }
0x3c: {  	[tilespmem:s18], [sflag:$0x2] =	stream.indirect.gather [hbm4b:s1+s16], $0x80, s8, s16, $0xb8;
	[tilespmem:$0x1FC00] =	vst v63  }
0x3d: {  	_ =	swait.ge [sflag:s25], $0x2000  }
0x3e: {  	[sflag:s25] =	ssyncset.done $0x0  }
0x3f: {  	s5 =	simm.s32 $0x1500;
	[sflag:s25] =	ssyncadd.s32 $0xFFFFE000  }
0x40: {  	[spmem:s3] =	stream.indirect.scatter.add.f32 [tilespmem:s20], [sflag:$0x5], $0x80, s5, s16, $0xb8;
	[tilespmem:$0x1FC00] =	vst v63  }
0x41: {  	_ =	swait.ge [sflag:s14], $0x2000  }
0x42: {  	[sflag:s14] =	ssyncset.done $0x0  }
0x43: {  	s7 =	simm.s32 $0x180;
	[sflag:s14] =	ssyncadd.s32 $0xFFFFE000  }
0x44: {  	[tilespmem:s20], [sflag:$0x3] =	stream.indirect.gather [hbm4b:s1+s16], $0x80, s7, s16, $0xb8;
	[tilespmem:$0x1FC00] =	vst v63  }
0x45: {  	_ =	swait.ge [sflag:s26], $0x2000  }
0x46: {  	[sflag:s26] =	ssyncset.done $0x0  }
0x47: {  	s8 =	simm.s32 $0x1580;
	[sflag:s26] =	ssyncadd.s32 $0xFFFFE000  }
0x48: {  	[spmem:s3] =	stream.indirect.scatter.add.f32 [tilespmem:s22], [sflag:$0x5], $0x80, s8, s16, $0xb8;
	[tilespmem:$0x1FC00] =	vst v63  }
0x49: {  	_ =	swait.ge [sflag:s14], $0x2000  }
0x4a: {  	s0 =	simm.s32 $0x800;
	[sflag:s14] =	ssyncset.done $0x0  }
0x4b: {  	s5 =	simm.s32 $0x200;
	s7 =	simm.s32 $0x1C0;
	[sflag:s14] =	ssyncadd.s32 $0xFFFFE000  }
.LBB2_2:
0x4c: {  	[tilespmem:s22], [sflag:$0x4] =	stream.indirect.gather [hbm4b:s1+s16], $0x80, s7, s16, $0xb8;
	[tilespmem:$0x1FC00] =	vst v63  }
0x4d: {  	s7 =	smov.u32 s0  }
0x4e: {  	p0 =	sne.s32 s0, $0x9000;
	s0 =	sadd.s32 $0x800, s0;
	_ =	swait.ge [sflag:s23], $0x2000  }
0x4f: {  	s7 =	sshra.s32 s7, $0x2;
	[sflag:s23] =	ssyncset.done $0x0  }
0x50: {  	s8 =	sadd.s32 $0x1400, s7;
	[sflag:s23] =	ssyncadd.s32 $0xFFFFE000  }
0x51: {  	[spmem:s3] =	stream.indirect.scatter.add.f32 [tilespmem:s17], [sflag:$0x5], $0x80, s8, s16, $0xb8;
	[tilespmem:$0x1FC00] =	vst v63  }
0x52: {  	_ =	swait.ge [sflag:s14], $0x2000  }
0x53: {  	[sflag:s14] =	ssyncset.done $0x0  }
0x54: {  	[sflag:s14] =	ssyncadd.s32 $0xFFFFE000  }
0x55: {  	[tilespmem:s17], [sflag:$0x1] =	stream.indirect.gather [hbm4b:s1+s16], $0x80, s5, s16, $0xb8;
	[tilespmem:$0x1FC00] =	vst v63  }
0x56: {  	_ =	swait.ge [sflag:s24], $0x2000  }
0x57: {  	[sflag:s24] =	ssyncset.done $0x0  }
0x58: {  	s8 =	sadd.s32 $0x1480, s7;
	[sflag:s24] =	ssyncadd.s32 $0xFFFFE000  }
0x59: {  	[spmem:s3] =	stream.indirect.scatter.add.f32 [tilespmem:s18], [sflag:$0x5], $0x80, s8, s16, $0xb8;
	[tilespmem:$0x1FC00] =	vst v63  }
0x5a: {  	_ =	swait.ge [sflag:s14], $0x2000  }
0x5b: {  	[sflag:s14] =	ssyncset.done $0x0  }
0x5c: {  	s8 =	sadd.s32 $0x40, s5;
	[sflag:s14] =	ssyncadd.s32 $0xFFFFE000  }
0x5d: {  	[tilespmem:s18], [sflag:$0x2] =	stream.indirect.gather [hbm4b:s1+s16], $0x80, s8, s16, $0xb8;
	[tilespmem:$0x1FC00] =	vst v63  }
0x5e: {  	_ =	swait.ge [sflag:s25], $0x2000  }
0x5f: {  	[sflag:s25] =	ssyncset.done $0x0  }
0x60: {  	s8 =	sadd.s32 $0x1500, s7;
	[sflag:s25] =	ssyncadd.s32 $0xFFFFE000  }
0x61: {  	[spmem:s3] =	stream.indirect.scatter.add.f32 [tilespmem:s20], [sflag:$0x5], $0x80, s8, s16, $0xb8;
	[tilespmem:$0x1FC00] =	vst v63  }
0x62: {  	_ =	swait.ge [sflag:s14], $0x2000  }
0x63: {  	[sflag:s14] =	ssyncset.done $0x0  }
0x64: {  	s8 =	sadd.s32 $0x80, s5;
	[sflag:s14] =	ssyncadd.s32 $0xFFFFE000  }
0x65: {  	[tilespmem:s20], [sflag:$0x3] =	stream.indirect.gather [hbm4b:s1+s16], $0x80, s8, s16, $0xb8;
	[tilespmem:$0x1FC00] =	vst v63  }
0x66: {  	_ =	swait.ge [sflag:s26], $0x2000  }
0x67: {  	[sflag:s26] =	ssyncset.done $0x0  }
.Ltmp0:
0x68: {  	s7 =	sadd.s32 $0x1580, s7;
	[sflag:s26] =	ssyncadd.s32 $0xFFFFE000;
	(pc) =	sbr.rel @p0 .LBB2_2-.Ltmp0, $4  }
0x69: {  	[spmem:s3] =	stream.indirect.scatter.add.f32 [tilespmem:s22], [sflag:$0x5], $0x80, s7, s16, $0xb8;
	[tilespmem:$0x1FC00] =	vst v63  }
0x6a: {  	_ =	swait.ge [sflag:s14], $0x2000  }
0x6b: {  	[sflag:s14] =	ssyncset.done $0x0  }
0x6c: {  	s7 =	sadd.s32 $0xC0, s5;
	s5 =	sadd.s32 $0x100, s5;
	[sflag:s14] =	ssyncadd.s32 $0xFFFFE000  }
0x6d: {  	[tilespmem:s22], [sflag:$0x4] =	stream.indirect.gather [hbm4b:s1+s16], $0x80, s7, s16, $0xb8;
	[tilespmem:$0x1FC00] =	vst v63  }
0x6e: {  	_ =	swait.ge [sflag:s23], $0x2000  }
0x6f: {  	[sflag:s23] =	ssyncset.done $0x0  }
0x70: {  	[sflag:s23] =	ssyncadd.s32 $0xFFFFE000  }
0x71: {  	[spmem:s3] =	stream.indirect.scatter.add.f32 [tilespmem:s17], [sflag:$0x5], $0x80, s28, s16, $0xb8;
	[tilespmem:$0x1FC00] =	vst v63  }
0x72: {  	_ =	swait.ge [sflag:s14], $0x2000  }
0x73: {  	[sflag:s14] =	ssyncset.done $0x0  }
0x74: {  	[sflag:s14] =	ssyncadd.s32 $0xFFFFE000  }
0x75: {  	_ =	swait.ge [sflag:s24], $0x2000  }
0x76: {  	[sflag:s24] =	ssyncset.done $0x0  }
0x77: {  	[sflag:s24] =	ssyncadd.s32 $0xFFFFE000  }
0x78: {  	[spmem:s3] =	stream.indirect.scatter.add.f32 [tilespmem:s18], [sflag:$0x5], $0x80, s29, s16, $0xb8;
	[tilespmem:$0x1FC00] =	vst v63  }
0x79: {  	_ =	swait.ge [sflag:s14], $0x2000  }
0x7a: {  	[sflag:s14] =	ssyncset.done $0x0  }
0x7b: {  	[sflag:s14] =	ssyncadd.s32 $0xFFFFE000  }
0x7c: {  	_ =	swait.ge [sflag:s25], $0x2000  }
0x7d: {  	[sflag:s25] =	ssyncset.done $0x0  }
0x7e: {  	[sflag:s25] =	ssyncadd.s32 $0xFFFFE000  }
0x7f: {  	[spmem:s3] =	stream.indirect.scatter.add.f32 [tilespmem:s20], [sflag:$0x5], $0x80, s30, s16, $0xb8;
	[tilespmem:$0x1FC00] =	vst v63  }
0x80: {  	_ =	swait.ge [sflag:s14], $0x2000  }
0x81: {  	[sflag:s14] =	ssyncset.done $0x0  }
0x82: {  	[sflag:s14] =	ssyncadd.s32 $0xFFFFE000  }
0x83: {  	_ =	swait.ge [sflag:s26], $0x2000  }
0x84: {  	[sflag:s26] =	ssyncset.done $0x0  }
0x85: {  	[sflag:s26] =	ssyncadd.s32 $0xFFFFE000  }
0x86: {  	[spmem:s3] =	stream.indirect.scatter.add.f32 [tilespmem:s22], [sflag:$0x5], $0x80, s31, s16, $0xb8;
	[tilespmem:$0x1FC00] =	vst v63  }
0x87: {  	_ =	swait.ge [sflag:s14], $0x2000  }
0x88: {  	[sflag:s14] =	ssyncset.done $0x0  }
0x89: {  	s0 =	simm.s32 $0x0;
	[sflag:s14] =	ssyncadd.s32 $0xFFFFE000  }
0x8a: {  	[tilespmem:s0], [sflag:$0x5] =	stream.linear.gather [hbm4b:s9+s0], $0x1400, $0x38;
	[tilespmem:$0x1FC00] =	vst v63  }
0x8b: {  	_ =	swait.ge [sflag:s14], $0x1400  }
0x8c: {  	[sflag:s14] =	ssyncset.done $0x0  }
0x8d: {  	[sflag:s14] =	ssyncadd.s32 $0xFFFFEC00  }
0x8e: {  	[tilespmem:s15], [sflag:$0x5] =	stream.linear.gather [hbm4b:s10+s0], $0x2800, $0x38;
	[tilespmem:$0x1FC00] =	vst v63  }
0x8f: {  	_ =	swait.ge [sflag:s14], $0x2800  }
0x90: {  	[sflag:s14] =	ssyncset.done $0x0  }
0x91: {  	[sflag:s14] =	ssyncadd.s32 $0xFFFFD800  }
0x92: {  	[tilespmem:s17], [sflag:$0x1] =	stream.indirect.gather [hbm4b:s1+s16], $0x80, s0, s16, $0xb8;
	[tilespmem:$0x1FC00] =	vst v63  }
0x93: {  	_ = 	snop  }
0x94: {  	[tilespmem:s18], [sflag:$0x2] =	stream.indirect.gather [hbm4b:s1+s16], $0x80, s16, s16, $0xb8;
	[tilespmem:$0x1FC00] =	vst v63  }
0x95: {  	_ = 	snop  }
0x96: {  	[tilespmem:s20], [sflag:$0x3] =	stream.indirect.gather [hbm4b:s1+s16], $0x80, s19, s16, $0xb8;
	[tilespmem:$0x1FC00] =	vst v63  }
0x97: {  	_ = 	snop  }
0x98: {  	[tilespmem:s22], [sflag:$0x4] =	stream.indirect.gather [hbm4b:s1+s16], $0x80, s21, s16, $0xb8;
	[tilespmem:$0x1FC00] =	vst v63  }
0x99: {  	_ =	swait.ge [sflag:s23], $0x2000  }
0x9a: {  	[sflag:s23] =	ssyncset.done $0x0  }
0x9b: {  	s8 =	simm.s32 $0x1400;
	[sflag:s23] =	ssyncadd.s32 $0xFFFFE000  }
0x9c: {  	[spmem:s3] =	stream.indirect.scatter.add.f32 [tilespmem:s17], [sflag:$0x5], $0x80, s8, s16, $0xb8;
	[tilespmem:$0x1FC00] =	vst v63  }
0x9d: {  	_ =	swait.ge [sflag:s14], $0x2000  }
0x9e: {  	[sflag:s14] =	ssyncset.done $0x0  }
0x9f: {  	s5 =	simm.s32 $0x100;
	[sflag:s14] =	ssyncadd.s32 $0xFFFFE000  }
0xa0: {  	[tilespmem:s17], [sflag:$0x1] =	stream.indirect.gather [hbm4b:s1+s16], $0x80, s5, s16, $0xb8;
	[tilespmem:$0x1FC00] =	vst v63  }
0xa1: {  	_ =	swait.ge [sflag:s24], $0x2000  }
0xa2: {  	[sflag:s24] =	ssyncset.done $0x0  }
0xa3: {  	s7 =	simm.s32 $0x1480;
	[sflag:s24] =	ssyncadd.s32 $0xFFFFE000  }
0xa4: {  	[spmem:s3] =	stream.indirect.scatter.add.f32 [tilespmem:s18], [sflag:$0x5], $0x80, s7, s16, $0xb8;
	[tilespmem:$0x1FC00] =	vst v63  }
0xa5: {  	_ =	swait.ge [sflag:s14], $0x2000  }
0xa6: {  	[sflag:s14] =	ssyncset.done $0x0  }
0xa7: {  	s8 =	simm.s32 $0x140;
	[sflag:s14] =	ssyncadd.s32 $0xFFFFE000  }
0xa8: {  	[tilespmem:s18], [sflag:$0x2] =	stream.indirect.gather [hbm4b:s1+s16], $0x80, s8, s16, $0xb8;
	[tilespmem:$0x1FC00] =	vst v63  }
0xa9: {  	_ =	swait.ge [sflag:s25], $0x2000  }
0xaa: {  	[sflag:s25] =	ssyncset.done $0x0  }
0xab: {  	s5 =	simm.s32 $0x1500;
	[sflag:s25] =	ssyncadd.s32 $0xFFFFE000  }
0xac: {  	[spmem:s3] =	stream.indirect.scatter.add.f32 [tilespmem:s20], [sflag:$0x5], $0x80, s5, s16, $0xb8;
	[tilespmem:$0x1FC00] =	vst v63  }
0xad: {  	_ =	swait.ge [sflag:s14], $0x2000  }
0xae: {  	[sflag:s14] =	ssyncset.done $0x0  }
0xaf: {  	s7 =	simm.s32 $0x180;
	[sflag:s14] =	ssyncadd.s32 $0xFFFFE000  }
0xb0: {  	[tilespmem:s20], [sflag:$0x3] =	stream.indirect.gather [hbm4b:s1+s16], $0x80, s7, s16, $0xb8;
	[tilespmem:$0x1FC00] =	vst v63  }
0xb1: {  	_ =	swait.ge [sflag:s26], $0x2000  }
0xb2: {  	[sflag:s26] =	ssyncset.done $0x0  }
0xb3: {  	s8 =	simm.s32 $0x1580;
	[sflag:s26] =	ssyncadd.s32 $0xFFFFE000  }
0xb4: {  	[spmem:s3] =	stream.indirect.scatter.add.f32 [tilespmem:s22], [sflag:$0x5], $0x80, s8, s16, $0xb8;
	[tilespmem:$0x1FC00] =	vst v63  }
0xb5: {  	_ =	swait.ge [sflag:s14], $0x2000  }
0xb6: {  	s0 =	simm.s32 $0x800;
	[sflag:s14] =	ssyncset.done $0x0  }
0xb7: {  	s5 =	simm.s32 $0x200;
	s7 =	simm.s32 $0x1C0;
	[sflag:s14] =	ssyncadd.s32 $0xFFFFE000  }
.LBB2_4:
0xb8: {  	[tilespmem:s22], [sflag:$0x4] =	stream.indirect.gather [hbm4b:s1+s16], $0x80, s7, s16, $0xb8;
	[tilespmem:$0x1FC00] =	vst v63  }
0xb9: {  	s7 =	smov.u32 s0  }
0xba: {  	p0 =	sne.s32 s0, $0x9000;
	s0 =	sadd.s32 $0x800, s0;
	_ =	swait.ge [sflag:s23], $0x2000  }
0xbb: {  	s7 =	sshra.s32 s7, $0x2;
	[sflag:s23] =	ssyncset.done $0x0  }
0xbc: {  	s8 =	sadd.s32 $0x1400, s7;
	[sflag:s23] =	ssyncadd.s32 $0xFFFFE000  }
0xbd: {  	[spmem:s3] =	stream.indirect.scatter.add.f32 [tilespmem:s17], [sflag:$0x5], $0x80, s8, s16, $0xb8;
	[tilespmem:$0x1FC00] =	vst v63  }
0xbe: {  	_ =	swait.ge [sflag:s14], $0x2000  }
0xbf: {  	[sflag:s14] =	ssyncset.done $0x0  }
0xc0: {  	[sflag:s14] =	ssyncadd.s32 $0xFFFFE000  }
0xc1: {  	[tilespmem:s17], [sflag:$0x1] =	stream.indirect.gather [hbm4b:s1+s16], $0x80, s5, s16, $0xb8;
	[tilespmem:$0x1FC00] =	vst v63  }
0xc2: {  	_ =	swait.ge [sflag:s24], $0x2000  }
0xc3: {  	[sflag:s24] =	ssyncset.done $0x0  }
0xc4: {  	s8 =	sadd.s32 $0x1480, s7;
	[sflag:s24] =	ssyncadd.s32 $0xFFFFE000  }
0xc5: {  	[spmem:s3] =	stream.indirect.scatter.add.f32 [tilespmem:s18], [sflag:$0x5], $0x80, s8, s16, $0xb8;
	[tilespmem:$0x1FC00] =	vst v63  }
0xc6: {  	_ =	swait.ge [sflag:s14], $0x2000  }
0xc7: {  	[sflag:s14] =	ssyncset.done $0x0  }
0xc8: {  	s8 =	sadd.s32 $0x40, s5;
	[sflag:s14] =	ssyncadd.s32 $0xFFFFE000  }
0xc9: {  	[tilespmem:s18], [sflag:$0x2] =	stream.indirect.gather [hbm4b:s1+s16], $0x80, s8, s16, $0xb8;
	[tilespmem:$0x1FC00] =	vst v63  }
0xca: {  	_ =	swait.ge [sflag:s25], $0x2000  }
0xcb: {  	[sflag:s25] =	ssyncset.done $0x0  }
0xcc: {  	s8 =	sadd.s32 $0x1500, s7;
	[sflag:s25] =	ssyncadd.s32 $0xFFFFE000  }
0xcd: {  	[spmem:s3] =	stream.indirect.scatter.add.f32 [tilespmem:s20], [sflag:$0x5], $0x80, s8, s16, $0xb8;
	[tilespmem:$0x1FC00] =	vst v63  }
0xce: {  	_ =	swait.ge [sflag:s14], $0x2000  }
0xcf: {  	[sflag:s14] =	ssyncset.done $0x0  }
0xd0: {  	s8 =	sadd.s32 $0x80, s5;
	[sflag:s14] =	ssyncadd.s32 $0xFFFFE000  }
0xd1: {  	[tilespmem:s20], [sflag:$0x3] =	stream.indirect.gather [hbm4b:s1+s16], $0x80, s8, s16, $0xb8;
	[tilespmem:$0x1FC00] =	vst v63  }
0xd2: {  	_ =	swait.ge [sflag:s26], $0x2000  }
0xd3: {  	[sflag:s26] =	ssyncset.done $0x0  }
.Ltmp1:
0xd4: {  	s7 =	sadd.s32 $0x1580, s7;
	[sflag:s26] =	ssyncadd.s32 $0xFFFFE000;
	(pc) =	sbr.rel @p0 .LBB2_4-.Ltmp1, $4  }
0xd5: {  	[spmem:s3] =	stream.indirect.scatter.add.f32 [tilespmem:s22], [sflag:$0x5], $0x80, s7, s16, $0xb8;
	[tilespmem:$0x1FC00] =	vst v63  }
0xd6: {  	_ =	swait.ge [sflag:s14], $0x2000  }
0xd7: {  	[sflag:s14] =	ssyncset.done $0x0  }
0xd8: {  	s7 =	sadd.s32 $0xC0, s5;
	s5 =	sadd.s32 $0x100, s5;
	[sflag:s14] =	ssyncadd.s32 $0xFFFFE000  }
0xd9: {  	[tilespmem:s22], [sflag:$0x4] =	stream.indirect.gather [hbm4b:s1+s16], $0x80, s7, s16, $0xb8;
	[tilespmem:$0x1FC00] =	vst v63  }
0xda: {  	_ =	swait.ge [sflag:s23], $0x2000  }
0xdb: {  	[sflag:s23] =	ssyncset.done $0x0  }
0xdc: {  	[sflag:s23] =	ssyncadd.s32 $0xFFFFE000  }
0xdd: {  	[spmem:s3] =	stream.indirect.scatter.add.f32 [tilespmem:s17], [sflag:$0x5], $0x80, s28, s16, $0xb8;
	[tilespmem:$0x1FC00] =	vst v63  }
0xde: {  	_ =	swait.ge [sflag:s14], $0x2000  }
0xdf: {  	[sflag:s14] =	ssyncset.done $0x0  }
0xe0: {  	[sflag:s14] =	ssyncadd.s32 $0xFFFFE000  }
0xe1: {  	_ =	swait.ge [sflag:s24], $0x2000  }
0xe2: {  	[sflag:s24] =	ssyncset.done $0x0  }
0xe3: {  	[sflag:s24] =	ssyncadd.s32 $0xFFFFE000  }
0xe4: {  	[spmem:s3] =	stream.indirect.scatter.add.f32 [tilespmem:s18], [sflag:$0x5], $0x80, s29, s16, $0xb8;
	[tilespmem:$0x1FC00] =	vst v63  }
0xe5: {  	_ =	swait.ge [sflag:s14], $0x2000  }
0xe6: {  	[sflag:s14] =	ssyncset.done $0x0  }
0xe7: {  	[sflag:s14] =	ssyncadd.s32 $0xFFFFE000  }
0xe8: {  	_ =	swait.ge [sflag:s25], $0x2000  }
0xe9: {  	[sflag:s25] =	ssyncset.done $0x0  }
0xea: {  	[sflag:s25] =	ssyncadd.s32 $0xFFFFE000  }
0xeb: {  	[spmem:s3] =	stream.indirect.scatter.add.f32 [tilespmem:s20], [sflag:$0x5], $0x80, s30, s16, $0xb8;
	[tilespmem:$0x1FC00] =	vst v63  }
0xec: {  	_ =	swait.ge [sflag:s14], $0x2000  }
0xed: {  	[sflag:s14] =	ssyncset.done $0x0  }
0xee: {  	[sflag:s14] =	ssyncadd.s32 $0xFFFFE000  }
0xef: {  	_ =	swait.ge [sflag:s26], $0x2000  }
0xf0: {  	[sflag:s26] =	ssyncset.done $0x0  }
0xf1: {  	[sflag:s26] =	ssyncadd.s32 $0xFFFFE000  }
0xf2: {  	[spmem:s3] =	stream.indirect.scatter.add.f32 [tilespmem:s22], [sflag:$0x5], $0x80, s31, s16, $0xb8;
	[tilespmem:$0x1FC00] =	vst v63  }
0xf3: {  	_ =	swait.ge [sflag:s14], $0x2000  }
0xf4: {  	s2 =	sadd.s32 $0x1, s2;
	[sflag:s14] =	ssyncset.done $0x0  }
0xf5: {  	p0 =	sne.s32 s2, s12;
	[sflag:s14] =	ssyncadd.s32 $0xFFFFE000  }
.Ltmp2:
0xf6: {  	[bflag:$0x0] =	sbarrier.arrive $0xFFFF;
	(pc) =	sbr.rel @p0 .LBB2_1-.Ltmp2, $4  }
0xf7: {  	[hbm:s11], [sflag:s6] =	dma.local [spmem:s13], $0x2800  }
0xf8: {  	_ =	swait.ge [sflag:s14], $0x2800  }
0xf9: {  	[sflag:s14] =	ssyncset.done $0x0  }
0xfa: {  	[sflag:s14] =	ssyncadd.s32 $0xFFFFD800  }
0xfb: {  	_ =	sfence.sel $0x180000  }
0xfc: {  	[bflag:$0x0] =	sbarrier.arrive $0xFFFF  }
0xfd: {  	_ =	strace $0x9000004A  }
0xfe: {  	s0 =	stileid.u32;
	[bflag:$0x2] =	sbarrier.arrive $0xFFFF  }
0xff: {  	p0 =	sne.s32 s0, $0x0;
	s0 =	rddreg [dreg:$0x3]  }
0x100: {  	s0 =	sadd.s32 @!p0 $0x100000, s0  }
0x101: {  	[sflag:s0] =	ssyncadd.tile.s32 @!p0 $0x1;
	_ =	shalt  }
.Lfunc_end2:
_tile_overlayer_lowered:
.L_overlay_start_2:
0x102: {  	(tag) =	ssettag $0x2  }
0x103: {  	s0 =	rddreg [dreg:$0x0];
	s2 =	stileid.u32  }
0x104: {  	s1 =	rddreg [dreg:$0x1];
	p0 =	sne.s32 s2, $0x0  }
0x105: {  	s3 =	rddreg [dreg:$0x2];
	[bflag:$0x3] =	sbarrier.arrive $0xFFFF;
	s2 =	simm.s32 @!p0 $0x1C05  }
0x106: {  	[timem:s3], [sflag:s2] =	dma.local @!p0 [hbm:s0], s1  }
0x107: {  	s0 =	simm.s32 @!p0 $0x5  }
0x108: {  	_ =	swait.ge @!p0 [sflag:s0], s1  }
0x109: {  	s1 =	ssub.s32 @!p0 $0x0, s1;
	[sflag:s0] =	ssyncset.done @!p0 $0x0  }
0x10a: {  	[sflag:s0] =	ssyncadd.s32 @!p0 s1  }
0x10b: {  	[bflag:$0x3] =	sbarrier.arrive $0xFFFF  }
0x10c: {  	_ =	shalt  }

// kernel: kernel.16.cloned.1.call-start
scs
__scs_entry_jumppad:
0x0: {  	(pc) =	sbr.rel $0x88, $3  }
0x1: {  	(tag) =	ssettag $0x0;
	lr =	simm.s32 $0x1  }
0x2: {  	[smem:$0x3F95] =	sst lr;
	_ =	strace $0xD0000000  }
0x3: {  	_ = 	snop  }
0x4: {  	_ = 	snop  }
0x5: {  	_ = 	snop  }
0x6: {  	_ = 	snop  }
0x7: {  	_ = 	snop  }
__scs_overlays_trampoline_lowered:
0x8: {  	[smem:$0x3FA4] =	sst s0  }
0x9: {  	[smem:$0x3FA5] =	sst s1  }
0xa: {  	[smem:$0x3FA6] =	sst s2  }
0xb: {  	[smem:$0x3FA7] =	sst s3  }
0xc: {  	[smem:$0x3FA8] =	sst s4  }
0xd: {  	[smem:$0x3FA9] =	sst s5  }
0xe: {  	[smem:$0x3FAA] =	sst s6  }
0xf: {  	[smem:$0x3FAB] =	sst s7  }
0x10: {  	[smem:$0x3FAC] =	sst s8  }
0x11: {  	[smem:$0x3FAD] =	sst s9;
	s0 =	simm.s32 @!p0 $0x0  }
0x12: {  	s1 =	sld [smem:$0x3F93];
	s0 =	simm.s32 @p0 $0x1  }
0x13: {  	[smem:$0x3FAE] =	sst s0;
	s0 =	simm.s32 @!p1 $0x0  }
0x14: {  	s2 =	sld [smem:$0x3F92];
	s0 =	simm.s32 @p1 $0x1  }
0x15: {  	[smem:$0x3FAF] =	sst s0;
	s0 =	simm.s32 @!p2 $0x0  }
0x16: {  	s3 =	sld [smem:$0x3FDB];
	s0 =	simm.s32 @p2 $0x1  }
0x17: {  	s4 =	simm.s32 $0x1BF5;
	[smem:$0x3FB1] =	sst s0  }
0x18: {  	s0 =	sld [smem:$0x3F94];
	_ =	swait.ge [sflag:s4], $0x0  }
0x19: {  	s7 =	sld [smem:$0x3F95]  }
0x1a: {  	s8 =	sadd.s32 $0xFFFFE003, lr  }
0x1b: {  	s9 =	sadd.s32 $0xFFFFFEF7, lr;
	s5 =	simm.s32 $0xFFFFFFFF;
	p2 =	slt.u32 s8, $0xFFFFF086  }
0x1c: {  	p1 =	slt.u32 s9, $0xF7A;
	s5 =	simm.s32 @!p2 $0x0  }
0x1d: {  	s5 =	simm.s32 @p1 $0x1;
	p0 =	seq.s32 s7, s2  }
0x1e: {  	s7 =	smul.u32 @!p0 $0xF7A, s2;
	p2 =	seq.s32 @!p0 s5, $0x0  }
0x1f: {  	s9 =	smul.u32 $0xF7A, s1;
	s8 =	simm.s32 @!p0 $0x1BF5;
	p2 =	por !p2, p0  }
0x20: {  	[sflag:s8] =	ssyncset.s32 @!p0 $0xFFFFF086;
	s6 =	sadd.s32 @!p0 s3, s7;
	s7 =	simm.s32 @!p0 $0x108  }
0x21: {  	s3 =	sadd.s32 s3, s9;
	s6 =	sadd.s32 @!p0 $0x88, s6;
	s7 =	simm.s32 @p2 $0x1082  }
0x22: {  	[simem:s7], [sflag:s8] =	dma.local @!p0 [hbm:s6], $0xF7A  }
0x23: {  	s9 =	sor.u32 $0xD0000000, s2;
	s6 =	simm.s32 $0x108;
	_ =	swait.ge @!p0 [sflag:s8], $0x0  }
0x24: {  	s3 =	sadd.s32 $0x88, s3;
	s6 =	simm.s32 @!p1 $0x1082;
	[sflag:s4] =	ssyncset.s32 $0xFFFFF086  }
0x25: {  	[simem:s6], [sflag:s4] =	dma.local [hbm:s3], $0xF7A  }
0x26: {  	[smem:$0x3F95] =	sst s1;
	(tag) =	ssettag s2;
	_ =	strace s9  }
0x27: {  	s1 =	sld [smem:$0x3FA5]  }
0x28: {  	s2 =	sld [smem:$0x3FA6]  }
0x29: {  	s4 =	sld [smem:$0x3FA8]  }
0x2a: {  	p0 =	seq.s32 s5, $0x0;
	s5 =	sld [smem:$0x3FA9]  }
0x2b: {  	s6 =	sld [smem:$0x3FAA]  }
0x2c: {  	s7 =	sld [smem:$0x3FAB]  }
0x2d: {  	s3 =	simm.s32 $0x108;
	s8 =	sld [smem:$0x3FAC]  }
0x2e: {  	s3 =	simm.s32 @!p0 $0x1082;
	s9 =	sld [smem:$0x3FAD]  }
0x2f: {  	lr =	sadd.s32 s0, s3;
	s0 =	sld [smem:$0x3FA4]  }
0x30: {  	s3 =	sld [smem:$0x3FA7]  }
0x31: {  	[smem:$0x3FB0] =	sst s10  }
0x32: {  	s10 =	sld [smem:$0x3FAE];
	_ =	sdelay $0x3  }
0x33: {  	p0 =	seq.s32 s10, $0x1;
	s10 =	sld [smem:$0x3FB0];
	_ =	sdelay $0x3  }
0x34: {  	[smem:$0x3FB0] =	sst s10  }
0x35: {  	s10 =	sld [smem:$0x3FAF];
	_ =	sdelay $0x3  }
0x36: {  	p1 =	seq.s32 s10, $0x1;
	s10 =	sld [smem:$0x3FB0];
	_ =	sdelay $0x3  }
0x37: {  	[smem:$0x3FB0] =	sst s10  }
0x38: {  	s10 =	sld [smem:$0x3FB1]  }
0x39: {  	_ = 	snop;
	(pc) =	sbr.ind lr, $3  }
0x3a: {  	_ = 	snop  }
0x3b: {  	_ = 	snop  }
0x3c: {  	p2 =	seq.s32 s10, $0x1;
	s10 =	sld [smem:$0x3FB0]  }
0x3d: {  	_ =	shalt  }
0x3e: {  	_ =	shalt  }
0x3f: {  	_ =	shalt  }
0x40: {  	_ =	shalt  }
0x41: {  	_ =	shalt  }
0x42: {  	_ =	shalt  }
0x43: {  	_ =	shalt  }
0x44: {  	_ =	shalt  }
0x45: {  	_ =	shalt  }
0x46: {  	_ =	shalt  }
0x47: {  	_ =	shalt  }
0x48: {  	_ =	shalt  }
0x49: {  	_ =	shalt  }
0x4a: {  	_ =	shalt  }
0x4b: {  	_ =	shalt  }
0x4c: {  	_ =	shalt  }
0x4d: {  	_ =	shalt  }
0x4e: {  	_ =	shalt  }
0x4f: {  	_ =	shalt  }
0x50: {  	_ =	shalt  }
0x51: {  	_ =	shalt  }
0x52: {  	_ =	shalt  }
0x53: {  	_ =	shalt  }
0x54: {  	_ =	shalt  }
0x55: {  	_ =	shalt  }
0x56: {  	_ =	shalt  }
0x57: {  	_ =	shalt  }
0x58: {  	_ =	shalt  }
0x59: {  	_ =	shalt  }
0x5a: {  	_ =	shalt  }
0x5b: {  	_ =	shalt  }
0x5c: {  	_ =	shalt  }
0x5d: {  	_ =	shalt  }
0x5e: {  	_ =	shalt  }
0x5f: {  	_ =	shalt  }
0x60: {  	_ =	shalt  }
0x61: {  	_ =	shalt  }
0x62: {  	_ =	shalt  }
0x63: {  	_ =	shalt  }
0x64: {  	_ =	shalt  }
0x65: {  	_ =	shalt  }
0x66: {  	_ =	shalt  }
0x67: {  	_ =	shalt  }
0x68: {  	_ =	shalt  }
0x69: {  	_ =	shalt  }
0x6a: {  	_ =	shalt  }
0x6b: {  	_ =	shalt  }
0x6c: {  	_ =	shalt  }
0x6d: {  	_ =	shalt  }
0x6e: {  	_ =	shalt  }
0x6f: {  	_ =	shalt  }
0x70: {  	_ =	shalt  }
0x71: {  	_ =	shalt  }
0x72: {  	_ =	shalt  }
0x73: {  	_ =	shalt  }
0x74: {  	_ =	shalt  }
0x75: {  	_ =	shalt  }
0x76: {  	_ =	shalt  }
0x77: {  	_ =	shalt  }
0x78: {  	_ =	shalt  }
0x79: {  	_ =	shalt  }
0x7a: {  	_ =	shalt  }
0x7b: {  	_ =	shalt  }
0x7c: {  	_ =	shalt  }
0x7d: {  	_ =	shalt  }
0x7e: {  	_ =	shalt  }
0x7f: {  	_ =	shalt  }
0x80: {  	_ =	shalt  }
0x81: {  	_ =	shalt  }
0x82: {  	_ =	shalt  }
0x83: {  	_ =	shalt  }
0x84: {  	_ =	shalt  }
0x85: {  	_ =	shalt  }
0x86: {  	_ =	shalt  }
0x87: {  	_ =	shalt  }
.Lfunc_end0:
.L_simem_size_0:
called_computation.2_lowered:
.L_overlay_start_0:
0x88: {  	s2 =	sld [smem:$0x3FD9]  }
0x89: {  	s3 =	sld [smem:$0x3FFE];
	_ =	sdelay $0x1  }
0x8a: {  	s1 =	srdreg.scid  }
0x8b: {  	s0 =	sand.u32 $0x1, s1  }
0x8c: {  	s17 =	sshll.u32 s0, $0xA;
	s2 =	sadd.s32 s3, s2  }
0x8d: {  	s2 =	sadd.s32 s2, s17  }
0x8e: {  	[smem:$0x3FBC] =	sst s2  }
0x8f: {  	_ = 	snop  }
0x90: {  	s2 =	sld [smem:$0x3FD0];
	(tm) =	ssettm $0x1  }
0x91: {  	s18 =	sld [smem:$0x3FFB];
	_ =	sdelay $0x3  }
0x92: {  	_ =	strace s18  }
0x93: {  	s3 =	sld [smem:$0x3FFC];
	_ =	sdelay $0x3  }
0x94: {  	_ =	strace s3  }
0x95: {  	s3 =	sld [smem:$0x3FFD];
	_ =	sdelay $0x3  }
0x96: {  	_ =	strace s3  }
0x97: {  	_ =	strace $0x8FFFFFFF  }
0x98: {  	s19 =	sld [smem:$0x3FDB];
	_ =	sdelay $0x1  }
0x99: {  	s4 =	simm.s32 $_scs_section_size  }
0x9a: {  	s5 =	simm.s32 $_size__tile_overlayer_lowered;
	s6 =	simm.s32 $_tile_overlayer_lowered  }
0x9b: {  	s22 =	simm.s32 $0x1BFF;
	s21 =	sshll.u32 s6, $0x1;
	s3 =	sadd.s32 s4, s19  }
0x9c: {  	s7 =	simm.s32 $0x0;
	s20 =	sshll.u32 s5, $0x1;
	s5 =	sadd.s32 s21, s3  }
0x9d: {  	[timem:s7], [sflag:s22] =	dma.local [hbm:s5], s20  }
0x9e: {  	_ =	swait.ge [sflag:s22], s20  }
0x9f: {  	s4 =	ssub.s32 $0x0, s20;
	[sflag:s22] =	ssyncset.done $0x0  }
0xa0: {  	[sflag:s22] =	ssyncadd.s32 s4;
	_ =	sdelay $0x1  }
0xa1: {  	s23 =	simm.s32 $0x1B8B  }
0xa2: {  	_ =	swait.ge [sflag:s23], $0x1  }
0xa3: {  	[sflag:s23] =	ssyncset.done $0x0  }
0xa4: {  	s25 =	simm.s32 $0x1B8E;
	s24 =	sld [smem:$0x3FFE];
	[sflag:s23] =	ssyncadd.s32 $0xFFFFFFFF  }
0xa5: {  	s26 =	simm.s32 $execute0_lowered;
	[smem:$0x3FD2] =	sst s25  }
0xa6: {  	s5 =	sshll.u32 s26, $0x1;
	_ =	strace $0x8000004C;
	[dreg:$0x1] =	wrdreg $0xFFFFFFFF  }
0xa7: {  	s28 =	simm.s32 $_size_execute0_lowered;
	s3 =	sadd.s32 s3, s5;
	[dreg:$0x0] =	wrdreg $0x0  }
0xa8: {  	s5 =	sshll.u32 s28, $0x1;
	[dreg:$0x2] =	wrdreg s3  }
0xa9: {  	[dreg:$0x3] =	wrdreg s5  }
0xaa: {  	[dreg:$0x4] =	wrdreg $0xC0  }
0xab: {  	_ =	task [dreg:s7], $0x5FFFF  }
0xac: {  	[dreg:$0x1] =	wrdreg $0xFFFFFFFF  }
0xad: {  	[dreg:$0x0] =	wrdreg $0x60  }
0xae: {  	[dreg:$0x2] =	wrdreg s2  }
0xaf: {  	[dreg:$0x3] =	wrdreg s24  }
0xb0: {  	[dreg:$0x4] =	wrdreg $0xBC000  }
0xb1: {  	[dreg:$0x5] =	wrdreg $0x9  }
0xb2: {  	_ =	task.clear_ibuf [dreg:s7], $0x6FFFF;
	_ =	strace $0x9000004C  }
0xb3: {  	s29 =	simm.s32 $0x9;
	_ =	strace $0x8000004E  }
0xb4: {  	_ =	swait.ge [sflag:s29], $0x1  }
0xb5: {  	[sflag:s29] =	ssyncadd.s32 $0xFFFFFFFF  }
0xb6: {  	_ =	strace $0x9000004E  }
0xb7: {  	_ =	sfence  }
0xb8: {  	s30 =	sld [smem:$0x0];
	_ =	sdelay $0x2  }
0xb9: {  	s31 =	sshll.u32 s1, $0xD;
	s1 =	sshrl.u32 s1, $0x2  }
0xba: {  	s3 =	sand.u32 $0x4000, s31;
	s1 =	sadd.s32 s1, s30  }
0xbb: {  	s0 =	sor.u32 s3, s0;
	s1 =	sshll.u32 s1, $0x11  }
0xbc: {  	s0 =	sor.u32 s1, s0  }
0xbd: {  	s0 =	sadd.s32 $0x8F2B, s0  }
0xbe: {  	[sflag:s0] =	ssyncadd.remote.s32 $0x1  }
0xbf: {  	_ =	sfence.sel $0xFFFF  }
0xc0: {  	[dreg:$0x0] =	wrdreg $0xFFFFFFFF;
	(pc) =	sbr.abs _section_cstart, $3  }
0xc1: {  	[dreg:$0x1] =	wrdreg $0xFFFFFFFF  }
0xc2: {  	_ =	task.clear_ibuf [dreg:s7], $0x2FFFF;
	_ =	strace $0x9FFFFFFF  }
0xc3: {  	(tm) =	ssettm $0x7FFFFFFF  }
tec
execute0_lowered:
.L_overlay_start_1:
0x0: {  	(tag) =	ssettag $0x1  }
0x1: {  	s0 =	srdreg.scid;
	s1 =	rddreg [dreg:$0x0]  }
0x2: {  	s9 =	stileid.u32;
	s5 =	rddreg [dreg:$0x1]  }
0x3: {  	s3 =	rddreg [dreg:$0x2];
	s6 =	smul.u32 $0x2800, s9  }
0x4: {  	s4 =	simm.s32 $0x0;
	s14 =	simm.s32 $0x5;
	s8 =	smul.u32 $0x5000, s9  }
0x5: {  	s15 =	simm.s32 $0x1400;
	s16 =	simm.s32 $0x40;
	s18 =	smul.u32 $0x14000, s9  }
0x6: {  	s28 =	simm.s32 $0x3A00;
	s0 =	sand.u32 $0x1, s0;
	s21 =	smul.u32 $0x50000, s9  }
0x7: {  	s29 =	simm.s32 $0x3A80;
	s30 =	simm.s32 $0x3B00;
	s2 =	smul.u32 $0x28000, s0  }
0x8: {  	s31 =	simm.s32 $0x3B80;
	[smem:$0x7FF] =	sst s4;
	s7 =	smul.u32 $0x50000, s0  }
0x9: {  	s24 =	sshll.u32 s9, $0x6;
	s19 =	smul.u32 $0x140000, s0;
	s0 =	ssub.s32 $0x2, s0  }
0xa: {  	_ =	strace $0x8000004D;
	s20 =	sshrl.u32 s18, $0x3;
	s22 =	sshrl.u32 s0, $0x1  }
0xb: {  	s2 =	sadd.s32 s6, s2;
	s17 =	sadd.s32 s8, s7;
	s7 =	sadd.s32 s18, s19  }
0xc: {  	s8 =	sshrl.u32 s21, $0x2;
	s0 =	ssub.s32 s0, s22;
	s18 =	simm.s32 $0x5C00  }
0xd: {  	s19 =	simm.s32 $0x80;
	s21 =	simm.s32 $0xC0;
	s22 =	simm.s32 $0x9C00  }
0xe: {  	s2 =	sshrl.u32 s2, $0x3;
	s6 =	sshrl.u32 s17, $0x3;
	s7 =	sshrl.u32 s7, $0x3  }
0xf: {  	s23 =	sadd.s32 s8, s3;
	s12 =	smax.u32 s0, $0x1;
	s17 =	simm.s32 $0x3C00  }
0x10: {  	s2 =	sadd.s32 s2, s5;
	s10 =	sadd.s32 s6, s5;
	s6 =	sadd.s32 s20, s5  }
0x11: {  	s5 =	sadd.s32 s7, s5;
	s13 =	sshrl.u32 s23, $0x3;
	s20 =	simm.s32 $0x7C00  }
0x12: {  	s23 =	simm.s32 $0x1;
	s6 =	sadd.s32 $0x22800, s6;
	s25 =	sadd.s32 $0x4800, s2  }
0x13: {  	s26 =	sadd.s32 $0xE800, s10;
	s9 =	sadd.s32 $0x4A80, s2;
	[dreg:$0x4] =	wrdreg s6  }
0x14: {  	s10 =	sadd.s32 $0xED00, s10;
	s11 =	sadd.s32 $0x4A800, s5;
	[dreg:$0x5] =	wrdreg s25  }
0x15: {  	s2 =	simm.s32 $0x0;
	s6 =	sor.u32 $0x1C05, s24;
	[dreg:$0x6] =	wrdreg s26  }
0x16: {  	s24 =	simm.s32 $0x2;
	s25 =	simm.s32 $0x3;
	s26 =	simm.s32 $0x4  }
.LBB2_1:
0x17: {  	s0 =	rddreg [dreg:$0x4]  }
0x18: {  	[spmem:s13], [sflag:s6] =	dma.local [hbm:s0], $0x2800  }
0x19: {  	_ =	swait.ge [sflag:s14], $0x2800  }
0x1a: {  	[sflag:s14] =	ssyncset.done $0x0  }
0x1b: {  	[sflag:s14] =	ssyncadd.s32 $0xFFFFD800  }
0x1c: {  	[bflag:$0x0] =	sbarrier.arrive $0xFFFF  }
0x1d: {  	s5 =	rddreg [dreg:$0x5]  }
0x1e: {  	[tilespmem:s4], [sflag:$0x5] =	stream.linear.gather [hbm4b:s5+s4], $0x1400, $0x38;
	[tilespmem:$0x1FC00] =	vst v63  }
0x1f: {  	_ =	swait.ge [sflag:s14], $0x1400  }
0x20: {  	[sflag:s14] =	ssyncset.done $0x0  }
0x21: {  	s7 =	rddreg [dreg:$0x6];
	[sflag:s14] =	ssyncadd.s32 $0xFFFFEC00  }
0x22: {  	[tilespmem:s15], [sflag:$0x5] =	stream.linear.gather [hbm4b:s7+s4], $0x2800, $0x38;
	[tilespmem:$0x1FC00] =	vst v63  }
0x23: {  	_ =	swait.ge [sflag:s14], $0x2800  }
0x24: {  	[sflag:s14] =	ssyncset.done $0x0  }
0x25: {  	[sflag:s14] =	ssyncadd.s32 $0xFFFFD800  }
0x26: {  	[tilespmem:s17], [sflag:$0x1] =	stream.indirect.gather [hbm4b:s1+s16], $0x80, s4, s16, $0xb8;
	[tilespmem:$0x1FC00] =	vst v63  }
0x27: {  	_ = 	snop  }
0x28: {  	[tilespmem:s18], [sflag:$0x2] =	stream.indirect.gather [hbm4b:s1+s16], $0x80, s16, s16, $0xb8;
	[tilespmem:$0x1FC00] =	vst v63  }
0x29: {  	_ = 	snop  }
0x2a: {  	[tilespmem:s20], [sflag:$0x3] =	stream.indirect.gather [hbm4b:s1+s16], $0x80, s19, s16, $0xb8;
	[tilespmem:$0x1FC00] =	vst v63  }
0x2b: {  	_ = 	snop  }
0x2c: {  	[tilespmem:s22], [sflag:$0x4] =	stream.indirect.gather [hbm4b:s1+s16], $0x80, s21, s16, $0xb8;
	[tilespmem:$0x1FC00] =	vst v63  }
0x2d: {  	_ =	swait.ge [sflag:s23], $0x2000  }
0x2e: {  	[sflag:s23] =	ssyncset.done $0x0  }
0x2f: {  	s8 =	simm.s32 $0x1400;
	[sflag:s23] =	ssyncadd.s32 $0xFFFFE000  }
0x30: {  	[spmem:s3] =	stream.indirect.scatter.add.f32 [tilespmem:s17], [sflag:$0x5], $0x80, s8, s16, $0xb8;
	[tilespmem:$0x1FC00] =	vst v63  }
0x31: {  	_ =	swait.ge [sflag:s14], $0x2000  }
0x32: {  	[sflag:s14] =	ssyncset.done $0x0  }
0x33: {  	s5 =	simm.s32 $0x100;
	[sflag:s14] =	ssyncadd.s32 $0xFFFFE000  }
0x34: {  	[tilespmem:s17], [sflag:$0x1] =	stream.indirect.gather [hbm4b:s1+s16], $0x80, s5, s16, $0xb8;
	[tilespmem:$0x1FC00] =	vst v63  }
0x35: {  	_ =	swait.ge [sflag:s24], $0x2000  }
0x36: {  	[sflag:s24] =	ssyncset.done $0x0  }
0x37: {  	s7 =	simm.s32 $0x1480;
	[sflag:s24] =	ssyncadd.s32 $0xFFFFE000  }
0x38: {  	[spmem:s3] =	stream.indirect.scatter.add.f32 [tilespmem:s18], [sflag:$0x5], $0x80, s7, s16, $0xb8;
	[tilespmem:$0x1FC00] =	vst v63  }
0x39: {  	_ =	swait.ge [sflag:s14], $0x2000  }
0x3a: {  	[sflag:s14] =	ssyncset.done $0x0  }
0x3b: {  	s8 =	simm.s32 $0x140;
	[sflag:s14] =	ssyncadd.s32 $0xFFFFE000  }
0x3c: {  	[tilespmem:s18], [sflag:$0x2] =	stream.indirect.gather [hbm4b:s1+s16], $0x80, s8, s16, $0xb8;
	[tilespmem:$0x1FC00] =	vst v63  }
0x3d: {  	_ =	swait.ge [sflag:s25], $0x2000  }
0x3e: {  	[sflag:s25] =	ssyncset.done $0x0  }
0x3f: {  	s5 =	simm.s32 $0x1500;
	[sflag:s25] =	ssyncadd.s32 $0xFFFFE000  }
0x40: {  	[spmem:s3] =	stream.indirect.scatter.add.f32 [tilespmem:s20], [sflag:$0x5], $0x80, s5, s16, $0xb8;
	[tilespmem:$0x1FC00] =	vst v63  }
0x41: {  	_ =	swait.ge [sflag:s14], $0x2000  }
0x42: {  	[sflag:s14] =	ssyncset.done $0x0  }
0x43: {  	s7 =	simm.s32 $0x180;
	[sflag:s14] =	ssyncadd.s32 $0xFFFFE000  }
0x44: {  	[tilespmem:s20], [sflag:$0x3] =	stream.indirect.gather [hbm4b:s1+s16], $0x80, s7, s16, $0xb8;
	[tilespmem:$0x1FC00] =	vst v63  }
0x45: {  	_ =	swait.ge [sflag:s26], $0x2000  }
0x46: {  	[sflag:s26] =	ssyncset.done $0x0  }
0x47: {  	s8 =	simm.s32 $0x1580;
	[sflag:s26] =	ssyncadd.s32 $0xFFFFE000  }
0x48: {  	[spmem:s3] =	stream.indirect.scatter.add.f32 [tilespmem:s22], [sflag:$0x5], $0x80, s8, s16, $0xb8;
	[tilespmem:$0x1FC00] =	vst v63  }
0x49: {  	_ =	swait.ge [sflag:s14], $0x2000  }
0x4a: {  	s0 =	simm.s32 $0x800;
	[sflag:s14] =	ssyncset.done $0x0  }
0x4b: {  	s5 =	simm.s32 $0x200;
	s7 =	simm.s32 $0x1C0;
	[sflag:s14] =	ssyncadd.s32 $0xFFFFE000  }
.LBB2_2:
0x4c: {  	[tilespmem:s22], [sflag:$0x4] =	stream.indirect.gather [hbm4b:s1+s16], $0x80, s7, s16, $0xb8;
	[tilespmem:$0x1FC00] =	vst v63  }
0x4d: {  	s7 =	smov.u32 s0  }
0x4e: {  	p0 =	sne.s32 s0, $0x9000;
	s0 =	sadd.s32 $0x800, s0;
	_ =	swait.ge [sflag:s23], $0x2000  }
0x4f: {  	s7 =	sshra.s32 s7, $0x2;
	[sflag:s23] =	ssyncset.done $0x0  }
0x50: {  	s8 =	sadd.s32 $0x1400, s7;
	[sflag:s23] =	ssyncadd.s32 $0xFFFFE000  }
0x51: {  	[spmem:s3] =	stream.indirect.scatter.add.f32 [tilespmem:s17], [sflag:$0x5], $0x80, s8, s16, $0xb8;
	[tilespmem:$0x1FC00] =	vst v63  }
0x52: {  	_ =	swait.ge [sflag:s14], $0x2000  }
0x53: {  	[sflag:s14] =	ssyncset.done $0x0  }
0x54: {  	[sflag:s14] =	ssyncadd.s32 $0xFFFFE000  }
0x55: {  	[tilespmem:s17], [sflag:$0x1] =	stream.indirect.gather [hbm4b:s1+s16], $0x80, s5, s16, $0xb8;
	[tilespmem:$0x1FC00] =	vst v63  }
0x56: {  	_ =	swait.ge [sflag:s24], $0x2000  }
0x57: {  	[sflag:s24] =	ssyncset.done $0x0  }
0x58: {  	s8 =	sadd.s32 $0x1480, s7;
	[sflag:s24] =	ssyncadd.s32 $0xFFFFE000  }
0x59: {  	[spmem:s3] =	stream.indirect.scatter.add.f32 [tilespmem:s18], [sflag:$0x5], $0x80, s8, s16, $0xb8;
	[tilespmem:$0x1FC00] =	vst v63  }
0x5a: {  	_ =	swait.ge [sflag:s14], $0x2000  }
0x5b: {  	[sflag:s14] =	ssyncset.done $0x0  }
0x5c: {  	s8 =	sadd.s32 $0x40, s5;
	[sflag:s14] =	ssyncadd.s32 $0xFFFFE000  }
0x5d: {  	[tilespmem:s18], [sflag:$0x2] =	stream.indirect.gather [hbm4b:s1+s16], $0x80, s8, s16, $0xb8;
	[tilespmem:$0x1FC00] =	vst v63  }
0x5e: {  	_ =	swait.ge [sflag:s25], $0x2000  }
0x5f: {  	[sflag:s25] =	ssyncset.done $0x0  }
0x60: {  	s8 =	sadd.s32 $0x1500, s7;
	[sflag:s25] =	ssyncadd.s32 $0xFFFFE000  }
0x61: {  	[spmem:s3] =	stream.indirect.scatter.add.f32 [tilespmem:s20], [sflag:$0x5], $0x80, s8, s16, $0xb8;
	[tilespmem:$0x1FC00] =	vst v63  }
0x62: {  	_ =	swait.ge [sflag:s14], $0x2000  }
0x63: {  	[sflag:s14] =	ssyncset.done $0x0  }
0x64: {  	s8 =	sadd.s32 $0x80, s5;
	[sflag:s14] =	ssyncadd.s32 $0xFFFFE000  }
0x65: {  	[tilespmem:s20], [sflag:$0x3] =	stream.indirect.gather [hbm4b:s1+s16], $0x80, s8, s16, $0xb8;
	[tilespmem:$0x1FC00] =	vst v63  }
0x66: {  	_ =	swait.ge [sflag:s26], $0x2000  }
0x67: {  	[sflag:s26] =	ssyncset.done $0x0  }
.Ltmp0:
0x68: {  	s7 =	sadd.s32 $0x1580, s7;
	[sflag:s26] =	ssyncadd.s32 $0xFFFFE000;
	(pc) =	sbr.rel @p0 .LBB2_2-.Ltmp0, $4  }
0x69: {  	[spmem:s3] =	stream.indirect.scatter.add.f32 [tilespmem:s22], [sflag:$0x5], $0x80, s7, s16, $0xb8;
	[tilespmem:$0x1FC00] =	vst v63  }
0x6a: {  	_ =	swait.ge [sflag:s14], $0x2000  }
0x6b: {  	[sflag:s14] =	ssyncset.done $0x0  }
0x6c: {  	s7 =	sadd.s32 $0xC0, s5;
	s5 =	sadd.s32 $0x100, s5;
	[sflag:s14] =	ssyncadd.s32 $0xFFFFE000  }
0x6d: {  	[tilespmem:s22], [sflag:$0x4] =	stream.indirect.gather [hbm4b:s1+s16], $0x80, s7, s16, $0xb8;
	[tilespmem:$0x1FC00] =	vst v63  }
0x6e: {  	_ =	swait.ge [sflag:s23], $0x2000  }
0x6f: {  	[sflag:s23] =	ssyncset.done $0x0  }
0x70: {  	[sflag:s23] =	ssyncadd.s32 $0xFFFFE000  }
0x71: {  	[spmem:s3] =	stream.indirect.scatter.add.f32 [tilespmem:s17], [sflag:$0x5], $0x80, s28, s16, $0xb8;
	[tilespmem:$0x1FC00] =	vst v63  }
0x72: {  	_ =	swait.ge [sflag:s14], $0x2000  }
0x73: {  	[sflag:s14] =	ssyncset.done $0x0  }
0x74: {  	[sflag:s14] =	ssyncadd.s32 $0xFFFFE000  }
0x75: {  	_ =	swait.ge [sflag:s24], $0x2000  }
0x76: {  	[sflag:s24] =	ssyncset.done $0x0  }
0x77: {  	[sflag:s24] =	ssyncadd.s32 $0xFFFFE000  }
0x78: {  	[spmem:s3] =	stream.indirect.scatter.add.f32 [tilespmem:s18], [sflag:$0x5], $0x80, s29, s16, $0xb8;
	[tilespmem:$0x1FC00] =	vst v63  }
0x79: {  	_ =	swait.ge [sflag:s14], $0x2000  }
0x7a: {  	[sflag:s14] =	ssyncset.done $0x0  }
0x7b: {  	[sflag:s14] =	ssyncadd.s32 $0xFFFFE000  }
0x7c: {  	_ =	swait.ge [sflag:s25], $0x2000  }
0x7d: {  	[sflag:s25] =	ssyncset.done $0x0  }
0x7e: {  	[sflag:s25] =	ssyncadd.s32 $0xFFFFE000  }
0x7f: {  	[spmem:s3] =	stream.indirect.scatter.add.f32 [tilespmem:s20], [sflag:$0x5], $0x80, s30, s16, $0xb8;
	[tilespmem:$0x1FC00] =	vst v63  }
0x80: {  	_ =	swait.ge [sflag:s14], $0x2000  }
0x81: {  	[sflag:s14] =	ssyncset.done $0x0  }
0x82: {  	[sflag:s14] =	ssyncadd.s32 $0xFFFFE000  }
0x83: {  	_ =	swait.ge [sflag:s26], $0x2000  }
0x84: {  	[sflag:s26] =	ssyncset.done $0x0  }
0x85: {  	[sflag:s26] =	ssyncadd.s32 $0xFFFFE000  }
0x86: {  	[spmem:s3] =	stream.indirect.scatter.add.f32 [tilespmem:s22], [sflag:$0x5], $0x80, s31, s16, $0xb8;
	[tilespmem:$0x1FC00] =	vst v63  }
0x87: {  	_ =	swait.ge [sflag:s14], $0x2000  }
0x88: {  	[sflag:s14] =	ssyncset.done $0x0  }
0x89: {  	s0 =	simm.s32 $0x0;
	[sflag:s14] =	ssyncadd.s32 $0xFFFFE000  }
0x8a: {  	[tilespmem:s0], [sflag:$0x5] =	stream.linear.gather [hbm4b:s9+s0], $0x1400, $0x38;
	[tilespmem:$0x1FC00] =	vst v63  }
0x8b: {  	_ =	swait.ge [sflag:s14], $0x1400  }
0x8c: {  	[sflag:s14] =	ssyncset.done $0x0  }
0x8d: {  	[sflag:s14] =	ssyncadd.s32 $0xFFFFEC00  }
0x8e: {  	[tilespmem:s15], [sflag:$0x5] =	stream.linear.gather [hbm4b:s10+s0], $0x2800, $0x38;
	[tilespmem:$0x1FC00] =	vst v63  }
0x8f: {  	_ =	swait.ge [sflag:s14], $0x2800  }
0x90: {  	[sflag:s14] =	ssyncset.done $0x0  }
0x91: {  	[sflag:s14] =	ssyncadd.s32 $0xFFFFD800  }
0x92: {  	[tilespmem:s17], [sflag:$0x1] =	stream.indirect.gather [hbm4b:s1+s16], $0x80, s0, s16, $0xb8;
	[tilespmem:$0x1FC00] =	vst v63  }
0x93: {  	_ = 	snop  }
0x94: {  	[tilespmem:s18], [sflag:$0x2] =	stream.indirect.gather [hbm4b:s1+s16], $0x80, s16, s16, $0xb8;
	[tilespmem:$0x1FC00] =	vst v63  }
0x95: {  	_ = 	snop  }
0x96: {  	[tilespmem:s20], [sflag:$0x3] =	stream.indirect.gather [hbm4b:s1+s16], $0x80, s19, s16, $0xb8;
	[tilespmem:$0x1FC00] =	vst v63  }
0x97: {  	_ = 	snop  }
0x98: {  	[tilespmem:s22], [sflag:$0x4] =	stream.indirect.gather [hbm4b:s1+s16], $0x80, s21, s16, $0xb8;
	[tilespmem:$0x1FC00] =	vst v63  }
0x99: {  	_ =	swait.ge [sflag:s23], $0x2000  }
0x9a: {  	[sflag:s23] =	ssyncset.done $0x0  }
0x9b: {  	s8 =	simm.s32 $0x1400;
	[sflag:s23] =	ssyncadd.s32 $0xFFFFE000  }
0x9c: {  	[spmem:s3] =	stream.indirect.scatter.add.f32 [tilespmem:s17], [sflag:$0x5], $0x80, s8, s16, $0xb8;
	[tilespmem:$0x1FC00] =	vst v63  }
0x9d: {  	_ =	swait.ge [sflag:s14], $0x2000  }
0x9e: {  	[sflag:s14] =	ssyncset.done $0x0  }
0x9f: {  	s5 =	simm.s32 $0x100;
	[sflag:s14] =	ssyncadd.s32 $0xFFFFE000  }
0xa0: {  	[tilespmem:s17], [sflag:$0x1] =	stream.indirect.gather [hbm4b:s1+s16], $0x80, s5, s16, $0xb8;
	[tilespmem:$0x1FC00] =	vst v63  }
0xa1: {  	_ =	swait.ge [sflag:s24], $0x2000  }
0xa2: {  	[sflag:s24] =	ssyncset.done $0x0  }
0xa3: {  	s7 =	simm.s32 $0x1480;
	[sflag:s24] =	ssyncadd.s32 $0xFFFFE000  }
0xa4: {  	[spmem:s3] =	stream.indirect.scatter.add.f32 [tilespmem:s18], [sflag:$0x5], $0x80, s7, s16, $0xb8;
	[tilespmem:$0x1FC00] =	vst v63  }
0xa5: {  	_ =	swait.ge [sflag:s14], $0x2000  }
0xa6: {  	[sflag:s14] =	ssyncset.done $0x0  }
0xa7: {  	s8 =	simm.s32 $0x140;
	[sflag:s14] =	ssyncadd.s32 $0xFFFFE000  }
0xa8: {  	[tilespmem:s18], [sflag:$0x2] =	stream.indirect.gather [hbm4b:s1+s16], $0x80, s8, s16, $0xb8;
	[tilespmem:$0x1FC00] =	vst v63  }
0xa9: {  	_ =	swait.ge [sflag:s25], $0x2000  }
0xaa: {  	[sflag:s25] =	ssyncset.done $0x0  }
0xab: {  	s5 =	simm.s32 $0x1500;
	[sflag:s25] =	ssyncadd.s32 $0xFFFFE000  }
0xac: {  	[spmem:s3] =	stream.indirect.scatter.add.f32 [tilespmem:s20], [sflag:$0x5], $0x80, s5, s16, $0xb8;
	[tilespmem:$0x1FC00] =	vst v63  }
0xad: {  	_ =	swait.ge [sflag:s14], $0x2000  }
0xae: {  	[sflag:s14] =	ssyncset.done $0x0  }
0xaf: {  	s7 =	simm.s32 $0x180;
	[sflag:s14] =	ssyncadd.s32 $0xFFFFE000  }
0xb0: {  	[tilespmem:s20], [sflag:$0x3] =	stream.indirect.gather [hbm4b:s1+s16], $0x80, s7, s16, $0xb8;
	[tilespmem:$0x1FC00] =	vst v63  }
0xb1: {  	_ =	swait.ge [sflag:s26], $0x2000  }
0xb2: {  	[sflag:s26] =	ssyncset.done $0x0  }
0xb3: {  	s8 =	simm.s32 $0x1580;
	[sflag:s26] =	ssyncadd.s32 $0xFFFFE000  }
0xb4: {  	[spmem:s3] =	stream.indirect.scatter.add.f32 [tilespmem:s22], [sflag:$0x5], $0x80, s8, s16, $0xb8;
	[tilespmem:$0x1FC00] =	vst v63  }
0xb5: {  	_ =	swait.ge [sflag:s14], $0x2000  }
0xb6: {  	s0 =	simm.s32 $0x800;
	[sflag:s14] =	ssyncset.done $0x0  }
0xb7: {  	s5 =	simm.s32 $0x200;
	s7 =	simm.s32 $0x1C0;
	[sflag:s14] =	ssyncadd.s32 $0xFFFFE000  }
.LBB2_4:
0xb8: {  	[tilespmem:s22], [sflag:$0x4] =	stream.indirect.gather [hbm4b:s1+s16], $0x80, s7, s16, $0xb8;
	[tilespmem:$0x1FC00] =	vst v63  }
0xb9: {  	s7 =	smov.u32 s0  }
0xba: {  	p0 =	sne.s32 s0, $0x9000;
	s0 =	sadd.s32 $0x800, s0;
	_ =	swait.ge [sflag:s23], $0x2000  }
0xbb: {  	s7 =	sshra.s32 s7, $0x2;
	[sflag:s23] =	ssyncset.done $0x0  }
0xbc: {  	s8 =	sadd.s32 $0x1400, s7;
	[sflag:s23] =	ssyncadd.s32 $0xFFFFE000  }
0xbd: {  	[spmem:s3] =	stream.indirect.scatter.add.f32 [tilespmem:s17], [sflag:$0x5], $0x80, s8, s16, $0xb8;
	[tilespmem:$0x1FC00] =	vst v63  }
0xbe: {  	_ =	swait.ge [sflag:s14], $0x2000  }
0xbf: {  	[sflag:s14] =	ssyncset.done $0x0  }
0xc0: {  	[sflag:s14] =	ssyncadd.s32 $0xFFFFE000  }
0xc1: {  	[tilespmem:s17], [sflag:$0x1] =	stream.indirect.gather [hbm4b:s1+s16], $0x80, s5, s16, $0xb8;
	[tilespmem:$0x1FC00] =	vst v63  }
0xc2: {  	_ =	swait.ge [sflag:s24], $0x2000  }
0xc3: {  	[sflag:s24] =	ssyncset.done $0x0  }
0xc4: {  	s8 =	sadd.s32 $0x1480, s7;
	[sflag:s24] =	ssyncadd.s32 $0xFFFFE000  }
0xc5: {  	[spmem:s3] =	stream.indirect.scatter.add.f32 [tilespmem:s18], [sflag:$0x5], $0x80, s8, s16, $0xb8;
	[tilespmem:$0x1FC00] =	vst v63  }
0xc6: {  	_ =	swait.ge [sflag:s14], $0x2000  }
0xc7: {  	[sflag:s14] =	ssyncset.done $0x0  }
0xc8: {  	s8 =	sadd.s32 $0x40, s5;
	[sflag:s14] =	ssyncadd.s32 $0xFFFFE000  }
0xc9: {  	[tilespmem:s18], [sflag:$0x2] =	stream.indirect.gather [hbm4b:s1+s16], $0x80, s8, s16, $0xb8;
	[tilespmem:$0x1FC00] =	vst v63  }
0xca: {  	_ =	swait.ge [sflag:s25], $0x2000  }
0xcb: {  	[sflag:s25] =	ssyncset.done $0x0  }
0xcc: {  	s8 =	sadd.s32 $0x1500, s7;
	[sflag:s25] =	ssyncadd.s32 $0xFFFFE000  }
0xcd: {  	[spmem:s3] =	stream.indirect.scatter.add.f32 [tilespmem:s20], [sflag:$0x5], $0x80, s8, s16, $0xb8;
	[tilespmem:$0x1FC00] =	vst v63  }
0xce: {  	_ =	swait.ge [sflag:s14], $0x2000  }
0xcf: {  	[sflag:s14] =	ssyncset.done $0x0  }
0xd0: {  	s8 =	sadd.s32 $0x80, s5;
	[sflag:s14] =	ssyncadd.s32 $0xFFFFE000  }
0xd1: {  	[tilespmem:s20], [sflag:$0x3] =	stream.indirect.gather [hbm4b:s1+s16], $0x80, s8, s16, $0xb8;
	[tilespmem:$0x1FC00] =	vst v63  }
0xd2: {  	_ =	swait.ge [sflag:s26], $0x2000  }
0xd3: {  	[sflag:s26] =	ssyncset.done $0x0  }
.Ltmp1:
0xd4: {  	s7 =	sadd.s32 $0x1580, s7;
	[sflag:s26] =	ssyncadd.s32 $0xFFFFE000;
	(pc) =	sbr.rel @p0 .LBB2_4-.Ltmp1, $4  }
0xd5: {  	[spmem:s3] =	stream.indirect.scatter.add.f32 [tilespmem:s22], [sflag:$0x5], $0x80, s7, s16, $0xb8;
	[tilespmem:$0x1FC00] =	vst v63  }
0xd6: {  	_ =	swait.ge [sflag:s14], $0x2000  }
0xd7: {  	[sflag:s14] =	ssyncset.done $0x0  }
0xd8: {  	s7 =	sadd.s32 $0xC0, s5;
	s5 =	sadd.s32 $0x100, s5;
	[sflag:s14] =	ssyncadd.s32 $0xFFFFE000  }
0xd9: {  	[tilespmem:s22], [sflag:$0x4] =	stream.indirect.gather [hbm4b:s1+s16], $0x80, s7, s16, $0xb8;
	[tilespmem:$0x1FC00] =	vst v63  }
0xda: {  	_ =	swait.ge [sflag:s23], $0x2000  }
0xdb: {  	[sflag:s23] =	ssyncset.done $0x0  }
0xdc: {  	[sflag:s23] =	ssyncadd.s32 $0xFFFFE000  }
0xdd: {  	[spmem:s3] =	stream.indirect.scatter.add.f32 [tilespmem:s17], [sflag:$0x5], $0x80, s28, s16, $0xb8;
	[tilespmem:$0x1FC00] =	vst v63  }
0xde: {  	_ =	swait.ge [sflag:s14], $0x2000  }
0xdf: {  	[sflag:s14] =	ssyncset.done $0x0  }
0xe0: {  	[sflag:s14] =	ssyncadd.s32 $0xFFFFE000  }
0xe1: {  	_ =	swait.ge [sflag:s24], $0x2000  }
0xe2: {  	[sflag:s24] =	ssyncset.done $0x0  }
0xe3: {  	[sflag:s24] =	ssyncadd.s32 $0xFFFFE000  }
0xe4: {  	[spmem:s3] =	stream.indirect.scatter.add.f32 [tilespmem:s18], [sflag:$0x5], $0x80, s29, s16, $0xb8;
	[tilespmem:$0x1FC00] =	vst v63  }
0xe5: {  	_ =	swait.ge [sflag:s14], $0x2000  }
0xe6: {  	[sflag:s14] =	ssyncset.done $0x0  }
0xe7: {  	[sflag:s14] =	ssyncadd.s32 $0xFFFFE000  }
0xe8: {  	_ =	swait.ge [sflag:s25], $0x2000  }
0xe9: {  	[sflag:s25] =	ssyncset.done $0x0  }
0xea: {  	[sflag:s25] =	ssyncadd.s32 $0xFFFFE000  }
0xeb: {  	[spmem:s3] =	stream.indirect.scatter.add.f32 [tilespmem:s20], [sflag:$0x5], $0x80, s30, s16, $0xb8;
	[tilespmem:$0x1FC00] =	vst v63  }
0xec: {  	_ =	swait.ge [sflag:s14], $0x2000  }
0xed: {  	[sflag:s14] =	ssyncset.done $0x0  }
0xee: {  	[sflag:s14] =	ssyncadd.s32 $0xFFFFE000  }
0xef: {  	_ =	swait.ge [sflag:s26], $0x2000  }
0xf0: {  	[sflag:s26] =	ssyncset.done $0x0  }
0xf1: {  	[sflag:s26] =	ssyncadd.s32 $0xFFFFE000  }
0xf2: {  	[spmem:s3] =	stream.indirect.scatter.add.f32 [tilespmem:s22], [sflag:$0x5], $0x80, s31, s16, $0xb8;
	[tilespmem:$0x1FC00] =	vst v63  }
0xf3: {  	_ =	swait.ge [sflag:s14], $0x2000  }
0xf4: {  	s2 =	sadd.s32 $0x1, s2;
	[sflag:s14] =	ssyncset.done $0x0  }
0xf5: {  	p0 =	sne.s32 s2, s12;
	[sflag:s14] =	ssyncadd.s32 $0xFFFFE000  }
.Ltmp2:
0xf6: {  	[bflag:$0x0] =	sbarrier.arrive $0xFFFF;
	(pc) =	sbr.rel @p0 .LBB2_1-.Ltmp2, $4  }
0xf7: {  	[hbm:s11], [sflag:s6] =	dma.local [spmem:s13], $0x2800  }
0xf8: {  	_ =	swait.ge [sflag:s14], $0x2800  }
0xf9: {  	[sflag:s14] =	ssyncset.done $0x0  }
0xfa: {  	[sflag:s14] =	ssyncadd.s32 $0xFFFFD800  }
0xfb: {  	_ =	sfence.sel $0x180000  }
0xfc: {  	[bflag:$0x0] =	sbarrier.arrive $0xFFFF  }
0xfd: {  	_ =	strace $0x9000004D  }
0xfe: {  	s0 =	stileid.u32;
	[bflag:$0x2] =	sbarrier.arrive $0xFFFF  }
0xff: {  	p0 =	sne.s32 s0, $0x0;
	s0 =	rddreg [dreg:$0x3]  }
0x100: {  	s0 =	sadd.s32 @!p0 $0x100000, s0  }
0x101: {  	[sflag:s0] =	ssyncadd.tile.s32 @!p0 $0x1;
	_ =	shalt  }
.Lfunc_end2:
_tile_overlayer_lowered:
.L_overlay_start_2:
0x102: {  	(tag) =	ssettag $0x2  }
0x103: {  	s0 =	rddreg [dreg:$0x0];
	s2 =	stileid.u32  }
0x104: {  	s1 =	rddreg [dreg:$0x1];
	p0 =	sne.s32 s2, $0x0  }
0x105: {  	s3 =	rddreg [dreg:$0x2];
	[bflag:$0x3] =	sbarrier.arrive $0xFFFF;
	s2 =	simm.s32 @!p0 $0x1C05  }
0x106: {  	[timem:s3], [sflag:s2] =	dma.local @!p0 [hbm:s0], s1  }
0x107: {  	s0 =	simm.s32 @!p0 $0x5  }
0x108: {  	_ =	swait.ge @!p0 [sflag:s0], s1  }
0x109: {  	s1 =	ssub.s32 @!p0 $0x0, s1;
	[sflag:s0] =	ssyncset.done @!p0 $0x0  }
0x10a: {  	[sflag:s0] =	ssyncadd.s32 @!p0 s1  }
0x10b: {  	[bflag:$0x3] =	sbarrier.arrive $0xFFFF  }
0x10c: {  	_ =	shalt  }

// kernel: kernel.19.cloned.1.call-start
scs
__scs_entry_jumppad:
0x0: {  	(pc) =	sbr.rel $0x88, $3  }
0x1: {  	(tag) =	ssettag $0x0;
	lr =	simm.s32 $0x1  }
0x2: {  	[smem:$0x3F95] =	sst lr;
	_ =	strace $0xD0000000  }
0x3: {  	_ = 	snop  }
0x4: {  	_ = 	snop  }
0x5: {  	_ = 	snop  }
0x6: {  	_ = 	snop  }
0x7: {  	_ = 	snop  }
__scs_overlays_trampoline_lowered:
0x8: {  	[smem:$0x3FA4] =	sst s0  }
0x9: {  	[smem:$0x3FA5] =	sst s1  }
0xa: {  	[smem:$0x3FA6] =	sst s2  }
0xb: {  	[smem:$0x3FA7] =	sst s3  }
0xc: {  	[smem:$0x3FA8] =	sst s4  }
0xd: {  	[smem:$0x3FA9] =	sst s5  }
0xe: {  	[smem:$0x3FAA] =	sst s6  }
0xf: {  	[smem:$0x3FAB] =	sst s7  }
0x10: {  	[smem:$0x3FAC] =	sst s8  }
0x11: {  	[smem:$0x3FAD] =	sst s9;
	s0 =	simm.s32 @!p0 $0x0  }
0x12: {  	s1 =	sld [smem:$0x3F93];
	s0 =	simm.s32 @p0 $0x1  }
0x13: {  	[smem:$0x3FAE] =	sst s0;
	s0 =	simm.s32 @!p1 $0x0  }
0x14: {  	s2 =	sld [smem:$0x3F92];
	s0 =	simm.s32 @p1 $0x1  }
0x15: {  	[smem:$0x3FAF] =	sst s0;
	s0 =	simm.s32 @!p2 $0x0  }
0x16: {  	s3 =	sld [smem:$0x3FDB];
	s0 =	simm.s32 @p2 $0x1  }
0x17: {  	s4 =	simm.s32 $0x1BF5;
	[smem:$0x3FB1] =	sst s0  }
0x18: {  	s0 =	sld [smem:$0x3F94];
	_ =	swait.ge [sflag:s4], $0x0  }
0x19: {  	s7 =	sld [smem:$0x3F95]  }
0x1a: {  	s8 =	sadd.s32 $0xFFFFE003, lr  }
0x1b: {  	s9 =	sadd.s32 $0xFFFFFEF7, lr;
	s5 =	simm.s32 $0xFFFFFFFF;
	p2 =	slt.u32 s8, $0xFFFFF086  }
0x1c: {  	p1 =	slt.u32 s9, $0xF7A;
	s5 =	simm.s32 @!p2 $0x0  }
0x1d: {  	s5 =	simm.s32 @p1 $0x1;
	p0 =	seq.s32 s7, s2  }
0x1e: {  	s7 =	smul.u32 @!p0 $0xF7A, s2;
	p2 =	seq.s32 @!p0 s5, $0x0  }
0x1f: {  	s9 =	smul.u32 $0xF7A, s1;
	s8 =	simm.s32 @!p0 $0x1BF5;
	p2 =	por !p2, p0  }
0x20: {  	[sflag:s8] =	ssyncset.s32 @!p0 $0xFFFFF086;
	s6 =	sadd.s32 @!p0 s3, s7;
	s7 =	simm.s32 @!p0 $0x108  }
0x21: {  	s3 =	sadd.s32 s3, s9;
	s6 =	sadd.s32 @!p0 $0x88, s6;
	s7 =	simm.s32 @p2 $0x1082  }
0x22: {  	[simem:s7], [sflag:s8] =	dma.local @!p0 [hbm:s6], $0xF7A  }
0x23: {  	s9 =	sor.u32 $0xD0000000, s2;
	s6 =	simm.s32 $0x108;
	_ =	swait.ge @!p0 [sflag:s8], $0x0  }
0x24: {  	s3 =	sadd.s32 $0x88, s3;
	s6 =	simm.s32 @!p1 $0x1082;
	[sflag:s4] =	ssyncset.s32 $0xFFFFF086  }
0x25: {  	[simem:s6], [sflag:s4] =	dma.local [hbm:s3], $0xF7A  }
0x26: {  	[smem:$0x3F95] =	sst s1;
	(tag) =	ssettag s2;
	_ =	strace s9  }
0x27: {  	s1 =	sld [smem:$0x3FA5]  }
0x28: {  	s2 =	sld [smem:$0x3FA6]  }
0x29: {  	s4 =	sld [smem:$0x3FA8]  }
0x2a: {  	p0 =	seq.s32 s5, $0x0;
	s5 =	sld [smem:$0x3FA9]  }
0x2b: {  	s6 =	sld [smem:$0x3FAA]  }
0x2c: {  	s7 =	sld [smem:$0x3FAB]  }
0x2d: {  	s3 =	simm.s32 $0x108;
	s8 =	sld [smem:$0x3FAC]  }
0x2e: {  	s3 =	simm.s32 @!p0 $0x1082;
	s9 =	sld [smem:$0x3FAD]  }
0x2f: {  	lr =	sadd.s32 s0, s3;
	s0 =	sld [smem:$0x3FA4]  }
0x30: {  	s3 =	sld [smem:$0x3FA7]  }
0x31: {  	[smem:$0x3FB0] =	sst s10  }
0x32: {  	s10 =	sld [smem:$0x3FAE];
	_ =	sdelay $0x3  }
0x33: {  	p0 =	seq.s32 s10, $0x1;
	s10 =	sld [smem:$0x3FB0];
	_ =	sdelay $0x3  }
0x34: {  	[smem:$0x3FB0] =	sst s10  }
0x35: {  	s10 =	sld [smem:$0x3FAF];
	_ =	sdelay $0x3  }
0x36: {  	p1 =	seq.s32 s10, $0x1;
	s10 =	sld [smem:$0x3FB0];
	_ =	sdelay $0x3  }
0x37: {  	[smem:$0x3FB0] =	sst s10  }
0x38: {  	s10 =	sld [smem:$0x3FB1]  }
0x39: {  	_ = 	snop;
	(pc) =	sbr.ind lr, $3  }
0x3a: {  	_ = 	snop  }
0x3b: {  	_ = 	snop  }
0x3c: {  	p2 =	seq.s32 s10, $0x1;
	s10 =	sld [smem:$0x3FB0]  }
0x3d: {  	_ =	shalt  }
0x3e: {  	_ =	shalt  }
0x3f: {  	_ =	shalt  }
0x40: {  	_ =	shalt  }
0x41: {  	_ =	shalt  }
0x42: {  	_ =	shalt  }
0x43: {  	_ =	shalt  }
0x44: {  	_ =	shalt  }
0x45: {  	_ =	shalt  }
0x46: {  	_ =	shalt  }
0x47: {  	_ =	shalt  }
0x48: {  	_ =	shalt  }
0x49: {  	_ =	shalt  }
0x4a: {  	_ =	shalt  }
0x4b: {  	_ =	shalt  }
0x4c: {  	_ =	shalt  }
0x4d: {  	_ =	shalt  }
0x4e: {  	_ =	shalt  }
0x4f: {  	_ =	shalt  }
0x50: {  	_ =	shalt  }
0x51: {  	_ =	shalt  }
0x52: {  	_ =	shalt  }
0x53: {  	_ =	shalt  }
0x54: {  	_ =	shalt  }
0x55: {  	_ =	shalt  }
0x56: {  	_ =	shalt  }
0x57: {  	_ =	shalt  }
0x58: {  	_ =	shalt  }
0x59: {  	_ =	shalt  }
0x5a: {  	_ =	shalt  }
0x5b: {  	_ =	shalt  }
0x5c: {  	_ =	shalt  }
0x5d: {  	_ =	shalt  }
0x5e: {  	_ =	shalt  }
0x5f: {  	_ =	shalt  }
0x60: {  	_ =	shalt  }
0x61: {  	_ =	shalt  }
0x62: {  	_ =	shalt  }
0x63: {  	_ =	shalt  }
0x64: {  	_ =	shalt  }
0x65: {  	_ =	shalt  }
0x66: {  	_ =	shalt  }
0x67: {  	_ =	shalt  }
0x68: {  	_ =	shalt  }
0x69: {  	_ =	shalt  }
0x6a: {  	_ =	shalt  }
0x6b: {  	_ =	shalt  }
0x6c: {  	_ =	shalt  }
0x6d: {  	_ =	shalt  }
0x6e: {  	_ =	shalt  }
0x6f: {  	_ =	shalt  }
0x70: {  	_ =	shalt  }
0x71: {  	_ =	shalt  }
0x72: {  	_ =	shalt  }
0x73: {  	_ =	shalt  }
0x74: {  	_ =	shalt  }
0x75: {  	_ =	shalt  }
0x76: {  	_ =	shalt  }
0x77: {  	_ =	shalt  }
0x78: {  	_ =	shalt  }
0x79: {  	_ =	shalt  }
0x7a: {  	_ =	shalt  }
0x7b: {  	_ =	shalt  }
0x7c: {  	_ =	shalt  }
0x7d: {  	_ =	shalt  }
0x7e: {  	_ =	shalt  }
0x7f: {  	_ =	shalt  }
0x80: {  	_ =	shalt  }
0x81: {  	_ =	shalt  }
0x82: {  	_ =	shalt  }
0x83: {  	_ =	shalt  }
0x84: {  	_ =	shalt  }
0x85: {  	_ =	shalt  }
0x86: {  	_ =	shalt  }
0x87: {  	_ =	shalt  }
.Lfunc_end0:
.L_simem_size_0:
called_computation.3_lowered:
.L_overlay_start_0:
0x88: {  	s2 =	sld [smem:$0x3FD9]  }
0x89: {  	s3 =	sld [smem:$0x3FFE];
	_ =	sdelay $0x1  }
0x8a: {  	s1 =	srdreg.scid  }
0x8b: {  	s0 =	sand.u32 $0x1, s1  }
0x8c: {  	s17 =	sshll.u32 s0, $0xA;
	s2 =	sadd.s32 s3, s2  }
0x8d: {  	s2 =	sadd.s32 s2, s17  }
0x8e: {  	[smem:$0x3FBC] =	sst s2  }
0x8f: {  	_ = 	snop  }
0x90: {  	s2 =	sld [smem:$0x3FD0];
	(tm) =	ssettm $0x1  }
0x91: {  	s18 =	sld [smem:$0x3FFB];
	_ =	sdelay $0x3  }
0x92: {  	_ =	strace s18  }
0x93: {  	s3 =	sld [smem:$0x3FFC];
	_ =	sdelay $0x3  }
0x94: {  	_ =	strace s3  }
0x95: {  	s3 =	sld [smem:$0x3FFD];
	_ =	sdelay $0x3  }
0x96: {  	_ =	strace s3  }
0x97: {  	_ =	strace $0x8FFFFFFF  }
0x98: {  	s19 =	sld [smem:$0x3FDB];
	_ =	sdelay $0x1  }
0x99: {  	s4 =	simm.s32 $_scs_section_size  }
0x9a: {  	s5 =	simm.s32 $_size__tile_overlayer_lowered;
	s6 =	simm.s32 $_tile_overlayer_lowered  }
0x9b: {  	s22 =	simm.s32 $0x1BFF;
	s21 =	sshll.u32 s6, $0x1;
	s3 =	sadd.s32 s4, s19  }
0x9c: {  	s7 =	simm.s32 $0x0;
	s20 =	sshll.u32 s5, $0x1;
	s5 =	sadd.s32 s21, s3  }
0x9d: {  	[timem:s7], [sflag:s22] =	dma.local [hbm:s5], s20  }
0x9e: {  	_ =	swait.ge [sflag:s22], s20  }
0x9f: {  	s4 =	ssub.s32 $0x0, s20;
	[sflag:s22] =	ssyncset.done $0x0  }
0xa0: {  	[sflag:s22] =	ssyncadd.s32 s4;
	_ =	sdelay $0x1  }
0xa1: {  	s23 =	simm.s32 $0x1B8B  }
0xa2: {  	_ =	swait.ge [sflag:s23], $0x1  }
0xa3: {  	[sflag:s23] =	ssyncset.done $0x0  }
0xa4: {  	s25 =	simm.s32 $0x1B8E;
	s24 =	sld [smem:$0x3FFE];
	[sflag:s23] =	ssyncadd.s32 $0xFFFFFFFF  }
0xa5: {  	s26 =	simm.s32 $execute0_lowered;
	[smem:$0x3FD2] =	sst s25  }
0xa6: {  	s5 =	sshll.u32 s26, $0x1;
	_ =	strace $0x8000004F;
	[dreg:$0x1] =	wrdreg $0xFFFFFFFF  }
0xa7: {  	s28 =	simm.s32 $_size_execute0_lowered;
	s3 =	sadd.s32 s3, s5;
	[dreg:$0x0] =	wrdreg $0x0  }
0xa8: {  	s5 =	sshll.u32 s28, $0x1;
	[dreg:$0x2] =	wrdreg s3  }
0xa9: {  	[dreg:$0x3] =	wrdreg s5  }
0xaa: {  	[dreg:$0x4] =	wrdreg $0xC0  }
0xab: {  	_ =	task [dreg:s7], $0x5FFFF  }
0xac: {  	[dreg:$0x1] =	wrdreg $0xFFFFFFFF  }
0xad: {  	[dreg:$0x0] =	wrdreg $0x60  }
0xae: {  	[dreg:$0x2] =	wrdreg s2  }
0xaf: {  	[dreg:$0x3] =	wrdreg s24  }
0xb0: {  	[dreg:$0x4] =	wrdreg $0xBC000  }
0xb1: {  	[dreg:$0x5] =	wrdreg $0x9  }
0xb2: {  	_ =	task.clear_ibuf [dreg:s7], $0x6FFFF;
	_ =	strace $0x9000004F  }
0xb3: {  	s29 =	simm.s32 $0x9;
	_ =	strace $0x80000051  }
0xb4: {  	_ =	swait.ge [sflag:s29], $0x1  }
0xb5: {  	[sflag:s29] =	ssyncadd.s32 $0xFFFFFFFF  }
0xb6: {  	_ =	strace $0x90000051  }
0xb7: {  	_ =	sfence  }
0xb8: {  	s30 =	sld [smem:$0x0];
	_ =	sdelay $0x2  }
0xb9: {  	s31 =	sshll.u32 s1, $0xD;
	s1 =	sshrl.u32 s1, $0x2  }
0xba: {  	s3 =	sand.u32 $0x4000, s31;
	s1 =	sadd.s32 s1, s30  }
0xbb: {  	s0 =	sor.u32 s3, s0;
	s1 =	sshll.u32 s1, $0x11  }
0xbc: {  	s0 =	sor.u32 s1, s0  }
0xbd: {  	s0 =	sadd.s32 $0x8F2B, s0  }
0xbe: {  	[sflag:s0] =	ssyncadd.remote.s32 $0x1  }
0xbf: {  	_ =	sfence.sel $0xFFFF  }
0xc0: {  	[dreg:$0x0] =	wrdreg $0xFFFFFFFF;
	(pc) =	sbr.abs _section_cstart, $3  }
0xc1: {  	[dreg:$0x1] =	wrdreg $0xFFFFFFFF  }
0xc2: {  	_ =	task.clear_ibuf [dreg:s7], $0x2FFFF;
	_ =	strace $0x9FFFFFFF  }
0xc3: {  	(tm) =	ssettm $0x7FFFFFFF  }
tec
execute0_lowered:
.L_overlay_start_1:
0x0: {  	(tag) =	ssettag $0x1  }
0x1: {  	s0 =	srdreg.scid;
	s1 =	rddreg [dreg:$0x0]  }
0x2: {  	s9 =	stileid.u32;
	s5 =	rddreg [dreg:$0x1]  }
0x3: {  	s3 =	rddreg [dreg:$0x2];
	s6 =	smul.u32 $0x2800, s9  }
0x4: {  	s4 =	simm.s32 $0x0;
	s14 =	simm.s32 $0x5;
	s8 =	smul.u32 $0x5000, s9  }
0x5: {  	s15 =	simm.s32 $0x1400;
	s16 =	simm.s32 $0x40;
	s18 =	smul.u32 $0x14000, s9  }
0x6: {  	s28 =	simm.s32 $0x3A00;
	s0 =	sand.u32 $0x1, s0;
	s21 =	smul.u32 $0x50000, s9  }
0x7: {  	s29 =	simm.s32 $0x3A80;
	s30 =	simm.s32 $0x3B00;
	s2 =	smul.u32 $0x28000, s0  }
0x8: {  	s31 =	simm.s32 $0x3B80;
	[smem:$0x7FF] =	sst s4;
	s7 =	smul.u32 $0x50000, s0  }
0x9: {  	s24 =	sshll.u32 s9, $0x6;
	s19 =	smul.u32 $0x140000, s0;
	s0 =	ssub.s32 $0x2, s0  }
0xa: {  	_ =	strace $0x80000050;
	s20 =	sshrl.u32 s18, $0x3;
	s22 =	sshrl.u32 s0, $0x1  }
0xb: {  	s2 =	sadd.s32 s6, s2;
	s17 =	sadd.s32 s8, s7;
	s7 =	sadd.s32 s18, s19  }
0xc: {  	s8 =	sshrl.u32 s21, $0x2;
	s0 =	ssub.s32 s0, s22;
	s18 =	simm.s32 $0x5C00  }
0xd: {  	s19 =	simm.s32 $0x80;
	s21 =	simm.s32 $0xC0;
	s22 =	simm.s32 $0x9C00  }
0xe: {  	s2 =	sshrl.u32 s2, $0x3;
	s6 =	sshrl.u32 s17, $0x3;
	s7 =	sshrl.u32 s7, $0x3  }
0xf: {  	s23 =	sadd.s32 s8, s3;
	s12 =	smax.u32 s0, $0x1;
	s17 =	simm.s32 $0x3C00  }
0x10: {  	s2 =	sadd.s32 s2, s5;
	s10 =	sadd.s32 s6, s5;
	s6 =	sadd.s32 s20, s5  }
0x11: {  	s5 =	sadd.s32 s7, s5;
	s13 =	sshrl.u32 s23, $0x3;
	s20 =	simm.s32 $0x7C00  }
0x12: {  	s23 =	simm.s32 $0x1;
	s6 =	sadd.s32 $0x22800, s6;
	s25 =	sadd.s32 $0x4800, s2  }
0x13: {  	s26 =	sadd.s32 $0xE800, s10;
	s9 =	sadd.s32 $0x4A80, s2;
	[dreg:$0x4] =	wrdreg s6  }
0x14: {  	s10 =	sadd.s32 $0xED00, s10;
	s11 =	sadd.s32 $0x4A800, s5;
	[dreg:$0x5] =	wrdreg s25  }
0x15: {  	s2 =	simm.s32 $0x0;
	s6 =	sor.u32 $0x1C05, s24;
	[dreg:$0x6] =	wrdreg s26  }
0x16: {  	s24 =	simm.s32 $0x2;
	s25 =	simm.s32 $0x3;
	s26 =	simm.s32 $0x4  }
.LBB2_1:
0x17: {  	s0 =	rddreg [dreg:$0x4]  }
0x18: {  	[spmem:s13], [sflag:s6] =	dma.local [hbm:s0], $0x2800  }
0x19: {  	_ =	swait.ge [sflag:s14], $0x2800  }
0x1a: {  	[sflag:s14] =	ssyncset.done $0x0  }
0x1b: {  	[sflag:s14] =	ssyncadd.s32 $0xFFFFD800  }
0x1c: {  	[bflag:$0x0] =	sbarrier.arrive $0xFFFF  }
0x1d: {  	s5 =	rddreg [dreg:$0x5]  }
0x1e: {  	[tilespmem:s4], [sflag:$0x5] =	stream.linear.gather [hbm4b:s5+s4], $0x1400, $0x38;
	[tilespmem:$0x1FC00] =	vst v63  }
0x1f: {  	_ =	swait.ge [sflag:s14], $0x1400  }
0x20: {  	[sflag:s14] =	ssyncset.done $0x0  }
0x21: {  	s7 =	rddreg [dreg:$0x6];
	[sflag:s14] =	ssyncadd.s32 $0xFFFFEC00  }
0x22: {  	[tilespmem:s15], [sflag:$0x5] =	stream.linear.gather [hbm4b:s7+s4], $0x2800, $0x38;
	[tilespmem:$0x1FC00] =	vst v63  }
0x23: {  	_ =	swait.ge [sflag:s14], $0x2800  }
0x24: {  	[sflag:s14] =	ssyncset.done $0x0  }
0x25: {  	[sflag:s14] =	ssyncadd.s32 $0xFFFFD800  }
0x26: {  	[tilespmem:s17], [sflag:$0x1] =	stream.indirect.gather [hbm4b:s1+s16], $0x80, s4, s16, $0xb8;
	[tilespmem:$0x1FC00] =	vst v63  }
0x27: {  	_ = 	snop  }
0x28: {  	[tilespmem:s18], [sflag:$0x2] =	stream.indirect.gather [hbm4b:s1+s16], $0x80, s16, s16, $0xb8;
	[tilespmem:$0x1FC00] =	vst v63  }
0x29: {  	_ = 	snop  }
0x2a: {  	[tilespmem:s20], [sflag:$0x3] =	stream.indirect.gather [hbm4b:s1+s16], $0x80, s19, s16, $0xb8;
	[tilespmem:$0x1FC00] =	vst v63  }
0x2b: {  	_ = 	snop  }
0x2c: {  	[tilespmem:s22], [sflag:$0x4] =	stream.indirect.gather [hbm4b:s1+s16], $0x80, s21, s16, $0xb8;
	[tilespmem:$0x1FC00] =	vst v63  }
0x2d: {  	_ =	swait.ge [sflag:s23], $0x2000  }
0x2e: {  	[sflag:s23] =	ssyncset.done $0x0  }
0x2f: {  	s8 =	simm.s32 $0x1400;
	[sflag:s23] =	ssyncadd.s32 $0xFFFFE000  }
0x30: {  	[spmem:s3] =	stream.indirect.scatter.add.f32 [tilespmem:s17], [sflag:$0x5], $0x80, s8, s16, $0xb8;
	[tilespmem:$0x1FC00] =	vst v63  }
0x31: {  	_ =	swait.ge [sflag:s14], $0x2000  }
0x32: {  	[sflag:s14] =	ssyncset.done $0x0  }
0x33: {  	s5 =	simm.s32 $0x100;
	[sflag:s14] =	ssyncadd.s32 $0xFFFFE000  }
0x34: {  	[tilespmem:s17], [sflag:$0x1] =	stream.indirect.gather [hbm4b:s1+s16], $0x80, s5, s16, $0xb8;
	[tilespmem:$0x1FC00] =	vst v63  }
0x35: {  	_ =	swait.ge [sflag:s24], $0x2000  }
0x36: {  	[sflag:s24] =	ssyncset.done $0x0  }
0x37: {  	s7 =	simm.s32 $0x1480;
	[sflag:s24] =	ssyncadd.s32 $0xFFFFE000  }
0x38: {  	[spmem:s3] =	stream.indirect.scatter.add.f32 [tilespmem:s18], [sflag:$0x5], $0x80, s7, s16, $0xb8;
	[tilespmem:$0x1FC00] =	vst v63  }
0x39: {  	_ =	swait.ge [sflag:s14], $0x2000  }
0x3a: {  	[sflag:s14] =	ssyncset.done $0x0  }
0x3b: {  	s8 =	simm.s32 $0x140;
	[sflag:s14] =	ssyncadd.s32 $0xFFFFE000  }
0x3c: {  	[tilespmem:s18], [sflag:$0x2] =	stream.indirect.gather [hbm4b:s1+s16], $0x80, s8, s16, $0xb8;
	[tilespmem:$0x1FC00] =	vst v63  }
0x3d: {  	_ =	swait.ge [sflag:s25], $0x2000  }
0x3e: {  	[sflag:s25] =	ssyncset.done $0x0  }
0x3f: {  	s5 =	simm.s32 $0x1500;
	[sflag:s25] =	ssyncadd.s32 $0xFFFFE000  }
0x40: {  	[spmem:s3] =	stream.indirect.scatter.add.f32 [tilespmem:s20], [sflag:$0x5], $0x80, s5, s16, $0xb8;
	[tilespmem:$0x1FC00] =	vst v63  }
0x41: {  	_ =	swait.ge [sflag:s14], $0x2000  }
0x42: {  	[sflag:s14] =	ssyncset.done $0x0  }
0x43: {  	s7 =	simm.s32 $0x180;
	[sflag:s14] =	ssyncadd.s32 $0xFFFFE000  }
0x44: {  	[tilespmem:s20], [sflag:$0x3] =	stream.indirect.gather [hbm4b:s1+s16], $0x80, s7, s16, $0xb8;
	[tilespmem:$0x1FC00] =	vst v63  }
0x45: {  	_ =	swait.ge [sflag:s26], $0x2000  }
0x46: {  	[sflag:s26] =	ssyncset.done $0x0  }
0x47: {  	s8 =	simm.s32 $0x1580;
	[sflag:s26] =	ssyncadd.s32 $0xFFFFE000  }
0x48: {  	[spmem:s3] =	stream.indirect.scatter.add.f32 [tilespmem:s22], [sflag:$0x5], $0x80, s8, s16, $0xb8;
	[tilespmem:$0x1FC00] =	vst v63  }
0x49: {  	_ =	swait.ge [sflag:s14], $0x2000  }
0x4a: {  	s0 =	simm.s32 $0x800;
	[sflag:s14] =	ssyncset.done $0x0  }
0x4b: {  	s5 =	simm.s32 $0x200;
	s7 =	simm.s32 $0x1C0;
	[sflag:s14] =	ssyncadd.s32 $0xFFFFE000  }
.LBB2_2:
0x4c: {  	[tilespmem:s22], [sflag:$0x4] =	stream.indirect.gather [hbm4b:s1+s16], $0x80, s7, s16, $0xb8;
	[tilespmem:$0x1FC00] =	vst v63  }
0x4d: {  	s7 =	smov.u32 s0  }
0x4e: {  	p0 =	sne.s32 s0, $0x9000;
	s0 =	sadd.s32 $0x800, s0;
	_ =	swait.ge [sflag:s23], $0x2000  }
0x4f: {  	s7 =	sshra.s32 s7, $0x2;
	[sflag:s23] =	ssyncset.done $0x0  }
0x50: {  	s8 =	sadd.s32 $0x1400, s7;
	[sflag:s23] =	ssyncadd.s32 $0xFFFFE000  }
0x51: {  	[spmem:s3] =	stream.indirect.scatter.add.f32 [tilespmem:s17], [sflag:$0x5], $0x80, s8, s16, $0xb8;
	[tilespmem:$0x1FC00] =	vst v63  }
0x52: {  	_ =	swait.ge [sflag:s14], $0x2000  }
0x53: {  	[sflag:s14] =	ssyncset.done $0x0  }
0x54: {  	[sflag:s14] =	ssyncadd.s32 $0xFFFFE000  }
0x55: {  	[tilespmem:s17], [sflag:$0x1] =	stream.indirect.gather [hbm4b:s1+s16], $0x80, s5, s16, $0xb8;
	[tilespmem:$0x1FC00] =	vst v63  }
0x56: {  	_ =	swait.ge [sflag:s24], $0x2000  }
0x57: {  	[sflag:s24] =	ssyncset.done $0x0  }
0x58: {  	s8 =	sadd.s32 $0x1480, s7;
	[sflag:s24] =	ssyncadd.s32 $0xFFFFE000  }
0x59: {  	[spmem:s3] =	stream.indirect.scatter.add.f32 [tilespmem:s18], [sflag:$0x5], $0x80, s8, s16, $0xb8;
	[tilespmem:$0x1FC00] =	vst v63  }
0x5a: {  	_ =	swait.ge [sflag:s14], $0x2000  }
0x5b: {  	[sflag:s14] =	ssyncset.done $0x0  }
0x5c: {  	s8 =	sadd.s32 $0x40, s5;
	[sflag:s14] =	ssyncadd.s32 $0xFFFFE000  }
0x5d: {  	[tilespmem:s18], [sflag:$0x2] =	stream.indirect.gather [hbm4b:s1+s16], $0x80, s8, s16, $0xb8;
	[tilespmem:$0x1FC00] =	vst v63  }
0x5e: {  	_ =	swait.ge [sflag:s25], $0x2000  }
0x5f: {  	[sflag:s25] =	ssyncset.done $0x0  }
0x60: {  	s8 =	sadd.s32 $0x1500, s7;
	[sflag:s25] =	ssyncadd.s32 $0xFFFFE000  }
0x61: {  	[spmem:s3] =	stream.indirect.scatter.add.f32 [tilespmem:s20], [sflag:$0x5], $0x80, s8, s16, $0xb8;
	[tilespmem:$0x1FC00] =	vst v63  }
0x62: {  	_ =	swait.ge [sflag:s14], $0x2000  }
0x63: {  	[sflag:s14] =	ssyncset.done $0x0  }
0x64: {  	s8 =	sadd.s32 $0x80, s5;
	[sflag:s14] =	ssyncadd.s32 $0xFFFFE000  }
0x65: {  	[tilespmem:s20], [sflag:$0x3] =	stream.indirect.gather [hbm4b:s1+s16], $0x80, s8, s16, $0xb8;
	[tilespmem:$0x1FC00] =	vst v63  }
0x66: {  	_ =	swait.ge [sflag:s26], $0x2000  }
0x67: {  	[sflag:s26] =	ssyncset.done $0x0  }
.Ltmp0:
0x68: {  	s7 =	sadd.s32 $0x1580, s7;
	[sflag:s26] =	ssyncadd.s32 $0xFFFFE000;
	(pc) =	sbr.rel @p0 .LBB2_2-.Ltmp0, $4  }
0x69: {  	[spmem:s3] =	stream.indirect.scatter.add.f32 [tilespmem:s22], [sflag:$0x5], $0x80, s7, s16, $0xb8;
	[tilespmem:$0x1FC00] =	vst v63  }
0x6a: {  	_ =	swait.ge [sflag:s14], $0x2000  }
0x6b: {  	[sflag:s14] =	ssyncset.done $0x0  }
0x6c: {  	s7 =	sadd.s32 $0xC0, s5;
	s5 =	sadd.s32 $0x100, s5;
	[sflag:s14] =	ssyncadd.s32 $0xFFFFE000  }
0x6d: {  	[tilespmem:s22], [sflag:$0x4] =	stream.indirect.gather [hbm4b:s1+s16], $0x80, s7, s16, $0xb8;
	[tilespmem:$0x1FC00] =	vst v63  }
0x6e: {  	_ =	swait.ge [sflag:s23], $0x2000  }
0x6f: {  	[sflag:s23] =	ssyncset.done $0x0  }
0x70: {  	[sflag:s23] =	ssyncadd.s32 $0xFFFFE000  }
0x71: {  	[spmem:s3] =	stream.indirect.scatter.add.f32 [tilespmem:s17], [sflag:$0x5], $0x80, s28, s16, $0xb8;
	[tilespmem:$0x1FC00] =	vst v63  }
0x72: {  	_ =	swait.ge [sflag:s14], $0x2000  }
0x73: {  	[sflag:s14] =	ssyncset.done $0x0  }
0x74: {  	[sflag:s14] =	ssyncadd.s32 $0xFFFFE000  }
0x75: {  	_ =	swait.ge [sflag:s24], $0x2000  }
0x76: {  	[sflag:s24] =	ssyncset.done $0x0  }
0x77: {  	[sflag:s24] =	ssyncadd.s32 $0xFFFFE000  }
0x78: {  	[spmem:s3] =	stream.indirect.scatter.add.f32 [tilespmem:s18], [sflag:$0x5], $0x80, s29, s16, $0xb8;
	[tilespmem:$0x1FC00] =	vst v63  }
0x79: {  	_ =	swait.ge [sflag:s14], $0x2000  }
0x7a: {  	[sflag:s14] =	ssyncset.done $0x0  }
0x7b: {  	[sflag:s14] =	ssyncadd.s32 $0xFFFFE000  }
0x7c: {  	_ =	swait.ge [sflag:s25], $0x2000  }
0x7d: {  	[sflag:s25] =	ssyncset.done $0x0  }
0x7e: {  	[sflag:s25] =	ssyncadd.s32 $0xFFFFE000  }
0x7f: {  	[spmem:s3] =	stream.indirect.scatter.add.f32 [tilespmem:s20], [sflag:$0x5], $0x80, s30, s16, $0xb8;
	[tilespmem:$0x1FC00] =	vst v63  }
0x80: {  	_ =	swait.ge [sflag:s14], $0x2000  }
0x81: {  	[sflag:s14] =	ssyncset.done $0x0  }
0x82: {  	[sflag:s14] =	ssyncadd.s32 $0xFFFFE000  }
0x83: {  	_ =	swait.ge [sflag:s26], $0x2000  }
0x84: {  	[sflag:s26] =	ssyncset.done $0x0  }
0x85: {  	[sflag:s26] =	ssyncadd.s32 $0xFFFFE000  }
0x86: {  	[spmem:s3] =	stream.indirect.scatter.add.f32 [tilespmem:s22], [sflag:$0x5], $0x80, s31, s16, $0xb8;
	[tilespmem:$0x1FC00] =	vst v63  }
0x87: {  	_ =	swait.ge [sflag:s14], $0x2000  }
0x88: {  	[sflag:s14] =	ssyncset.done $0x0  }
0x89: {  	s0 =	simm.s32 $0x0;
	[sflag:s14] =	ssyncadd.s32 $0xFFFFE000  }
0x8a: {  	[tilespmem:s0], [sflag:$0x5] =	stream.linear.gather [hbm4b:s9+s0], $0x1400, $0x38;
	[tilespmem:$0x1FC00] =	vst v63  }
0x8b: {  	_ =	swait.ge [sflag:s14], $0x1400  }
0x8c: {  	[sflag:s14] =	ssyncset.done $0x0  }
0x8d: {  	[sflag:s14] =	ssyncadd.s32 $0xFFFFEC00  }
0x8e: {  	[tilespmem:s15], [sflag:$0x5] =	stream.linear.gather [hbm4b:s10+s0], $0x2800, $0x38;
	[tilespmem:$0x1FC00] =	vst v63  }
0x8f: {  	_ =	swait.ge [sflag:s14], $0x2800  }
0x90: {  	[sflag:s14] =	ssyncset.done $0x0  }
0x91: {  	[sflag:s14] =	ssyncadd.s32 $0xFFFFD800  }
0x92: {  	[tilespmem:s17], [sflag:$0x1] =	stream.indirect.gather [hbm4b:s1+s16], $0x80, s0, s16, $0xb8;
	[tilespmem:$0x1FC00] =	vst v63  }
0x93: {  	_ = 	snop  }
0x94: {  	[tilespmem:s18], [sflag:$0x2] =	stream.indirect.gather [hbm4b:s1+s16], $0x80, s16, s16, $0xb8;
	[tilespmem:$0x1FC00] =	vst v63  }
0x95: {  	_ = 	snop  }
0x96: {  	[tilespmem:s20], [sflag:$0x3] =	stream.indirect.gather [hbm4b:s1+s16], $0x80, s19, s16, $0xb8;
	[tilespmem:$0x1FC00] =	vst v63  }
0x97: {  	_ = 	snop  }
0x98: {  	[tilespmem:s22], [sflag:$0x4] =	stream.indirect.gather [hbm4b:s1+s16], $0x80, s21, s16, $0xb8;
	[tilespmem:$0x1FC00] =	vst v63  }
0x99: {  	_ =	swait.ge [sflag:s23], $0x2000  }
0x9a: {  	[sflag:s23] =	ssyncset.done $0x0  }
0x9b: {  	s8 =	simm.s32 $0x1400;
	[sflag:s23] =	ssyncadd.s32 $0xFFFFE000  }
0x9c: {  	[spmem:s3] =	stream.indirect.scatter.add.f32 [tilespmem:s17], [sflag:$0x5], $0x80, s8, s16, $0xb8;
	[tilespmem:$0x1FC00] =	vst v63  }
0x9d: {  	_ =	swait.ge [sflag:s14], $0x2000  }
0x9e: {  	[sflag:s14] =	ssyncset.done $0x0  }
0x9f: {  	s5 =	simm.s32 $0x100;
	[sflag:s14] =	ssyncadd.s32 $0xFFFFE000  }
0xa0: {  	[tilespmem:s17], [sflag:$0x1] =	stream.indirect.gather [hbm4b:s1+s16], $0x80, s5, s16, $0xb8;
	[tilespmem:$0x1FC00] =	vst v63  }
0xa1: {  	_ =	swait.ge [sflag:s24], $0x2000  }
0xa2: {  	[sflag:s24] =	ssyncset.done $0x0  }
0xa3: {  	s7 =	simm.s32 $0x1480;
	[sflag:s24] =	ssyncadd.s32 $0xFFFFE000  }
0xa4: {  	[spmem:s3] =	stream.indirect.scatter.add.f32 [tilespmem:s18], [sflag:$0x5], $0x80, s7, s16, $0xb8;
	[tilespmem:$0x1FC00] =	vst v63  }
0xa5: {  	_ =	swait.ge [sflag:s14], $0x2000  }
0xa6: {  	[sflag:s14] =	ssyncset.done $0x0  }
0xa7: {  	s8 =	simm.s32 $0x140;
	[sflag:s14] =	ssyncadd.s32 $0xFFFFE000  }
0xa8: {  	[tilespmem:s18], [sflag:$0x2] =	stream.indirect.gather [hbm4b:s1+s16], $0x80, s8, s16, $0xb8;
	[tilespmem:$0x1FC00] =	vst v63  }
0xa9: {  	_ =	swait.ge [sflag:s25], $0x2000  }
0xaa: {  	[sflag:s25] =	ssyncset.done $0x0  }
0xab: {  	s5 =	simm.s32 $0x1500;
	[sflag:s25] =	ssyncadd.s32 $0xFFFFE000  }
0xac: {  	[spmem:s3] =	stream.indirect.scatter.add.f32 [tilespmem:s20], [sflag:$0x5], $0x80, s5, s16, $0xb8;
	[tilespmem:$0x1FC00] =	vst v63  }
0xad: {  	_ =	swait.ge [sflag:s14], $0x2000  }
0xae: {  	[sflag:s14] =	ssyncset.done $0x0  }
0xaf: {  	s7 =	simm.s32 $0x180;
	[sflag:s14] =	ssyncadd.s32 $0xFFFFE000  }
0xb0: {  	[tilespmem:s20], [sflag:$0x3] =	stream.indirect.gather [hbm4b:s1+s16], $0x80, s7, s16, $0xb8;
	[tilespmem:$0x1FC00] =	vst v63  }
0xb1: {  	_ =	swait.ge [sflag:s26], $0x2000  }
0xb2: {  	[sflag:s26] =	ssyncset.done $0x0  }
0xb3: {  	s8 =	simm.s32 $0x1580;
	[sflag:s26] =	ssyncadd.s32 $0xFFFFE000  }
0xb4: {  	[spmem:s3] =	stream.indirect.scatter.add.f32 [tilespmem:s22], [sflag:$0x5], $0x80, s8, s16, $0xb8;
	[tilespmem:$0x1FC00] =	vst v63  }
0xb5: {  	_ =	swait.ge [sflag:s14], $0x2000  }
0xb6: {  	s0 =	simm.s32 $0x800;
	[sflag:s14] =	ssyncset.done $0x0  }
0xb7: {  	s5 =	simm.s32 $0x200;
	s7 =	simm.s32 $0x1C0;
	[sflag:s14] =	ssyncadd.s32 $0xFFFFE000  }
.LBB2_4:
0xb8: {  	[tilespmem:s22], [sflag:$0x4] =	stream.indirect.gather [hbm4b:s1+s16], $0x80, s7, s16, $0xb8;
	[tilespmem:$0x1FC00] =	vst v63  }
0xb9: {  	s7 =	smov.u32 s0  }
0xba: {  	p0 =	sne.s32 s0, $0x9000;
	s0 =	sadd.s32 $0x800, s0;
	_ =	swait.ge [sflag:s23], $0x2000  }
0xbb: {  	s7 =	sshra.s32 s7, $0x2;
	[sflag:s23] =	ssyncset.done $0x0  }
0xbc: {  	s8 =	sadd.s32 $0x1400, s7;
	[sflag:s23] =	ssyncadd.s32 $0xFFFFE000  }
0xbd: {  	[spmem:s3] =	stream.indirect.scatter.add.f32 [tilespmem:s17], [sflag:$0x5], $0x80, s8, s16, $0xb8;
	[tilespmem:$0x1FC00] =	vst v63  }
0xbe: {  	_ =	swait.ge [sflag:s14], $0x2000  }
0xbf: {  	[sflag:s14] =	ssyncset.done $0x0  }
0xc0: {  	[sflag:s14] =	ssyncadd.s32 $0xFFFFE000  }
0xc1: {  	[tilespmem:s17], [sflag:$0x1] =	stream.indirect.gather [hbm4b:s1+s16], $0x80, s5, s16, $0xb8;
	[tilespmem:$0x1FC00] =	vst v63  }
0xc2: {  	_ =	swait.ge [sflag:s24], $0x2000  }
0xc3: {  	[sflag:s24] =	ssyncset.done $0x0  }
0xc4: {  	s8 =	sadd.s32 $0x1480, s7;
	[sflag:s24] =	ssyncadd.s32 $0xFFFFE000  }
0xc5: {  	[spmem:s3] =	stream.indirect.scatter.add.f32 [tilespmem:s18], [sflag:$0x5], $0x80, s8, s16, $0xb8;
	[tilespmem:$0x1FC00] =	vst v63  }
0xc6: {  	_ =	swait.ge [sflag:s14], $0x2000  }
0xc7: {  	[sflag:s14] =	ssyncset.done $0x0  }
0xc8: {  	s8 =	sadd.s32 $0x40, s5;
	[sflag:s14] =	ssyncadd.s32 $0xFFFFE000  }
0xc9: {  	[tilespmem:s18], [sflag:$0x2] =	stream.indirect.gather [hbm4b:s1+s16], $0x80, s8, s16, $0xb8;
	[tilespmem:$0x1FC00] =	vst v63  }
0xca: {  	_ =	swait.ge [sflag:s25], $0x2000  }
0xcb: {  	[sflag:s25] =	ssyncset.done $0x0  }
0xcc: {  	s8 =	sadd.s32 $0x1500, s7;
	[sflag:s25] =	ssyncadd.s32 $0xFFFFE000  }
0xcd: {  	[spmem:s3] =	stream.indirect.scatter.add.f32 [tilespmem:s20], [sflag:$0x5], $0x80, s8, s16, $0xb8;
	[tilespmem:$0x1FC00] =	vst v63  }
0xce: {  	_ =	swait.ge [sflag:s14], $0x2000  }
0xcf: {  	[sflag:s14] =	ssyncset.done $0x0  }
0xd0: {  	s8 =	sadd.s32 $0x80, s5;
	[sflag:s14] =	ssyncadd.s32 $0xFFFFE000  }
0xd1: {  	[tilespmem:s20], [sflag:$0x3] =	stream.indirect.gather [hbm4b:s1+s16], $0x80, s8, s16, $0xb8;
	[tilespmem:$0x1FC00] =	vst v63  }
0xd2: {  	_ =	swait.ge [sflag:s26], $0x2000  }
0xd3: {  	[sflag:s26] =	ssyncset.done $0x0  }
.Ltmp1:
0xd4: {  	s7 =	sadd.s32 $0x1580, s7;
	[sflag:s26] =	ssyncadd.s32 $0xFFFFE000;
	(pc) =	sbr.rel @p0 .LBB2_4-.Ltmp1, $4  }
0xd5: {  	[spmem:s3] =	stream.indirect.scatter.add.f32 [tilespmem:s22], [sflag:$0x5], $0x80, s7, s16, $0xb8;
	[tilespmem:$0x1FC00] =	vst v63  }
0xd6: {  	_ =	swait.ge [sflag:s14], $0x2000  }
0xd7: {  	[sflag:s14] =	ssyncset.done $0x0  }
0xd8: {  	s7 =	sadd.s32 $0xC0, s5;
	s5 =	sadd.s32 $0x100, s5;
	[sflag:s14] =	ssyncadd.s32 $0xFFFFE000  }
0xd9: {  	[tilespmem:s22], [sflag:$0x4] =	stream.indirect.gather [hbm4b:s1+s16], $0x80, s7, s16, $0xb8;
	[tilespmem:$0x1FC00] =	vst v63  }
0xda: {  	_ =	swait.ge [sflag:s23], $0x2000  }
0xdb: {  	[sflag:s23] =	ssyncset.done $0x0  }
0xdc: {  	[sflag:s23] =	ssyncadd.s32 $0xFFFFE000  }
0xdd: {  	[spmem:s3] =	stream.indirect.scatter.add.f32 [tilespmem:s17], [sflag:$0x5], $0x80, s28, s16, $0xb8;
	[tilespmem:$0x1FC00] =	vst v63  }
0xde: {  	_ =	swait.ge [sflag:s14], $0x2000  }
0xdf: {  	[sflag:s14] =	ssyncset.done $0x0  }
0xe0: {  	[sflag:s14] =	ssyncadd.s32 $0xFFFFE000  }
0xe1: {  	_ =	swait.ge [sflag:s24], $0x2000  }
0xe2: {  	[sflag:s24] =	ssyncset.done $0x0  }
0xe3: {  	[sflag:s24] =	ssyncadd.s32 $0xFFFFE000  }
0xe4: {  	[spmem:s3] =	stream.indirect.scatter.add.f32 [tilespmem:s18], [sflag:$0x5], $0x80, s29, s16, $0xb8;
	[tilespmem:$0x1FC00] =	vst v63  }
0xe5: {  	_ =	swait.ge [sflag:s14], $0x2000  }
0xe6: {  	[sflag:s14] =	ssyncset.done $0x0  }
0xe7: {  	[sflag:s14] =	ssyncadd.s32 $0xFFFFE000  }
0xe8: {  	_ =	swait.ge [sflag:s25], $0x2000  }
0xe9: {  	[sflag:s25] =	ssyncset.done $0x0  }
0xea: {  	[sflag:s25] =	ssyncadd.s32 $0xFFFFE000  }
0xeb: {  	[spmem:s3] =	stream.indirect.scatter.add.f32 [tilespmem:s20], [sflag:$0x5], $0x80, s30, s16, $0xb8;
	[tilespmem:$0x1FC00] =	vst v63  }
0xec: {  	_ =	swait.ge [sflag:s14], $0x2000  }
0xed: {  	[sflag:s14] =	ssyncset.done $0x0  }
0xee: {  	[sflag:s14] =	ssyncadd.s32 $0xFFFFE000  }
0xef: {  	_ =	swait.ge [sflag:s26], $0x2000  }
0xf0: {  	[sflag:s26] =	ssyncset.done $0x0  }
0xf1: {  	[sflag:s26] =	ssyncadd.s32 $0xFFFFE000  }
0xf2: {  	[spmem:s3] =	stream.indirect.scatter.add.f32 [tilespmem:s22], [sflag:$0x5], $0x80, s31, s16, $0xb8;
	[tilespmem:$0x1FC00] =	vst v63  }
0xf3: {  	_ =	swait.ge [sflag:s14], $0x2000  }
0xf4: {  	s2 =	sadd.s32 $0x1, s2;
	[sflag:s14] =	ssyncset.done $0x0  }
0xf5: {  	p0 =	sne.s32 s2, s12;
	[sflag:s14] =	ssyncadd.s32 $0xFFFFE000  }
.Ltmp2:
0xf6: {  	[bflag:$0x0] =	sbarrier.arrive $0xFFFF;
	(pc) =	sbr.rel @p0 .LBB2_1-.Ltmp2, $4  }
0xf7: {  	[hbm:s11], [sflag:s6] =	dma.local [spmem:s13], $0x2800  }
0xf8: {  	_ =	swait.ge [sflag:s14], $0x2800  }
0xf9: {  	[sflag:s14] =	ssyncset.done $0x0  }
0xfa: {  	[sflag:s14] =	ssyncadd.s32 $0xFFFFD800  }
0xfb: {  	_ =	sfence.sel $0x180000  }
0xfc: {  	[bflag:$0x0] =	sbarrier.arrive $0xFFFF  }
0xfd: {  	_ =	strace $0x90000050  }
0xfe: {  	s0 =	stileid.u32;
	[bflag:$0x2] =	sbarrier.arrive $0xFFFF  }
0xff: {  	p0 =	sne.s32 s0, $0x0;
	s0 =	rddreg [dreg:$0x3]  }
0x100: {  	s0 =	sadd.s32 @!p0 $0x100000, s0  }
0x101: {  	[sflag:s0] =	ssyncadd.tile.s32 @!p0 $0x1;
	_ =	shalt  }
.Lfunc_end2:
_tile_overlayer_lowered:
.L_overlay_start_2:
0x102: {  	(tag) =	ssettag $0x2  }
0x103: {  	s0 =	rddreg [dreg:$0x0];
	s2 =	stileid.u32  }
0x104: {  	s1 =	rddreg [dreg:$0x1];
	p0 =	sne.s32 s2, $0x0  }
0x105: {  	s3 =	rddreg [dreg:$0x2];
	[bflag:$0x3] =	sbarrier.arrive $0xFFFF;
	s2 =	simm.s32 @!p0 $0x1C05  }
0x106: {  	[timem:s3], [sflag:s2] =	dma.local @!p0 [hbm:s0], s1  }
0x107: {  	s0 =	simm.s32 @!p0 $0x5  }
0x108: {  	_ =	swait.ge @!p0 [sflag:s0], s1  }
0x109: {  	s1 =	ssub.s32 @!p0 $0x0, s1;
	[sflag:s0] =	ssyncset.done @!p0 $0x0  }
0x10a: {  	[sflag:s0] =	ssyncadd.s32 @!p0 s1  }
0x10b: {  	[bflag:$0x3] =	sbarrier.arrive $0xFFFF  }
0x10c: {  	_ =	shalt  }

</sc_bundles>
